<compile_context>
chip_gen: v7x
topology: tpu7x:2x2x1
jax: 0.10.2.dev20260603
libtpu: 0.0.44.dev20260713+nightly
codegen_flags: <defaults>
</compile_context>

<pallas_src>
import functools
import math

import jax
import jax.numpy as jnp
from jax import lax
from jax.experimental import pallas as pl
from jax.experimental.pallas import tpu as pltpu
from jax.experimental.pallas import tpu_sc as plsc

S = 4096
B = 4
D = 1024
LANES = 16
SCALE = 1.0 / math.sqrt(D)

NC = 2
NS = 16
NW = NC * NS
S_PER_W = S // NW
CH = 8
NSTEPS = S_PER_W // CH
NBUF = 3


def _body(x_hbm, pos_hbm, out_hbm, xbuf, pbuf,
          xsem, psem, osem):
    wid = lax.axis_index("s") * NC + lax.axis_index("c")

    def compute(slot):
        nvec = D // LANES

        @plsc.parallel_loop(0, CH * nvec, unroll=4)
        def _(j):
            i = j // nvec
            d = (j % nvec) * LANES
            pv = pbuf[slot, i, pl.ds(d, LANES)] * SCALE
            for b in range(B):
                plsc.addupdate(xbuf.at[slot, i, b, pl.ds(d, LANES)], pv)

    copies = {}

    def start_in(step):
        slot = step % NBUF
        s0 = (step * NW + wid) * CH
        copies[("x", step)] = pltpu.async_copy(
            x_hbm.at[pl.ds(s0, CH)], xbuf.at[slot], xsem.at[slot])
        copies[("p", step)] = pltpu.async_copy(
            pos_hbm.at[pl.ds(s0, CH)], pbuf.at[slot], psem.at[slot])

    start_in(0)
    for step in range(NSTEPS):
        slot = step % NBUF
        if step + 1 < NSTEPS:
            if step + 1 >= NBUF:
                copies[("o", step + 1 - NBUF)].wait()
            start_in(step + 1)
        copies[("x", step)].wait()
        copies[("p", step)].wait()
        compute(slot)
        copies[("o", step)] = pltpu.async_copy(
            xbuf.at[slot], out_hbm.at[pl.ds((step * NW + wid) * CH, CH)],
            osem.at[slot])
    for step in range(NSTEPS - NBUF + 1, NSTEPS):
        copies[("o", step - 1)].wait()
    copies[("o", NSTEPS - 1)].wait()


@jax.jit
def kernel(x, pos_embedding):
    mesh = plsc.VectorSubcoreMesh(core_axis_name="c", subcore_axis_name="s")
    run = functools.partial(
        pl.kernel,
        mesh=mesh,
        out_type=jax.ShapeDtypeStruct((S, B, D), jnp.float32),
        scratch_types=[
            pltpu.VMEM((NBUF, CH, B, D), jnp.float32),
            pltpu.VMEM((NBUF, CH, D), jnp.float32),
            pltpu.SemaphoreType.DMA((NBUF,)),
            pltpu.SemaphoreType.DMA((NBUF,)),
            pltpu.SemaphoreType.DMA((NBUF,)),
        ],
    )(_body)
    return run(x, pos_embedding)

# --- scband reference (transcript-rebuilt; emitter-appended) ---
"""Pipeline reference for scband-position-encode-85298050499151 (READ-ONLY COPY).

The authoritative reference and input builder live on the scoring server;
editing this copy changes nothing except your own understanding.
"""

import jax, jax.numpy as jnp
import numpy as np
import math

LEN_MAX = 8192
NMEM = 1024
SEQ = 4096
BATCH = 4

def setup_inputs(seed: int = 0) -> dict:
    key = jax.random.key(seed)
    k1, k2 = jax.random.split(key)
    x = jax.random.normal(k1, (SEQ, BATCH, NMEM), dtype=jnp.float32)
    pos_embedding = jax.random.normal(k2, (LEN_MAX, NMEM), dtype=jnp.float32)
    return {"x": x, "pos_embedding": pos_embedding}

def reference(x, pos_embedding):
    S, B = x.shape[0], x.shape[1]
    # pos = arange(S).unsqueeze(1).repeat(1, B) -> [S, B]
    pos = jnp.broadcast_to(jnp.arange(S, dtype=jnp.int32)[:, None], (S, B))
    # embedding lookup: [S, B, NMEM]
    pos_emb = jnp.take(pos_embedding, pos, axis=0)
    out = x + pos_emb / math.sqrt(NMEM)
    return out

if __name__ == "__main__":
    import jax
    _d = setup_inputs()
    print(jax.jit(kernel)(*tuple(_d.values())))

</pallas_src>

<mosaic_0001>
#map = affine_map<(d0, d1) -> (0, 0, 0)>
#map1 = affine_map<(d0, d1) -> (0, 0)>
module attributes {stable_mosaic.version = 14 : i64} {
  func.func @_body(%arg0: i32, %arg1: i32, %arg2: memref<4096x4x1024xf32, #tpu.memory_space<hbm>>, %arg3: memref<8192x1024xf32, #tpu.memory_space<hbm>>, %arg4: memref<4096x4x1024xf32, #tpu.memory_space<hbm>>, %arg5: memref<3x8x4x1024xf32, #tpu.memory_space<vmem>>, %arg6: memref<3x8x1024xf32, #tpu.memory_space<vmem>>, %arg7: memref<3x!tpu.dma_semaphore, #tpu.memory_space<semaphore_mem>>, %arg8: memref<3x!tpu.dma_semaphore, #tpu.memory_space<semaphore_mem>>, %arg9: memref<3x!tpu.dma_semaphore, #tpu.memory_space<semaphore_mem>>) attributes {dimension_semantics = [#tpu.dimension_semantics<core_parallel>, #tpu.dimension_semantics<subcore_parallel>], iteration_bounds = array<i64: 2, 16>, scalar_prefetch = 0 : i64, scratch_operands = 5 : i64, tpu.core_type = #tpu.core_type<sc_vector_subcore>, window_params = [{transform_indices = #map}, {transform_indices = #map1}, {transform_indices = #map}]} {
    %mul3A = arith.constant 2 : i32
    %mul3A_0 = arith.muli %arg1, %mul3A : i32
    %add3A = arith.addi %mul3A_0, %arg0 : i32
    %add3A_1 = arith.constant 0 : i32
    %add3A_2 = arith.addi %add3A_1, %add3A : i32
    %mul3A_3 = arith.constant 8 : i32
    %mul3A_4 = arith.muli %add3A_2, %mul3A_3 : i32
    %dma_start3A = arith.constant 0 : i32
    %dma_start3A_5 = arith.constant 0 : i32
    %dma_start3A_6 = arith.constant 0 : i32
    %dma_start3A_7 = arith.constant 0 : i32
    %dma_start3A_8 = arith.constant 0 : i32
    %dma_start3A_9 = tpu.memref_slice %arg5[%dma_start3A, %dma_start3A_6, %dma_start3A_7, %dma_start3A_8] : memref<3x8x4x1024xf32, #tpu.memory_space<vmem>> -> memref<1x8x4x1024xf32, #tpu.memory_space<vmem>>
    %dma_start3A_10 = tpu.memref_squeeze %dma_start3A_9 : memref<1x8x4x1024xf32, #tpu.memory_space<vmem>> -> memref<8x4x1024xf32, #tpu.memory_space<vmem>>
    %dma_start3A_11 = arith.constant 0 : i32
    %dma_start3A_12 = arith.constant 0 : i32
    %dma_start3A_13 = tpu.memref_slice %arg2[%mul3A_4, %dma_start3A_11, %dma_start3A_12] : memref<4096x4x1024xf32, #tpu.memory_space<hbm>> -> memref<8x4x1024xf32, #tpu.memory_space<hbm>>
    %dma_start3A_14 = tpu.memref_slice %arg7[%dma_start3A_5] : memref<3x!tpu.dma_semaphore, #tpu.memory_space<semaphore_mem>> -> memref<1x!tpu.dma_semaphore, #tpu.memory_space<semaphore_mem>>
    %dma_start3A_15 = tpu.memref_squeeze %dma_start3A_14 : memref<1x!tpu.dma_semaphore, #tpu.memory_space<semaphore_mem>> -> memref<!tpu.dma_semaphore, #tpu.memory_space<semaphore_mem>>
    %dma_start3A_16 = arith.constant 0 : i32
    %dma_start3A_17 = arith.constant 0 : i32
    %dma_start3A_18 = arith.constant 0 : i32
    %dma_start3A_19 = tpu.memref_slice %arg5[%dma_start3A, %dma_start3A_16, %dma_start3A_17, %dma_start3A_18] : memref<3x8x4x1024xf32, #tpu.memory_space<vmem>> -> memref<1x8x4x1024xf32, #tpu.memory_space<vmem>>
    %dma_start3A_20 = tpu.memref_squeeze %dma_start3A_19 : memref<1x8x4x1024xf32, #tpu.memory_space<vmem>> -> memref<8x4x1024xf32, #tpu.memory_space<vmem>>
    %dma_start3A_21 = arith.constant 0 : i32
    %dma_start3A_22 = arith.constant 0 : i32
    %dma_start3A_23 = tpu.memref_slice %arg2[%mul3A_4, %dma_start3A_21, %dma_start3A_22] : memref<4096x4x1024xf32, #tpu.memory_space<hbm>> -> memref<8x4x1024xf32, #tpu.memory_space<hbm>>
    tpu.enqueue_dma source(%dma_start3A_23 : memref<8x4x1024xf32, #tpu.memory_space<hbm>>) target(%dma_start3A_20 : memref<8x4x1024xf32, #tpu.memory_space<vmem>>) target_semaphore(%dma_start3A_15 : memref<!tpu.dma_semaphore, #tpu.memory_space<semaphore_mem>>)
    %dma_start3A_24 = arith.constant 0 : i32
    %dma_start3A_25 = arith.constant 0 : i32
    %dma_start3A_26 = arith.constant 0 : i32
    %dma_start3A_27 = arith.constant 0 : i32
    %dma_start3A_28 = tpu.memref_slice %arg6[%dma_start3A_24, %dma_start3A_26, %dma_start3A_27] : memref<3x8x1024xf32, #tpu.memory_space<vmem>> -> memref<1x8x1024xf32, #tpu.memory_space<vmem>>
    %dma_start3A_29 = tpu.memref_squeeze %dma_start3A_28 : memref<1x8x1024xf32, #tpu.memory_space<vmem>> -> memref<8x1024xf32, #tpu.memory_space<vmem>>
    %dma_start3A_30 = arith.constant 0 : i32
    %dma_start3A_31 = tpu.memref_slice %arg3[%mul3A_4, %dma_start3A_30] : memref<8192x1024xf32, #tpu.memory_space<hbm>> -> memref<8x1024xf32, #tpu.memory_space<hbm>>
    %dma_start3A_32 = tpu.memref_slice %arg8[%dma_start3A_25] : memref<3x!tpu.dma_semaphore, #tpu.memory_space<semaphore_mem>> -> memref<1x!tpu.dma_semaphore, #tpu.memory_space<semaphore_mem>>
    %dma_start3A_33 = tpu.memref_squeeze %dma_start3A_32 : memref<1x!tpu.dma_semaphore, #tpu.memory_space<semaphore_mem>> -> memref<!tpu.dma_semaphore, #tpu.memory_space<semaphore_mem>>
    %dma_start3A_34 = arith.constant 0 : i32
    %dma_start3A_35 = arith.constant 0 : i32
    %dma_start3A_36 = tpu.memref_slice %arg6[%dma_start3A_24, %dma_start3A_34, %dma_start3A_35] : memref<3x8x1024xf32, #tpu.memory_space<vmem>> -> memref<1x8x1024xf32, #tpu.memory_space<vmem>>
    %dma_start3A_37 = tpu.memref_squeeze %dma_start3A_36 : memref<1x8x1024xf32, #tpu.memory_space<vmem>> -> memref<8x1024xf32, #tpu.memory_space<vmem>>
    %dma_start3A_38 = arith.constant 0 : i32
    %dma_start3A_39 = tpu.memref_slice %arg3[%mul3A_4, %dma_start3A_38] : memref<8192x1024xf32, #tpu.memory_space<hbm>> -> memref<8x1024xf32, #tpu.memory_space<hbm>>
    tpu.enqueue_dma source(%dma_start3A_39 : memref<8x1024xf32, #tpu.memory_space<hbm>>) target(%dma_start3A_37 : memref<8x1024xf32, #tpu.memory_space<vmem>>) target_semaphore(%dma_start3A_33 : memref<!tpu.dma_semaphore, #tpu.memory_space<semaphore_mem>>)
    %add3A_40 = arith.constant 32 : i32
    %add3A_41 = arith.addi %add3A_40, %add3A : i32
    %mul3A_42 = arith.constant 8 : i32
    %mul3A_43 = arith.muli %add3A_41, %mul3A_42 : i32
    %dma_start3A_44 = arith.constant 1 : i32
    %dma_start3A_45 = arith.constant 1 : i32
    %dma_start3A_46 = arith.constant 0 : i32
    %dma_start3A_47 = arith.constant 0 : i32
    %dma_start3A_48 = arith.constant 0 : i32
    %dma_start3A_49 = tpu.memref_slice %arg5[%dma_start3A_44, %dma_start3A_46, %dma_start3A_47, %dma_start3A_48] : memref<3x8x4x1024xf32, #tpu.memory_space<vmem>> -> memref<1x8x4x1024xf32, #tpu.memory_space<vmem>>
    %dma_start3A_50 = tpu.memref_squeeze %dma_start3A_49 : memref<1x8x4x1024xf32, #tpu.memory_space<vmem>> -> memref<8x4x1024xf32, #tpu.memory_space<vmem>>
    %dma_start3A_51 = arith.constant 0 : i32
    %dma_start3A_52 = arith.constant 0 : i32
    %dma_start3A_53 = tpu.memref_slice %arg2[%mul3A_43, %dma_start3A_51, %dma_start3A_52] : memref<4096x4x1024xf32, #tpu.memory_space<hbm>> -> memref<8x4x1024xf32, #tpu.memory_space<hbm>>
    %dma_start3A_54 = tpu.memref_slice %arg7[%dma_start3A_45] : memref<3x!tpu.dma_semaphore, #tpu.memory_space<semaphore_mem>> -> memref<1x!tpu.dma_semaphore, #tpu.memory_space<semaphore_mem>>
    %dma_start3A_55 = tpu.memref_squeeze %dma_start3A_54 : memref<1x!tpu.dma_semaphore, #tpu.memory_space<semaphore_mem>> -> memref<!tpu.dma_semaphore, #tpu.memory_space<semaphore_mem>>
    %dma_start3A_56 = arith.constant 0 : i32
    %dma_start3A_57 = arith.constant 0 : i32
    %dma_start3A_58 = arith.constant 0 : i32
    %dma_start3A_59 = tpu.memref_slice %arg5[%dma_start3A_44, %dma_start3A_56, %dma_start3A_57, %dma_start3A_58] : memref<3x8x4x1024xf32, #tpu.memory_space<vmem>> -> memref<1x8x4x1024xf32, #tpu.memory_space<vmem>>
    %dma_start3A_60 = tpu.memref_squeeze %dma_start3A_59 : memref<1x8x4x1024xf32, #tpu.memory_space<vmem>> -> memref<8x4x1024xf32, #tpu.memory_space<vmem>>
    %dma_start3A_61 = arith.constant 0 : i32
    %dma_start3A_62 = arith.constant 0 : i32
    %dma_start3A_63 = tpu.memref_slice %arg2[%mul3A_43, %dma_start3A_61, %dma_start3A_62] : memref<4096x4x1024xf32, #tpu.memory_space<hbm>> -> memref<8x4x1024xf32, #tpu.memory_space<hbm>>
    tpu.enqueue_dma source(%dma_start3A_63 : memref<8x4x1024xf32, #tpu.memory_space<hbm>>) target(%dma_start3A_60 : memref<8x4x1024xf32, #tpu.memory_space<vmem>>) target_semaphore(%dma_start3A_55 : memref<!tpu.dma_semaphore, #tpu.memory_space<semaphore_mem>>)
    %dma_start3A_64 = arith.constant 1 : i32
    %dma_start3A_65 = arith.constant 1 : i32
    %dma_start3A_66 = arith.constant 0 : i32
    %dma_start3A_67 = arith.constant 0 : i32
    %dma_start3A_68 = tpu.memref_slice %arg6[%dma_start3A_64, %dma_start3A_66, %dma_start3A_67] : memref<3x8x1024xf32, #tpu.memory_space<vmem>> -> memref<1x8x1024xf32, #tpu.memory_space<vmem>>
    %dma_start3A_69 = tpu.memref_squeeze %dma_start3A_68 : memref<1x8x1024xf32, #tpu.memory_space<vmem>> -> memref<8x1024xf32, #tpu.memory_space<vmem>>
    %dma_start3A_70 = arith.constant 0 : i32
    %dma_start3A_71 = tpu.memref_slice %arg3[%mul3A_43, %dma_start3A_70] : memref<8192x1024xf32, #tpu.memory_space<hbm>> -> memref<8x1024xf32, #tpu.memory_space<hbm>>
    %dma_start3A_72 = tpu.memref_slice %arg8[%dma_start3A_65] : memref<3x!tpu.dma_semaphore, #tpu.memory_space<semaphore_mem>> -> memref<1x!tpu.dma_semaphore, #tpu.memory_space<semaphore_mem>>
    %dma_start3A_73 = tpu.memref_squeeze %dma_start3A_72 : memref<1x!tpu.dma_semaphore, #tpu.memory_space<semaphore_mem>> -> memref<!tpu.dma_semaphore, #tpu.memory_space<semaphore_mem>>
    %dma_start3A_74 = arith.constant 0 : i32
    %dma_start3A_75 = arith.constant 0 : i32
    %dma_start3A_76 = tpu.memref_slice %arg6[%dma_start3A_64, %dma_start3A_74, %dma_start3A_75] : memref<3x8x1024xf32, #tpu.memory_space<vmem>> -> memref<1x8x1024xf32, #tpu.memory_space<vmem>>
    %dma_start3A_77 = tpu.memref_squeeze %dma_start3A_76 : memref<1x8x1024xf32, #tpu.memory_space<vmem>> -> memref<8x1024xf32, #tpu.memory_space<vmem>>
    %dma_start3A_78 = arith.constant 0 : i32
    %dma_start3A_79 = tpu.memref_slice %arg3[%mul3A_43, %dma_start3A_78] : memref<8192x1024xf32, #tpu.memory_space<hbm>> -> memref<8x1024xf32, #tpu.memory_space<hbm>>
    tpu.enqueue_dma source(%dma_start3A_79 : memref<8x1024xf32, #tpu.memory_space<hbm>>) target(%dma_start3A_77 : memref<8x1024xf32, #tpu.memory_space<vmem>>) target_semaphore(%dma_start3A_73 : memref<!tpu.dma_semaphore, #tpu.memory_space<semaphore_mem>>)
    %dma_wait3A = arith.constant 0 : i32
    %dma_wait3A_80 = arith.constant 0 : i32
    %dma_wait3A_81 = arith.constant 0 : i32
    %dma_wait3A_82 = arith.constant 0 : i32
    %dma_wait3A_83 = arith.constant 0 : i32
    %dma_wait3A_84 = tpu.memref_slice %arg5[%dma_wait3A, %dma_wait3A_81, %dma_wait3A_82, %dma_wait3A_83] : memref<3x8x4x1024xf32, #tpu.memory_space<vmem>> -> memref<1x8x4x1024xf32, #tpu.memory_space<vmem>>
    %dma_wait3A_85 = tpu.memref_squeeze %dma_wait3A_84 : memref<1x8x4x1024xf32, #tpu.memory_space<vmem>> -> memref<8x4x1024xf32, #tpu.memory_space<vmem>>
    %dma_wait3A_86 = arith.constant 0 : i32
    %dma_wait3A_87 = arith.constant 0 : i32
    %dma_wait3A_88 = tpu.memref_slice %arg2[%mul3A_4, %dma_wait3A_86, %dma_wait3A_87] : memref<4096x4x1024xf32, #tpu.memory_space<hbm>> -> memref<8x4x1024xf32, #tpu.memory_space<hbm>>
    %dma_wait3A_89 = tpu.memref_slice %arg7[%dma_wait3A_80] : memref<3x!tpu.dma_semaphore, #tpu.memory_space<semaphore_mem>> -> memref<1x!tpu.dma_semaphore, #tpu.memory_space<semaphore_mem>>
    %dma_wait3A_90 = tpu.memref_squeeze %dma_wait3A_89 : memref<1x!tpu.dma_semaphore, #tpu.memory_space<semaphore_mem>> -> memref<!tpu.dma_semaphore, #tpu.memory_space<semaphore_mem>>
    %dma_wait3A_91 = arith.constant 0 : i32
    %dma_wait3A_92 = arith.constant 0 : i32
    %dma_wait3A_93 = arith.constant 0 : i32
    %dma_wait3A_94 = tpu.memref_slice %arg5[%dma_wait3A, %dma_wait3A_91, %dma_wait3A_92, %dma_wait3A_93] : memref<3x8x4x1024xf32, #tpu.memory_space<vmem>> -> memref<1x8x4x1024xf32, #tpu.memory_space<vmem>>
    %dma_wait3A_95 = tpu.memref_squeeze %dma_wait3A_94 : memref<1x8x4x1024xf32, #tpu.memory_space<vmem>> -> memref<8x4x1024xf32, #tpu.memory_space<vmem>>
    %dma_wait3A_96 = arith.constant 0 : i32
    %dma_wait3A_97 = arith.constant 0 : i32
    %dma_wait3A_98 = tpu.memref_slice %arg2[%mul3A_4, %dma_wait3A_96, %dma_wait3A_97] : memref<4096x4x1024xf32, #tpu.memory_space<hbm>> -> memref<8x4x1024xf32, #tpu.memory_space<hbm>>
    tpu.wait_dma2 semaphore(%dma_wait3A_90 : memref<!tpu.dma_semaphore, #tpu.memory_space<semaphore_mem>>) src(%dma_wait3A_98 : memref<8x4x1024xf32, #tpu.memory_space<hbm>>) dst(%dma_wait3A_95 : memref<8x4x1024xf32, #tpu.memory_space<vmem>>)
    %dma_wait3A_99 = arith.constant 0 : i32
    %dma_wait3A_100 = arith.constant 0 : i32
    %dma_wait3A_101 = arith.constant 0 : i32
    %dma_wait3A_102 = arith.constant 0 : i32
    %dma_wait3A_103 = tpu.memref_slice %arg6[%dma_wait3A_99, %dma_wait3A_101, %dma_wait3A_102] : memref<3x8x1024xf32, #tpu.memory_space<vmem>> -> memref<1x8x1024xf32, #tpu.memory_space<vmem>>
    %dma_wait3A_104 = tpu.memref_squeeze %dma_wait3A_103 : memref<1x8x1024xf32, #tpu.memory_space<vmem>> -> memref<8x1024xf32, #tpu.memory_space<vmem>>
    %dma_wait3A_105 = arith.constant 0 : i32
    %dma_wait3A_106 = tpu.memref_slice %arg3[%mul3A_4, %dma_wait3A_105] : memref<8192x1024xf32, #tpu.memory_space<hbm>> -> memref<8x1024xf32, #tpu.memory_space<hbm>>
    %dma_wait3A_107 = tpu.memref_slice %arg8[%dma_wait3A_100] : memref<3x!tpu.dma_semaphore, #tpu.memory_space<semaphore_mem>> -> memref<1x!tpu.dma_semaphore, #tpu.memory_space<semaphore_mem>>
    %dma_wait3A_108 = tpu.memref_squeeze %dma_wait3A_107 : memref<1x!tpu.dma_semaphore, #tpu.memory_space<semaphore_mem>> -> memref<!tpu.dma_semaphore, #tpu.memory_space<semaphore_mem>>
    %dma_wait3A_109 = arith.constant 0 : i32
    %dma_wait3A_110 = arith.constant 0 : i32
    %dma_wait3A_111 = tpu.memref_slice %arg6[%dma_wait3A_99, %dma_wait3A_109, %dma_wait3A_110] : memref<3x8x1024xf32, #tpu.memory_space<vmem>> -> memref<1x8x1024xf32, #tpu.memory_space<vmem>>
    %dma_wait3A_112 = tpu.memref_squeeze %dma_wait3A_111 : memref<1x8x1024xf32, #tpu.memory_space<vmem>> -> memref<8x1024xf32, #tpu.memory_space<vmem>>
    %dma_wait3A_113 = arith.constant 0 : i32
    %dma_wait3A_114 = tpu.memref_slice %arg3[%mul3A_4, %dma_wait3A_113] : memref<8192x1024xf32, #tpu.memory_space<hbm>> -> memref<8x1024xf32, #tpu.memory_space<hbm>>
    tpu.wait_dma2 semaphore(%dma_wait3A_108 : memref<!tpu.dma_semaphore, #tpu.memory_space<semaphore_mem>>) src(%dma_wait3A_114 : memref<8x1024xf32, #tpu.memory_space<hbm>>) dst(%dma_wait3A_112 : memref<8x1024xf32, #tpu.memory_space<vmem>>)
    %parallel_loop3A = arith.constant 0 : i32
    %parallel_loop3A_115 = arith.constant 512 : i32
    %parallel_loop3A_116 = arith.constant 1 : i32
    scf.for %parallel_loop3A_1966 = %parallel_loop3A to %parallel_loop3A_115 step %parallel_loop3A_116  : i32 {
      %parallel_loop3A_1967 = arith.constant 64 : i32
      %parallel_loop3A_1968 = arith.divsi %parallel_loop3A_1966, %parallel_loop3A_1967 : i32
      %parallel_loop3A_1969 = arith.constant 0 : i32
      %parallel_loop3A_1970 = arith.cmpi sgt, %parallel_loop3A_1966, %parallel_loop3A_1969 : i32
      %parallel_loop3A_1971 = arith.extui %parallel_loop3A_1970 : i1 to i32
      %parallel_loop3A_1972 = arith.constant 0 : i32
      %parallel_loop3A_1973 = arith.cmpi slt, %parallel_loop3A_1966, %parallel_loop3A_1972 : i32
      %parallel_loop3A_1974 = arith.extui %parallel_loop3A_1973 : i1 to i32
      %parallel_loop3A_1975 = arith.subi %parallel_loop3A_1971, %parallel_loop3A_1974 : i32
      %parallel_loop3A_1976 = arith.constant 0 : i32
      %parallel_loop3A_1977 = arith.cmpi sgt, %parallel_loop3A_1967, %parallel_loop3A_1976 : i32
      %parallel_loop3A_1978 = arith.extui %parallel_loop3A_1977 : i1 to i32
      %parallel_loop3A_1979 = arith.constant 0 : i32
      %parallel_loop3A_1980 = arith.cmpi slt, %parallel_loop3A_1967, %parallel_loop3A_1979 : i32
      %parallel_loop3A_1981 = arith.extui %parallel_loop3A_1980 : i1 to i32
      %parallel_loop3A_1982 = arith.subi %parallel_loop3A_1978, %parallel_loop3A_1981 : i32
      %parallel_loop3A_1983 = arith.cmpi ne, %parallel_loop3A_1975, %parallel_loop3A_1982 : i32
      %parallel_loop3A_1984 = arith.remsi %parallel_loop3A_1966, %parallel_loop3A_1967 : i32
      %parallel_loop3A_1985 = arith.constant 0 : i32
      %parallel_loop3A_1986 = arith.cmpi ne, %parallel_loop3A_1984, %parallel_loop3A_1985 : i32
      %parallel_loop3A_1987 = arith.andi %parallel_loop3A_1983, %parallel_loop3A_1986 : i1
      %parallel_loop3A_1988 = arith.constant 1 : i32
      %parallel_loop3A_1989 = arith.subi %parallel_loop3A_1968, %parallel_loop3A_1988 : i32
      %parallel_loop3A_1990 = arith.select %parallel_loop3A_1987, %parallel_loop3A_1989, %parallel_loop3A_1968 : i32
      %parallel_loop3A_1991 = arith.constant 64 : i32
      %parallel_loop3A_1992 = arith.constant 0 : i32
      %parallel_loop3A_1993 = arith.cmpi eq, %parallel_loop3A_1991, %parallel_loop3A_1992 : i32
      %parallel_loop3A_1994 = arith.constant 1 : i32
      %parallel_loop3A_1995 = arith.select %parallel_loop3A_1993, %parallel_loop3A_1994, %parallel_loop3A_1991 : i32
      %parallel_loop3A_1996 = arith.remsi %parallel_loop3A_1966, %parallel_loop3A_1995 : i32
      %parallel_loop3A_1997 = arith.constant 0 : i32
      %parallel_loop3A_1998 = arith.cmpi ne, %parallel_loop3A_1996, %parallel_loop3A_1997 : i32
      %parallel_loop3A_1999 = arith.constant 0 : i32
      %parallel_loop3A_2000 = arith.cmpi slt, %parallel_loop3A_1996, %parallel_loop3A_1999 : i32
      %parallel_loop3A_2001 = arith.constant 0 : i32
      %parallel_loop3A_2002 = arith.cmpi slt, %parallel_loop3A_1995, %parallel_loop3A_2001 : i32
      %parallel_loop3A_2003 = arith.xori %parallel_loop3A_2000, %parallel_loop3A_2002 : i1
      %parallel_loop3A_2004 = arith.andi %parallel_loop3A_2003, %parallel_loop3A_1998 : i1
      %parallel_loop3A_2005 = arith.addi %parallel_loop3A_1996, %parallel_loop3A_1995 : i32
      %parallel_loop3A_2006 = arith.select %parallel_loop3A_2004, %parallel_loop3A_2005, %parallel_loop3A_1996 : i32
      %parallel_loop3A_2007 = arith.constant 16 : i32
      %parallel_loop3A_2008 = arith.muli %parallel_loop3A_2006, %parallel_loop3A_2007 : i32
      %parallel_loop3A_2009 = arith.constant 0 : i32
      %parallel_loop3A_2010 = arith.index_cast %parallel_loop3A_2009 : i32 to index
      %parallel_loop3A_2011 = arith.index_cast %parallel_loop3A_1990 : i32 to index
      %parallel_loop3A_2012 = arith.index_cast %parallel_loop3A_2008 : i32 to index
      %parallel_loop3A_2013 = tpu.vector_load %arg6[%parallel_loop3A_2010, %parallel_loop3A_2011, %parallel_loop3A_2012] {strides = array<i32>} : memref<3x8x1024xf32, #tpu.memory_space<vmem>>, vector<1x1x16xf32>,
      %parallel_loop3A_2014 = vector.shape_cast %parallel_loop3A_2013 : vector<1x1x16xf32> to vector<16xf32>
      %parallel_loop3A_2015 = arith.constant 3.125000e-02 : f32
      %parallel_loop3A_2016 = vector.broadcast %parallel_loop3A_2015 : f32 to vector<16xf32>
      %parallel_loop3A_2017 = arith.mulf %parallel_loop3A_2014, %parallel_loop3A_2016 : vector<16xf32>
      %parallel_loop3A_2018 = arith.constant 0 : i32
      %parallel_loop3A_2019 = arith.constant 0 : i32
      %parallel_loop3A_2020 = arith.index_cast %parallel_loop3A_2018 : i32 to index
      %parallel_loop3A_2021 = arith.index_cast %parallel_loop3A_1990 : i32 to index
      %parallel_loop3A_2022 = arith.index_cast %parallel_loop3A_2019 : i32 to index
      %parallel_loop3A_2023 = arith.index_cast %parallel_loop3A_2008 : i32 to index
      %parallel_loop3A_2024 = tpu.vector_load %arg5[%parallel_loop3A_2020, %parallel_loop3A_2021, %parallel_loop3A_2022, %parallel_loop3A_2023] {strides = array<i32>} : memref<3x8x4x1024xf32, #tpu.memory_space<vmem>>, vector<1x1x1x16xf32>,
      %parallel_loop3A_2025 = vector.shape_cast %parallel_loop3A_2024 : vector<1x1x1x16xf32> to vector<16xf32>
      %parallel_loop3A_2026 = vector.shape_cast %parallel_loop3A_2017 : vector<16xf32> to vector<1x1x1x16xf32>
      tpu.vector_store %arg5[%parallel_loop3A_2020, %parallel_loop3A_2021, %parallel_loop3A_2022, %parallel_loop3A_2023], %parallel_loop3A_2026 {add = true, strides = array<i32>} : memref<3x8x4x1024xf32, #tpu.memory_space<vmem>>, vector<1x1x1x16xf32>,
      %parallel_loop3A_2027 = arith.constant 0 : i32
      %parallel_loop3A_2028 = arith.constant 1 : i32
      %parallel_loop3A_2029 = arith.index_cast %parallel_loop3A_2027 : i32 to index
      %parallel_loop3A_2030 = arith.index_cast %parallel_loop3A_1990 : i32 to index
      %parallel_loop3A_2031 = arith.index_cast %parallel_loop3A_2028 : i32 to index
      %parallel_loop3A_2032 = arith.index_cast %parallel_loop3A_2008 : i32 to index
      %parallel_loop3A_2033 = tpu.vector_load %arg5[%parallel_loop3A_2029, %parallel_loop3A_2030, %parallel_loop3A_2031, %parallel_loop3A_2032] {strides = array<i32>} : memref<3x8x4x1024xf32, #tpu.memory_space<vmem>>, vector<1x1x1x16xf32>,
      %parallel_loop3A_2034 = vector.shape_cast %parallel_loop3A_2033 : vector<1x1x1x16xf32> to vector<16xf32>
      %parallel_loop3A_2035 = vector.shape_cast %parallel_loop3A_2017 : vector<16xf32> to vector<1x1x1x16xf32>
      tpu.vector_store %arg5[%parallel_loop3A_2029, %parallel_loop3A_2030, %parallel_loop3A_2031, %parallel_loop3A_2032], %parallel_loop3A_2035 {add = true, strides = array<i32>} : memref<3x8x4x1024xf32, #tpu.memory_space<vmem>>, vector<1x1x1x16xf32>,
      %parallel_loop3A_2036 = arith.constant 0 : i32
      %parallel_loop3A_2037 = arith.constant 2 : i32
      %parallel_loop3A_2038 = arith.index_cast %parallel_loop3A_2036 : i32 to index
      %parallel_loop3A_2039 = arith.index_cast %parallel_loop3A_1990 : i32 to index
      %parallel_loop3A_2040 = arith.index_cast %parallel_loop3A_2037 : i32 to index
      %parallel_loop3A_2041 = arith.index_cast %parallel_loop3A_2008 : i32 to index
      %parallel_loop3A_2042 = tpu.vector_load %arg5[%parallel_loop3A_2038, %parallel_loop3A_2039, %parallel_loop3A_2040, %parallel_loop3A_2041] {strides = array<i32>} : memref<3x8x4x1024xf32, #tpu.memory_space<vmem>>, vector<1x1x1x16xf32>,
      %parallel_loop3A_2043 = vector.shape_cast %parallel_loop3A_2042 : vector<1x1x1x16xf32> to vector<16xf32>
      %parallel_loop3A_2044 = vector.shape_cast %parallel_loop3A_2017 : vector<16xf32> to vector<1x1x1x16xf32>
      tpu.vector_store %arg5[%parallel_loop3A_2038, %parallel_loop3A_2039, %parallel_loop3A_2040, %parallel_loop3A_2041], %parallel_loop3A_2044 {add = true, strides = array<i32>} : memref<3x8x4x1024xf32, #tpu.memory_space<vmem>>, vector<1x1x1x16xf32>,
      %parallel_loop3A_2045 = arith.constant 0 : i32
      %parallel_loop3A_2046 = arith.constant 3 : i32
      %parallel_loop3A_2047 = arith.index_cast %parallel_loop3A_2045 : i32 to index
      %parallel_loop3A_2048 = arith.index_cast %parallel_loop3A_1990 : i32 to index
      %parallel_loop3A_2049 = arith.index_cast %parallel_loop3A_2046 : i32 to index
      %parallel_loop3A_2050 = arith.index_cast %parallel_loop3A_2008 : i32 to index
      %parallel_loop3A_2051 = tpu.vector_load %arg5[%parallel_loop3A_2047, %parallel_loop3A_2048, %parallel_loop3A_2049, %parallel_loop3A_2050] {strides = array<i32>} : memref<3x8x4x1024xf32, #tpu.memory_space<vmem>>, vector<1x1x1x16xf32>,
      %parallel_loop3A_2052 = vector.shape_cast %parallel_loop3A_2051 : vector<1x1x1x16xf32> to vector<16xf32>
      %parallel_loop3A_2053 = vector.shape_cast %parallel_loop3A_2017 : vector<16xf32> to vector<1x1x1x16xf32>
      tpu.vector_store %arg5[%parallel_loop3A_2047, %parallel_loop3A_2048, %parallel_loop3A_2049, %parallel_loop3A_2050], %parallel_loop3A_2053 {add = true, strides = array<i32>} : memref<3x8x4x1024xf32, #tpu.memory_space<vmem>>, vector<1x1x1x16xf32>,
    } {sc.loop_unroll_factor = 4 : i64, sc.parallel_access}
    %add3A_117 = arith.constant 0 : i32
    %add3A_118 = arith.addi %add3A_117, %add3A : i32
    %mul3A_119 = arith.constant 8 : i32
    %mul3A_120 = arith.muli %add3A_118, %mul3A_119 : i32
    %dma_start3A_121 = arith.constant 0 : i32
    %dma_start3A_122 = arith.constant 0 : i32
    %dma_start3A_123 = arith.constant 0 : i32
    %dma_start3A_124 = arith.constant 0 : i32
    %dma_start3A_125 = arith.constant 0 : i32
    %dma_start3A_126 = tpu.memref_slice %arg5[%dma_start3A_121, %dma_start3A_123, %dma_start3A_124, %dma_start3A_125] : memref<3x8x4x1024xf32, #tpu.memory_space<vmem>> -> memref<1x8x4x1024xf32, #tpu.memory_space<vmem>>
    %dma_start3A_127 = tpu.memref_squeeze %dma_start3A_126 : memref<1x8x4x1024xf32, #tpu.memory_space<vmem>> -> memref<8x4x1024xf32, #tpu.memory_space<vmem>>
    %dma_start3A_128 = arith.constant 0 : i32
    %dma_start3A_129 = arith.constant 0 : i32
    %dma_start3A_130 = tpu.memref_slice %arg4[%mul3A_120, %dma_start3A_128, %dma_start3A_129] : memref<4096x4x1024xf32, #tpu.memory_space<hbm>> -> memref<8x4x1024xf32, #tpu.memory_space<hbm>>
    %dma_start3A_131 = tpu.memref_slice %arg9[%dma_start3A_122] : memref<3x!tpu.dma_semaphore, #tpu.memory_space<semaphore_mem>> -> memref<1x!tpu.dma_semaphore, #tpu.memory_space<semaphore_mem>>
    %dma_start3A_132 = tpu.memref_squeeze %dma_start3A_131 : memref<1x!tpu.dma_semaphore, #tpu.memory_space<semaphore_mem>> -> memref<!tpu.dma_semaphore, #tpu.memory_space<semaphore_mem>>
    %dma_start3A_133 = arith.constant 0 : i32
    %dma_start3A_134 = arith.constant 0 : i32
    %dma_start3A_135 = tpu.memref_slice %arg4[%mul3A_120, %dma_start3A_133, %dma_start3A_134] : memref<4096x4x1024xf32, #tpu.memory_space<hbm>> -> memref<8x4x1024xf32, #tpu.memory_space<hbm>>
    %dma_start3A_136 = arith.constant 0 : i32
    %dma_start3A_137 = arith.constant 0 : i32
    %dma_start3A_138 = arith.constant 0 : i32
    %dma_start3A_139 = tpu.memref_slice %arg5[%dma_start3A_121, %dma_start3A_136, %dma_start3A_137, %dma_start3A_138] : memref<3x8x4x1024xf32, #tpu.memory_space<vmem>> -> memref<1x8x4x1024xf32, #tpu.memory_space<vmem>>
    %dma_start3A_140 = tpu.memref_squeeze %dma_start3A_139 : memref<1x8x4x1024xf32, #tpu.memory_space<vmem>> -> memref<8x4x1024xf32, #tpu.memory_space<vmem>>
    tpu.enqueue_dma source(%dma_start3A_140 : memref<8x4x1024xf32, #tpu.memory_space<vmem>>) target(%dma_start3A_135 : memref<8x4x1024xf32, #tpu.memory_space<hbm>>) target_semaphore(%dma_start3A_132 : memref<!tpu.dma_semaphore, #tpu.memory_space<semaphore_mem>>)
    %add3A_141 = arith.constant 64 : i32
    %add3A_142 = arith.addi %add3A_141, %add3A : i32
    %mul3A_143 = arith.constant 8 : i32
    %mul3A_144 = arith.muli %add3A_142, %mul3A_143 : i32
    %dma_start3A_145 = arith.constant 2 : i32
    %dma_start3A_146 = arith.constant 2 : i32
    %dma_start3A_147 = arith.constant 0 : i32
    %dma_start3A_148 = arith.constant 0 : i32
    %dma_start3A_149 = arith.constant 0 : i32
    %dma_start3A_150 = tpu.memref_slice %arg5[%dma_start3A_145, %dma_start3A_147, %dma_start3A_148, %dma_start3A_149] : memref<3x8x4x1024xf32, #tpu.memory_space<vmem>> -> memref<1x8x4x1024xf32, #tpu.memory_space<vmem>>
    %dma_start3A_151 = tpu.memref_squeeze %dma_start3A_150 : memref<1x8x4x1024xf32, #tpu.memory_space<vmem>> -> memref<8x4x1024xf32, #tpu.memory_space<vmem>>
    %dma_start3A_152 = arith.constant 0 : i32
    %dma_start3A_153 = arith.constant 0 : i32
    %dma_start3A_154 = tpu.memref_slice %arg2[%mul3A_144, %dma_start3A_152, %dma_start3A_153] : memref<4096x4x1024xf32, #tpu.memory_space<hbm>> -> memref<8x4x1024xf32, #tpu.memory_space<hbm>>
    %dma_start3A_155 = tpu.memref_slice %arg7[%dma_start3A_146] : memref<3x!tpu.dma_semaphore, #tpu.memory_space<semaphore_mem>> -> memref<1x!tpu.dma_semaphore, #tpu.memory_space<semaphore_mem>>
    %dma_start3A_156 = tpu.memref_squeeze %dma_start3A_155 : memref<1x!tpu.dma_semaphore, #tpu.memory_space<semaphore_mem>> -> memref<!tpu.dma_semaphore, #tpu.memory_space<semaphore_mem>>
    %dma_start3A_157 = arith.constant 0 : i32
    %dma_start3A_158 = arith.constant 0 : i32
    %dma_start3A_159 = arith.constant 0 : i32
    %dma_start3A_160 = tpu.memref_slice %arg5[%dma_start3A_145, %dma_start3A_157, %dma_start3A_158, %dma_start3A_159] : memref<3x8x4x1024xf32, #tpu.memory_space<vmem>> -> memref<1x8x4x1024xf32, #tpu.memory_space<vmem>>
    %dma_start3A_161 = tpu.memref_squeeze %dma_start3A_160 : memref<1x8x4x1024xf32, #tpu.memory_space<vmem>> -> memref<8x4x1024xf32, #tpu.memory_space<vmem>>
    %dma_start3A_162 = arith.constant 0 : i32
    %dma_start3A_163 = arith.constant 0 : i32
    %dma_start3A_164 = tpu.memref_slice %arg2[%mul3A_144, %dma_start3A_162, %dma_start3A_163] : memref<4096x4x1024xf32, #tpu.memory_space<hbm>> -> memref<8x4x1024xf32, #tpu.memory_space<hbm>>
    tpu.enqueue_dma source(%dma_start3A_164 : memref<8x4x1024xf32, #tpu.memory_space<hbm>>) target(%dma_start3A_161 : memref<8x4x1024xf32, #tpu.memory_space<vmem>>) target_semaphore(%dma_start3A_156 : memref<!tpu.dma_semaphore, #tpu.memory_space<semaphore_mem>>)
    %dma_start3A_165 = arith.constant 2 : i32
    %dma_start3A_166 = arith.constant 2 : i32
    %dma_start3A_167 = arith.constant 0 : i32
    %dma_start3A_168 = arith.constant 0 : i32
    %dma_start3A_169 = tpu.memref_slice %arg6[%dma_start3A_165, %dma_start3A_167, %dma_start3A_168] : memref<3x8x1024xf32, #tpu.memory_space<vmem>> -> memref<1x8x1024xf32, #tpu.memory_space<vmem>>
    %dma_start3A_170 = tpu.memref_squeeze %dma_start3A_169 : memref<1x8x1024xf32, #tpu.memory_space<vmem>> -> memref<8x1024xf32, #tpu.memory_space<vmem>>
    %dma_start3A_171 = arith.constant 0 : i32
    %dma_start3A_172 = tpu.memref_slice %arg3[%mul3A_144, %dma_start3A_171] : memref<8192x1024xf32, #tpu.memory_space<hbm>> -> memref<8x1024xf32, #tpu.memory_space<hbm>>
    %dma_start3A_173 = tpu.memref_slice %arg8[%dma_start3A_166] : memref<3x!tpu.dma_semaphore, #tpu.memory_space<semaphore_mem>> -> memref<1x!tpu.dma_semaphore, #tpu.memory_space<semaphore_mem>>
    %dma_start3A_174 = tpu.memref_squeeze %dma_start3A_173 : memref<1x!tpu.dma_semaphore, #tpu.memory_space<semaphore_mem>> -> memref<!tpu.dma_semaphore, #tpu.memory_space<semaphore_mem>>
    %dma_start3A_175 = arith.constant 0 : i32
    %dma_start3A_176 = arith.constant 0 : i32
    %dma_start3A_177 = tpu.memref_slice %arg6[%dma_start3A_165, %dma_start3A_175, %dma_start3A_176] : memref<3x8x1024xf32, #tpu.memory_space<vmem>> -> memref<1x8x1024xf32, #tpu.memory_space<vmem>>
    %dma_start3A_178 = tpu.memref_squeeze %dma_start3A_177 : memref<1x8x1024xf32, #tpu.memory_space<vmem>> -> memref<8x1024xf32, #tpu.memory_space<vmem>>
    %dma_start3A_179 = arith.constant 0 : i32
    %dma_start3A_180 = tpu.memref_slice %arg3[%mul3A_144, %dma_start3A_179] : memref<8192x1024xf32, #tpu.memory_space<hbm>> -> memref<8x1024xf32, #tpu.memory_space<hbm>>
    tpu.enqueue_dma source(%dma_start3A_180 : memref<8x1024xf32, #tpu.memory_space<hbm>>) target(%dma_start3A_178 : memref<8x1024xf32, #tpu.memory_space<vmem>>) target_semaphore(%dma_start3A_174 : memref<!tpu.dma_semaphore, #tpu.memory_space<semaphore_mem>>)
    %dma_wait3A_181 = arith.constant 1 : i32
    %dma_wait3A_182 = arith.constant 1 : i32
    %dma_wait3A_183 = arith.constant 0 : i32
    %dma_wait3A_184 = arith.constant 0 : i32
    %dma_wait3A_185 = arith.constant 0 : i32
    %dma_wait3A_186 = tpu.memref_slice %arg5[%dma_wait3A_181, %dma_wait3A_183, %dma_wait3A_184, %dma_wait3A_185] : memref<3x8x4x1024xf32, #tpu.memory_space<vmem>> -> memref<1x8x4x1024xf32, #tpu.memory_space<vmem>>
    %dma_wait3A_187 = tpu.memref_squeeze %dma_wait3A_186 : memref<1x8x4x1024xf32, #tpu.memory_space<vmem>> -> memref<8x4x1024xf32, #tpu.memory_space<vmem>>
    %dma_wait3A_188 = arith.constant 0 : i32
    %dma_wait3A_189 = arith.constant 0 : i32
    %dma_wait3A_190 = tpu.memref_slice %arg2[%mul3A_43, %dma_wait3A_188, %dma_wait3A_189] : memref<4096x4x1024xf32, #tpu.memory_space<hbm>> -> memref<8x4x1024xf32, #tpu.memory_space<hbm>>
    %dma_wait3A_191 = tpu.memref_slice %arg7[%dma_wait3A_182] : memref<3x!tpu.dma_semaphore, #tpu.memory_space<semaphore_mem>> -> memref<1x!tpu.dma_semaphore, #tpu.memory_space<semaphore_mem>>
    %dma_wait3A_192 = tpu.memref_squeeze %dma_wait3A_191 : memref<1x!tpu.dma_semaphore, #tpu.memory_space<semaphore_mem>> -> memref<!tpu.dma_semaphore, #tpu.memory_space<semaphore_mem>>
    %dma_wait3A_193 = arith.constant 0 : i32
    %dma_wait3A_194 = arith.constant 0 : i32
    %dma_wait3A_195 = arith.constant 0 : i32
    %dma_wait3A_196 = tpu.memref_slice %arg5[%dma_wait3A_181, %dma_wait3A_193, %dma_wait3A_194, %dma_wait3A_195] : memref<3x8x4x1024xf32, #tpu.memory_space<vmem>> -> memref<1x8x4x1024xf32, #tpu.memory_space<vmem>>
    %dma_wait3A_197 = tpu.memref_squeeze %dma_wait3A_196 : memref<1x8x4x1024xf32, #tpu.memory_space<vmem>> -> memref<8x4x1024xf32, #tpu.memory_space<vmem>>
    %dma_wait3A_198 = arith.constant 0 : i32
    %dma_wait3A_199 = arith.constant 0 : i32
    %dma_wait3A_200 = tpu.memref_slice %arg2[%mul3A_43, %dma_wait3A_198, %dma_wait3A_199] : memref<4096x4x1024xf32, #tpu.memory_space<hbm>> -> memref<8x4x1024xf32, #tpu.memory_space<hbm>>
    tpu.wait_dma2 semaphore(%dma_wait3A_192 : memref<!tpu.dma_semaphore, #tpu.memory_space<semaphore_mem>>) src(%dma_wait3A_200 : memref<8x4x1024xf32, #tpu.memory_space<hbm>>) dst(%dma_wait3A_197 : memref<8x4x1024xf32, #tpu.memory_space<vmem>>)
    %dma_wait3A_201 = arith.constant 1 : i32
    %dma_wait3A_202 = arith.constant 1 : i32
    %dma_wait3A_203 = arith.constant 0 : i32
    %dma_wait3A_204 = arith.constant 0 : i32
    %dma_wait3A_205 = tpu.memref_slice %arg6[%dma_wait3A_201, %dma_wait3A_203, %dma_wait3A_204] : memref<3x8x1024xf32, #tpu.memory_space<vmem>> -> memref<1x8x1024xf32, #tpu.memory_space<vmem>>
    %dma_wait3A_206 = tpu.memref_squeeze %dma_wait3A_205 : memref<1x8x1024xf32, #tpu.memory_space<vmem>> -> memref<8x1024xf32, #tpu.memory_space<vmem>>
    %dma_wait3A_207 = arith.constant 0 : i32
    %dma_wait3A_208 = tpu.memref_slice %arg3[%mul3A_43, %dma_wait3A_207] : memref<8192x1024xf32, #tpu.memory_space<hbm>> -> memref<8x1024xf32, #tpu.memory_space<hbm>>
    %dma_wait3A_209 = tpu.memref_slice %arg8[%dma_wait3A_202] : memref<3x!tpu.dma_semaphore, #tpu.memory_space<semaphore_mem>> -> memref<1x!tpu.dma_semaphore, #tpu.memory_space<semaphore_mem>>
    %dma_wait3A_210 = tpu.memref_squeeze %dma_wait3A_209 : memref<1x!tpu.dma_semaphore, #tpu.memory_space<semaphore_mem>> -> memref<!tpu.dma_semaphore, #tpu.memory_space<semaphore_mem>>
    %dma_wait3A_211 = arith.constant 0 : i32
    %dma_wait3A_212 = arith.constant 0 : i32
    %dma_wait3A_213 = tpu.memref_slice %arg6[%dma_wait3A_201, %dma_wait3A_211, %dma_wait3A_212] : memref<3x8x1024xf32, #tpu.memory_space<vmem>> -> memref<1x8x1024xf32, #tpu.memory_space<vmem>>
    %dma_wait3A_214 = tpu.memref_squeeze %dma_wait3A_213 : memref<1x8x1024xf32, #tpu.memory_space<vmem>> -> memref<8x1024xf32, #tpu.memory_space<vmem>>
    %dma_wait3A_215 = arith.constant 0 : i32
    %dma_wait3A_216 = tpu.memref_slice %arg3[%mul3A_43, %dma_wait3A_215] : memref<8192x1024xf32, #tpu.memory_space<hbm>> -> memref<8x1024xf32, #tpu.memory_space<hbm>>
    tpu.wait_dma2 semaphore(%dma_wait3A_210 : memref<!tpu.dma_semaphore, #tpu.memory_space<semaphore_mem>>) src(%dma_wait3A_216 : memref<8x1024xf32, #tpu.memory_space<hbm>>) dst(%dma_wait3A_214 : memref<8x1024xf32, #tpu.memory_space<vmem>>)
    %parallel_loop3A_217 = arith.constant 0 : i32
    %parallel_loop3A_218 = arith.constant 512 : i32
    %parallel_loop3A_219 = arith.constant 1 : i32
    scf.for %parallel_loop3A_1966 = %parallel_loop3A_217 to %parallel_loop3A_218 step %parallel_loop3A_219  : i32 {
      %parallel_loop3A_1967 = arith.constant 64 : i32
      %parallel_loop3A_1968 = arith.divsi %parallel_loop3A_1966, %parallel_loop3A_1967 : i32
      %parallel_loop3A_1969 = arith.constant 0 : i32
      %parallel_loop3A_1970 = arith.cmpi sgt, %parallel_loop3A_1966, %parallel_loop3A_1969 : i32
      %parallel_loop3A_1971 = arith.extui %parallel_loop3A_1970 : i1 to i32
      %parallel_loop3A_1972 = arith.constant 0 : i32
      %parallel_loop3A_1973 = arith.cmpi slt, %parallel_loop3A_1966, %parallel_loop3A_1972 : i32
      %parallel_loop3A_1974 = arith.extui %parallel_loop3A_1973 : i1 to i32
      %parallel_loop3A_1975 = arith.subi %parallel_loop3A_1971, %parallel_loop3A_1974 : i32
      %parallel_loop3A_1976 = arith.constant 0 : i32
      %parallel_loop3A_1977 = arith.cmpi sgt, %parallel_loop3A_1967, %parallel_loop3A_1976 : i32
      %parallel_loop3A_1978 = arith.extui %parallel_loop3A_1977 : i1 to i32
      %parallel_loop3A_1979 = arith.constant 0 : i32
      %parallel_loop3A_1980 = arith.cmpi slt, %parallel_loop3A_1967, %parallel_loop3A_1979 : i32
      %parallel_loop3A_1981 = arith.extui %parallel_loop3A_1980 : i1 to i32
      %parallel_loop3A_1982 = arith.subi %parallel_loop3A_1978, %parallel_loop3A_1981 : i32
      %parallel_loop3A_1983 = arith.cmpi ne, %parallel_loop3A_1975, %parallel_loop3A_1982 : i32
      %parallel_loop3A_1984 = arith.remsi %parallel_loop3A_1966, %parallel_loop3A_1967 : i32
      %parallel_loop3A_1985 = arith.constant 0 : i32
      %parallel_loop3A_1986 = arith.cmpi ne, %parallel_loop3A_1984, %parallel_loop3A_1985 : i32
      %parallel_loop3A_1987 = arith.andi %parallel_loop3A_1983, %parallel_loop3A_1986 : i1
      %parallel_loop3A_1988 = arith.constant 1 : i32
      %parallel_loop3A_1989 = arith.subi %parallel_loop3A_1968, %parallel_loop3A_1988 : i32
      %parallel_loop3A_1990 = arith.select %parallel_loop3A_1987, %parallel_loop3A_1989, %parallel_loop3A_1968 : i32
      %parallel_loop3A_1991 = arith.constant 64 : i32
      %parallel_loop3A_1992 = arith.constant 0 : i32
      %parallel_loop3A_1993 = arith.cmpi eq, %parallel_loop3A_1991, %parallel_loop3A_1992 : i32
      %parallel_loop3A_1994 = arith.constant 1 : i32
      %parallel_loop3A_1995 = arith.select %parallel_loop3A_1993, %parallel_loop3A_1994, %parallel_loop3A_1991 : i32
      %parallel_loop3A_1996 = arith.remsi %parallel_loop3A_1966, %parallel_loop3A_1995 : i32
      %parallel_loop3A_1997 = arith.constant 0 : i32
      %parallel_loop3A_1998 = arith.cmpi ne, %parallel_loop3A_1996, %parallel_loop3A_1997 : i32
      %parallel_loop3A_1999 = arith.constant 0 : i32
      %parallel_loop3A_2000 = arith.cmpi slt, %parallel_loop3A_1996, %parallel_loop3A_1999 : i32
      %parallel_loop3A_2001 = arith.constant 0 : i32
      %parallel_loop3A_2002 = arith.cmpi slt, %parallel_loop3A_1995, %parallel_loop3A_2001 : i32
      %parallel_loop3A_2003 = arith.xori %parallel_loop3A_2000, %parallel_loop3A_2002 : i1
      %parallel_loop3A_2004 = arith.andi %parallel_loop3A_2003, %parallel_loop3A_1998 : i1
      %parallel_loop3A_2005 = arith.addi %parallel_loop3A_1996, %parallel_loop3A_1995 : i32
      %parallel_loop3A_2006 = arith.select %parallel_loop3A_2004, %parallel_loop3A_2005, %parallel_loop3A_1996 : i32
      %parallel_loop3A_2007 = arith.constant 16 : i32
      %parallel_loop3A_2008 = arith.muli %parallel_loop3A_2006, %parallel_loop3A_2007 : i32
      %parallel_loop3A_2009 = arith.constant 1 : i32
      %parallel_loop3A_2010 = arith.index_cast %parallel_loop3A_2009 : i32 to index
      %parallel_loop3A_2011 = arith.index_cast %parallel_loop3A_1990 : i32 to index
      %parallel_loop3A_2012 = arith.index_cast %parallel_loop3A_2008 : i32 to index
      %parallel_loop3A_2013 = tpu.vector_load %arg6[%parallel_loop3A_2010, %parallel_loop3A_2011, %parallel_loop3A_2012] {strides = array<i32>} : memref<3x8x1024xf32, #tpu.memory_space<vmem>>, vector<1x1x16xf32>,
      %parallel_loop3A_2014 = vector.shape_cast %parallel_loop3A_2013 : vector<1x1x16xf32> to vector<16xf32>
      %parallel_loop3A_2015 = arith.constant 3.125000e-02 : f32
      %parallel_loop3A_2016 = vector.broadcast %parallel_loop3A_2015 : f32 to vector<16xf32>
      %parallel_loop3A_2017 = arith.mulf %parallel_loop3A_2014, %parallel_loop3A_2016 : vector<16xf32>
      %parallel_loop3A_2018 = arith.constant 1 : i32
      %parallel_loop3A_2019 = arith.constant 0 : i32
      %parallel_loop3A_2020 = arith.index_cast %parallel_loop3A_2018 : i32 to index
      %parallel_loop3A_2021 = arith.index_cast %parallel_loop3A_1990 : i32 to index
      %parallel_loop3A_2022 = arith.index_cast %parallel_loop3A_2019 : i32 to index
      %parallel_loop3A_2023 = arith.index_cast %parallel_loop3A_2008 : i32 to index
      %parallel_loop3A_2024 = tpu.vector_load %arg5[%parallel_loop3A_2020, %parallel_loop3A_2021, %parallel_loop3A_2022, %parallel_loop3A_2023] {strides = array<i32>} : memref<3x8x4x1024xf32, #tpu.memory_space<vmem>>, vector<1x1x1x16xf32>,
      %parallel_loop3A_2025 = vector.shape_cast %parallel_loop3A_2024 : vector<1x1x1x16xf32> to vector<16xf32>
      %parallel_loop3A_2026 = vector.shape_cast %parallel_loop3A_2017 : vector<16xf32> to vector<1x1x1x16xf32>
      tpu.vector_store %arg5[%parallel_loop3A_2020, %parallel_loop3A_2021, %parallel_loop3A_2022, %parallel_loop3A_2023], %parallel_loop3A_2026 {add = true, strides = array<i32>} : memref<3x8x4x1024xf32, #tpu.memory_space<vmem>>, vector<1x1x1x16xf32>,
      %parallel_loop3A_2027 = arith.constant 1 : i32
      %parallel_loop3A_2028 = arith.constant 1 : i32
      %parallel_loop3A_2029 = arith.index_cast %parallel_loop3A_2027 : i32 to index
      %parallel_loop3A_2030 = arith.index_cast %parallel_loop3A_1990 : i32 to index
      %parallel_loop3A_2031 = arith.index_cast %parallel_loop3A_2028 : i32 to index
      %parallel_loop3A_2032 = arith.index_cast %parallel_loop3A_2008 : i32 to index
      %parallel_loop3A_2033 = tpu.vector_load %arg5[%parallel_loop3A_2029, %parallel_loop3A_2030, %parallel_loop3A_2031, %parallel_loop3A_2032] {strides = array<i32>} : memref<3x8x4x1024xf32, #tpu.memory_space<vmem>>, vector<1x1x1x16xf32>,
      %parallel_loop3A_2034 = vector.shape_cast %parallel_loop3A_2033 : vector<1x1x1x16xf32> to vector<16xf32>
      %parallel_loop3A_2035 = vector.shape_cast %parallel_loop3A_2017 : vector<16xf32> to vector<1x1x1x16xf32>
      tpu.vector_store %arg5[%parallel_loop3A_2029, %parallel_loop3A_2030, %parallel_loop3A_2031, %parallel_loop3A_2032], %parallel_loop3A_2035 {add = true, strides = array<i32>} : memref<3x8x4x1024xf32, #tpu.memory_space<vmem>>, vector<1x1x1x16xf32>,
      %parallel_loop3A_2036 = arith.constant 1 : i32
      %parallel_loop3A_2037 = arith.constant 2 : i32
      %parallel_loop3A_2038 = arith.index_cast %parallel_loop3A_2036 : i32 to index
      %parallel_loop3A_2039 = arith.index_cast %parallel_loop3A_1990 : i32 to index
      %parallel_loop3A_2040 = arith.index_cast %parallel_loop3A_2037 : i32 to index
      %parallel_loop3A_2041 = arith.index_cast %parallel_loop3A_2008 : i32 to index
      %parallel_loop3A_2042 = tpu.vector_load %arg5[%parallel_loop3A_2038, %parallel_loop3A_2039, %parallel_loop3A_2040, %parallel_loop3A_2041] {strides = array<i32>} : memref<3x8x4x1024xf32, #tpu.memory_space<vmem>>, vector<1x1x1x16xf32>,
      %parallel_loop3A_2043 = vector.shape_cast %parallel_loop3A_2042 : vector<1x1x1x16xf32> to vector<16xf32>
      %parallel_loop3A_2044 = vector.shape_cast %parallel_loop3A_2017 : vector<16xf32> to vector<1x1x1x16xf32>
      tpu.vector_store %arg5[%parallel_loop3A_2038, %parallel_loop3A_2039, %parallel_loop3A_2040, %parallel_loop3A_2041], %parallel_loop3A_2044 {add = true, strides = array<i32>} : memref<3x8x4x1024xf32, #tpu.memory_space<vmem>>, vector<1x1x1x16xf32>,
      %parallel_loop3A_2045 = arith.constant 1 : i32
      %parallel_loop3A_2046 = arith.constant 3 : i32
      %parallel_loop3A_2047 = arith.index_cast %parallel_loop3A_2045 : i32 to index
      %parallel_loop3A_2048 = arith.index_cast %parallel_loop3A_1990 : i32 to index
      %parallel_loop3A_2049 = arith.index_cast %parallel_loop3A_2046 : i32 to index
      %parallel_loop3A_2050 = arith.index_cast %parallel_loop3A_2008 : i32 to index
      %parallel_loop3A_2051 = tpu.vector_load %arg5[%parallel_loop3A_2047, %parallel_loop3A_2048, %parallel_loop3A_2049, %parallel_loop3A_2050] {strides = array<i32>} : memref<3x8x4x1024xf32, #tpu.memory_space<vmem>>, vector<1x1x1x16xf32>,
      %parallel_loop3A_2052 = vector.shape_cast %parallel_loop3A_2051 : vector<1x1x1x16xf32> to vector<16xf32>
      %parallel_loop3A_2053 = vector.shape_cast %parallel_loop3A_2017 : vector<16xf32> to vector<1x1x1x16xf32>
      tpu.vector_store %arg5[%parallel_loop3A_2047, %parallel_loop3A_2048, %parallel_loop3A_2049, %parallel_loop3A_2050], %parallel_loop3A_2053 {add = true, strides = array<i32>} : memref<3x8x4x1024xf32, #tpu.memory_space<vmem>>, vector<1x1x1x16xf32>,
    } {sc.loop_unroll_factor = 4 : i64, sc.parallel_access}
    %add3A_220 = arith.constant 32 : i32
    %add3A_221 = arith.addi %add3A_220, %add3A : i32
    %mul3A_222 = arith.constant 8 : i32
    %mul3A_223 = arith.muli %add3A_221, %mul3A_222 : i32
    %dma_start3A_224 = arith.constant 1 : i32
    %dma_start3A_225 = arith.constant 1 : i32
    %dma_start3A_226 = arith.constant 0 : i32
    %dma_start3A_227 = arith.constant 0 : i32
    %dma_start3A_228 = arith.constant 0 : i32
    %dma_start3A_229 = tpu.memref_slice %arg5[%dma_start3A_224, %dma_start3A_226, %dma_start3A_227, %dma_start3A_228] : memref<3x8x4x1024xf32, #tpu.memory_space<vmem>> -> memref<1x8x4x1024xf32, #tpu.memory_space<vmem>>
    %dma_start3A_230 = tpu.memref_squeeze %dma_start3A_229 : memref<1x8x4x1024xf32, #tpu.memory_space<vmem>> -> memref<8x4x1024xf32, #tpu.memory_space<vmem>>
    %dma_start3A_231 = arith.constant 0 : i32
    %dma_start3A_232 = arith.constant 0 : i32
    %dma_start3A_233 = tpu.memref_slice %arg4[%mul3A_223, %dma_start3A_231, %dma_start3A_232] : memref<4096x4x1024xf32, #tpu.memory_space<hbm>> -> memref<8x4x1024xf32, #tpu.memory_space<hbm>>
    %dma_start3A_234 = tpu.memref_slice %arg9[%dma_start3A_225] : memref<3x!tpu.dma_semaphore, #tpu.memory_space<semaphore_mem>> -> memref<1x!tpu.dma_semaphore, #tpu.memory_space<semaphore_mem>>
    %dma_start3A_235 = tpu.memref_squeeze %dma_start3A_234 : memref<1x!tpu.dma_semaphore, #tpu.memory_space<semaphore_mem>> -> memref<!tpu.dma_semaphore, #tpu.memory_space<semaphore_mem>>
    %dma_start3A_236 = arith.constant 0 : i32
    %dma_start3A_237 = arith.constant 0 : i32
    %dma_start3A_238 = tpu.memref_slice %arg4[%mul3A_223, %dma_start3A_236, %dma_start3A_237] : memref<4096x4x1024xf32, #tpu.memory_space<hbm>> -> memref<8x4x1024xf32, #tpu.memory_space<hbm>>
    %dma_start3A_239 = arith.constant 0 : i32
    %dma_start3A_240 = arith.constant 0 : i32
    %dma_start3A_241 = arith.constant 0 : i32
    %dma_start3A_242 = tpu.memref_slice %arg5[%dma_start3A_224, %dma_start3A_239, %dma_start3A_240, %dma_start3A_241] : memref<3x8x4x1024xf32, #tpu.memory_space<vmem>> -> memref<1x8x4x1024xf32, #tpu.memory_space<vmem>>
    %dma_start3A_243 = tpu.memref_squeeze %dma_start3A_242 : memref<1x8x4x1024xf32, #tpu.memory_space<vmem>> -> memref<8x4x1024xf32, #tpu.memory_space<vmem>>
    tpu.enqueue_dma source(%dma_start3A_243 : memref<8x4x1024xf32, #tpu.memory_space<vmem>>) target(%dma_start3A_238 : memref<8x4x1024xf32, #tpu.memory_space<hbm>>) target_semaphore(%dma_start3A_235 : memref<!tpu.dma_semaphore, #tpu.memory_space<semaphore_mem>>)
    %dma_wait3A_244 = arith.constant 0 : i32
    %dma_wait3A_245 = arith.constant 0 : i32
    %dma_wait3A_246 = arith.constant 0 : i32
    %dma_wait3A_247 = arith.constant 0 : i32
    %dma_wait3A_248 = arith.constant 0 : i32
    %dma_wait3A_249 = tpu.memref_slice %arg5[%dma_wait3A_244, %dma_wait3A_246, %dma_wait3A_247, %dma_wait3A_248] : memref<3x8x4x1024xf32, #tpu.memory_space<vmem>> -> memref<1x8x4x1024xf32, #tpu.memory_space<vmem>>
    %dma_wait3A_250 = tpu.memref_squeeze %dma_wait3A_249 : memref<1x8x4x1024xf32, #tpu.memory_space<vmem>> -> memref<8x4x1024xf32, #tpu.memory_space<vmem>>
    %dma_wait3A_251 = arith.constant 0 : i32
    %dma_wait3A_252 = arith.constant 0 : i32
    %dma_wait3A_253 = tpu.memref_slice %arg4[%mul3A_120, %dma_wait3A_251, %dma_wait3A_252] : memref<4096x4x1024xf32, #tpu.memory_space<hbm>> -> memref<8x4x1024xf32, #tpu.memory_space<hbm>>
    %dma_wait3A_254 = tpu.memref_slice %arg9[%dma_wait3A_245] : memref<3x!tpu.dma_semaphore, #tpu.memory_space<semaphore_mem>> -> memref<1x!tpu.dma_semaphore, #tpu.memory_space<semaphore_mem>>
    %dma_wait3A_255 = tpu.memref_squeeze %dma_wait3A_254 : memref<1x!tpu.dma_semaphore, #tpu.memory_space<semaphore_mem>> -> memref<!tpu.dma_semaphore, #tpu.memory_space<semaphore_mem>>
    %dma_wait3A_256 = arith.constant 0 : i32
    %dma_wait3A_257 = arith.constant 0 : i32
    %dma_wait3A_258 = tpu.memref_slice %arg4[%mul3A_120, %dma_wait3A_256, %dma_wait3A_257] : memref<4096x4x1024xf32, #tpu.memory_space<hbm>> -> memref<8x4x1024xf32, #tpu.memory_space<hbm>>
    %dma_wait3A_259 = arith.constant 0 : i32
    %dma_wait3A_260 = arith.constant 0 : i32
    %dma_wait3A_261 = arith.constant 0 : i32
    %dma_wait3A_262 = tpu.memref_slice %arg5[%dma_wait3A_244, %dma_wait3A_259, %dma_wait3A_260, %dma_wait3A_261] : memref<3x8x4x1024xf32, #tpu.memory_space<vmem>> -> memref<1x8x4x1024xf32, #tpu.memory_space<vmem>>
    %dma_wait3A_263 = tpu.memref_squeeze %dma_wait3A_262 : memref<1x8x4x1024xf32, #tpu.memory_space<vmem>> -> memref<8x4x1024xf32, #tpu.memory_space<vmem>>
    tpu.wait_dma2 semaphore(%dma_wait3A_255 : memref<!tpu.dma_semaphore, #tpu.memory_space<semaphore_mem>>) src(%dma_wait3A_263 : memref<8x4x1024xf32, #tpu.memory_space<vmem>>) dst(%dma_wait3A_258 : memref<8x4x1024xf32, #tpu.memory_space<hbm>>)
    %add3A_264 = arith.constant 96 : i32
    %add3A_265 = arith.addi %add3A_264, %add3A : i32
    %mul3A_266 = arith.constant 8 : i32
    %mul3A_267 = arith.muli %add3A_265, %mul3A_266 : i32
    %dma_start3A_268 = arith.constant 0 : i32
    %dma_start3A_269 = arith.constant 0 : i32
    %dma_start3A_270 = arith.constant 0 : i32
    %dma_start3A_271 = arith.constant 0 : i32
    %dma_start3A_272 = arith.constant 0 : i32
    %dma_start3A_273 = tpu.memref_slice %arg5[%dma_start3A_268, %dma_start3A_270, %dma_start3A_271, %dma_start3A_272] : memref<3x8x4x1024xf32, #tpu.memory_space<vmem>> -> memref<1x8x4x1024xf32, #tpu.memory_space<vmem>>
    %dma_start3A_274 = tpu.memref_squeeze %dma_start3A_273 : memref<1x8x4x1024xf32, #tpu.memory_space<vmem>> -> memref<8x4x1024xf32, #tpu.memory_space<vmem>>
    %dma_start3A_275 = arith.constant 0 : i32
    %dma_start3A_276 = arith.constant 0 : i32
    %dma_start3A_277 = tpu.memref_slice %arg2[%mul3A_267, %dma_start3A_275, %dma_start3A_276] : memref<4096x4x1024xf32, #tpu.memory_space<hbm>> -> memref<8x4x1024xf32, #tpu.memory_space<hbm>>
    %dma_start3A_278 = tpu.memref_slice %arg7[%dma_start3A_269] : memref<3x!tpu.dma_semaphore, #tpu.memory_space<semaphore_mem>> -> memref<1x!tpu.dma_semaphore, #tpu.memory_space<semaphore_mem>>
    %dma_start3A_279 = tpu.memref_squeeze %dma_start3A_278 : memref<1x!tpu.dma_semaphore, #tpu.memory_space<semaphore_mem>> -> memref<!tpu.dma_semaphore, #tpu.memory_space<semaphore_mem>>
    %dma_start3A_280 = arith.constant 0 : i32
    %dma_start3A_281 = arith.constant 0 : i32
    %dma_start3A_282 = arith.constant 0 : i32
    %dma_start3A_283 = tpu.memref_slice %arg5[%dma_start3A_268, %dma_start3A_280, %dma_start3A_281, %dma_start3A_282] : memref<3x8x4x1024xf32, #tpu.memory_space<vmem>> -> memref<1x8x4x1024xf32, #tpu.memory_space<vmem>>
    %dma_start3A_284 = tpu.memref_squeeze %dma_start3A_283 : memref<1x8x4x1024xf32, #tpu.memory_space<vmem>> -> memref<8x4x1024xf32, #tpu.memory_space<vmem>>
    %dma_start3A_285 = arith.constant 0 : i32
    %dma_start3A_286 = arith.constant 0 : i32
    %dma_start3A_287 = tpu.memref_slice %arg2[%mul3A_267, %dma_start3A_285, %dma_start3A_286] : memref<4096x4x1024xf32, #tpu.memory_space<hbm>> -> memref<8x4x1024xf32, #tpu.memory_space<hbm>>
    tpu.enqueue_dma source(%dma_start3A_287 : memref<8x4x1024xf32, #tpu.memory_space<hbm>>) target(%dma_start3A_284 : memref<8x4x1024xf32, #tpu.memory_space<vmem>>) target_semaphore(%dma_start3A_279 : memref<!tpu.dma_semaphore, #tpu.memory_space<semaphore_mem>>)
    %dma_start3A_288 = arith.constant 0 : i32
    %dma_start3A_289 = arith.constant 0 : i32
    %dma_start3A_290 = arith.constant 0 : i32
    %dma_start3A_291 = arith.constant 0 : i32
    %dma_start3A_292 = tpu.memref_slice %arg6[%dma_start3A_288, %dma_start3A_290, %dma_start3A_291] : memref<3x8x1024xf32, #tpu.memory_space<vmem>> -> memref<1x8x1024xf32, #tpu.memory_space<vmem>>
    %dma_start3A_293 = tpu.memref_squeeze %dma_start3A_292 : memref<1x8x1024xf32, #tpu.memory_space<vmem>> -> memref<8x1024xf32, #tpu.memory_space<vmem>>
    %dma_start3A_294 = arith.constant 0 : i32
    %dma_start3A_295 = tpu.memref_slice %arg3[%mul3A_267, %dma_start3A_294] : memref<8192x1024xf32, #tpu.memory_space<hbm>> -> memref<8x1024xf32, #tpu.memory_space<hbm>>
    %dma_start3A_296 = tpu.memref_slice %arg8[%dma_start3A_289] : memref<3x!tpu.dma_semaphore, #tpu.memory_space<semaphore_mem>> -> memref<1x!tpu.dma_semaphore, #tpu.memory_space<semaphore_mem>>
    %dma_start3A_297 = tpu.memref_squeeze %dma_start3A_296 : memref<1x!tpu.dma_semaphore, #tpu.memory_space<semaphore_mem>> -> memref<!tpu.dma_semaphore, #tpu.memory_space<semaphore_mem>>
    %dma_start3A_298 = arith.constant 0 : i32
    %dma_start3A_299 = arith.constant 0 : i32
    %dma_start3A_300 = tpu.memref_slice %arg6[%dma_start3A_288, %dma_start3A_298, %dma_start3A_299] : memref<3x8x1024xf32, #tpu.memory_space<vmem>> -> memref<1x8x1024xf32, #tpu.memory_space<vmem>>
    %dma_start3A_301 = tpu.memref_squeeze %dma_start3A_300 : memref<1x8x1024xf32, #tpu.memory_space<vmem>> -> memref<8x1024xf32, #tpu.memory_space<vmem>>
    %dma_start3A_302 = arith.constant 0 : i32
    %dma_start3A_303 = tpu.memref_slice %arg3[%mul3A_267, %dma_start3A_302] : memref<8192x1024xf32, #tpu.memory_space<hbm>> -> memref<8x1024xf32, #tpu.memory_space<hbm>>
    tpu.enqueue_dma source(%dma_start3A_303 : memref<8x1024xf32, #tpu.memory_space<hbm>>) target(%dma_start3A_301 : memref<8x1024xf32, #tpu.memory_space<vmem>>) target_semaphore(%dma_start3A_297 : memref<!tpu.dma_semaphore, #tpu.memory_space<semaphore_mem>>)
    %dma_wait3A_304 = arith.constant 2 : i32
    %dma_wait3A_305 = arith.constant 2 : i32
    %dma_wait3A_306 = arith.constant 0 : i32
    %dma_wait3A_307 = arith.constant 0 : i32
    %dma_wait3A_308 = arith.constant 0 : i32
    %dma_wait3A_309 = tpu.memref_slice %arg5[%dma_wait3A_304, %dma_wait3A_306, %dma_wait3A_307, %dma_wait3A_308] : memref<3x8x4x1024xf32, #tpu.memory_space<vmem>> -> memref<1x8x4x1024xf32, #tpu.memory_space<vmem>>
    %dma_wait3A_310 = tpu.memref_squeeze %dma_wait3A_309 : memref<1x8x4x1024xf32, #tpu.memory_space<vmem>> -> memref<8x4x1024xf32, #tpu.memory_space<vmem>>
    %dma_wait3A_311 = arith.constant 0 : i32
    %dma_wait3A_312 = arith.constant 0 : i32
    %dma_wait3A_313 = tpu.memref_slice %arg2[%mul3A_144, %dma_wait3A_311, %dma_wait3A_312] : memref<4096x4x1024xf32, #tpu.memory_space<hbm>> -> memref<8x4x1024xf32, #tpu.memory_space<hbm>>
    %dma_wait3A_314 = tpu.memref_slice %arg7[%dma_wait3A_305] : memref<3x!tpu.dma_semaphore, #tpu.memory_space<semaphore_mem>> -> memref<1x!tpu.dma_semaphore, #tpu.memory_space<semaphore_mem>>
    %dma_wait3A_315 = tpu.memref_squeeze %dma_wait3A_314 : memref<1x!tpu.dma_semaphore, #tpu.memory_space<semaphore_mem>> -> memref<!tpu.dma_semaphore, #tpu.memory_space<semaphore_mem>>
    %dma_wait3A_316 = arith.constant 0 : i32
    %dma_wait3A_317 = arith.constant 0 : i32
    %dma_wait3A_318 = arith.constant 0 : i32
    %dma_wait3A_319 = tpu.memref_slice %arg5[%dma_wait3A_304, %dma_wait3A_316, %dma_wait3A_317, %dma_wait3A_318] : memref<3x8x4x1024xf32, #tpu.memory_space<vmem>> -> memref<1x8x4x1024xf32, #tpu.memory_space<vmem>>
    %dma_wait3A_320 = tpu.memref_squeeze %dma_wait3A_319 : memref<1x8x4x1024xf32, #tpu.memory_space<vmem>> -> memref<8x4x1024xf32, #tpu.memory_space<vmem>>
    %dma_wait3A_321 = arith.constant 0 : i32
    %dma_wait3A_322 = arith.constant 0 : i32
    %dma_wait3A_323 = tpu.memref_slice %arg2[%mul3A_144, %dma_wait3A_321, %dma_wait3A_322] : memref<4096x4x1024xf32, #tpu.memory_space<hbm>> -> memref<8x4x1024xf32, #tpu.memory_space<hbm>>
    tpu.wait_dma2 semaphore(%dma_wait3A_315 : memref<!tpu.dma_semaphore, #tpu.memory_space<semaphore_mem>>) src(%dma_wait3A_323 : memref<8x4x1024xf32, #tpu.memory_space<hbm>>) dst(%dma_wait3A_320 : memref<8x4x1024xf32, #tpu.memory_space<vmem>>)
    %dma_wait3A_324 = arith.constant 2 : i32
    %dma_wait3A_325 = arith.constant 2 : i32
    %dma_wait3A_326 = arith.constant 0 : i32
    %dma_wait3A_327 = arith.constant 0 : i32
    %dma_wait3A_328 = tpu.memref_slice %arg6[%dma_wait3A_324, %dma_wait3A_326, %dma_wait3A_327] : memref<3x8x1024xf32, #tpu.memory_space<vmem>> -> memref<1x8x1024xf32, #tpu.memory_space<vmem>>
    %dma_wait3A_329 = tpu.memref_squeeze %dma_wait3A_328 : memref<1x8x1024xf32, #tpu.memory_space<vmem>> -> memref<8x1024xf32, #tpu.memory_space<vmem>>
    %dma_wait3A_330 = arith.constant 0 : i32
    %dma_wait3A_331 = tpu.memref_slice %arg3[%mul3A_144, %dma_wait3A_330] : memref<8192x1024xf32, #tpu.memory_space<hbm>> -> memref<8x1024xf32, #tpu.memory_space<hbm>>
    %dma_wait3A_332 = tpu.memref_slice %arg8[%dma_wait3A_325] : memref<3x!tpu.dma_semaphore, #tpu.memory_space<semaphore_mem>> -> memref<1x!tpu.dma_semaphore, #tpu.memory_space<semaphore_mem>>
    %dma_wait3A_333 = tpu.memref_squeeze %dma_wait3A_332 : memref<1x!tpu.dma_semaphore, #tpu.memory_space<semaphore_mem>> -> memref<!tpu.dma_semaphore, #tpu.memory_space<semaphore_mem>>
    %dma_wait3A_334 = arith.constant 0 : i32
    %dma_wait3A_335 = arith.constant 0 : i32
    %dma_wait3A_336 = tpu.memref_slice %arg6[%dma_wait3A_324, %dma_wait3A_334, %dma_wait3A_335] : memref<3x8x1024xf32, #tpu.memory_space<vmem>> -> memref<1x8x1024xf32, #tpu.memory_space<vmem>>
    %dma_wait3A_337 = tpu.memref_squeeze %dma_wait3A_336 : memref<1x8x1024xf32, #tpu.memory_space<vmem>> -> memref<8x1024xf32, #tpu.memory_space<vmem>>
    %dma_wait3A_338 = arith.constant 0 : i32
    %dma_wait3A_339 = tpu.memref_slice %arg3[%mul3A_144, %dma_wait3A_338] : memref<8192x1024xf32, #tpu.memory_space<hbm>> -> memref<8x1024xf32, #tpu.memory_space<hbm>>
    tpu.wait_dma2 semaphore(%dma_wait3A_333 : memref<!tpu.dma_semaphore, #tpu.memory_space<semaphore_mem>>) src(%dma_wait3A_339 : memref<8x1024xf32, #tpu.memory_space<hbm>>) dst(%dma_wait3A_337 : memref<8x1024xf32, #tpu.memory_space<vmem>>)
    %parallel_loop3A_340 = arith.constant 0 : i32
    %parallel_loop3A_341 = arith.constant 512 : i32
    %parallel_loop3A_342 = arith.constant 1 : i32
    scf.for %parallel_loop3A_1966 = %parallel_loop3A_340 to %parallel_loop3A_341 step %parallel_loop3A_342  : i32 {
      %parallel_loop3A_1967 = arith.constant 64 : i32
      %parallel_loop3A_1968 = arith.divsi %parallel_loop3A_1966, %parallel_loop3A_1967 : i32
      %parallel_loop3A_1969 = arith.constant 0 : i32
      %parallel_loop3A_1970 = arith.cmpi sgt, %parallel_loop3A_1966, %parallel_loop3A_1969 : i32
      %parallel_loop3A_1971 = arith.extui %parallel_loop3A_1970 : i1 to i32
      %parallel_loop3A_1972 = arith.constant 0 : i32
      %parallel_loop3A_1973 = arith.cmpi slt, %parallel_loop3A_1966, %parallel_loop3A_1972 : i32
      %parallel_loop3A_1974 = arith.extui %parallel_loop3A_1973 : i1 to i32
      %parallel_loop3A_1975 = arith.subi %parallel_loop3A_1971, %parallel_loop3A_1974 : i32
      %parallel_loop3A_1976 = arith.constant 0 : i32
      %parallel_loop3A_1977 = arith.cmpi sgt, %parallel_loop3A_1967, %parallel_loop3A_1976 : i32
      %parallel_loop3A_1978 = arith.extui %parallel_loop3A_1977 : i1 to i32
      %parallel_loop3A_1979 = arith.constant 0 : i32
      %parallel_loop3A_1980 = arith.cmpi slt, %parallel_loop3A_1967, %parallel_loop3A_1979 : i32
      %parallel_loop3A_1981 = arith.extui %parallel_loop3A_1980 : i1 to i32
      %parallel_loop3A_1982 = arith.subi %parallel_loop3A_1978, %parallel_loop3A_1981 : i32
      %parallel_loop3A_1983 = arith.cmpi ne, %parallel_loop3A_1975, %parallel_loop3A_1982 : i32
      %parallel_loop3A_1984 = arith.remsi %parallel_loop3A_1966, %parallel_loop3A_1967 : i32
      %parallel_loop3A_1985 = arith.constant 0 : i32
      %parallel_loop3A_1986 = arith.cmpi ne, %parallel_loop3A_1984, %parallel_loop3A_1985 : i32
      %parallel_loop3A_1987 = arith.andi %parallel_loop3A_1983, %parallel_loop3A_1986 : i1
      %parallel_loop3A_1988 = arith.constant 1 : i32
      %parallel_loop3A_1989 = arith.subi %parallel_loop3A_1968, %parallel_loop3A_1988 : i32
      %parallel_loop3A_1990 = arith.select %parallel_loop3A_1987, %parallel_loop3A_1989, %parallel_loop3A_1968 : i32
      %parallel_loop3A_1991 = arith.constant 64 : i32
      %parallel_loop3A_1992 = arith.constant 0 : i32
      %parallel_loop3A_1993 = arith.cmpi eq, %parallel_loop3A_1991, %parallel_loop3A_1992 : i32
      %parallel_loop3A_1994 = arith.constant 1 : i32
      %parallel_loop3A_1995 = arith.select %parallel_loop3A_1993, %parallel_loop3A_1994, %parallel_loop3A_1991 : i32
      %parallel_loop3A_1996 = arith.remsi %parallel_loop3A_1966, %parallel_loop3A_1995 : i32
      %parallel_loop3A_1997 = arith.constant 0 : i32
      %parallel_loop3A_1998 = arith.cmpi ne, %parallel_loop3A_1996, %parallel_loop3A_1997 : i32
      %parallel_loop3A_1999 = arith.constant 0 : i32
      %parallel_loop3A_2000 = arith.cmpi slt, %parallel_loop3A_1996, %parallel_loop3A_1999 : i32
      %parallel_loop3A_2001 = arith.constant 0 : i32
      %parallel_loop3A_2002 = arith.cmpi slt, %parallel_loop3A_1995, %parallel_loop3A_2001 : i32
      %parallel_loop3A_2003 = arith.xori %parallel_loop3A_2000, %parallel_loop3A_2002 : i1
      %parallel_loop3A_2004 = arith.andi %parallel_loop3A_2003, %parallel_loop3A_1998 : i1
      %parallel_loop3A_2005 = arith.addi %parallel_loop3A_1996, %parallel_loop3A_1995 : i32
      %parallel_loop3A_2006 = arith.select %parallel_loop3A_2004, %parallel_loop3A_2005, %parallel_loop3A_1996 : i32
      %parallel_loop3A_2007 = arith.constant 16 : i32
      %parallel_loop3A_2008 = arith.muli %parallel_loop3A_2006, %parallel_loop3A_2007 : i32
      %parallel_loop3A_2009 = arith.constant 2 : i32
      %parallel_loop3A_2010 = arith.index_cast %parallel_loop3A_2009 : i32 to index
      %parallel_loop3A_2011 = arith.index_cast %parallel_loop3A_1990 : i32 to index
      %parallel_loop3A_2012 = arith.index_cast %parallel_loop3A_2008 : i32 to index
      %parallel_loop3A_2013 = tpu.vector_load %arg6[%parallel_loop3A_2010, %parallel_loop3A_2011, %parallel_loop3A_2012] {strides = array<i32>} : memref<3x8x1024xf32, #tpu.memory_space<vmem>>, vector<1x1x16xf32>,
      %parallel_loop3A_2014 = vector.shape_cast %parallel_loop3A_2013 : vector<1x1x16xf32> to vector<16xf32>
      %parallel_loop3A_2015 = arith.constant 3.125000e-02 : f32
      %parallel_loop3A_2016 = vector.broadcast %parallel_loop3A_2015 : f32 to vector<16xf32>
      %parallel_loop3A_2017 = arith.mulf %parallel_loop3A_2014, %parallel_loop3A_2016 : vector<16xf32>
      %parallel_loop3A_2018 = arith.constant 2 : i32
      %parallel_loop3A_2019 = arith.constant 0 : i32
      %parallel_loop3A_2020 = arith.index_cast %parallel_loop3A_2018 : i32 to index
      %parallel_loop3A_2021 = arith.index_cast %parallel_loop3A_1990 : i32 to index
      %parallel_loop3A_2022 = arith.index_cast %parallel_loop3A_2019 : i32 to index
      %parallel_loop3A_2023 = arith.index_cast %parallel_loop3A_2008 : i32 to index
      %parallel_loop3A_2024 = tpu.vector_load %arg5[%parallel_loop3A_2020, %parallel_loop3A_2021, %parallel_loop3A_2022, %parallel_loop3A_2023] {strides = array<i32>} : memref<3x8x4x1024xf32, #tpu.memory_space<vmem>>, vector<1x1x1x16xf32>,
      %parallel_loop3A_2025 = vector.shape_cast %parallel_loop3A_2024 : vector<1x1x1x16xf32> to vector<16xf32>
      %parallel_loop3A_2026 = vector.shape_cast %parallel_loop3A_2017 : vector<16xf32> to vector<1x1x1x16xf32>
      tpu.vector_store %arg5[%parallel_loop3A_2020, %parallel_loop3A_2021, %parallel_loop3A_2022, %parallel_loop3A_2023], %parallel_loop3A_2026 {add = true, strides = array<i32>} : memref<3x8x4x1024xf32, #tpu.memory_space<vmem>>, vector<1x1x1x16xf32>,
      %parallel_loop3A_2027 = arith.constant 2 : i32
      %parallel_loop3A_2028 = arith.constant 1 : i32
      %parallel_loop3A_2029 = arith.index_cast %parallel_loop3A_2027 : i32 to index
      %parallel_loop3A_2030 = arith.index_cast %parallel_loop3A_1990 : i32 to index
      %parallel_loop3A_2031 = arith.index_cast %parallel_loop3A_2028 : i32 to index
      %parallel_loop3A_2032 = arith.index_cast %parallel_loop3A_2008 : i32 to index
      %parallel_loop3A_2033 = tpu.vector_load %arg5[%parallel_loop3A_2029, %parallel_loop3A_2030, %parallel_loop3A_2031, %parallel_loop3A_2032] {strides = array<i32>} : memref<3x8x4x1024xf32, #tpu.memory_space<vmem>>, vector<1x1x1x16xf32>,
      %parallel_loop3A_2034 = vector.shape_cast %parallel_loop3A_2033 : vector<1x1x1x16xf32> to vector<16xf32>
      %parallel_loop3A_2035 = vector.shape_cast %parallel_loop3A_2017 : vector<16xf32> to vector<1x1x1x16xf32>
      tpu.vector_store %arg5[%parallel_loop3A_2029, %parallel_loop3A_2030, %parallel_loop3A_2031, %parallel_loop3A_2032], %parallel_loop3A_2035 {add = true, strides = array<i32>} : memref<3x8x4x1024xf32, #tpu.memory_space<vmem>>, vector<1x1x1x16xf32>,
      %parallel_loop3A_2036 = arith.constant 2 : i32
      %parallel_loop3A_2037 = arith.constant 2 : i32
      %parallel_loop3A_2038 = arith.index_cast %parallel_loop3A_2036 : i32 to index
      %parallel_loop3A_2039 = arith.index_cast %parallel_loop3A_1990 : i32 to index
      %parallel_loop3A_2040 = arith.index_cast %parallel_loop3A_2037 : i32 to index
      %parallel_loop3A_2041 = arith.index_cast %parallel_loop3A_2008 : i32 to index
      %parallel_loop3A_2042 = tpu.vector_load %arg5[%parallel_loop3A_2038, %parallel_loop3A_2039, %parallel_loop3A_2040, %parallel_loop3A_2041] {strides = array<i32>} : memref<3x8x4x1024xf32, #tpu.memory_space<vmem>>, vector<1x1x1x16xf32>,
      %parallel_loop3A_2043 = vector.shape_cast %parallel_loop3A_2042 : vector<1x1x1x16xf32> to vector<16xf32>
      %parallel_loop3A_2044 = vector.shape_cast %parallel_loop3A_2017 : vector<16xf32> to vector<1x1x1x16xf32>
      tpu.vector_store %arg5[%parallel_loop3A_2038, %parallel_loop3A_2039, %parallel_loop3A_2040, %parallel_loop3A_2041], %parallel_loop3A_2044 {add = true, strides = array<i32>} : memref<3x8x4x1024xf32, #tpu.memory_space<vmem>>, vector<1x1x1x16xf32>,
      %parallel_loop3A_2045 = arith.constant 2 : i32
      %parallel_loop3A_2046 = arith.constant 3 : i32
      %parallel_loop3A_2047 = arith.index_cast %parallel_loop3A_2045 : i32 to index
      %parallel_loop3A_2048 = arith.index_cast %parallel_loop3A_1990 : i32 to index
      %parallel_loop3A_2049 = arith.index_cast %parallel_loop3A_2046 : i32 to index
      %parallel_loop3A_2050 = arith.index_cast %parallel_loop3A_2008 : i32 to index
      %parallel_loop3A_2051 = tpu.vector_load %arg5[%parallel_loop3A_2047, %parallel_loop3A_2048, %parallel_loop3A_2049, %parallel_loop3A_2050] {strides = array<i32>} : memref<3x8x4x1024xf32, #tpu.memory_space<vmem>>, vector<1x1x1x16xf32>,
      %parallel_loop3A_2052 = vector.shape_cast %parallel_loop3A_2051 : vector<1x1x1x16xf32> to vector<16xf32>
      %parallel_loop3A_2053 = vector.shape_cast %parallel_loop3A_2017 : vector<16xf32> to vector<1x1x1x16xf32>
      tpu.vector_store %arg5[%parallel_loop3A_2047, %parallel_loop3A_2048, %parallel_loop3A_2049, %parallel_loop3A_2050], %parallel_loop3A_2053 {add = true, strides = array<i32>} : memref<3x8x4x1024xf32, #tpu.memory_space<vmem>>, vector<1x1x1x16xf32>,
    } {sc.loop_unroll_factor = 4 : i64, sc.parallel_access}
    %add3A_343 = arith.constant 64 : i32
    %add3A_344 = arith.addi %add3A_343, %add3A : i32
    %mul3A_345 = arith.constant 8 : i32
    %mul3A_346 = arith.muli %add3A_344, %mul3A_345 : i32
    %dma_start3A_347 = arith.constant 2 : i32
    %dma_start3A_348 = arith.constant 2 : i32
    %dma_start3A_349 = arith.constant 0 : i32
    %dma_start3A_350 = arith.constant 0 : i32
    %dma_start3A_351 = arith.constant 0 : i32
    %dma_start3A_352 = tpu.memref_slice %arg5[%dma_start3A_347, %dma_start3A_349, %dma_start3A_350, %dma_start3A_351] : memref<3x8x4x1024xf32, #tpu.memory_space<vmem>> -> memref<1x8x4x1024xf32, #tpu.memory_space<vmem>>
    %dma_start3A_353 = tpu.memref_squeeze %dma_start3A_352 : memref<1x8x4x1024xf32, #tpu.memory_space<vmem>> -> memref<8x4x1024xf32, #tpu.memory_space<vmem>>
    %dma_start3A_354 = arith.constant 0 : i32
    %dma_start3A_355 = arith.constant 0 : i32
    %dma_start3A_356 = tpu.memref_slice %arg4[%mul3A_346, %dma_start3A_354, %dma_start3A_355] : memref<4096x4x1024xf32, #tpu.memory_space<hbm>> -> memref<8x4x1024xf32, #tpu.memory_space<hbm>>
    %dma_start3A_357 = tpu.memref_slice %arg9[%dma_start3A_348] : memref<3x!tpu.dma_semaphore, #tpu.memory_space<semaphore_mem>> -> memref<1x!tpu.dma_semaphore, #tpu.memory_space<semaphore_mem>>
    %dma_start3A_358 = tpu.memref_squeeze %dma_start3A_357 : memref<1x!tpu.dma_semaphore, #tpu.memory_space<semaphore_mem>> -> memref<!tpu.dma_semaphore, #tpu.memory_space<semaphore_mem>>
    %dma_start3A_359 = arith.constant 0 : i32
    %dma_start3A_360 = arith.constant 0 : i32
    %dma_start3A_361 = tpu.memref_slice %arg4[%mul3A_346, %dma_start3A_359, %dma_start3A_360] : memref<4096x4x1024xf32, #tpu.memory_space<hbm>> -> memref<8x4x1024xf32, #tpu.memory_space<hbm>>
    %dma_start3A_362 = arith.constant 0 : i32
    %dma_start3A_363 = arith.constant 0 : i32
    %dma_start3A_364 = arith.constant 0 : i32
    %dma_start3A_365 = tpu.memref_slice %arg5[%dma_start3A_347, %dma_start3A_362, %dma_start3A_363, %dma_start3A_364] : memref<3x8x4x1024xf32, #tpu.memory_space<vmem>> -> memref<1x8x4x1024xf32, #tpu.memory_space<vmem>>
    %dma_start3A_366 = tpu.memref_squeeze %dma_start3A_365 : memref<1x8x4x1024xf32, #tpu.memory_space<vmem>> -> memref<8x4x1024xf32, #tpu.memory_space<vmem>>
    tpu.enqueue_dma source(%dma_start3A_366 : memref<8x4x1024xf32, #tpu.memory_space<vmem>>) target(%dma_start3A_361 : memref<8x4x1024xf32, #tpu.memory_space<hbm>>) target_semaphore(%dma_start3A_358 : memref<!tpu.dma_semaphore, #tpu.memory_space<semaphore_mem>>)
    %dma_wait3A_367 = arith.constant 1 : i32
    %dma_wait3A_368 = arith.constant 1 : i32
    %dma_wait3A_369 = arith.constant 0 : i32
    %dma_wait3A_370 = arith.constant 0 : i32
    %dma_wait3A_371 = arith.constant 0 : i32
    %dma_wait3A_372 = tpu.memref_slice %arg5[%dma_wait3A_367, %dma_wait3A_369, %dma_wait3A_370, %dma_wait3A_371] : memref<3x8x4x1024xf32, #tpu.memory_space<vmem>> -> memref<1x8x4x1024xf32, #tpu.memory_space<vmem>>
    %dma_wait3A_373 = tpu.memref_squeeze %dma_wait3A_372 : memref<1x8x4x1024xf32, #tpu.memory_space<vmem>> -> memref<8x4x1024xf32, #tpu.memory_space<vmem>>
    %dma_wait3A_374 = arith.constant 0 : i32
    %dma_wait3A_375 = arith.constant 0 : i32
    %dma_wait3A_376 = tpu.memref_slice %arg4[%mul3A_223, %dma_wait3A_374, %dma_wait3A_375] : memref<4096x4x1024xf32, #tpu.memory_space<hbm>> -> memref<8x4x1024xf32, #tpu.memory_space<hbm>>
    %dma_wait3A_377 = tpu.memref_slice %arg9[%dma_wait3A_368] : memref<3x!tpu.dma_semaphore, #tpu.memory_space<semaphore_mem>> -> memref<1x!tpu.dma_semaphore, #tpu.memory_space<semaphore_mem>>
    %dma_wait3A_378 = tpu.memref_squeeze %dma_wait3A_377 : memref<1x!tpu.dma_semaphore, #tpu.memory_space<semaphore_mem>> -> memref<!tpu.dma_semaphore, #tpu.memory_space<semaphore_mem>>
    %dma_wait3A_379 = arith.constant 0 : i32
    %dma_wait3A_380 = arith.constant 0 : i32
    %dma_wait3A_381 = tpu.memref_slice %arg4[%mul3A_223, %dma_wait3A_379, %dma_wait3A_380] : memref<4096x4x1024xf32, #tpu.memory_space<hbm>> -> memref<8x4x1024xf32, #tpu.memory_space<hbm>>
    %dma_wait3A_382 = arith.constant 0 : i32
    %dma_wait3A_383 = arith.constant 0 : i32
    %dma_wait3A_384 = arith.constant 0 : i32
    %dma_wait3A_385 = tpu.memref_slice %arg5[%dma_wait3A_367, %dma_wait3A_382, %dma_wait3A_383, %dma_wait3A_384] : memref<3x8x4x1024xf32, #tpu.memory_space<vmem>> -> memref<1x8x4x1024xf32, #tpu.memory_space<vmem>>
    %dma_wait3A_386 = tpu.memref_squeeze %dma_wait3A_385 : memref<1x8x4x1024xf32, #tpu.memory_space<vmem>> -> memref<8x4x1024xf32, #tpu.memory_space<vmem>>
    tpu.wait_dma2 semaphore(%dma_wait3A_378 : memref<!tpu.dma_semaphore, #tpu.memory_space<semaphore_mem>>) src(%dma_wait3A_386 : memref<8x4x1024xf32, #tpu.memory_space<vmem>>) dst(%dma_wait3A_381 : memref<8x4x1024xf32, #tpu.memory_space<hbm>>)
    %add3A_387 = arith.constant 128 : i32
    %add3A_388 = arith.addi %add3A_387, %add3A : i32
    %mul3A_389 = arith.constant 8 : i32
    %mul3A_390 = arith.muli %add3A_388, %mul3A_389 : i32
    %dma_start3A_391 = arith.constant 1 : i32
    %dma_start3A_392 = arith.constant 1 : i32
    %dma_start3A_393 = arith.constant 0 : i32
    %dma_start3A_394 = arith.constant 0 : i32
    %dma_start3A_395 = arith.constant 0 : i32
    %dma_start3A_396 = tpu.memref_slice %arg5[%dma_start3A_391, %dma_start3A_393, %dma_start3A_394, %dma_start3A_395] : memref<3x8x4x1024xf32, #tpu.memory_space<vmem>> -> memref<1x8x4x1024xf32, #tpu.memory_space<vmem>>
    %dma_start3A_397 = tpu.memref_squeeze %dma_start3A_396 : memref<1x8x4x1024xf32, #tpu.memory_space<vmem>> -> memref<8x4x1024xf32, #tpu.memory_space<vmem>>
    %dma_start3A_398 = arith.constant 0 : i32
    %dma_start3A_399 = arith.constant 0 : i32
    %dma_start3A_400 = tpu.memref_slice %arg2[%mul3A_390, %dma_start3A_398, %dma_start3A_399] : memref<4096x4x1024xf32, #tpu.memory_space<hbm>> -> memref<8x4x1024xf32, #tpu.memory_space<hbm>>
    %dma_start3A_401 = tpu.memref_slice %arg7[%dma_start3A_392] : memref<3x!tpu.dma_semaphore, #tpu.memory_space<semaphore_mem>> -> memref<1x!tpu.dma_semaphore, #tpu.memory_space<semaphore_mem>>
    %dma_start3A_402 = tpu.memref_squeeze %dma_start3A_401 : memref<1x!tpu.dma_semaphore, #tpu.memory_space<semaphore_mem>> -> memref<!tpu.dma_semaphore, #tpu.memory_space<semaphore_mem>>
    %dma_start3A_403 = arith.constant 0 : i32
    %dma_start3A_404 = arith.constant 0 : i32
    %dma_start3A_405 = arith.constant 0 : i32
    %dma_start3A_406 = tpu.memref_slice %arg5[%dma_start3A_391, %dma_start3A_403, %dma_start3A_404, %dma_start3A_405] : memref<3x8x4x1024xf32, #tpu.memory_space<vmem>> -> memref<1x8x4x1024xf32, #tpu.memory_space<vmem>>
    %dma_start3A_407 = tpu.memref_squeeze %dma_start3A_406 : memref<1x8x4x1024xf32, #tpu.memory_space<vmem>> -> memref<8x4x1024xf32, #tpu.memory_space<vmem>>
    %dma_start3A_408 = arith.constant 0 : i32
    %dma_start3A_409 = arith.constant 0 : i32
    %dma_start3A_410 = tpu.memref_slice %arg2[%mul3A_390, %dma_start3A_408, %dma_start3A_409] : memref<4096x4x1024xf32, #tpu.memory_space<hbm>> -> memref<8x4x1024xf32, #tpu.memory_space<hbm>>
    tpu.enqueue_dma source(%dma_start3A_410 : memref<8x4x1024xf32, #tpu.memory_space<hbm>>) target(%dma_start3A_407 : memref<8x4x1024xf32, #tpu.memory_space<vmem>>) target_semaphore(%dma_start3A_402 : memref<!tpu.dma_semaphore, #tpu.memory_space<semaphore_mem>>)
    %dma_start3A_411 = arith.constant 1 : i32
    %dma_start3A_412 = arith.constant 1 : i32
    %dma_start3A_413 = arith.constant 0 : i32
    %dma_start3A_414 = arith.constant 0 : i32
    %dma_start3A_415 = tpu.memref_slice %arg6[%dma_start3A_411, %dma_start3A_413, %dma_start3A_414] : memref<3x8x1024xf32, #tpu.memory_space<vmem>> -> memref<1x8x1024xf32, #tpu.memory_space<vmem>>
    %dma_start3A_416 = tpu.memref_squeeze %dma_start3A_415 : memref<1x8x1024xf32, #tpu.memory_space<vmem>> -> memref<8x1024xf32, #tpu.memory_space<vmem>>
    %dma_start3A_417 = arith.constant 0 : i32
    %dma_start3A_418 = tpu.memref_slice %arg3[%mul3A_390, %dma_start3A_417] : memref<8192x1024xf32, #tpu.memory_space<hbm>> -> memref<8x1024xf32, #tpu.memory_space<hbm>>
    %dma_start3A_419 = tpu.memref_slice %arg8[%dma_start3A_412] : memref<3x!tpu.dma_semaphore, #tpu.memory_space<semaphore_mem>> -> memref<1x!tpu.dma_semaphore, #tpu.memory_space<semaphore_mem>>
    %dma_start3A_420 = tpu.memref_squeeze %dma_start3A_419 : memref<1x!tpu.dma_semaphore, #tpu.memory_space<semaphore_mem>> -> memref<!tpu.dma_semaphore, #tpu.memory_space<semaphore_mem>>
    %dma_start3A_421 = arith.constant 0 : i32
    %dma_start3A_422 = arith.constant 0 : i32
    %dma_start3A_423 = tpu.memref_slice %arg6[%dma_start3A_411, %dma_start3A_421, %dma_start3A_422] : memref<3x8x1024xf32, #tpu.memory_space<vmem>> -> memref<1x8x1024xf32, #tpu.memory_space<vmem>>
    %dma_start3A_424 = tpu.memref_squeeze %dma_start3A_423 : memref<1x8x1024xf32, #tpu.memory_space<vmem>> -> memref<8x1024xf32, #tpu.memory_space<vmem>>
    %dma_start3A_425 = arith.constant 0 : i32
    %dma_start3A_426 = tpu.memref_slice %arg3[%mul3A_390, %dma_start3A_425] : memref<8192x1024xf32, #tpu.memory_space<hbm>> -> memref<8x1024xf32, #tpu.memory_space<hbm>>
    tpu.enqueue_dma source(%dma_start3A_426 : memref<8x1024xf32, #tpu.memory_space<hbm>>) target(%dma_start3A_424 : memref<8x1024xf32, #tpu.memory_space<vmem>>) target_semaphore(%dma_start3A_420 : memref<!tpu.dma_semaphore, #tpu.memory_space<semaphore_mem>>)
    %dma_wait3A_427 = arith.constant 0 : i32
    %dma_wait3A_428 = arith.constant 0 : i32
    %dma_wait3A_429 = arith.constant 0 : i32
    %dma_wait3A_430 = arith.constant 0 : i32
    %dma_wait3A_431 = arith.constant 0 : i32
    %dma_wait3A_432 = tpu.memref_slice %arg5[%dma_wait3A_427, %dma_wait3A_429, %dma_wait3A_430, %dma_wait3A_431] : memref<3x8x4x1024xf32, #tpu.memory_space<vmem>> -> memref<1x8x4x1024xf32, #tpu.memory_space<vmem>>
    %dma_wait3A_433 = tpu.memref_squeeze %dma_wait3A_432 : memref<1x8x4x1024xf32, #tpu.memory_space<vmem>> -> memref<8x4x1024xf32, #tpu.memory_space<vmem>>
    %dma_wait3A_434 = arith.constant 0 : i32
    %dma_wait3A_435 = arith.constant 0 : i32
    %dma_wait3A_436 = tpu.memref_slice %arg2[%mul3A_267, %dma_wait3A_434, %dma_wait3A_435] : memref<4096x4x1024xf32, #tpu.memory_space<hbm>> -> memref<8x4x1024xf32, #tpu.memory_space<hbm>>
    %dma_wait3A_437 = tpu.memref_slice %arg7[%dma_wait3A_428] : memref<3x!tpu.dma_semaphore, #tpu.memory_space<semaphore_mem>> -> memref<1x!tpu.dma_semaphore, #tpu.memory_space<semaphore_mem>>
    %dma_wait3A_438 = tpu.memref_squeeze %dma_wait3A_437 : memref<1x!tpu.dma_semaphore, #tpu.memory_space<semaphore_mem>> -> memref<!tpu.dma_semaphore, #tpu.memory_space<semaphore_mem>>
    %dma_wait3A_439 = arith.constant 0 : i32
    %dma_wait3A_440 = arith.constant 0 : i32
    %dma_wait3A_441 = arith.constant 0 : i32
    %dma_wait3A_442 = tpu.memref_slice %arg5[%dma_wait3A_427, %dma_wait3A_439, %dma_wait3A_440, %dma_wait3A_441] : memref<3x8x4x1024xf32, #tpu.memory_space<vmem>> -> memref<1x8x4x1024xf32, #tpu.memory_space<vmem>>
    %dma_wait3A_443 = tpu.memref_squeeze %dma_wait3A_442 : memref<1x8x4x1024xf32, #tpu.memory_space<vmem>> -> memref<8x4x1024xf32, #tpu.memory_space<vmem>>
    %dma_wait3A_444 = arith.constant 0 : i32
    %dma_wait3A_445 = arith.constant 0 : i32
    %dma_wait3A_446 = tpu.memref_slice %arg2[%mul3A_267, %dma_wait3A_444, %dma_wait3A_445] : memref<4096x4x1024xf32, #tpu.memory_space<hbm>> -> memref<8x4x1024xf32, #tpu.memory_space<hbm>>
    tpu.wait_dma2 semaphore(%dma_wait3A_438 : memref<!tpu.dma_semaphore, #tpu.memory_space<semaphore_mem>>) src(%dma_wait3A_446 : memref<8x4x1024xf32, #tpu.memory_space<hbm>>) dst(%dma_wait3A_443 : memref<8x4x1024xf32, #tpu.memory_space<vmem>>)
    %dma_wait3A_447 = arith.constant 0 : i32
    %dma_wait3A_448 = arith.constant 0 : i32
    %dma_wait3A_449 = arith.constant 0 : i32
    %dma_wait3A_450 = arith.constant 0 : i32
    %dma_wait3A_451 = tpu.memref_slice %arg6[%dma_wait3A_447, %dma_wait3A_449, %dma_wait3A_450] : memref<3x8x1024xf32, #tpu.memory_space<vmem>> -> memref<1x8x1024xf32, #tpu.memory_space<vmem>>
    %dma_wait3A_452 = tpu.memref_squeeze %dma_wait3A_451 : memref<1x8x1024xf32, #tpu.memory_space<vmem>> -> memref<8x1024xf32, #tpu.memory_space<vmem>>
    %dma_wait3A_453 = arith.constant 0 : i32
    %dma_wait3A_454 = tpu.memref_slice %arg3[%mul3A_267, %dma_wait3A_453] : memref<8192x1024xf32, #tpu.memory_space<hbm>> -> memref<8x1024xf32, #tpu.memory_space<hbm>>
    %dma_wait3A_455 = tpu.memref_slice %arg8[%dma_wait3A_448] : memref<3x!tpu.dma_semaphore, #tpu.memory_space<semaphore_mem>> -> memref<1x!tpu.dma_semaphore, #tpu.memory_space<semaphore_mem>>
    %dma_wait3A_456 = tpu.memref_squeeze %dma_wait3A_455 : memref<1x!tpu.dma_semaphore, #tpu.memory_space<semaphore_mem>> -> memref<!tpu.dma_semaphore, #tpu.memory_space<semaphore_mem>>
    %dma_wait3A_457 = arith.constant 0 : i32
    %dma_wait3A_458 = arith.constant 0 : i32
    %dma_wait3A_459 = tpu.memref_slice %arg6[%dma_wait3A_447, %dma_wait3A_457, %dma_wait3A_458] : memref<3x8x1024xf32, #tpu.memory_space<vmem>> -> memref<1x8x1024xf32, #tpu.memory_space<vmem>>
    %dma_wait3A_460 = tpu.memref_squeeze %dma_wait3A_459 : memref<1x8x1024xf32, #tpu.memory_space<vmem>> -> memref<8x1024xf32, #tpu.memory_space<vmem>>
    %dma_wait3A_461 = arith.constant 0 : i32
    %dma_wait3A_462 = tpu.memref_slice %arg3[%mul3A_267, %dma_wait3A_461] : memref<8192x1024xf32, #tpu.memory_space<hbm>> -> memref<8x1024xf32, #tpu.memory_space<hbm>>
    tpu.wait_dma2 semaphore(%dma_wait3A_456 : memref<!tpu.dma_semaphore, #tpu.memory_space<semaphore_mem>>) src(%dma_wait3A_462 : memref<8x1024xf32, #tpu.memory_space<hbm>>) dst(%dma_wait3A_460 : memref<8x1024xf32, #tpu.memory_space<vmem>>)
    %parallel_loop3A_463 = arith.constant 0 : i32
    %parallel_loop3A_464 = arith.constant 512 : i32
    %parallel_loop3A_465 = arith.constant 1 : i32
    scf.for %parallel_loop3A_1966 = %parallel_loop3A_463 to %parallel_loop3A_464 step %parallel_loop3A_465  : i32 {
      %parallel_loop3A_1967 = arith.constant 64 : i32
      %parallel_loop3A_1968 = arith.divsi %parallel_loop3A_1966, %parallel_loop3A_1967 : i32
      %parallel_loop3A_1969 = arith.constant 0 : i32
      %parallel_loop3A_1970 = arith.cmpi sgt, %parallel_loop3A_1966, %parallel_loop3A_1969 : i32
      %parallel_loop3A_1971 = arith.extui %parallel_loop3A_1970 : i1 to i32
      %parallel_loop3A_1972 = arith.constant 0 : i32
      %parallel_loop3A_1973 = arith.cmpi slt, %parallel_loop3A_1966, %parallel_loop3A_1972 : i32
      %parallel_loop3A_1974 = arith.extui %parallel_loop3A_1973 : i1 to i32
      %parallel_loop3A_1975 = arith.subi %parallel_loop3A_1971, %parallel_loop3A_1974 : i32
      %parallel_loop3A_1976 = arith.constant 0 : i32
      %parallel_loop3A_1977 = arith.cmpi sgt, %parallel_loop3A_1967, %parallel_loop3A_1976 : i32
      %parallel_loop3A_1978 = arith.extui %parallel_loop3A_1977 : i1 to i32
      %parallel_loop3A_1979 = arith.constant 0 : i32
      %parallel_loop3A_1980 = arith.cmpi slt, %parallel_loop3A_1967, %parallel_loop3A_1979 : i32
      %parallel_loop3A_1981 = arith.extui %parallel_loop3A_1980 : i1 to i32
      %parallel_loop3A_1982 = arith.subi %parallel_loop3A_1978, %parallel_loop3A_1981 : i32
      %parallel_loop3A_1983 = arith.cmpi ne, %parallel_loop3A_1975, %parallel_loop3A_1982 : i32
      %parallel_loop3A_1984 = arith.remsi %parallel_loop3A_1966, %parallel_loop3A_1967 : i32
      %parallel_loop3A_1985 = arith.constant 0 : i32
      %parallel_loop3A_1986 = arith.cmpi ne, %parallel_loop3A_1984, %parallel_loop3A_1985 : i32
      %parallel_loop3A_1987 = arith.andi %parallel_loop3A_1983, %parallel_loop3A_1986 : i1
      %parallel_loop3A_1988 = arith.constant 1 : i32
      %parallel_loop3A_1989 = arith.subi %parallel_loop3A_1968, %parallel_loop3A_1988 : i32
      %parallel_loop3A_1990 = arith.select %parallel_loop3A_1987, %parallel_loop3A_1989, %parallel_loop3A_1968 : i32
      %parallel_loop3A_1991 = arith.constant 64 : i32
      %parallel_loop3A_1992 = arith.constant 0 : i32
      %parallel_loop3A_1993 = arith.cmpi eq, %parallel_loop3A_1991, %parallel_loop3A_1992 : i32
      %parallel_loop3A_1994 = arith.constant 1 : i32
      %parallel_loop3A_1995 = arith.select %parallel_loop3A_1993, %parallel_loop3A_1994, %parallel_loop3A_1991 : i32
      %parallel_loop3A_1996 = arith.remsi %parallel_loop3A_1966, %parallel_loop3A_1995 : i32
      %parallel_loop3A_1997 = arith.constant 0 : i32
      %parallel_loop3A_1998 = arith.cmpi ne, %parallel_loop3A_1996, %parallel_loop3A_1997 : i32
      %parallel_loop3A_1999 = arith.constant 0 : i32
      %parallel_loop3A_2000 = arith.cmpi slt, %parallel_loop3A_1996, %parallel_loop3A_1999 : i32
      %parallel_loop3A_2001 = arith.constant 0 : i32
      %parallel_loop3A_2002 = arith.cmpi slt, %parallel_loop3A_1995, %parallel_loop3A_2001 : i32
      %parallel_loop3A_2003 = arith.xori %parallel_loop3A_2000, %parallel_loop3A_2002 : i1
      %parallel_loop3A_2004 = arith.andi %parallel_loop3A_2003, %parallel_loop3A_1998 : i1
      %parallel_loop3A_2005 = arith.addi %parallel_loop3A_1996, %parallel_loop3A_1995 : i32
      %parallel_loop3A_2006 = arith.select %parallel_loop3A_2004, %parallel_loop3A_2005, %parallel_loop3A_1996 : i32
      %parallel_loop3A_2007 = arith.constant 16 : i32
      %parallel_loop3A_2008 = arith.muli %parallel_loop3A_2006, %parallel_loop3A_2007 : i32
      %parallel_loop3A_2009 = arith.constant 0 : i32
      %parallel_loop3A_2010 = arith.index_cast %parallel_loop3A_2009 : i32 to index
      %parallel_loop3A_2011 = arith.index_cast %parallel_loop3A_1990 : i32 to index
      %parallel_loop3A_2012 = arith.index_cast %parallel_loop3A_2008 : i32 to index
      %parallel_loop3A_2013 = tpu.vector_load %arg6[%parallel_loop3A_2010, %parallel_loop3A_2011, %parallel_loop3A_2012] {strides = array<i32>} : memref<3x8x1024xf32, #tpu.memory_space<vmem>>, vector<1x1x16xf32>,
      %parallel_loop3A_2014 = vector.shape_cast %parallel_loop3A_2013 : vector<1x1x16xf32> to vector<16xf32>
      %parallel_loop3A_2015 = arith.constant 3.125000e-02 : f32
      %parallel_loop3A_2016 = vector.broadcast %parallel_loop3A_2015 : f32 to vector<16xf32>
      %parallel_loop3A_2017 = arith.mulf %parallel_loop3A_2014, %parallel_loop3A_2016 : vector<16xf32>
      %parallel_loop3A_2018 = arith.constant 0 : i32
      %parallel_loop3A_2019 = arith.constant 0 : i32
      %parallel_loop3A_2020 = arith.index_cast %parallel_loop3A_2018 : i32 to index
      %parallel_loop3A_2021 = arith.index_cast %parallel_loop3A_1990 : i32 to index
      %parallel_loop3A_2022 = arith.index_cast %parallel_loop3A_2019 : i32 to index
      %parallel_loop3A_2023 = arith.index_cast %parallel_loop3A_2008 : i32 to index
      %parallel_loop3A_2024 = tpu.vector_load %arg5[%parallel_loop3A_2020, %parallel_loop3A_2021, %parallel_loop3A_2022, %parallel_loop3A_2023] {strides = array<i32>} : memref<3x8x4x1024xf32, #tpu.memory_space<vmem>>, vector<1x1x1x16xf32>,
      %parallel_loop3A_2025 = vector.shape_cast %parallel_loop3A_2024 : vector<1x1x1x16xf32> to vector<16xf32>
      %parallel_loop3A_2026 = vector.shape_cast %parallel_loop3A_2017 : vector<16xf32> to vector<1x1x1x16xf32>
      tpu.vector_store %arg5[%parallel_loop3A_2020, %parallel_loop3A_2021, %parallel_loop3A_2022, %parallel_loop3A_2023], %parallel_loop3A_2026 {add = true, strides = array<i32>} : memref<3x8x4x1024xf32, #tpu.memory_space<vmem>>, vector<1x1x1x16xf32>,
      %parallel_loop3A_2027 = arith.constant 0 : i32
      %parallel_loop3A_2028 = arith.constant 1 : i32
      %parallel_loop3A_2029 = arith.index_cast %parallel_loop3A_2027 : i32 to index
      %parallel_loop3A_2030 = arith.index_cast %parallel_loop3A_1990 : i32 to index
      %parallel_loop3A_2031 = arith.index_cast %parallel_loop3A_2028 : i32 to index
      %parallel_loop3A_2032 = arith.index_cast %parallel_loop3A_2008 : i32 to index
      %parallel_loop3A_2033 = tpu.vector_load %arg5[%parallel_loop3A_2029, %parallel_loop3A_2030, %parallel_loop3A_2031, %parallel_loop3A_2032] {strides = array<i32>} : memref<3x8x4x1024xf32, #tpu.memory_space<vmem>>, vector<1x1x1x16xf32>,
      %parallel_loop3A_2034 = vector.shape_cast %parallel_loop3A_2033 : vector<1x1x1x16xf32> to vector<16xf32>
      %parallel_loop3A_2035 = vector.shape_cast %parallel_loop3A_2017 : vector<16xf32> to vector<1x1x1x16xf32>
      tpu.vector_store %arg5[%parallel_loop3A_2029, %parallel_loop3A_2030, %parallel_loop3A_2031, %parallel_loop3A_2032], %parallel_loop3A_2035 {add = true, strides = array<i32>} : memref<3x8x4x1024xf32, #tpu.memory_space<vmem>>, vector<1x1x1x16xf32>,
      %parallel_loop3A_2036 = arith.constant 0 : i32
      %parallel_loop3A_2037 = arith.constant 2 : i32
      %parallel_loop3A_2038 = arith.index_cast %parallel_loop3A_2036 : i32 to index
      %parallel_loop3A_2039 = arith.index_cast %parallel_loop3A_1990 : i32 to index
      %parallel_loop3A_2040 = arith.index_cast %parallel_loop3A_2037 : i32 to index
      %parallel_loop3A_2041 = arith.index_cast %parallel_loop3A_2008 : i32 to index
      %parallel_loop3A_2042 = tpu.vector_load %arg5[%parallel_loop3A_2038, %parallel_loop3A_2039, %parallel_loop3A_2040, %parallel_loop3A_2041] {strides = array<i32>} : memref<3x8x4x1024xf32, #tpu.memory_space<vmem>>, vector<1x1x1x16xf32>,
      %parallel_loop3A_2043 = vector.shape_cast %parallel_loop3A_2042 : vector<1x1x1x16xf32> to vector<16xf32>
      %parallel_loop3A_2044 = vector.shape_cast %parallel_loop3A_2017 : vector<16xf32> to vector<1x1x1x16xf32>
      tpu.vector_store %arg5[%parallel_loop3A_2038, %parallel_loop3A_2039, %parallel_loop3A_2040, %parallel_loop3A_2041], %parallel_loop3A_2044 {add = true, strides = array<i32>} : memref<3x8x4x1024xf32, #tpu.memory_space<vmem>>, vector<1x1x1x16xf32>,
      %parallel_loop3A_2045 = arith.constant 0 : i32
      %parallel_loop3A_2046 = arith.constant 3 : i32
      %parallel_loop3A_2047 = arith.index_cast %parallel_loop3A_2045 : i32 to index
      %parallel_loop3A_2048 = arith.index_cast %parallel_loop3A_1990 : i32 to index
      %parallel_loop3A_2049 = arith.index_cast %parallel_loop3A_2046 : i32 to index
      %parallel_loop3A_2050 = arith.index_cast %parallel_loop3A_2008 : i32 to index
      %parallel_loop3A_2051 = tpu.vector_load %arg5[%parallel_loop3A_2047, %parallel_loop3A_2048, %parallel_loop3A_2049, %parallel_loop3A_2050] {strides = array<i32>} : memref<3x8x4x1024xf32, #tpu.memory_space<vmem>>, vector<1x1x1x16xf32>,
      %parallel_loop3A_2052 = vector.shape_cast %parallel_loop3A_2051 : vector<1x1x1x16xf32> to vector<16xf32>
      %parallel_loop3A_2053 = vector.shape_cast %parallel_loop3A_2017 : vector<16xf32> to vector<1x1x1x16xf32>
      tpu.vector_store %arg5[%parallel_loop3A_2047, %parallel_loop3A_2048, %parallel_loop3A_2049, %parallel_loop3A_2050], %parallel_loop3A_2053 {add = true, strides = array<i32>} : memref<3x8x4x1024xf32, #tpu.memory_space<vmem>>, vector<1x1x1x16xf32>,
    } {sc.loop_unroll_factor = 4 : i64, sc.parallel_access}
    %add3A_466 = arith.constant 96 : i32
    %add3A_467 = arith.addi %add3A_466, %add3A : i32
    %mul3A_468 = arith.constant 8 : i32
    %mul3A_469 = arith.muli %add3A_467, %mul3A_468 : i32
    %dma_start3A_470 = arith.constant 0 : i32
    %dma_start3A_471 = arith.constant 0 : i32
    %dma_start3A_472 = arith.constant 0 : i32
    %dma_start3A_473 = arith.constant 0 : i32
    %dma_start3A_474 = arith.constant 0 : i32
    %dma_start3A_475 = tpu.memref_slice %arg5[%dma_start3A_470, %dma_start3A_472, %dma_start3A_473, %dma_start3A_474] : memref<3x8x4x1024xf32, #tpu.memory_space<vmem>> -> memref<1x8x4x1024xf32, #tpu.memory_space<vmem>>
    %dma_start3A_476 = tpu.memref_squeeze %dma_start3A_475 : memref<1x8x4x1024xf32, #tpu.memory_space<vmem>> -> memref<8x4x1024xf32, #tpu.memory_space<vmem>>
    %dma_start3A_477 = arith.constant 0 : i32
    %dma_start3A_478 = arith.constant 0 : i32
    %dma_start3A_479 = tpu.memref_slice %arg4[%mul3A_469, %dma_start3A_477, %dma_start3A_478] : memref<4096x4x1024xf32, #tpu.memory_space<hbm>> -> memref<8x4x1024xf32, #tpu.memory_space<hbm>>
    %dma_start3A_480 = tpu.memref_slice %arg9[%dma_start3A_471] : memref<3x!tpu.dma_semaphore, #tpu.memory_space<semaphore_mem>> -> memref<1x!tpu.dma_semaphore, #tpu.memory_space<semaphore_mem>>
    %dma_start3A_481 = tpu.memref_squeeze %dma_start3A_480 : memref<1x!tpu.dma_semaphore, #tpu.memory_space<semaphore_mem>> -> memref<!tpu.dma_semaphore, #tpu.memory_space<semaphore_mem>>
    %dma_start3A_482 = arith.constant 0 : i32
    %dma_start3A_483 = arith.constant 0 : i32
    %dma_start3A_484 = tpu.memref_slice %arg4[%mul3A_469, %dma_start3A_482, %dma_start3A_483] : memref<4096x4x1024xf32, #tpu.memory_space<hbm>> -> memref<8x4x1024xf32, #tpu.memory_space<hbm>>
    %dma_start3A_485 = arith.constant 0 : i32
    %dma_start3A_486 = arith.constant 0 : i32
    %dma_start3A_487 = arith.constant 0 : i32
    %dma_start3A_488 = tpu.memref_slice %arg5[%dma_start3A_470, %dma_start3A_485, %dma_start3A_486, %dma_start3A_487] : memref<3x8x4x1024xf32, #tpu.memory_space<vmem>> -> memref<1x8x4x1024xf32, #tpu.memory_space<vmem>>
    %dma_start3A_489 = tpu.memref_squeeze %dma_start3A_488 : memref<1x8x4x1024xf32, #tpu.memory_space<vmem>> -> memref<8x4x1024xf32, #tpu.memory_space<vmem>>
    tpu.enqueue_dma source(%dma_start3A_489 : memref<8x4x1024xf32, #tpu.memory_space<vmem>>) target(%dma_start3A_484 : memref<8x4x1024xf32, #tpu.memory_space<hbm>>) target_semaphore(%dma_start3A_481 : memref<!tpu.dma_semaphore, #tpu.memory_space<semaphore_mem>>)
    %dma_wait3A_490 = arith.constant 2 : i32
    %dma_wait3A_491 = arith.constant 2 : i32
    %dma_wait3A_492 = arith.constant 0 : i32
    %dma_wait3A_493 = arith.constant 0 : i32
    %dma_wait3A_494 = arith.constant 0 : i32
    %dma_wait3A_495 = tpu.memref_slice %arg5[%dma_wait3A_490, %dma_wait3A_492, %dma_wait3A_493, %dma_wait3A_494] : memref<3x8x4x1024xf32, #tpu.memory_space<vmem>> -> memref<1x8x4x1024xf32, #tpu.memory_space<vmem>>
    %dma_wait3A_496 = tpu.memref_squeeze %dma_wait3A_495 : memref<1x8x4x1024xf32, #tpu.memory_space<vmem>> -> memref<8x4x1024xf32, #tpu.memory_space<vmem>>
    %dma_wait3A_497 = arith.constant 0 : i32
    %dma_wait3A_498 = arith.constant 0 : i32
    %dma_wait3A_499 = tpu.memref_slice %arg4[%mul3A_346, %dma_wait3A_497, %dma_wait3A_498] : memref<4096x4x1024xf32, #tpu.memory_space<hbm>> -> memref<8x4x1024xf32, #tpu.memory_space<hbm>>
    %dma_wait3A_500 = tpu.memref_slice %arg9[%dma_wait3A_491] : memref<3x!tpu.dma_semaphore, #tpu.memory_space<semaphore_mem>> -> memref<1x!tpu.dma_semaphore, #tpu.memory_space<semaphore_mem>>
    %dma_wait3A_501 = tpu.memref_squeeze %dma_wait3A_500 : memref<1x!tpu.dma_semaphore, #tpu.memory_space<semaphore_mem>> -> memref<!tpu.dma_semaphore, #tpu.memory_space<semaphore_mem>>
    %dma_wait3A_502 = arith.constant 0 : i32
    %dma_wait3A_503 = arith.constant 0 : i32
    %dma_wait3A_504 = tpu.memref_slice %arg4[%mul3A_346, %dma_wait3A_502, %dma_wait3A_503] : memref<4096x4x1024xf32, #tpu.memory_space<hbm>> -> memref<8x4x1024xf32, #tpu.memory_space<hbm>>
    %dma_wait3A_505 = arith.constant 0 : i32
    %dma_wait3A_506 = arith.constant 0 : i32
    %dma_wait3A_507 = arith.constant 0 : i32
    %dma_wait3A_508 = tpu.memref_slice %arg5[%dma_wait3A_490, %dma_wait3A_505, %dma_wait3A_506, %dma_wait3A_507] : memref<3x8x4x1024xf32, #tpu.memory_space<vmem>> -> memref<1x8x4x1024xf32, #tpu.memory_space<vmem>>
    %dma_wait3A_509 = tpu.memref_squeeze %dma_wait3A_508 : memref<1x8x4x1024xf32, #tpu.memory_space<vmem>> -> memref<8x4x1024xf32, #tpu.memory_space<vmem>>
    tpu.wait_dma2 semaphore(%dma_wait3A_501 : memref<!tpu.dma_semaphore, #tpu.memory_space<semaphore_mem>>) src(%dma_wait3A_509 : memref<8x4x1024xf32, #tpu.memory_space<vmem>>) dst(%dma_wait3A_504 : memref<8x4x1024xf32, #tpu.memory_space<hbm>>)
    %add3A_510 = arith.constant 160 : i32
    %add3A_511 = arith.addi %add3A_510, %add3A : i32
    %mul3A_512 = arith.constant 8 : i32
    %mul3A_513 = arith.muli %add3A_511, %mul3A_512 : i32
    %dma_start3A_514 = arith.constant 2 : i32
    %dma_start3A_515 = arith.constant 2 : i32
    %dma_start3A_516 = arith.constant 0 : i32
    %dma_start3A_517 = arith.constant 0 : i32
    %dma_start3A_518 = arith.constant 0 : i32
    %dma_start3A_519 = tpu.memref_slice %arg5[%dma_start3A_514, %dma_start3A_516, %dma_start3A_517, %dma_start3A_518] : memref<3x8x4x1024xf32, #tpu.memory_space<vmem>> -> memref<1x8x4x1024xf32, #tpu.memory_space<vmem>>
    %dma_start3A_520 = tpu.memref_squeeze %dma_start3A_519 : memref<1x8x4x1024xf32, #tpu.memory_space<vmem>> -> memref<8x4x1024xf32, #tpu.memory_space<vmem>>
    %dma_start3A_521 = arith.constant 0 : i32
    %dma_start3A_522 = arith.constant 0 : i32
    %dma_start3A_523 = tpu.memref_slice %arg2[%mul3A_513, %dma_start3A_521, %dma_start3A_522] : memref<4096x4x1024xf32, #tpu.memory_space<hbm>> -> memref<8x4x1024xf32, #tpu.memory_space<hbm>>
    %dma_start3A_524 = tpu.memref_slice %arg7[%dma_start3A_515] : memref<3x!tpu.dma_semaphore, #tpu.memory_space<semaphore_mem>> -> memref<1x!tpu.dma_semaphore, #tpu.memory_space<semaphore_mem>>
    %dma_start3A_525 = tpu.memref_squeeze %dma_start3A_524 : memref<1x!tpu.dma_semaphore, #tpu.memory_space<semaphore_mem>> -> memref<!tpu.dma_semaphore, #tpu.memory_space<semaphore_mem>>
    %dma_start3A_526 = arith.constant 0 : i32
    %dma_start3A_527 = arith.constant 0 : i32
    %dma_start3A_528 = arith.constant 0 : i32
    %dma_start3A_529 = tpu.memref_slice %arg5[%dma_start3A_514, %dma_start3A_526, %dma_start3A_527, %dma_start3A_528] : memref<3x8x4x1024xf32, #tpu.memory_space<vmem>> -> memref<1x8x4x1024xf32, #tpu.memory_space<vmem>>
    %dma_start3A_530 = tpu.memref_squeeze %dma_start3A_529 : memref<1x8x4x1024xf32, #tpu.memory_space<vmem>> -> memref<8x4x1024xf32, #tpu.memory_space<vmem>>
    %dma_start3A_531 = arith.constant 0 : i32
    %dma_start3A_532 = arith.constant 0 : i32
    %dma_start3A_533 = tpu.memref_slice %arg2[%mul3A_513, %dma_start3A_531, %dma_start3A_532] : memref<4096x4x1024xf32, #tpu.memory_space<hbm>> -> memref<8x4x1024xf32, #tpu.memory_space<hbm>>
    tpu.enqueue_dma source(%dma_start3A_533 : memref<8x4x1024xf32, #tpu.memory_space<hbm>>) target(%dma_start3A_530 : memref<8x4x1024xf32, #tpu.memory_space<vmem>>) target_semaphore(%dma_start3A_525 : memref<!tpu.dma_semaphore, #tpu.memory_space<semaphore_mem>>)
    %dma_start3A_534 = arith.constant 2 : i32
    %dma_start3A_535 = arith.constant 2 : i32
    %dma_start3A_536 = arith.constant 0 : i32
    %dma_start3A_537 = arith.constant 0 : i32
    %dma_start3A_538 = tpu.memref_slice %arg6[%dma_start3A_534, %dma_start3A_536, %dma_start3A_537] : memref<3x8x1024xf32, #tpu.memory_space<vmem>> -> memref<1x8x1024xf32, #tpu.memory_space<vmem>>
    %dma_start3A_539 = tpu.memref_squeeze %dma_start3A_538 : memref<1x8x1024xf32, #tpu.memory_space<vmem>> -> memref<8x1024xf32, #tpu.memory_space<vmem>>
    %dma_start3A_540 = arith.constant 0 : i32
    %dma_start3A_541 = tpu.memref_slice %arg3[%mul3A_513, %dma_start3A_540] : memref<8192x1024xf32, #tpu.memory_space<hbm>> -> memref<8x1024xf32, #tpu.memory_space<hbm>>
    %dma_start3A_542 = tpu.memref_slice %arg8[%dma_start3A_535] : memref<3x!tpu.dma_semaphore, #tpu.memory_space<semaphore_mem>> -> memref<1x!tpu.dma_semaphore, #tpu.memory_space<semaphore_mem>>
    %dma_start3A_543 = tpu.memref_squeeze %dma_start3A_542 : memref<1x!tpu.dma_semaphore, #tpu.memory_space<semaphore_mem>> -> memref<!tpu.dma_semaphore, #tpu.memory_space<semaphore_mem>>
    %dma_start3A_544 = arith.constant 0 : i32
    %dma_start3A_545 = arith.constant 0 : i32
    %dma_start3A_546 = tpu.memref_slice %arg6[%dma_start3A_534, %dma_start3A_544, %dma_start3A_545] : memref<3x8x1024xf32, #tpu.memory_space<vmem>> -> memref<1x8x1024xf32, #tpu.memory_space<vmem>>
    %dma_start3A_547 = tpu.memref_squeeze %dma_start3A_546 : memref<1x8x1024xf32, #tpu.memory_space<vmem>> -> memref<8x1024xf32, #tpu.memory_space<vmem>>
    %dma_start3A_548 = arith.constant 0 : i32
    %dma_start3A_549 = tpu.memref_slice %arg3[%mul3A_513, %dma_start3A_548] : memref<8192x1024xf32, #tpu.memory_space<hbm>> -> memref<8x1024xf32, #tpu.memory_space<hbm>>
    tpu.enqueue_dma source(%dma_start3A_549 : memref<8x1024xf32, #tpu.memory_space<hbm>>) target(%dma_start3A_547 : memref<8x1024xf32, #tpu.memory_space<vmem>>) target_semaphore(%dma_start3A_543 : memref<!tpu.dma_semaphore, #tpu.memory_space<semaphore_mem>>)
    %dma_wait3A_550 = arith.constant 1 : i32
    %dma_wait3A_551 = arith.constant 1 : i32
    %dma_wait3A_552 = arith.constant 0 : i32
    %dma_wait3A_553 = arith.constant 0 : i32
    %dma_wait3A_554 = arith.constant 0 : i32
    %dma_wait3A_555 = tpu.memref_slice %arg5[%dma_wait3A_550, %dma_wait3A_552, %dma_wait3A_553, %dma_wait3A_554] : memref<3x8x4x1024xf32, #tpu.memory_space<vmem>> -> memref<1x8x4x1024xf32, #tpu.memory_space<vmem>>
    %dma_wait3A_556 = tpu.memref_squeeze %dma_wait3A_555 : memref<1x8x4x1024xf32, #tpu.memory_space<vmem>> -> memref<8x4x1024xf32, #tpu.memory_space<vmem>>
    %dma_wait3A_557 = arith.constant 0 : i32
    %dma_wait3A_558 = arith.constant 0 : i32
    %dma_wait3A_559 = tpu.memref_slice %arg2[%mul3A_390, %dma_wait3A_557, %dma_wait3A_558] : memref<4096x4x1024xf32, #tpu.memory_space<hbm>> -> memref<8x4x1024xf32, #tpu.memory_space<hbm>>
    %dma_wait3A_560 = tpu.memref_slice %arg7[%dma_wait3A_551] : memref<3x!tpu.dma_semaphore, #tpu.memory_space<semaphore_mem>> -> memref<1x!tpu.dma_semaphore, #tpu.memory_space<semaphore_mem>>
    %dma_wait3A_561 = tpu.memref_squeeze %dma_wait3A_560 : memref<1x!tpu.dma_semaphore, #tpu.memory_space<semaphore_mem>> -> memref<!tpu.dma_semaphore, #tpu.memory_space<semaphore_mem>>
    %dma_wait3A_562 = arith.constant 0 : i32
    %dma_wait3A_563 = arith.constant 0 : i32
    %dma_wait3A_564 = arith.constant 0 : i32
    %dma_wait3A_565 = tpu.memref_slice %arg5[%dma_wait3A_550, %dma_wait3A_562, %dma_wait3A_563, %dma_wait3A_564] : memref<3x8x4x1024xf32, #tpu.memory_space<vmem>> -> memref<1x8x4x1024xf32, #tpu.memory_space<vmem>>
    %dma_wait3A_566 = tpu.memref_squeeze %dma_wait3A_565 : memref<1x8x4x1024xf32, #tpu.memory_space<vmem>> -> memref<8x4x1024xf32, #tpu.memory_space<vmem>>
    %dma_wait3A_567 = arith.constant 0 : i32
    %dma_wait3A_568 = arith.constant 0 : i32
    %dma_wait3A_569 = tpu.memref_slice %arg2[%mul3A_390, %dma_wait3A_567, %dma_wait3A_568] : memref<4096x4x1024xf32, #tpu.memory_space<hbm>> -> memref<8x4x1024xf32, #tpu.memory_space<hbm>>
    tpu.wait_dma2 semaphore(%dma_wait3A_561 : memref<!tpu.dma_semaphore, #tpu.memory_space<semaphore_mem>>) src(%dma_wait3A_569 : memref<8x4x1024xf32, #tpu.memory_space<hbm>>) dst(%dma_wait3A_566 : memref<8x4x1024xf32, #tpu.memory_space<vmem>>)
    %dma_wait3A_570 = arith.constant 1 : i32
    %dma_wait3A_571 = arith.constant 1 : i32
    %dma_wait3A_572 = arith.constant 0 : i32
    %dma_wait3A_573 = arith.constant 0 : i32
    %dma_wait3A_574 = tpu.memref_slice %arg6[%dma_wait3A_570, %dma_wait3A_572, %dma_wait3A_573] : memref<3x8x1024xf32, #tpu.memory_space<vmem>> -> memref<1x8x1024xf32, #tpu.memory_space<vmem>>
    %dma_wait3A_575 = tpu.memref_squeeze %dma_wait3A_574 : memref<1x8x1024xf32, #tpu.memory_space<vmem>> -> memref<8x1024xf32, #tpu.memory_space<vmem>>
    %dma_wait3A_576 = arith.constant 0 : i32
    %dma_wait3A_577 = tpu.memref_slice %arg3[%mul3A_390, %dma_wait3A_576] : memref<8192x1024xf32, #tpu.memory_space<hbm>> -> memref<8x1024xf32, #tpu.memory_space<hbm>>
    %dma_wait3A_578 = tpu.memref_slice %arg8[%dma_wait3A_571] : memref<3x!tpu.dma_semaphore, #tpu.memory_space<semaphore_mem>> -> memref<1x!tpu.dma_semaphore, #tpu.memory_space<semaphore_mem>>
    %dma_wait3A_579 = tpu.memref_squeeze %dma_wait3A_578 : memref<1x!tpu.dma_semaphore, #tpu.memory_space<semaphore_mem>> -> memref<!tpu.dma_semaphore, #tpu.memory_space<semaphore_mem>>
    %dma_wait3A_580 = arith.constant 0 : i32
    %dma_wait3A_581 = arith.constant 0 : i32
    %dma_wait3A_582 = tpu.memref_slice %arg6[%dma_wait3A_570, %dma_wait3A_580, %dma_wait3A_581] : memref<3x8x1024xf32, #tpu.memory_space<vmem>> -> memref<1x8x1024xf32, #tpu.memory_space<vmem>>
    %dma_wait3A_583 = tpu.memref_squeeze %dma_wait3A_582 : memref<1x8x1024xf32, #tpu.memory_space<vmem>> -> memref<8x1024xf32, #tpu.memory_space<vmem>>
    %dma_wait3A_584 = arith.constant 0 : i32
    %dma_wait3A_585 = tpu.memref_slice %arg3[%mul3A_390, %dma_wait3A_584] : memref<8192x1024xf32, #tpu.memory_space<hbm>> -> memref<8x1024xf32, #tpu.memory_space<hbm>>
    tpu.wait_dma2 semaphore(%dma_wait3A_579 : memref<!tpu.dma_semaphore, #tpu.memory_space<semaphore_mem>>) src(%dma_wait3A_585 : memref<8x1024xf32, #tpu.memory_space<hbm>>) dst(%dma_wait3A_583 : memref<8x1024xf32, #tpu.memory_space<vmem>>)
    %parallel_loop3A_586 = arith.constant 0 : i32
    %parallel_loop3A_587 = arith.constant 512 : i32
    %parallel_loop3A_588 = arith.constant 1 : i32
    scf.for %parallel_loop3A_1966 = %parallel_loop3A_586 to %parallel_loop3A_587 step %parallel_loop3A_588  : i32 {
      %parallel_loop3A_1967 = arith.constant 64 : i32
      %parallel_loop3A_1968 = arith.divsi %parallel_loop3A_1966, %parallel_loop3A_1967 : i32
      %parallel_loop3A_1969 = arith.constant 0 : i32
      %parallel_loop3A_1970 = arith.cmpi sgt, %parallel_loop3A_1966, %parallel_loop3A_1969 : i32
      %parallel_loop3A_1971 = arith.extui %parallel_loop3A_1970 : i1 to i32
      %parallel_loop3A_1972 = arith.constant 0 : i32
      %parallel_loop3A_1973 = arith.cmpi slt, %parallel_loop3A_1966, %parallel_loop3A_1972 : i32
      %parallel_loop3A_1974 = arith.extui %parallel_loop3A_1973 : i1 to i32
      %parallel_loop3A_1975 = arith.subi %parallel_loop3A_1971, %parallel_loop3A_1974 : i32
      %parallel_loop3A_1976 = arith.constant 0 : i32
      %parallel_loop3A_1977 = arith.cmpi sgt, %parallel_loop3A_1967, %parallel_loop3A_1976 : i32
      %parallel_loop3A_1978 = arith.extui %parallel_loop3A_1977 : i1 to i32
      %parallel_loop3A_1979 = arith.constant 0 : i32
      %parallel_loop3A_1980 = arith.cmpi slt, %parallel_loop3A_1967, %parallel_loop3A_1979 : i32
      %parallel_loop3A_1981 = arith.extui %parallel_loop3A_1980 : i1 to i32
      %parallel_loop3A_1982 = arith.subi %parallel_loop3A_1978, %parallel_loop3A_1981 : i32
      %parallel_loop3A_1983 = arith.cmpi ne, %parallel_loop3A_1975, %parallel_loop3A_1982 : i32
      %parallel_loop3A_1984 = arith.remsi %parallel_loop3A_1966, %parallel_loop3A_1967 : i32
      %parallel_loop3A_1985 = arith.constant 0 : i32
      %parallel_loop3A_1986 = arith.cmpi ne, %parallel_loop3A_1984, %parallel_loop3A_1985 : i32
      %parallel_loop3A_1987 = arith.andi %parallel_loop3A_1983, %parallel_loop3A_1986 : i1
      %parallel_loop3A_1988 = arith.constant 1 : i32
      %parallel_loop3A_1989 = arith.subi %parallel_loop3A_1968, %parallel_loop3A_1988 : i32
      %parallel_loop3A_1990 = arith.select %parallel_loop3A_1987, %parallel_loop3A_1989, %parallel_loop3A_1968 : i32
      %parallel_loop3A_1991 = arith.constant 64 : i32
      %parallel_loop3A_1992 = arith.constant 0 : i32
      %parallel_loop3A_1993 = arith.cmpi eq, %parallel_loop3A_1991, %parallel_loop3A_1992 : i32
      %parallel_loop3A_1994 = arith.constant 1 : i32
      %parallel_loop3A_1995 = arith.select %parallel_loop3A_1993, %parallel_loop3A_1994, %parallel_loop3A_1991 : i32
      %parallel_loop3A_1996 = arith.remsi %parallel_loop3A_1966, %parallel_loop3A_1995 : i32
      %parallel_loop3A_1997 = arith.constant 0 : i32
      %parallel_loop3A_1998 = arith.cmpi ne, %parallel_loop3A_1996, %parallel_loop3A_1997 : i32
      %parallel_loop3A_1999 = arith.constant 0 : i32
      %parallel_loop3A_2000 = arith.cmpi slt, %parallel_loop3A_1996, %parallel_loop3A_1999 : i32
      %parallel_loop3A_2001 = arith.constant 0 : i32
      %parallel_loop3A_2002 = arith.cmpi slt, %parallel_loop3A_1995, %parallel_loop3A_2001 : i32
      %parallel_loop3A_2003 = arith.xori %parallel_loop3A_2000, %parallel_loop3A_2002 : i1
      %parallel_loop3A_2004 = arith.andi %parallel_loop3A_2003, %parallel_loop3A_1998 : i1
      %parallel_loop3A_2005 = arith.addi %parallel_loop3A_1996, %parallel_loop3A_1995 : i32
      %parallel_loop3A_2006 = arith.select %parallel_loop3A_2004, %parallel_loop3A_2005, %parallel_loop3A_1996 : i32
      %parallel_loop3A_2007 = arith.constant 16 : i32
      %parallel_loop3A_2008 = arith.muli %parallel_loop3A_2006, %parallel_loop3A_2007 : i32
      %parallel_loop3A_2009 = arith.constant 1 : i32
      %parallel_loop3A_2010 = arith.index_cast %parallel_loop3A_2009 : i32 to index
      %parallel_loop3A_2011 = arith.index_cast %parallel_loop3A_1990 : i32 to index
      %parallel_loop3A_2012 = arith.index_cast %parallel_loop3A_2008 : i32 to index
      %parallel_loop3A_2013 = tpu.vector_load %arg6[%parallel_loop3A_2010, %parallel_loop3A_2011, %parallel_loop3A_2012] {strides = array<i32>} : memref<3x8x1024xf32, #tpu.memory_space<vmem>>, vector<1x1x16xf32>,
      %parallel_loop3A_2014 = vector.shape_cast %parallel_loop3A_2013 : vector<1x1x16xf32> to vector<16xf32>
      %parallel_loop3A_2015 = arith.constant 3.125000e-02 : f32
      %parallel_loop3A_2016 = vector.broadcast %parallel_loop3A_2015 : f32 to vector<16xf32>
      %parallel_loop3A_2017 = arith.mulf %parallel_loop3A_2014, %parallel_loop3A_2016 : vector<16xf32>
      %parallel_loop3A_2018 = arith.constant 1 : i32
      %parallel_loop3A_2019 = arith.constant 0 : i32
      %parallel_loop3A_2020 = arith.index_cast %parallel_loop3A_2018 : i32 to index
      %parallel_loop3A_2021 = arith.index_cast %parallel_loop3A_1990 : i32 to index
      %parallel_loop3A_2022 = arith.index_cast %parallel_loop3A_2019 : i32 to index
      %parallel_loop3A_2023 = arith.index_cast %parallel_loop3A_2008 : i32 to index
      %parallel_loop3A_2024 = tpu.vector_load %arg5[%parallel_loop3A_2020, %parallel_loop3A_2021, %parallel_loop3A_2022, %parallel_loop3A_2023] {strides = array<i32>} : memref<3x8x4x1024xf32, #tpu.memory_space<vmem>>, vector<1x1x1x16xf32>,
      %parallel_loop3A_2025 = vector.shape_cast %parallel_loop3A_2024 : vector<1x1x1x16xf32> to vector<16xf32>
      %parallel_loop3A_2026 = vector.shape_cast %parallel_loop3A_2017 : vector<16xf32> to vector<1x1x1x16xf32>
      tpu.vector_store %arg5[%parallel_loop3A_2020, %parallel_loop3A_2021, %parallel_loop3A_2022, %parallel_loop3A_2023], %parallel_loop3A_2026 {add = true, strides = array<i32>} : memref<3x8x4x1024xf32, #tpu.memory_space<vmem>>, vector<1x1x1x16xf32>,
      %parallel_loop3A_2027 = arith.constant 1 : i32
      %parallel_loop3A_2028 = arith.constant 1 : i32
      %parallel_loop3A_2029 = arith.index_cast %parallel_loop3A_2027 : i32 to index
      %parallel_loop3A_2030 = arith.index_cast %parallel_loop3A_1990 : i32 to index
      %parallel_loop3A_2031 = arith.index_cast %parallel_loop3A_2028 : i32 to index
      %parallel_loop3A_2032 = arith.index_cast %parallel_loop3A_2008 : i32 to index
      %parallel_loop3A_2033 = tpu.vector_load %arg5[%parallel_loop3A_2029, %parallel_loop3A_2030, %parallel_loop3A_2031, %parallel_loop3A_2032] {strides = array<i32>} : memref<3x8x4x1024xf32, #tpu.memory_space<vmem>>, vector<1x1x1x16xf32>,
      %parallel_loop3A_2034 = vector.shape_cast %parallel_loop3A_2033 : vector<1x1x1x16xf32> to vector<16xf32>
      %parallel_loop3A_2035 = vector.shape_cast %parallel_loop3A_2017 : vector<16xf32> to vector<1x1x1x16xf32>
      tpu.vector_store %arg5[%parallel_loop3A_2029, %parallel_loop3A_2030, %parallel_loop3A_2031, %parallel_loop3A_2032], %parallel_loop3A_2035 {add = true, strides = array<i32>} : memref<3x8x4x1024xf32, #tpu.memory_space<vmem>>, vector<1x1x1x16xf32>,
      %parallel_loop3A_2036 = arith.constant 1 : i32
      %parallel_loop3A_2037 = arith.constant 2 : i32
      %parallel_loop3A_2038 = arith.index_cast %parallel_loop3A_2036 : i32 to index
      %parallel_loop3A_2039 = arith.index_cast %parallel_loop3A_1990 : i32 to index
      %parallel_loop3A_2040 = arith.index_cast %parallel_loop3A_2037 : i32 to index
      %parallel_loop3A_2041 = arith.index_cast %parallel_loop3A_2008 : i32 to index
      %parallel_loop3A_2042 = tpu.vector_load %arg5[%parallel_loop3A_2038, %parallel_loop3A_2039, %parallel_loop3A_2040, %parallel_loop3A_2041] {strides = array<i32>} : memref<3x8x4x1024xf32, #tpu.memory_space<vmem>>, vector<1x1x1x16xf32>,
      %parallel_loop3A_2043 = vector.shape_cast %parallel_loop3A_2042 : vector<1x1x1x16xf32> to vector<16xf32>
      %parallel_loop3A_2044 = vector.shape_cast %parallel_loop3A_2017 : vector<16xf32> to vector<1x1x1x16xf32>
      tpu.vector_store %arg5[%parallel_loop3A_2038, %parallel_loop3A_2039, %parallel_loop3A_2040, %parallel_loop3A_2041], %parallel_loop3A_2044 {add = true, strides = array<i32>} : memref<3x8x4x1024xf32, #tpu.memory_space<vmem>>, vector<1x1x1x16xf32>,
      %parallel_loop3A_2045 = arith.constant 1 : i32
      %parallel_loop3A_2046 = arith.constant 3 : i32
      %parallel_loop3A_2047 = arith.index_cast %parallel_loop3A_2045 : i32 to index
      %parallel_loop3A_2048 = arith.index_cast %parallel_loop3A_1990 : i32 to index
      %parallel_loop3A_2049 = arith.index_cast %parallel_loop3A_2046 : i32 to index
      %parallel_loop3A_2050 = arith.index_cast %parallel_loop3A_2008 : i32 to index
      %parallel_loop3A_2051 = tpu.vector_load %arg5[%parallel_loop3A_2047, %parallel_loop3A_2048, %parallel_loop3A_2049, %parallel_loop3A_2050] {strides = array<i32>} : memref<3x8x4x1024xf32, #tpu.memory_space<vmem>>, vector<1x1x1x16xf32>,
      %parallel_loop3A_2052 = vector.shape_cast %parallel_loop3A_2051 : vector<1x1x1x16xf32> to vector<16xf32>
      %parallel_loop3A_2053 = vector.shape_cast %parallel_loop3A_2017 : vector<16xf32> to vector<1x1x1x16xf32>
      tpu.vector_store %arg5[%parallel_loop3A_2047, %parallel_loop3A_2048, %parallel_loop3A_2049, %parallel_loop3A_2050], %parallel_loop3A_2053 {add = true, strides = array<i32>} : memref<3x8x4x1024xf32, #tpu.memory_space<vmem>>, vector<1x1x1x16xf32>,
    } {sc.loop_unroll_factor = 4 : i64, sc.parallel_access}
    %add3A_589 = arith.constant 128 : i32
    %add3A_590 = arith.addi %add3A_589, %add3A : i32
    %mul3A_591 = arith.constant 8 : i32
    %mul3A_592 = arith.muli %add3A_590, %mul3A_591 : i32
    %dma_start3A_593 = arith.constant 1 : i32
    %dma_start3A_594 = arith.constant 1 : i32
    %dma_start3A_595 = arith.constant 0 : i32
    %dma_start3A_596 = arith.constant 0 : i32
    %dma_start3A_597 = arith.constant 0 : i32
    %dma_start3A_598 = tpu.memref_slice %arg5[%dma_start3A_593, %dma_start3A_595, %dma_start3A_596, %dma_start3A_597] : memref<3x8x4x1024xf32, #tpu.memory_space<vmem>> -> memref<1x8x4x1024xf32, #tpu.memory_space<vmem>>
    %dma_start3A_599 = tpu.memref_squeeze %dma_start3A_598 : memref<1x8x4x1024xf32, #tpu.memory_space<vmem>> -> memref<8x4x1024xf32, #tpu.memory_space<vmem>>
    %dma_start3A_600 = arith.constant 0 : i32
    %dma_start3A_601 = arith.constant 0 : i32
    %dma_start3A_602 = tpu.memref_slice %arg4[%mul3A_592, %dma_start3A_600, %dma_start3A_601] : memref<4096x4x1024xf32, #tpu.memory_space<hbm>> -> memref<8x4x1024xf32, #tpu.memory_space<hbm>>
    %dma_start3A_603 = tpu.memref_slice %arg9[%dma_start3A_594] : memref<3x!tpu.dma_semaphore, #tpu.memory_space<semaphore_mem>> -> memref<1x!tpu.dma_semaphore, #tpu.memory_space<semaphore_mem>>
    %dma_start3A_604 = tpu.memref_squeeze %dma_start3A_603 : memref<1x!tpu.dma_semaphore, #tpu.memory_space<semaphore_mem>> -> memref<!tpu.dma_semaphore, #tpu.memory_space<semaphore_mem>>
    %dma_start3A_605 = arith.constant 0 : i32
    %dma_start3A_606 = arith.constant 0 : i32
    %dma_start3A_607 = tpu.memref_slice %arg4[%mul3A_592, %dma_start3A_605, %dma_start3A_606] : memref<4096x4x1024xf32, #tpu.memory_space<hbm>> -> memref<8x4x1024xf32, #tpu.memory_space<hbm>>
    %dma_start3A_608 = arith.constant 0 : i32
    %dma_start3A_609 = arith.constant 0 : i32
    %dma_start3A_610 = arith.constant 0 : i32
    %dma_start3A_611 = tpu.memref_slice %arg5[%dma_start3A_593, %dma_start3A_608, %dma_start3A_609, %dma_start3A_610] : memref<3x8x4x1024xf32, #tpu.memory_space<vmem>> -> memref<1x8x4x1024xf32, #tpu.memory_space<vmem>>
    %dma_start3A_612 = tpu.memref_squeeze %dma_start3A_611 : memref<1x8x4x1024xf32, #tpu.memory_space<vmem>> -> memref<8x4x1024xf32, #tpu.memory_space<vmem>>
    tpu.enqueue_dma source(%dma_start3A_612 : memref<8x4x1024xf32, #tpu.memory_space<vmem>>) target(%dma_start3A_607 : memref<8x4x1024xf32, #tpu.memory_space<hbm>>) target_semaphore(%dma_start3A_604 : memref<!tpu.dma_semaphore, #tpu.memory_space<semaphore_mem>>)
    %dma_wait3A_613 = arith.constant 0 : i32
    %dma_wait3A_614 = arith.constant 0 : i32
    %dma_wait3A_615 = arith.constant 0 : i32
    %dma_wait3A_616 = arith.constant 0 : i32
    %dma_wait3A_617 = arith.constant 0 : i32
    %dma_wait3A_618 = tpu.memref_slice %arg5[%dma_wait3A_613, %dma_wait3A_615, %dma_wait3A_616, %dma_wait3A_617] : memref<3x8x4x1024xf32, #tpu.memory_space<vmem>> -> memref<1x8x4x1024xf32, #tpu.memory_space<vmem>>
    %dma_wait3A_619 = tpu.memref_squeeze %dma_wait3A_618 : memref<1x8x4x1024xf32, #tpu.memory_space<vmem>> -> memref<8x4x1024xf32, #tpu.memory_space<vmem>>
    %dma_wait3A_620 = arith.constant 0 : i32
    %dma_wait3A_621 = arith.constant 0 : i32
    %dma_wait3A_622 = tpu.memref_slice %arg4[%mul3A_469, %dma_wait3A_620, %dma_wait3A_621] : memref<4096x4x1024xf32, #tpu.memory_space<hbm>> -> memref<8x4x1024xf32, #tpu.memory_space<hbm>>
    %dma_wait3A_623 = tpu.memref_slice %arg9[%dma_wait3A_614] : memref<3x!tpu.dma_semaphore, #tpu.memory_space<semaphore_mem>> -> memref<1x!tpu.dma_semaphore, #tpu.memory_space<semaphore_mem>>
    %dma_wait3A_624 = tpu.memref_squeeze %dma_wait3A_623 : memref<1x!tpu.dma_semaphore, #tpu.memory_space<semaphore_mem>> -> memref<!tpu.dma_semaphore, #tpu.memory_space<semaphore_mem>>
    %dma_wait3A_625 = arith.constant 0 : i32
    %dma_wait3A_626 = arith.constant 0 : i32
    %dma_wait3A_627 = tpu.memref_slice %arg4[%mul3A_469, %dma_wait3A_625, %dma_wait3A_626] : memref<4096x4x1024xf32, #tpu.memory_space<hbm>> -> memref<8x4x1024xf32, #tpu.memory_space<hbm>>
    %dma_wait3A_628 = arith.constant 0 : i32
    %dma_wait3A_629 = arith.constant 0 : i32
    %dma_wait3A_630 = arith.constant 0 : i32
    %dma_wait3A_631 = tpu.memref_slice %arg5[%dma_wait3A_613, %dma_wait3A_628, %dma_wait3A_629, %dma_wait3A_630] : memref<3x8x4x1024xf32, #tpu.memory_space<vmem>> -> memref<1x8x4x1024xf32, #tpu.memory_space<vmem>>
    %dma_wait3A_632 = tpu.memref_squeeze %dma_wait3A_631 : memref<1x8x4x1024xf32, #tpu.memory_space<vmem>> -> memref<8x4x1024xf32, #tpu.memory_space<vmem>>
    tpu.wait_dma2 semaphore(%dma_wait3A_624 : memref<!tpu.dma_semaphore, #tpu.memory_space<semaphore_mem>>) src(%dma_wait3A_632 : memref<8x4x1024xf32, #tpu.memory_space<vmem>>) dst(%dma_wait3A_627 : memref<8x4x1024xf32, #tpu.memory_space<hbm>>)
    %add3A_633 = arith.constant 192 : i32
    %add3A_634 = arith.addi %add3A_633, %add3A : i32
    %mul3A_635 = arith.constant 8 : i32
    %mul3A_636 = arith.muli %add3A_634, %mul3A_635 : i32
    %dma_start3A_637 = arith.constant 0 : i32
    %dma_start3A_638 = arith.constant 0 : i32
    %dma_start3A_639 = arith.constant 0 : i32
    %dma_start3A_640 = arith.constant 0 : i32
    %dma_start3A_641 = arith.constant 0 : i32
    %dma_start3A_642 = tpu.memref_slice %arg5[%dma_start3A_637, %dma_start3A_639, %dma_start3A_640, %dma_start3A_641] : memref<3x8x4x1024xf32, #tpu.memory_space<vmem>> -> memref<1x8x4x1024xf32, #tpu.memory_space<vmem>>
    %dma_start3A_643 = tpu.memref_squeeze %dma_start3A_642 : memref<1x8x4x1024xf32, #tpu.memory_space<vmem>> -> memref<8x4x1024xf32, #tpu.memory_space<vmem>>
    %dma_start3A_644 = arith.constant 0 : i32
    %dma_start3A_645 = arith.constant 0 : i32
    %dma_start3A_646 = tpu.memref_slice %arg2[%mul3A_636, %dma_start3A_644, %dma_start3A_645] : memref<4096x4x1024xf32, #tpu.memory_space<hbm>> -> memref<8x4x1024xf32, #tpu.memory_space<hbm>>
    %dma_start3A_647 = tpu.memref_slice %arg7[%dma_start3A_638] : memref<3x!tpu.dma_semaphore, #tpu.memory_space<semaphore_mem>> -> memref<1x!tpu.dma_semaphore, #tpu.memory_space<semaphore_mem>>
    %dma_start3A_648 = tpu.memref_squeeze %dma_start3A_647 : memref<1x!tpu.dma_semaphore, #tpu.memory_space<semaphore_mem>> -> memref<!tpu.dma_semaphore, #tpu.memory_space<semaphore_mem>>
    %dma_start3A_649 = arith.constant 0 : i32
    %dma_start3A_650 = arith.constant 0 : i32
    %dma_start3A_651 = arith.constant 0 : i32
    %dma_start3A_652 = tpu.memref_slice %arg5[%dma_start3A_637, %dma_start3A_649, %dma_start3A_650, %dma_start3A_651] : memref<3x8x4x1024xf32, #tpu.memory_space<vmem>> -> memref<1x8x4x1024xf32, #tpu.memory_space<vmem>>
    %dma_start3A_653 = tpu.memref_squeeze %dma_start3A_652 : memref<1x8x4x1024xf32, #tpu.memory_space<vmem>> -> memref<8x4x1024xf32, #tpu.memory_space<vmem>>
    %dma_start3A_654 = arith.constant 0 : i32
    %dma_start3A_655 = arith.constant 0 : i32
    %dma_start3A_656 = tpu.memref_slice %arg2[%mul3A_636, %dma_start3A_654, %dma_start3A_655] : memref<4096x4x1024xf32, #tpu.memory_space<hbm>> -> memref<8x4x1024xf32, #tpu.memory_space<hbm>>
    tpu.enqueue_dma source(%dma_start3A_656 : memref<8x4x1024xf32, #tpu.memory_space<hbm>>) target(%dma_start3A_653 : memref<8x4x1024xf32, #tpu.memory_space<vmem>>) target_semaphore(%dma_start3A_648 : memref<!tpu.dma_semaphore, #tpu.memory_space<semaphore_mem>>)
    %dma_start3A_657 = arith.constant 0 : i32
    %dma_start3A_658 = arith.constant 0 : i32
    %dma_start3A_659 = arith.constant 0 : i32
    %dma_start3A_660 = arith.constant 0 : i32
    %dma_start3A_661 = tpu.memref_slice %arg6[%dma_start3A_657, %dma_start3A_659, %dma_start3A_660] : memref<3x8x1024xf32, #tpu.memory_space<vmem>> -> memref<1x8x1024xf32, #tpu.memory_space<vmem>>
    %dma_start3A_662 = tpu.memref_squeeze %dma_start3A_661 : memref<1x8x1024xf32, #tpu.memory_space<vmem>> -> memref<8x1024xf32, #tpu.memory_space<vmem>>
    %dma_start3A_663 = arith.constant 0 : i32
    %dma_start3A_664 = tpu.memref_slice %arg3[%mul3A_636, %dma_start3A_663] : memref<8192x1024xf32, #tpu.memory_space<hbm>> -> memref<8x1024xf32, #tpu.memory_space<hbm>>
    %dma_start3A_665 = tpu.memref_slice %arg8[%dma_start3A_658] : memref<3x!tpu.dma_semaphore, #tpu.memory_space<semaphore_mem>> -> memref<1x!tpu.dma_semaphore, #tpu.memory_space<semaphore_mem>>
    %dma_start3A_666 = tpu.memref_squeeze %dma_start3A_665 : memref<1x!tpu.dma_semaphore, #tpu.memory_space<semaphore_mem>> -> memref<!tpu.dma_semaphore, #tpu.memory_space<semaphore_mem>>
    %dma_start3A_667 = arith.constant 0 : i32
    %dma_start3A_668 = arith.constant 0 : i32
    %dma_start3A_669 = tpu.memref_slice %arg6[%dma_start3A_657, %dma_start3A_667, %dma_start3A_668] : memref<3x8x1024xf32, #tpu.memory_space<vmem>> -> memref<1x8x1024xf32, #tpu.memory_space<vmem>>
    %dma_start3A_670 = tpu.memref_squeeze %dma_start3A_669 : memref<1x8x1024xf32, #tpu.memory_space<vmem>> -> memref<8x1024xf32, #tpu.memory_space<vmem>>
    %dma_start3A_671 = arith.constant 0 : i32
    %dma_start3A_672 = tpu.memref_slice %arg3[%mul3A_636, %dma_start3A_671] : memref<8192x1024xf32, #tpu.memory_space<hbm>> -> memref<8x1024xf32, #tpu.memory_space<hbm>>
    tpu.enqueue_dma source(%dma_start3A_672 : memref<8x1024xf32, #tpu.memory_space<hbm>>) target(%dma_start3A_670 : memref<8x1024xf32, #tpu.memory_space<vmem>>) target_semaphore(%dma_start3A_666 : memref<!tpu.dma_semaphore, #tpu.memory_space<semaphore_mem>>)
    %dma_wait3A_673 = arith.constant 2 : i32
    %dma_wait3A_674 = arith.constant 2 : i32
    %dma_wait3A_675 = arith.constant 0 : i32
    %dma_wait3A_676 = arith.constant 0 : i32
    %dma_wait3A_677 = arith.constant 0 : i32
    %dma_wait3A_678 = tpu.memref_slice %arg5[%dma_wait3A_673, %dma_wait3A_675, %dma_wait3A_676, %dma_wait3A_677] : memref<3x8x4x1024xf32, #tpu.memory_space<vmem>> -> memref<1x8x4x1024xf32, #tpu.memory_space<vmem>>
    %dma_wait3A_679 = tpu.memref_squeeze %dma_wait3A_678 : memref<1x8x4x1024xf32, #tpu.memory_space<vmem>> -> memref<8x4x1024xf32, #tpu.memory_space<vmem>>
    %dma_wait3A_680 = arith.constant 0 : i32
    %dma_wait3A_681 = arith.constant 0 : i32
    %dma_wait3A_682 = tpu.memref_slice %arg2[%mul3A_513, %dma_wait3A_680, %dma_wait3A_681] : memref<4096x4x1024xf32, #tpu.memory_space<hbm>> -> memref<8x4x1024xf32, #tpu.memory_space<hbm>>
    %dma_wait3A_683 = tpu.memref_slice %arg7[%dma_wait3A_674] : memref<3x!tpu.dma_semaphore, #tpu.memory_space<semaphore_mem>> -> memref<1x!tpu.dma_semaphore, #tpu.memory_space<semaphore_mem>>
    %dma_wait3A_684 = tpu.memref_squeeze %dma_wait3A_683 : memref<1x!tpu.dma_semaphore, #tpu.memory_space<semaphore_mem>> -> memref<!tpu.dma_semaphore, #tpu.memory_space<semaphore_mem>>
    %dma_wait3A_685 = arith.constant 0 : i32
    %dma_wait3A_686 = arith.constant 0 : i32
    %dma_wait3A_687 = arith.constant 0 : i32
    %dma_wait3A_688 = tpu.memref_slice %arg5[%dma_wait3A_673, %dma_wait3A_685, %dma_wait3A_686, %dma_wait3A_687] : memref<3x8x4x1024xf32, #tpu.memory_space<vmem>> -> memref<1x8x4x1024xf32, #tpu.memory_space<vmem>>
    %dma_wait3A_689 = tpu.memref_squeeze %dma_wait3A_688 : memref<1x8x4x1024xf32, #tpu.memory_space<vmem>> -> memref<8x4x1024xf32, #tpu.memory_space<vmem>>
    %dma_wait3A_690 = arith.constant 0 : i32
    %dma_wait3A_691 = arith.constant 0 : i32
    %dma_wait3A_692 = tpu.memref_slice %arg2[%mul3A_513, %dma_wait3A_690, %dma_wait3A_691] : memref<4096x4x1024xf32, #tpu.memory_space<hbm>> -> memref<8x4x1024xf32, #tpu.memory_space<hbm>>
    tpu.wait_dma2 semaphore(%dma_wait3A_684 : memref<!tpu.dma_semaphore, #tpu.memory_space<semaphore_mem>>) src(%dma_wait3A_692 : memref<8x4x1024xf32, #tpu.memory_space<hbm>>) dst(%dma_wait3A_689 : memref<8x4x1024xf32, #tpu.memory_space<vmem>>)
    %dma_wait3A_693 = arith.constant 2 : i32
    %dma_wait3A_694 = arith.constant 2 : i32
    %dma_wait3A_695 = arith.constant 0 : i32
    %dma_wait3A_696 = arith.constant 0 : i32
    %dma_wait3A_697 = tpu.memref_slice %arg6[%dma_wait3A_693, %dma_wait3A_695, %dma_wait3A_696] : memref<3x8x1024xf32, #tpu.memory_space<vmem>> -> memref<1x8x1024xf32, #tpu.memory_space<vmem>>
    %dma_wait3A_698 = tpu.memref_squeeze %dma_wait3A_697 : memref<1x8x1024xf32, #tpu.memory_space<vmem>> -> memref<8x1024xf32, #tpu.memory_space<vmem>>
    %dma_wait3A_699 = arith.constant 0 : i32
    %dma_wait3A_700 = tpu.memref_slice %arg3[%mul3A_513, %dma_wait3A_699] : memref<8192x1024xf32, #tpu.memory_space<hbm>> -> memref<8x1024xf32, #tpu.memory_space<hbm>>
    %dma_wait3A_701 = tpu.memref_slice %arg8[%dma_wait3A_694] : memref<3x!tpu.dma_semaphore, #tpu.memory_space<semaphore_mem>> -> memref<1x!tpu.dma_semaphore, #tpu.memory_space<semaphore_mem>>
    %dma_wait3A_702 = tpu.memref_squeeze %dma_wait3A_701 : memref<1x!tpu.dma_semaphore, #tpu.memory_space<semaphore_mem>> -> memref<!tpu.dma_semaphore, #tpu.memory_space<semaphore_mem>>
    %dma_wait3A_703 = arith.constant 0 : i32
    %dma_wait3A_704 = arith.constant 0 : i32
    %dma_wait3A_705 = tpu.memref_slice %arg6[%dma_wait3A_693, %dma_wait3A_703, %dma_wait3A_704] : memref<3x8x1024xf32, #tpu.memory_space<vmem>> -> memref<1x8x1024xf32, #tpu.memory_space<vmem>>
    %dma_wait3A_706 = tpu.memref_squeeze %dma_wait3A_705 : memref<1x8x1024xf32, #tpu.memory_space<vmem>> -> memref<8x1024xf32, #tpu.memory_space<vmem>>
    %dma_wait3A_707 = arith.constant 0 : i32
    %dma_wait3A_708 = tpu.memref_slice %arg3[%mul3A_513, %dma_wait3A_707] : memref<8192x1024xf32, #tpu.memory_space<hbm>> -> memref<8x1024xf32, #tpu.memory_space<hbm>>
    tpu.wait_dma2 semaphore(%dma_wait3A_702 : memref<!tpu.dma_semaphore, #tpu.memory_space<semaphore_mem>>) src(%dma_wait3A_708 : memref<8x1024xf32, #tpu.memory_space<hbm>>) dst(%dma_wait3A_706 : memref<8x1024xf32, #tpu.memory_space<vmem>>)
    %parallel_loop3A_709 = arith.constant 0 : i32
    %parallel_loop3A_710 = arith.constant 512 : i32
    %parallel_loop3A_711 = arith.constant 1 : i32
    scf.for %parallel_loop3A_1966 = %parallel_loop3A_709 to %parallel_loop3A_710 step %parallel_loop3A_711  : i32 {
      %parallel_loop3A_1967 = arith.constant 64 : i32
      %parallel_loop3A_1968 = arith.divsi %parallel_loop3A_1966, %parallel_loop3A_1967 : i32
      %parallel_loop3A_1969 = arith.constant 0 : i32
      %parallel_loop3A_1970 = arith.cmpi sgt, %parallel_loop3A_1966, %parallel_loop3A_1969 : i32
      %parallel_loop3A_1971 = arith.extui %parallel_loop3A_1970 : i1 to i32
      %parallel_loop3A_1972 = arith.constant 0 : i32
      %parallel_loop3A_1973 = arith.cmpi slt, %parallel_loop3A_1966, %parallel_loop3A_1972 : i32
      %parallel_loop3A_1974 = arith.extui %parallel_loop3A_1973 : i1 to i32
      %parallel_loop3A_1975 = arith.subi %parallel_loop3A_1971, %parallel_loop3A_1974 : i32
      %parallel_loop3A_1976 = arith.constant 0 : i32
      %parallel_loop3A_1977 = arith.cmpi sgt, %parallel_loop3A_1967, %parallel_loop3A_1976 : i32
      %parallel_loop3A_1978 = arith.extui %parallel_loop3A_1977 : i1 to i32
      %parallel_loop3A_1979 = arith.constant 0 : i32
      %parallel_loop3A_1980 = arith.cmpi slt, %parallel_loop3A_1967, %parallel_loop3A_1979 : i32
      %parallel_loop3A_1981 = arith.extui %parallel_loop3A_1980 : i1 to i32
      %parallel_loop3A_1982 = arith.subi %parallel_loop3A_1978, %parallel_loop3A_1981 : i32
      %parallel_loop3A_1983 = arith.cmpi ne, %parallel_loop3A_1975, %parallel_loop3A_1982 : i32
      %parallel_loop3A_1984 = arith.remsi %parallel_loop3A_1966, %parallel_loop3A_1967 : i32
      %parallel_loop3A_1985 = arith.constant 0 : i32
      %parallel_loop3A_1986 = arith.cmpi ne, %parallel_loop3A_1984, %parallel_loop3A_1985 : i32
      %parallel_loop3A_1987 = arith.andi %parallel_loop3A_1983, %parallel_loop3A_1986 : i1
      %parallel_loop3A_1988 = arith.constant 1 : i32
      %parallel_loop3A_1989 = arith.subi %parallel_loop3A_1968, %parallel_loop3A_1988 : i32
      %parallel_loop3A_1990 = arith.select %parallel_loop3A_1987, %parallel_loop3A_1989, %parallel_loop3A_1968 : i32
      %parallel_loop3A_1991 = arith.constant 64 : i32
      %parallel_loop3A_1992 = arith.constant 0 : i32
      %parallel_loop3A_1993 = arith.cmpi eq, %parallel_loop3A_1991, %parallel_loop3A_1992 : i32
      %parallel_loop3A_1994 = arith.constant 1 : i32
      %parallel_loop3A_1995 = arith.select %parallel_loop3A_1993, %parallel_loop3A_1994, %parallel_loop3A_1991 : i32
      %parallel_loop3A_1996 = arith.remsi %parallel_loop3A_1966, %parallel_loop3A_1995 : i32
      %parallel_loop3A_1997 = arith.constant 0 : i32
      %parallel_loop3A_1998 = arith.cmpi ne, %parallel_loop3A_1996, %parallel_loop3A_1997 : i32
      %parallel_loop3A_1999 = arith.constant 0 : i32
      %parallel_loop3A_2000 = arith.cmpi slt, %parallel_loop3A_1996, %parallel_loop3A_1999 : i32
      %parallel_loop3A_2001 = arith.constant 0 : i32
      %parallel_loop3A_2002 = arith.cmpi slt, %parallel_loop3A_1995, %parallel_loop3A_2001 : i32
      %parallel_loop3A_2003 = arith.xori %parallel_loop3A_2000, %parallel_loop3A_2002 : i1
      %parallel_loop3A_2004 = arith.andi %parallel_loop3A_2003, %parallel_loop3A_1998 : i1
      %parallel_loop3A_2005 = arith.addi %parallel_loop3A_1996, %parallel_loop3A_1995 : i32
      %parallel_loop3A_2006 = arith.select %parallel_loop3A_2004, %parallel_loop3A_2005, %parallel_loop3A_1996 : i32
      %parallel_loop3A_2007 = arith.constant 16 : i32
      %parallel_loop3A_2008 = arith.muli %parallel_loop3A_2006, %parallel_loop3A_2007 : i32
      %parallel_loop3A_2009 = arith.constant 2 : i32
      %parallel_loop3A_2010 = arith.index_cast %parallel_loop3A_2009 : i32 to index
      %parallel_loop3A_2011 = arith.index_cast %parallel_loop3A_1990 : i32 to index
      %parallel_loop3A_2012 = arith.index_cast %parallel_loop3A_2008 : i32 to index
      %parallel_loop3A_2013 = tpu.vector_load %arg6[%parallel_loop3A_2010, %parallel_loop3A_2011, %parallel_loop3A_2012] {strides = array<i32>} : memref<3x8x1024xf32, #tpu.memory_space<vmem>>, vector<1x1x16xf32>,
      %parallel_loop3A_2014 = vector.shape_cast %parallel_loop3A_2013 : vector<1x1x16xf32> to vector<16xf32>
      %parallel_loop3A_2015 = arith.constant 3.125000e-02 : f32
      %parallel_loop3A_2016 = vector.broadcast %parallel_loop3A_2015 : f32 to vector<16xf32>
      %parallel_loop3A_2017 = arith.mulf %parallel_loop3A_2014, %parallel_loop3A_2016 : vector<16xf32>
      %parallel_loop3A_2018 = arith.constant 2 : i32
      %parallel_loop3A_2019 = arith.constant 0 : i32
      %parallel_loop3A_2020 = arith.index_cast %parallel_loop3A_2018 : i32 to index
      %parallel_loop3A_2021 = arith.index_cast %parallel_loop3A_1990 : i32 to index
      %parallel_loop3A_2022 = arith.index_cast %parallel_loop3A_2019 : i32 to index
      %parallel_loop3A_2023 = arith.index_cast %parallel_loop3A_2008 : i32 to index
      %parallel_loop3A_2024 = tpu.vector_load %arg5[%parallel_loop3A_2020, %parallel_loop3A_2021, %parallel_loop3A_2022, %parallel_loop3A_2023] {strides = array<i32>} : memref<3x8x4x1024xf32, #tpu.memory_space<vmem>>, vector<1x1x1x16xf32>,
      %parallel_loop3A_2025 = vector.shape_cast %parallel_loop3A_2024 : vector<1x1x1x16xf32> to vector<16xf32>
      %parallel_loop3A_2026 = vector.shape_cast %parallel_loop3A_2017 : vector<16xf32> to vector<1x1x1x16xf32>
      tpu.vector_store %arg5[%parallel_loop3A_2020, %parallel_loop3A_2021, %parallel_loop3A_2022, %parallel_loop3A_2023], %parallel_loop3A_2026 {add = true, strides = array<i32>} : memref<3x8x4x1024xf32, #tpu.memory_space<vmem>>, vector<1x1x1x16xf32>,
      %parallel_loop3A_2027 = arith.constant 2 : i32
      %parallel_loop3A_2028 = arith.constant 1 : i32
      %parallel_loop3A_2029 = arith.index_cast %parallel_loop3A_2027 : i32 to index
      %parallel_loop3A_2030 = arith.index_cast %parallel_loop3A_1990 : i32 to index
      %parallel_loop3A_2031 = arith.index_cast %parallel_loop3A_2028 : i32 to index
      %parallel_loop3A_2032 = arith.index_cast %parallel_loop3A_2008 : i32 to index
      %parallel_loop3A_2033 = tpu.vector_load %arg5[%parallel_loop3A_2029, %parallel_loop3A_2030, %parallel_loop3A_2031, %parallel_loop3A_2032] {strides = array<i32>} : memref<3x8x4x1024xf32, #tpu.memory_space<vmem>>, vector<1x1x1x16xf32>,
      %parallel_loop3A_2034 = vector.shape_cast %parallel_loop3A_2033 : vector<1x1x1x16xf32> to vector<16xf32>
      %parallel_loop3A_2035 = vector.shape_cast %parallel_loop3A_2017 : vector<16xf32> to vector<1x1x1x16xf32>
      tpu.vector_store %arg5[%parallel_loop3A_2029, %parallel_loop3A_2030, %parallel_loop3A_2031, %parallel_loop3A_2032], %parallel_loop3A_2035 {add = true, strides = array<i32>} : memref<3x8x4x1024xf32, #tpu.memory_space<vmem>>, vector<1x1x1x16xf32>,
      %parallel_loop3A_2036 = arith.constant 2 : i32
      %parallel_loop3A_2037 = arith.constant 2 : i32
      %parallel_loop3A_2038 = arith.index_cast %parallel_loop3A_2036 : i32 to index
      %parallel_loop3A_2039 = arith.index_cast %parallel_loop3A_1990 : i32 to index
      %parallel_loop3A_2040 = arith.index_cast %parallel_loop3A_2037 : i32 to index
      %parallel_loop3A_2041 = arith.index_cast %parallel_loop3A_2008 : i32 to index
      %parallel_loop3A_2042 = tpu.vector_load %arg5[%parallel_loop3A_2038, %parallel_loop3A_2039, %parallel_loop3A_2040, %parallel_loop3A_2041] {strides = array<i32>} : memref<3x8x4x1024xf32, #tpu.memory_space<vmem>>, vector<1x1x1x16xf32>,
      %parallel_loop3A_2043 = vector.shape_cast %parallel_loop3A_2042 : vector<1x1x1x16xf32> to vector<16xf32>
      %parallel_loop3A_2044 = vector.shape_cast %parallel_loop3A_2017 : vector<16xf32> to vector<1x1x1x16xf32>
      tpu.vector_store %arg5[%parallel_loop3A_2038, %parallel_loop3A_2039, %parallel_loop3A_2040, %parallel_loop3A_2041], %parallel_loop3A_2044 {add = true, strides = array<i32>} : memref<3x8x4x1024xf32, #tpu.memory_space<vmem>>, vector<1x1x1x16xf32>,
      %parallel_loop3A_2045 = arith.constant 2 : i32
      %parallel_loop3A_2046 = arith.constant 3 : i32
      %parallel_loop3A_2047 = arith.index_cast %parallel_loop3A_2045 : i32 to index
      %parallel_loop3A_2048 = arith.index_cast %parallel_loop3A_1990 : i32 to index
      %parallel_loop3A_2049 = arith.index_cast %parallel_loop3A_2046 : i32 to index
      %parallel_loop3A_2050 = arith.index_cast %parallel_loop3A_2008 : i32 to index
      %parallel_loop3A_2051 = tpu.vector_load %arg5[%parallel_loop3A_2047, %parallel_loop3A_2048, %parallel_loop3A_2049, %parallel_loop3A_2050] {strides = array<i32>} : memref<3x8x4x1024xf32, #tpu.memory_space<vmem>>, vector<1x1x1x16xf32>,
      %parallel_loop3A_2052 = vector.shape_cast %parallel_loop3A_2051 : vector<1x1x1x16xf32> to vector<16xf32>
      %parallel_loop3A_2053 = vector.shape_cast %parallel_loop3A_2017 : vector<16xf32> to vector<1x1x1x16xf32>
      tpu.vector_store %arg5[%parallel_loop3A_2047, %parallel_loop3A_2048, %parallel_loop3A_2049, %parallel_loop3A_2050], %parallel_loop3A_2053 {add = true, strides = array<i32>} : memref<3x8x4x1024xf32, #tpu.memory_space<vmem>>, vector<1x1x1x16xf32>,
    } {sc.loop_unroll_factor = 4 : i64, sc.parallel_access}
    %add3A_712 = arith.constant 160 : i32
    %add3A_713 = arith.addi %add3A_712, %add3A : i32
    %mul3A_714 = arith.constant 8 : i32
    %mul3A_715 = arith.muli %add3A_713, %mul3A_714 : i32
    %dma_start3A_716 = arith.constant 2 : i32
    %dma_start3A_717 = arith.constant 2 : i32
    %dma_start3A_718 = arith.constant 0 : i32
    %dma_start3A_719 = arith.constant 0 : i32
    %dma_start3A_720 = arith.constant 0 : i32
    %dma_start3A_721 = tpu.memref_slice %arg5[%dma_start3A_716, %dma_start3A_718, %dma_start3A_719, %dma_start3A_720] : memref<3x8x4x1024xf32, #tpu.memory_space<vmem>> -> memref<1x8x4x1024xf32, #tpu.memory_space<vmem>>
    %dma_start3A_722 = tpu.memref_squeeze %dma_start3A_721 : memref<1x8x4x1024xf32, #tpu.memory_space<vmem>> -> memref<8x4x1024xf32, #tpu.memory_space<vmem>>
    %dma_start3A_723 = arith.constant 0 : i32
    %dma_start3A_724 = arith.constant 0 : i32
    %dma_start3A_725 = tpu.memref_slice %arg4[%mul3A_715, %dma_start3A_723, %dma_start3A_724] : memref<4096x4x1024xf32, #tpu.memory_space<hbm>> -> memref<8x4x1024xf32, #tpu.memory_space<hbm>>
    %dma_start3A_726 = tpu.memref_slice %arg9[%dma_start3A_717] : memref<3x!tpu.dma_semaphore, #tpu.memory_space<semaphore_mem>> -> memref<1x!tpu.dma_semaphore, #tpu.memory_space<semaphore_mem>>
    %dma_start3A_727 = tpu.memref_squeeze %dma_start3A_726 : memref<1x!tpu.dma_semaphore, #tpu.memory_space<semaphore_mem>> -> memref<!tpu.dma_semaphore, #tpu.memory_space<semaphore_mem>>
    %dma_start3A_728 = arith.constant 0 : i32
    %dma_start3A_729 = arith.constant 0 : i32
    %dma_start3A_730 = tpu.memref_slice %arg4[%mul3A_715, %dma_start3A_728, %dma_start3A_729] : memref<4096x4x1024xf32, #tpu.memory_space<hbm>> -> memref<8x4x1024xf32, #tpu.memory_space<hbm>>
    %dma_start3A_731 = arith.constant 0 : i32
    %dma_start3A_732 = arith.constant 0 : i32
    %dma_start3A_733 = arith.constant 0 : i32
    %dma_start3A_734 = tpu.memref_slice %arg5[%dma_start3A_716, %dma_start3A_731, %dma_start3A_732, %dma_start3A_733] : memref<3x8x4x1024xf32, #tpu.memory_space<vmem>> -> memref<1x8x4x1024xf32, #tpu.memory_space<vmem>>
    %dma_start3A_735 = tpu.memref_squeeze %dma_start3A_734 : memref<1x8x4x1024xf32, #tpu.memory_space<vmem>> -> memref<8x4x1024xf32, #tpu.memory_space<vmem>>
    tpu.enqueue_dma source(%dma_start3A_735 : memref<8x4x1024xf32, #tpu.memory_space<vmem>>) target(%dma_start3A_730 : memref<8x4x1024xf32, #tpu.memory_space<hbm>>) target_semaphore(%dma_start3A_727 : memref<!tpu.dma_semaphore, #tpu.memory_space<semaphore_mem>>)
    %dma_wait3A_736 = arith.constant 1 : i32
    %dma_wait3A_737 = arith.constant 1 : i32
    %dma_wait3A_738 = arith.constant 0 : i32
    %dma_wait3A_739 = arith.constant 0 : i32
    %dma_wait3A_740 = arith.constant 0 : i32
    %dma_wait3A_741 = tpu.memref_slice %arg5[%dma_wait3A_736, %dma_wait3A_738, %dma_wait3A_739, %dma_wait3A_740] : memref<3x8x4x1024xf32, #tpu.memory_space<vmem>> -> memref<1x8x4x1024xf32, #tpu.memory_space<vmem>>
    %dma_wait3A_742 = tpu.memref_squeeze %dma_wait3A_741 : memref<1x8x4x1024xf32, #tpu.memory_space<vmem>> -> memref<8x4x1024xf32, #tpu.memory_space<vmem>>
    %dma_wait3A_743 = arith.constant 0 : i32
    %dma_wait3A_744 = arith.constant 0 : i32
    %dma_wait3A_745 = tpu.memref_slice %arg4[%mul3A_592, %dma_wait3A_743, %dma_wait3A_744] : memref<4096x4x1024xf32, #tpu.memory_space<hbm>> -> memref<8x4x1024xf32, #tpu.memory_space<hbm>>
    %dma_wait3A_746 = tpu.memref_slice %arg9[%dma_wait3A_737] : memref<3x!tpu.dma_semaphore, #tpu.memory_space<semaphore_mem>> -> memref<1x!tpu.dma_semaphore, #tpu.memory_space<semaphore_mem>>
    %dma_wait3A_747 = tpu.memref_squeeze %dma_wait3A_746 : memref<1x!tpu.dma_semaphore, #tpu.memory_space<semaphore_mem>> -> memref<!tpu.dma_semaphore, #tpu.memory_space<semaphore_mem>>
    %dma_wait3A_748 = arith.constant 0 : i32
    %dma_wait3A_749 = arith.constant 0 : i32
    %dma_wait3A_750 = tpu.memref_slice %arg4[%mul3A_592, %dma_wait3A_748, %dma_wait3A_749] : memref<4096x4x1024xf32, #tpu.memory_space<hbm>> -> memref<8x4x1024xf32, #tpu.memory_space<hbm>>
    %dma_wait3A_751 = arith.constant 0 : i32
    %dma_wait3A_752 = arith.constant 0 : i32
    %dma_wait3A_753 = arith.constant 0 : i32
    %dma_wait3A_754 = tpu.memref_slice %arg5[%dma_wait3A_736, %dma_wait3A_751, %dma_wait3A_752, %dma_wait3A_753] : memref<3x8x4x1024xf32, #tpu.memory_space<vmem>> -> memref<1x8x4x1024xf32, #tpu.memory_space<vmem>>
    %dma_wait3A_755 = tpu.memref_squeeze %dma_wait3A_754 : memref<1x8x4x1024xf32, #tpu.memory_space<vmem>> -> memref<8x4x1024xf32, #tpu.memory_space<vmem>>
    tpu.wait_dma2 semaphore(%dma_wait3A_747 : memref<!tpu.dma_semaphore, #tpu.memory_space<semaphore_mem>>) src(%dma_wait3A_755 : memref<8x4x1024xf32, #tpu.memory_space<vmem>>) dst(%dma_wait3A_750 : memref<8x4x1024xf32, #tpu.memory_space<hbm>>)
    %add3A_756 = arith.constant 224 : i32
    %add3A_757 = arith.addi %add3A_756, %add3A : i32
    %mul3A_758 = arith.constant 8 : i32
    %mul3A_759 = arith.muli %add3A_757, %mul3A_758 : i32
    %dma_start3A_760 = arith.constant 1 : i32
    %dma_start3A_761 = arith.constant 1 : i32
    %dma_start3A_762 = arith.constant 0 : i32
    %dma_start3A_763 = arith.constant 0 : i32
    %dma_start3A_764 = arith.constant 0 : i32
    %dma_start3A_765 = tpu.memref_slice %arg5[%dma_start3A_760, %dma_start3A_762, %dma_start3A_763, %dma_start3A_764] : memref<3x8x4x1024xf32, #tpu.memory_space<vmem>> -> memref<1x8x4x1024xf32, #tpu.memory_space<vmem>>
    %dma_start3A_766 = tpu.memref_squeeze %dma_start3A_765 : memref<1x8x4x1024xf32, #tpu.memory_space<vmem>> -> memref<8x4x1024xf32, #tpu.memory_space<vmem>>
    %dma_start3A_767 = arith.constant 0 : i32
    %dma_start3A_768 = arith.constant 0 : i32
    %dma_start3A_769 = tpu.memref_slice %arg2[%mul3A_759, %dma_start3A_767, %dma_start3A_768] : memref<4096x4x1024xf32, #tpu.memory_space<hbm>> -> memref<8x4x1024xf32, #tpu.memory_space<hbm>>
    %dma_start3A_770 = tpu.memref_slice %arg7[%dma_start3A_761] : memref<3x!tpu.dma_semaphore, #tpu.memory_space<semaphore_mem>> -> memref<1x!tpu.dma_semaphore, #tpu.memory_space<semaphore_mem>>
    %dma_start3A_771 = tpu.memref_squeeze %dma_start3A_770 : memref<1x!tpu.dma_semaphore, #tpu.memory_space<semaphore_mem>> -> memref<!tpu.dma_semaphore, #tpu.memory_space<semaphore_mem>>
    %dma_start3A_772 = arith.constant 0 : i32
    %dma_start3A_773 = arith.constant 0 : i32
    %dma_start3A_774 = arith.constant 0 : i32
    %dma_start3A_775 = tpu.memref_slice %arg5[%dma_start3A_760, %dma_start3A_772, %dma_start3A_773, %dma_start3A_774] : memref<3x8x4x1024xf32, #tpu.memory_space<vmem>> -> memref<1x8x4x1024xf32, #tpu.memory_space<vmem>>
    %dma_start3A_776 = tpu.memref_squeeze %dma_start3A_775 : memref<1x8x4x1024xf32, #tpu.memory_space<vmem>> -> memref<8x4x1024xf32, #tpu.memory_space<vmem>>
    %dma_start3A_777 = arith.constant 0 : i32
    %dma_start3A_778 = arith.constant 0 : i32
    %dma_start3A_779 = tpu.memref_slice %arg2[%mul3A_759, %dma_start3A_777, %dma_start3A_778] : memref<4096x4x1024xf32, #tpu.memory_space<hbm>> -> memref<8x4x1024xf32, #tpu.memory_space<hbm>>
    tpu.enqueue_dma source(%dma_start3A_779 : memref<8x4x1024xf32, #tpu.memory_space<hbm>>) target(%dma_start3A_776 : memref<8x4x1024xf32, #tpu.memory_space<vmem>>) target_semaphore(%dma_start3A_771 : memref<!tpu.dma_semaphore, #tpu.memory_space<semaphore_mem>>)
    %dma_start3A_780 = arith.constant 1 : i32
    %dma_start3A_781 = arith.constant 1 : i32
    %dma_start3A_782 = arith.constant 0 : i32
    %dma_start3A_783 = arith.constant 0 : i32
    %dma_start3A_784 = tpu.memref_slice %arg6[%dma_start3A_780, %dma_start3A_782, %dma_start3A_783] : memref<3x8x1024xf32, #tpu.memory_space<vmem>> -> memref<1x8x1024xf32, #tpu.memory_space<vmem>>
    %dma_start3A_785 = tpu.memref_squeeze %dma_start3A_784 : memref<1x8x1024xf32, #tpu.memory_space<vmem>> -> memref<8x1024xf32, #tpu.memory_space<vmem>>
    %dma_start3A_786 = arith.constant 0 : i32
    %dma_start3A_787 = tpu.memref_slice %arg3[%mul3A_759, %dma_start3A_786] : memref<8192x1024xf32, #tpu.memory_space<hbm>> -> memref<8x1024xf32, #tpu.memory_space<hbm>>
    %dma_start3A_788 = tpu.memref_slice %arg8[%dma_start3A_781] : memref<3x!tpu.dma_semaphore, #tpu.memory_space<semaphore_mem>> -> memref<1x!tpu.dma_semaphore, #tpu.memory_space<semaphore_mem>>
    %dma_start3A_789 = tpu.memref_squeeze %dma_start3A_788 : memref<1x!tpu.dma_semaphore, #tpu.memory_space<semaphore_mem>> -> memref<!tpu.dma_semaphore, #tpu.memory_space<semaphore_mem>>
    %dma_start3A_790 = arith.constant 0 : i32
    %dma_start3A_791 = arith.constant 0 : i32
    %dma_start3A_792 = tpu.memref_slice %arg6[%dma_start3A_780, %dma_start3A_790, %dma_start3A_791] : memref<3x8x1024xf32, #tpu.memory_space<vmem>> -> memref<1x8x1024xf32, #tpu.memory_space<vmem>>
    %dma_start3A_793 = tpu.memref_squeeze %dma_start3A_792 : memref<1x8x1024xf32, #tpu.memory_space<vmem>> -> memref<8x1024xf32, #tpu.memory_space<vmem>>
    %dma_start3A_794 = arith.constant 0 : i32
    %dma_start3A_795 = tpu.memref_slice %arg3[%mul3A_759, %dma_start3A_794] : memref<8192x1024xf32, #tpu.memory_space<hbm>> -> memref<8x1024xf32, #tpu.memory_space<hbm>>
    tpu.enqueue_dma source(%dma_start3A_795 : memref<8x1024xf32, #tpu.memory_space<hbm>>) target(%dma_start3A_793 : memref<8x1024xf32, #tpu.memory_space<vmem>>) target_semaphore(%dma_start3A_789 : memref<!tpu.dma_semaphore, #tpu.memory_space<semaphore_mem>>)
    %dma_wait3A_796 = arith.constant 0 : i32
    %dma_wait3A_797 = arith.constant 0 : i32
    %dma_wait3A_798 = arith.constant 0 : i32
    %dma_wait3A_799 = arith.constant 0 : i32
    %dma_wait3A_800 = arith.constant 0 : i32
    %dma_wait3A_801 = tpu.memref_slice %arg5[%dma_wait3A_796, %dma_wait3A_798, %dma_wait3A_799, %dma_wait3A_800] : memref<3x8x4x1024xf32, #tpu.memory_space<vmem>> -> memref<1x8x4x1024xf32, #tpu.memory_space<vmem>>
    %dma_wait3A_802 = tpu.memref_squeeze %dma_wait3A_801 : memref<1x8x4x1024xf32, #tpu.memory_space<vmem>> -> memref<8x4x1024xf32, #tpu.memory_space<vmem>>
    %dma_wait3A_803 = arith.constant 0 : i32
    %dma_wait3A_804 = arith.constant 0 : i32
    %dma_wait3A_805 = tpu.memref_slice %arg2[%mul3A_636, %dma_wait3A_803, %dma_wait3A_804] : memref<4096x4x1024xf32, #tpu.memory_space<hbm>> -> memref<8x4x1024xf32, #tpu.memory_space<hbm>>
    %dma_wait3A_806 = tpu.memref_slice %arg7[%dma_wait3A_797] : memref<3x!tpu.dma_semaphore, #tpu.memory_space<semaphore_mem>> -> memref<1x!tpu.dma_semaphore, #tpu.memory_space<semaphore_mem>>
    %dma_wait3A_807 = tpu.memref_squeeze %dma_wait3A_806 : memref<1x!tpu.dma_semaphore, #tpu.memory_space<semaphore_mem>> -> memref<!tpu.dma_semaphore, #tpu.memory_space<semaphore_mem>>
    %dma_wait3A_808 = arith.constant 0 : i32
    %dma_wait3A_809 = arith.constant 0 : i32
    %dma_wait3A_810 = arith.constant 0 : i32
    %dma_wait3A_811 = tpu.memref_slice %arg5[%dma_wait3A_796, %dma_wait3A_808, %dma_wait3A_809, %dma_wait3A_810] : memref<3x8x4x1024xf32, #tpu.memory_space<vmem>> -> memref<1x8x4x1024xf32, #tpu.memory_space<vmem>>
    %dma_wait3A_812 = tpu.memref_squeeze %dma_wait3A_811 : memref<1x8x4x1024xf32, #tpu.memory_space<vmem>> -> memref<8x4x1024xf32, #tpu.memory_space<vmem>>
    %dma_wait3A_813 = arith.constant 0 : i32
    %dma_wait3A_814 = arith.constant 0 : i32
    %dma_wait3A_815 = tpu.memref_slice %arg2[%mul3A_636, %dma_wait3A_813, %dma_wait3A_814] : memref<4096x4x1024xf32, #tpu.memory_space<hbm>> -> memref<8x4x1024xf32, #tpu.memory_space<hbm>>
    tpu.wait_dma2 semaphore(%dma_wait3A_807 : memref<!tpu.dma_semaphore, #tpu.memory_space<semaphore_mem>>) src(%dma_wait3A_815 : memref<8x4x1024xf32, #tpu.memory_space<hbm>>) dst(%dma_wait3A_812 : memref<8x4x1024xf32, #tpu.memory_space<vmem>>)
    %dma_wait3A_816 = arith.constant 0 : i32
    %dma_wait3A_817 = arith.constant 0 : i32
    %dma_wait3A_818 = arith.constant 0 : i32
    %dma_wait3A_819 = arith.constant 0 : i32
    %dma_wait3A_820 = tpu.memref_slice %arg6[%dma_wait3A_816, %dma_wait3A_818, %dma_wait3A_819] : memref<3x8x1024xf32, #tpu.memory_space<vmem>> -> memref<1x8x1024xf32, #tpu.memory_space<vmem>>
    %dma_wait3A_821 = tpu.memref_squeeze %dma_wait3A_820 : memref<1x8x1024xf32, #tpu.memory_space<vmem>> -> memref<8x1024xf32, #tpu.memory_space<vmem>>
    %dma_wait3A_822 = arith.constant 0 : i32
    %dma_wait3A_823 = tpu.memref_slice %arg3[%mul3A_636, %dma_wait3A_822] : memref<8192x1024xf32, #tpu.memory_space<hbm>> -> memref<8x1024xf32, #tpu.memory_space<hbm>>
    %dma_wait3A_824 = tpu.memref_slice %arg8[%dma_wait3A_817] : memref<3x!tpu.dma_semaphore, #tpu.memory_space<semaphore_mem>> -> memref<1x!tpu.dma_semaphore, #tpu.memory_space<semaphore_mem>>
    %dma_wait3A_825 = tpu.memref_squeeze %dma_wait3A_824 : memref<1x!tpu.dma_semaphore, #tpu.memory_space<semaphore_mem>> -> memref<!tpu.dma_semaphore, #tpu.memory_space<semaphore_mem>>
    %dma_wait3A_826 = arith.constant 0 : i32
    %dma_wait3A_827 = arith.constant 0 : i32
    %dma_wait3A_828 = tpu.memref_slice %arg6[%dma_wait3A_816, %dma_wait3A_826, %dma_wait3A_827] : memref<3x8x1024xf32, #tpu.memory_space<vmem>> -> memref<1x8x1024xf32, #tpu.memory_space<vmem>>
    %dma_wait3A_829 = tpu.memref_squeeze %dma_wait3A_828 : memref<1x8x1024xf32, #tpu.memory_space<vmem>> -> memref<8x1024xf32, #tpu.memory_space<vmem>>
    %dma_wait3A_830 = arith.constant 0 : i32
    %dma_wait3A_831 = tpu.memref_slice %arg3[%mul3A_636, %dma_wait3A_830] : memref<8192x1024xf32, #tpu.memory_space<hbm>> -> memref<8x1024xf32, #tpu.memory_space<hbm>>
    tpu.wait_dma2 semaphore(%dma_wait3A_825 : memref<!tpu.dma_semaphore, #tpu.memory_space<semaphore_mem>>) src(%dma_wait3A_831 : memref<8x1024xf32, #tpu.memory_space<hbm>>) dst(%dma_wait3A_829 : memref<8x1024xf32, #tpu.memory_space<vmem>>)
    %parallel_loop3A_832 = arith.constant 0 : i32
    %parallel_loop3A_833 = arith.constant 512 : i32
    %parallel_loop3A_834 = arith.constant 1 : i32
    scf.for %parallel_loop3A_1966 = %parallel_loop3A_832 to %parallel_loop3A_833 step %parallel_loop3A_834  : i32 {
      %parallel_loop3A_1967 = arith.constant 64 : i32
      %parallel_loop3A_1968 = arith.divsi %parallel_loop3A_1966, %parallel_loop3A_1967 : i32
      %parallel_loop3A_1969 = arith.constant 0 : i32
      %parallel_loop3A_1970 = arith.cmpi sgt, %parallel_loop3A_1966, %parallel_loop3A_1969 : i32
      %parallel_loop3A_1971 = arith.extui %parallel_loop3A_1970 : i1 to i32
      %parallel_loop3A_1972 = arith.constant 0 : i32
      %parallel_loop3A_1973 = arith.cmpi slt, %parallel_loop3A_1966, %parallel_loop3A_1972 : i32
      %parallel_loop3A_1974 = arith.extui %parallel_loop3A_1973 : i1 to i32
      %parallel_loop3A_1975 = arith.subi %parallel_loop3A_1971, %parallel_loop3A_1974 : i32
      %parallel_loop3A_1976 = arith.constant 0 : i32
      %parallel_loop3A_1977 = arith.cmpi sgt, %parallel_loop3A_1967, %parallel_loop3A_1976 : i32
      %parallel_loop3A_1978 = arith.extui %parallel_loop3A_1977 : i1 to i32
      %parallel_loop3A_1979 = arith.constant 0 : i32
      %parallel_loop3A_1980 = arith.cmpi slt, %parallel_loop3A_1967, %parallel_loop3A_1979 : i32
      %parallel_loop3A_1981 = arith.extui %parallel_loop3A_1980 : i1 to i32
      %parallel_loop3A_1982 = arith.subi %parallel_loop3A_1978, %parallel_loop3A_1981 : i32
      %parallel_loop3A_1983 = arith.cmpi ne, %parallel_loop3A_1975, %parallel_loop3A_1982 : i32
      %parallel_loop3A_1984 = arith.remsi %parallel_loop3A_1966, %parallel_loop3A_1967 : i32
      %parallel_loop3A_1985 = arith.constant 0 : i32
      %parallel_loop3A_1986 = arith.cmpi ne, %parallel_loop3A_1984, %parallel_loop3A_1985 : i32
      %parallel_loop3A_1987 = arith.andi %parallel_loop3A_1983, %parallel_loop3A_1986 : i1
      %parallel_loop3A_1988 = arith.constant 1 : i32
      %parallel_loop3A_1989 = arith.subi %parallel_loop3A_1968, %parallel_loop3A_1988 : i32
      %parallel_loop3A_1990 = arith.select %parallel_loop3A_1987, %parallel_loop3A_1989, %parallel_loop3A_1968 : i32
      %parallel_loop3A_1991 = arith.constant 64 : i32
      %parallel_loop3A_1992 = arith.constant 0 : i32
      %parallel_loop3A_1993 = arith.cmpi eq, %parallel_loop3A_1991, %parallel_loop3A_1992 : i32
      %parallel_loop3A_1994 = arith.constant 1 : i32
      %parallel_loop3A_1995 = arith.select %parallel_loop3A_1993, %parallel_loop3A_1994, %parallel_loop3A_1991 : i32
      %parallel_loop3A_1996 = arith.remsi %parallel_loop3A_1966, %parallel_loop3A_1995 : i32
      %parallel_loop3A_1997 = arith.constant 0 : i32
      %parallel_loop3A_1998 = arith.cmpi ne, %parallel_loop3A_1996, %parallel_loop3A_1997 : i32
      %parallel_loop3A_1999 = arith.constant 0 : i32
      %parallel_loop3A_2000 = arith.cmpi slt, %parallel_loop3A_1996, %parallel_loop3A_1999 : i32
      %parallel_loop3A_2001 = arith.constant 0 : i32
      %parallel_loop3A_2002 = arith.cmpi slt, %parallel_loop3A_1995, %parallel_loop3A_2001 : i32
      %parallel_loop3A_2003 = arith.xori %parallel_loop3A_2000, %parallel_loop3A_2002 : i1
      %parallel_loop3A_2004 = arith.andi %parallel_loop3A_2003, %parallel_loop3A_1998 : i1
      %parallel_loop3A_2005 = arith.addi %parallel_loop3A_1996, %parallel_loop3A_1995 : i32
      %parallel_loop3A_2006 = arith.select %parallel_loop3A_2004, %parallel_loop3A_2005, %parallel_loop3A_1996 : i32
      %parallel_loop3A_2007 = arith.constant 16 : i32
      %parallel_loop3A_2008 = arith.muli %parallel_loop3A_2006, %parallel_loop3A_2007 : i32
      %parallel_loop3A_2009 = arith.constant 0 : i32
      %parallel_loop3A_2010 = arith.index_cast %parallel_loop3A_2009 : i32 to index
      %parallel_loop3A_2011 = arith.index_cast %parallel_loop3A_1990 : i32 to index
      %parallel_loop3A_2012 = arith.index_cast %parallel_loop3A_2008 : i32 to index
      %parallel_loop3A_2013 = tpu.vector_load %arg6[%parallel_loop3A_2010, %parallel_loop3A_2011, %parallel_loop3A_2012] {strides = array<i32>} : memref<3x8x1024xf32, #tpu.memory_space<vmem>>, vector<1x1x16xf32>,
      %parallel_loop3A_2014 = vector.shape_cast %parallel_loop3A_2013 : vector<1x1x16xf32> to vector<16xf32>
      %parallel_loop3A_2015 = arith.constant 3.125000e-02 : f32
      %parallel_loop3A_2016 = vector.broadcast %parallel_loop3A_2015 : f32 to vector<16xf32>
      %parallel_loop3A_2017 = arith.mulf %parallel_loop3A_2014, %parallel_loop3A_2016 : vector<16xf32>
      %parallel_loop3A_2018 = arith.constant 0 : i32
      %parallel_loop3A_2019 = arith.constant 0 : i32
      %parallel_loop3A_2020 = arith.index_cast %parallel_loop3A_2018 : i32 to index
      %parallel_loop3A_2021 = arith.index_cast %parallel_loop3A_1990 : i32 to index
      %parallel_loop3A_2022 = arith.index_cast %parallel_loop3A_2019 : i32 to index
      %parallel_loop3A_2023 = arith.index_cast %parallel_loop3A_2008 : i32 to index
      %parallel_loop3A_2024 = tpu.vector_load %arg5[%parallel_loop3A_2020, %parallel_loop3A_2021, %parallel_loop3A_2022, %parallel_loop3A_2023] {strides = array<i32>} : memref<3x8x4x1024xf32, #tpu.memory_space<vmem>>, vector<1x1x1x16xf32>,
      %parallel_loop3A_2025 = vector.shape_cast %parallel_loop3A_2024 : vector<1x1x1x16xf32> to vector<16xf32>
      %parallel_loop3A_2026 = vector.shape_cast %parallel_loop3A_2017 : vector<16xf32> to vector<1x1x1x16xf32>
      tpu.vector_store %arg5[%parallel_loop3A_2020, %parallel_loop3A_2021, %parallel_loop3A_2022, %parallel_loop3A_2023], %parallel_loop3A_2026 {add = true, strides = array<i32>} : memref<3x8x4x1024xf32, #tpu.memory_space<vmem>>, vector<1x1x1x16xf32>,
      %parallel_loop3A_2027 = arith.constant 0 : i32
      %parallel_loop3A_2028 = arith.constant 1 : i32
      %parallel_loop3A_2029 = arith.index_cast %parallel_loop3A_2027 : i32 to index
      %parallel_loop3A_2030 = arith.index_cast %parallel_loop3A_1990 : i32 to index
      %parallel_loop3A_2031 = arith.index_cast %parallel_loop3A_2028 : i32 to index
      %parallel_loop3A_2032 = arith.index_cast %parallel_loop3A_2008 : i32 to index
      %parallel_loop3A_2033 = tpu.vector_load %arg5[%parallel_loop3A_2029, %parallel_loop3A_2030, %parallel_loop3A_2031, %parallel_loop3A_2032] {strides = array<i32>} : memref<3x8x4x1024xf32, #tpu.memory_space<vmem>>, vector<1x1x1x16xf32>,
      %parallel_loop3A_2034 = vector.shape_cast %parallel_loop3A_2033 : vector<1x1x1x16xf32> to vector<16xf32>
      %parallel_loop3A_2035 = vector.shape_cast %parallel_loop3A_2017 : vector<16xf32> to vector<1x1x1x16xf32>
      tpu.vector_store %arg5[%parallel_loop3A_2029, %parallel_loop3A_2030, %parallel_loop3A_2031, %parallel_loop3A_2032], %parallel_loop3A_2035 {add = true, strides = array<i32>} : memref<3x8x4x1024xf32, #tpu.memory_space<vmem>>, vector<1x1x1x16xf32>,
      %parallel_loop3A_2036 = arith.constant 0 : i32
      %parallel_loop3A_2037 = arith.constant 2 : i32
      %parallel_loop3A_2038 = arith.index_cast %parallel_loop3A_2036 : i32 to index
      %parallel_loop3A_2039 = arith.index_cast %parallel_loop3A_1990 : i32 to index
      %parallel_loop3A_2040 = arith.index_cast %parallel_loop3A_2037 : i32 to index
      %parallel_loop3A_2041 = arith.index_cast %parallel_loop3A_2008 : i32 to index
      %parallel_loop3A_2042 = tpu.vector_load %arg5[%parallel_loop3A_2038, %parallel_loop3A_2039, %parallel_loop3A_2040, %parallel_loop3A_2041] {strides = array<i32>} : memref<3x8x4x1024xf32, #tpu.memory_space<vmem>>, vector<1x1x1x16xf32>,
      %parallel_loop3A_2043 = vector.shape_cast %parallel_loop3A_2042 : vector<1x1x1x16xf32> to vector<16xf32>
      %parallel_loop3A_2044 = vector.shape_cast %parallel_loop3A_2017 : vector<16xf32> to vector<1x1x1x16xf32>
      tpu.vector_store %arg5[%parallel_loop3A_2038, %parallel_loop3A_2039, %parallel_loop3A_2040, %parallel_loop3A_2041], %parallel_loop3A_2044 {add = true, strides = array<i32>} : memref<3x8x4x1024xf32, #tpu.memory_space<vmem>>, vector<1x1x1x16xf32>,
      %parallel_loop3A_2045 = arith.constant 0 : i32
      %parallel_loop3A_2046 = arith.constant 3 : i32
      %parallel_loop3A_2047 = arith.index_cast %parallel_loop3A_2045 : i32 to index
      %parallel_loop3A_2048 = arith.index_cast %parallel_loop3A_1990 : i32 to index
      %parallel_loop3A_2049 = arith.index_cast %parallel_loop3A_2046 : i32 to index
      %parallel_loop3A_2050 = arith.index_cast %parallel_loop3A_2008 : i32 to index
      %parallel_loop3A_2051 = tpu.vector_load %arg5[%parallel_loop3A_2047, %parallel_loop3A_2048, %parallel_loop3A_2049, %parallel_loop3A_2050] {strides = array<i32>} : memref<3x8x4x1024xf32, #tpu.memory_space<vmem>>, vector<1x1x1x16xf32>,
      %parallel_loop3A_2052 = vector.shape_cast %parallel_loop3A_2051 : vector<1x1x1x16xf32> to vector<16xf32>
      %parallel_loop3A_2053 = vector.shape_cast %parallel_loop3A_2017 : vector<16xf32> to vector<1x1x1x16xf32>
      tpu.vector_store %arg5[%parallel_loop3A_2047, %parallel_loop3A_2048, %parallel_loop3A_2049, %parallel_loop3A_2050], %parallel_loop3A_2053 {add = true, strides = array<i32>} : memref<3x8x4x1024xf32, #tpu.memory_space<vmem>>, vector<1x1x1x16xf32>,
    } {sc.loop_unroll_factor = 4 : i64, sc.parallel_access}
    %add3A_835 = arith.constant 192 : i32
    %add3A_836 = arith.addi %add3A_835, %add3A : i32
    %mul3A_837 = arith.constant 8 : i32
    %mul3A_838 = arith.muli %add3A_836, %mul3A_837 : i32
    %dma_start3A_839 = arith.constant 0 : i32
    %dma_start3A_840 = arith.constant 0 : i32
    %dma_start3A_841 = arith.constant 0 : i32
    %dma_start3A_842 = arith.constant 0 : i32
    %dma_start3A_843 = arith.constant 0 : i32
    %dma_start3A_844 = tpu.memref_slice %arg5[%dma_start3A_839, %dma_start3A_841, %dma_start3A_842, %dma_start3A_843] : memref<3x8x4x1024xf32, #tpu.memory_space<vmem>> -> memref<1x8x4x1024xf32, #tpu.memory_space<vmem>>
    %dma_start3A_845 = tpu.memref_squeeze %dma_start3A_844 : memref<1x8x4x1024xf32, #tpu.memory_space<vmem>> -> memref<8x4x1024xf32, #tpu.memory_space<vmem>>
    %dma_start3A_846 = arith.constant 0 : i32
    %dma_start3A_847 = arith.constant 0 : i32
    %dma_start3A_848 = tpu.memref_slice %arg4[%mul3A_838, %dma_start3A_846, %dma_start3A_847] : memref<4096x4x1024xf32, #tpu.memory_space<hbm>> -> memref<8x4x1024xf32, #tpu.memory_space<hbm>>
    %dma_start3A_849 = tpu.memref_slice %arg9[%dma_start3A_840] : memref<3x!tpu.dma_semaphore, #tpu.memory_space<semaphore_mem>> -> memref<1x!tpu.dma_semaphore, #tpu.memory_space<semaphore_mem>>
    %dma_start3A_850 = tpu.memref_squeeze %dma_start3A_849 : memref<1x!tpu.dma_semaphore, #tpu.memory_space<semaphore_mem>> -> memref<!tpu.dma_semaphore, #tpu.memory_space<semaphore_mem>>
    %dma_start3A_851 = arith.constant 0 : i32
    %dma_start3A_852 = arith.constant 0 : i32
    %dma_start3A_853 = tpu.memref_slice %arg4[%mul3A_838, %dma_start3A_851, %dma_start3A_852] : memref<4096x4x1024xf32, #tpu.memory_space<hbm>> -> memref<8x4x1024xf32, #tpu.memory_space<hbm>>
    %dma_start3A_854 = arith.constant 0 : i32
    %dma_start3A_855 = arith.constant 0 : i32
    %dma_start3A_856 = arith.constant 0 : i32
    %dma_start3A_857 = tpu.memref_slice %arg5[%dma_start3A_839, %dma_start3A_854, %dma_start3A_855, %dma_start3A_856] : memref<3x8x4x1024xf32, #tpu.memory_space<vmem>> -> memref<1x8x4x1024xf32, #tpu.memory_space<vmem>>
    %dma_start3A_858 = tpu.memref_squeeze %dma_start3A_857 : memref<1x8x4x1024xf32, #tpu.memory_space<vmem>> -> memref<8x4x1024xf32, #tpu.memory_space<vmem>>
    tpu.enqueue_dma source(%dma_start3A_858 : memref<8x4x1024xf32, #tpu.memory_space<vmem>>) target(%dma_start3A_853 : memref<8x4x1024xf32, #tpu.memory_space<hbm>>) target_semaphore(%dma_start3A_850 : memref<!tpu.dma_semaphore, #tpu.memory_space<semaphore_mem>>)
    %dma_wait3A_859 = arith.constant 2 : i32
    %dma_wait3A_860 = arith.constant 2 : i32
    %dma_wait3A_861 = arith.constant 0 : i32
    %dma_wait3A_862 = arith.constant 0 : i32
    %dma_wait3A_863 = arith.constant 0 : i32
    %dma_wait3A_864 = tpu.memref_slice %arg5[%dma_wait3A_859, %dma_wait3A_861, %dma_wait3A_862, %dma_wait3A_863] : memref<3x8x4x1024xf32, #tpu.memory_space<vmem>> -> memref<1x8x4x1024xf32, #tpu.memory_space<vmem>>
    %dma_wait3A_865 = tpu.memref_squeeze %dma_wait3A_864 : memref<1x8x4x1024xf32, #tpu.memory_space<vmem>> -> memref<8x4x1024xf32, #tpu.memory_space<vmem>>
    %dma_wait3A_866 = arith.constant 0 : i32
    %dma_wait3A_867 = arith.constant 0 : i32
    %dma_wait3A_868 = tpu.memref_slice %arg4[%mul3A_715, %dma_wait3A_866, %dma_wait3A_867] : memref<4096x4x1024xf32, #tpu.memory_space<hbm>> -> memref<8x4x1024xf32, #tpu.memory_space<hbm>>
    %dma_wait3A_869 = tpu.memref_slice %arg9[%dma_wait3A_860] : memref<3x!tpu.dma_semaphore, #tpu.memory_space<semaphore_mem>> -> memref<1x!tpu.dma_semaphore, #tpu.memory_space<semaphore_mem>>
    %dma_wait3A_870 = tpu.memref_squeeze %dma_wait3A_869 : memref<1x!tpu.dma_semaphore, #tpu.memory_space<semaphore_mem>> -> memref<!tpu.dma_semaphore, #tpu.memory_space<semaphore_mem>>
    %dma_wait3A_871 = arith.constant 0 : i32
    %dma_wait3A_872 = arith.constant 0 : i32
    %dma_wait3A_873 = tpu.memref_slice %arg4[%mul3A_715, %dma_wait3A_871, %dma_wait3A_872] : memref<4096x4x1024xf32, #tpu.memory_space<hbm>> -> memref<8x4x1024xf32, #tpu.memory_space<hbm>>
    %dma_wait3A_874 = arith.constant 0 : i32
    %dma_wait3A_875 = arith.constant 0 : i32
    %dma_wait3A_876 = arith.constant 0 : i32
    %dma_wait3A_877 = tpu.memref_slice %arg5[%dma_wait3A_859, %dma_wait3A_874, %dma_wait3A_875, %dma_wait3A_876] : memref<3x8x4x1024xf32, #tpu.memory_space<vmem>> -> memref<1x8x4x1024xf32, #tpu.memory_space<vmem>>
    %dma_wait3A_878 = tpu.memref_squeeze %dma_wait3A_877 : memref<1x8x4x1024xf32, #tpu.memory_space<vmem>> -> memref<8x4x1024xf32, #tpu.memory_space<vmem>>
    tpu.wait_dma2 semaphore(%dma_wait3A_870 : memref<!tpu.dma_semaphore, #tpu.memory_space<semaphore_mem>>) src(%dma_wait3A_878 : memref<8x4x1024xf32, #tpu.memory_space<vmem>>) dst(%dma_wait3A_873 : memref<8x4x1024xf32, #tpu.memory_space<hbm>>)
    %add3A_879 = arith.constant 256 : i32
    %add3A_880 = arith.addi %add3A_879, %add3A : i32
    %mul3A_881 = arith.constant 8 : i32
    %mul3A_882 = arith.muli %add3A_880, %mul3A_881 : i32
    %dma_start3A_883 = arith.constant 2 : i32
    %dma_start3A_884 = arith.constant 2 : i32
    %dma_start3A_885 = arith.constant 0 : i32
    %dma_start3A_886 = arith.constant 0 : i32
    %dma_start3A_887 = arith.constant 0 : i32
    %dma_start3A_888 = tpu.memref_slice %arg5[%dma_start3A_883, %dma_start3A_885, %dma_start3A_886, %dma_start3A_887] : memref<3x8x4x1024xf32, #tpu.memory_space<vmem>> -> memref<1x8x4x1024xf32, #tpu.memory_space<vmem>>
    %dma_start3A_889 = tpu.memref_squeeze %dma_start3A_888 : memref<1x8x4x1024xf32, #tpu.memory_space<vmem>> -> memref<8x4x1024xf32, #tpu.memory_space<vmem>>
    %dma_start3A_890 = arith.constant 0 : i32
    %dma_start3A_891 = arith.constant 0 : i32
    %dma_start3A_892 = tpu.memref_slice %arg2[%mul3A_882, %dma_start3A_890, %dma_start3A_891] : memref<4096x4x1024xf32, #tpu.memory_space<hbm>> -> memref<8x4x1024xf32, #tpu.memory_space<hbm>>
    %dma_start3A_893 = tpu.memref_slice %arg7[%dma_start3A_884] : memref<3x!tpu.dma_semaphore, #tpu.memory_space<semaphore_mem>> -> memref<1x!tpu.dma_semaphore, #tpu.memory_space<semaphore_mem>>
    %dma_start3A_894 = tpu.memref_squeeze %dma_start3A_893 : memref<1x!tpu.dma_semaphore, #tpu.memory_space<semaphore_mem>> -> memref<!tpu.dma_semaphore, #tpu.memory_space<semaphore_mem>>
    %dma_start3A_895 = arith.constant 0 : i32
    %dma_start3A_896 = arith.constant 0 : i32
    %dma_start3A_897 = arith.constant 0 : i32
    %dma_start3A_898 = tpu.memref_slice %arg5[%dma_start3A_883, %dma_start3A_895, %dma_start3A_896, %dma_start3A_897] : memref<3x8x4x1024xf32, #tpu.memory_space<vmem>> -> memref<1x8x4x1024xf32, #tpu.memory_space<vmem>>
    %dma_start3A_899 = tpu.memref_squeeze %dma_start3A_898 : memref<1x8x4x1024xf32, #tpu.memory_space<vmem>> -> memref<8x4x1024xf32, #tpu.memory_space<vmem>>
    %dma_start3A_900 = arith.constant 0 : i32
    %dma_start3A_901 = arith.constant 0 : i32
    %dma_start3A_902 = tpu.memref_slice %arg2[%mul3A_882, %dma_start3A_900, %dma_start3A_901] : memref<4096x4x1024xf32, #tpu.memory_space<hbm>> -> memref<8x4x1024xf32, #tpu.memory_space<hbm>>
    tpu.enqueue_dma source(%dma_start3A_902 : memref<8x4x1024xf32, #tpu.memory_space<hbm>>) target(%dma_start3A_899 : memref<8x4x1024xf32, #tpu.memory_space<vmem>>) target_semaphore(%dma_start3A_894 : memref<!tpu.dma_semaphore, #tpu.memory_space<semaphore_mem>>)
    %dma_start3A_903 = arith.constant 2 : i32
    %dma_start3A_904 = arith.constant 2 : i32
    %dma_start3A_905 = arith.constant 0 : i32
    %dma_start3A_906 = arith.constant 0 : i32
    %dma_start3A_907 = tpu.memref_slice %arg6[%dma_start3A_903, %dma_start3A_905, %dma_start3A_906] : memref<3x8x1024xf32, #tpu.memory_space<vmem>> -> memref<1x8x1024xf32, #tpu.memory_space<vmem>>
    %dma_start3A_908 = tpu.memref_squeeze %dma_start3A_907 : memref<1x8x1024xf32, #tpu.memory_space<vmem>> -> memref<8x1024xf32, #tpu.memory_space<vmem>>
    %dma_start3A_909 = arith.constant 0 : i32
    %dma_start3A_910 = tpu.memref_slice %arg3[%mul3A_882, %dma_start3A_909] : memref<8192x1024xf32, #tpu.memory_space<hbm>> -> memref<8x1024xf32, #tpu.memory_space<hbm>>
    %dma_start3A_911 = tpu.memref_slice %arg8[%dma_start3A_904] : memref<3x!tpu.dma_semaphore, #tpu.memory_space<semaphore_mem>> -> memref<1x!tpu.dma_semaphore, #tpu.memory_space<semaphore_mem>>
    %dma_start3A_912 = tpu.memref_squeeze %dma_start3A_911 : memref<1x!tpu.dma_semaphore, #tpu.memory_space<semaphore_mem>> -> memref<!tpu.dma_semaphore, #tpu.memory_space<semaphore_mem>>
    %dma_start3A_913 = arith.constant 0 : i32
    %dma_start3A_914 = arith.constant 0 : i32
    %dma_start3A_915 = tpu.memref_slice %arg6[%dma_start3A_903, %dma_start3A_913, %dma_start3A_914] : memref<3x8x1024xf32, #tpu.memory_space<vmem>> -> memref<1x8x1024xf32, #tpu.memory_space<vmem>>
    %dma_start3A_916 = tpu.memref_squeeze %dma_start3A_915 : memref<1x8x1024xf32, #tpu.memory_space<vmem>> -> memref<8x1024xf32, #tpu.memory_space<vmem>>
    %dma_start3A_917 = arith.constant 0 : i32
    %dma_start3A_918 = tpu.memref_slice %arg3[%mul3A_882, %dma_start3A_917] : memref<8192x1024xf32, #tpu.memory_space<hbm>> -> memref<8x1024xf32, #tpu.memory_space<hbm>>
    tpu.enqueue_dma source(%dma_start3A_918 : memref<8x1024xf32, #tpu.memory_space<hbm>>) target(%dma_start3A_916 : memref<8x1024xf32, #tpu.memory_space<vmem>>) target_semaphore(%dma_start3A_912 : memref<!tpu.dma_semaphore, #tpu.memory_space<semaphore_mem>>)
    %dma_wait3A_919 = arith.constant 1 : i32
    %dma_wait3A_920 = arith.constant 1 : i32
    %dma_wait3A_921 = arith.constant 0 : i32
    %dma_wait3A_922 = arith.constant 0 : i32
    %dma_wait3A_923 = arith.constant 0 : i32
    %dma_wait3A_924 = tpu.memref_slice %arg5[%dma_wait3A_919, %dma_wait3A_921, %dma_wait3A_922, %dma_wait3A_923] : memref<3x8x4x1024xf32, #tpu.memory_space<vmem>> -> memref<1x8x4x1024xf32, #tpu.memory_space<vmem>>
    %dma_wait3A_925 = tpu.memref_squeeze %dma_wait3A_924 : memref<1x8x4x1024xf32, #tpu.memory_space<vmem>> -> memref<8x4x1024xf32, #tpu.memory_space<vmem>>
    %dma_wait3A_926 = arith.constant 0 : i32
    %dma_wait3A_927 = arith.constant 0 : i32
    %dma_wait3A_928 = tpu.memref_slice %arg2[%mul3A_759, %dma_wait3A_926, %dma_wait3A_927] : memref<4096x4x1024xf32, #tpu.memory_space<hbm>> -> memref<8x4x1024xf32, #tpu.memory_space<hbm>>
    %dma_wait3A_929 = tpu.memref_slice %arg7[%dma_wait3A_920] : memref<3x!tpu.dma_semaphore, #tpu.memory_space<semaphore_mem>> -> memref<1x!tpu.dma_semaphore, #tpu.memory_space<semaphore_mem>>
    %dma_wait3A_930 = tpu.memref_squeeze %dma_wait3A_929 : memref<1x!tpu.dma_semaphore, #tpu.memory_space<semaphore_mem>> -> memref<!tpu.dma_semaphore, #tpu.memory_space<semaphore_mem>>
    %dma_wait3A_931 = arith.constant 0 : i32
    %dma_wait3A_932 = arith.constant 0 : i32
    %dma_wait3A_933 = arith.constant 0 : i32
    %dma_wait3A_934 = tpu.memref_slice %arg5[%dma_wait3A_919, %dma_wait3A_931, %dma_wait3A_932, %dma_wait3A_933] : memref<3x8x4x1024xf32, #tpu.memory_space<vmem>> -> memref<1x8x4x1024xf32, #tpu.memory_space<vmem>>
    %dma_wait3A_935 = tpu.memref_squeeze %dma_wait3A_934 : memref<1x8x4x1024xf32, #tpu.memory_space<vmem>> -> memref<8x4x1024xf32, #tpu.memory_space<vmem>>
    %dma_wait3A_936 = arith.constant 0 : i32
    %dma_wait3A_937 = arith.constant 0 : i32
    %dma_wait3A_938 = tpu.memref_slice %arg2[%mul3A_759, %dma_wait3A_936, %dma_wait3A_937] : memref<4096x4x1024xf32, #tpu.memory_space<hbm>> -> memref<8x4x1024xf32, #tpu.memory_space<hbm>>
    tpu.wait_dma2 semaphore(%dma_wait3A_930 : memref<!tpu.dma_semaphore, #tpu.memory_space<semaphore_mem>>) src(%dma_wait3A_938 : memref<8x4x1024xf32, #tpu.memory_space<hbm>>) dst(%dma_wait3A_935 : memref<8x4x1024xf32, #tpu.memory_space<vmem>>)
    %dma_wait3A_939 = arith.constant 1 : i32
    %dma_wait3A_940 = arith.constant 1 : i32
    %dma_wait3A_941 = arith.constant 0 : i32
    %dma_wait3A_942 = arith.constant 0 : i32
    %dma_wait3A_943 = tpu.memref_slice %arg6[%dma_wait3A_939, %dma_wait3A_941, %dma_wait3A_942] : memref<3x8x1024xf32, #tpu.memory_space<vmem>> -> memref<1x8x1024xf32, #tpu.memory_space<vmem>>
    %dma_wait3A_944 = tpu.memref_squeeze %dma_wait3A_943 : memref<1x8x1024xf32, #tpu.memory_space<vmem>> -> memref<8x1024xf32, #tpu.memory_space<vmem>>
    %dma_wait3A_945 = arith.constant 0 : i32
    %dma_wait3A_946 = tpu.memref_slice %arg3[%mul3A_759, %dma_wait3A_945] : memref<8192x1024xf32, #tpu.memory_space<hbm>> -> memref<8x1024xf32, #tpu.memory_space<hbm>>
    %dma_wait3A_947 = tpu.memref_slice %arg8[%dma_wait3A_940] : memref<3x!tpu.dma_semaphore, #tpu.memory_space<semaphore_mem>> -> memref<1x!tpu.dma_semaphore, #tpu.memory_space<semaphore_mem>>
    %dma_wait3A_948 = tpu.memref_squeeze %dma_wait3A_947 : memref<1x!tpu.dma_semaphore, #tpu.memory_space<semaphore_mem>> -> memref<!tpu.dma_semaphore, #tpu.memory_space<semaphore_mem>>
    %dma_wait3A_949 = arith.constant 0 : i32
    %dma_wait3A_950 = arith.constant 0 : i32
    %dma_wait3A_951 = tpu.memref_slice %arg6[%dma_wait3A_939, %dma_wait3A_949, %dma_wait3A_950] : memref<3x8x1024xf32, #tpu.memory_space<vmem>> -> memref<1x8x1024xf32, #tpu.memory_space<vmem>>
    %dma_wait3A_952 = tpu.memref_squeeze %dma_wait3A_951 : memref<1x8x1024xf32, #tpu.memory_space<vmem>> -> memref<8x1024xf32, #tpu.memory_space<vmem>>
    %dma_wait3A_953 = arith.constant 0 : i32
    %dma_wait3A_954 = tpu.memref_slice %arg3[%mul3A_759, %dma_wait3A_953] : memref<8192x1024xf32, #tpu.memory_space<hbm>> -> memref<8x1024xf32, #tpu.memory_space<hbm>>
    tpu.wait_dma2 semaphore(%dma_wait3A_948 : memref<!tpu.dma_semaphore, #tpu.memory_space<semaphore_mem>>) src(%dma_wait3A_954 : memref<8x1024xf32, #tpu.memory_space<hbm>>) dst(%dma_wait3A_952 : memref<8x1024xf32, #tpu.memory_space<vmem>>)
    %parallel_loop3A_955 = arith.constant 0 : i32
    %parallel_loop3A_956 = arith.constant 512 : i32
    %parallel_loop3A_957 = arith.constant 1 : i32
    scf.for %parallel_loop3A_1966 = %parallel_loop3A_955 to %parallel_loop3A_956 step %parallel_loop3A_957  : i32 {
      %parallel_loop3A_1967 = arith.constant 64 : i32
      %parallel_loop3A_1968 = arith.divsi %parallel_loop3A_1966, %parallel_loop3A_1967 : i32
      %parallel_loop3A_1969 = arith.constant 0 : i32
      %parallel_loop3A_1970 = arith.cmpi sgt, %parallel_loop3A_1966, %parallel_loop3A_1969 : i32
      %parallel_loop3A_1971 = arith.extui %parallel_loop3A_1970 : i1 to i32
      %parallel_loop3A_1972 = arith.constant 0 : i32
      %parallel_loop3A_1973 = arith.cmpi slt, %parallel_loop3A_1966, %parallel_loop3A_1972 : i32
      %parallel_loop3A_1974 = arith.extui %parallel_loop3A_1973 : i1 to i32
      %parallel_loop3A_1975 = arith.subi %parallel_loop3A_1971, %parallel_loop3A_1974 : i32
      %parallel_loop3A_1976 = arith.constant 0 : i32
      %parallel_loop3A_1977 = arith.cmpi sgt, %parallel_loop3A_1967, %parallel_loop3A_1976 : i32
      %parallel_loop3A_1978 = arith.extui %parallel_loop3A_1977 : i1 to i32
      %parallel_loop3A_1979 = arith.constant 0 : i32
      %parallel_loop3A_1980 = arith.cmpi slt, %parallel_loop3A_1967, %parallel_loop3A_1979 : i32
      %parallel_loop3A_1981 = arith.extui %parallel_loop3A_1980 : i1 to i32
      %parallel_loop3A_1982 = arith.subi %parallel_loop3A_1978, %parallel_loop3A_1981 : i32
      %parallel_loop3A_1983 = arith.cmpi ne, %parallel_loop3A_1975, %parallel_loop3A_1982 : i32
      %parallel_loop3A_1984 = arith.remsi %parallel_loop3A_1966, %parallel_loop3A_1967 : i32
      %parallel_loop3A_1985 = arith.constant 0 : i32
      %parallel_loop3A_1986 = arith.cmpi ne, %parallel_loop3A_1984, %parallel_loop3A_1985 : i32
      %parallel_loop3A_1987 = arith.andi %parallel_loop3A_1983, %parallel_loop3A_1986 : i1
      %parallel_loop3A_1988 = arith.constant 1 : i32
      %parallel_loop3A_1989 = arith.subi %parallel_loop3A_1968, %parallel_loop3A_1988 : i32
      %parallel_loop3A_1990 = arith.select %parallel_loop3A_1987, %parallel_loop3A_1989, %parallel_loop3A_1968 : i32
      %parallel_loop3A_1991 = arith.constant 64 : i32
      %parallel_loop3A_1992 = arith.constant 0 : i32
      %parallel_loop3A_1993 = arith.cmpi eq, %parallel_loop3A_1991, %parallel_loop3A_1992 : i32
      %parallel_loop3A_1994 = arith.constant 1 : i32
      %parallel_loop3A_1995 = arith.select %parallel_loop3A_1993, %parallel_loop3A_1994, %parallel_loop3A_1991 : i32
      %parallel_loop3A_1996 = arith.remsi %parallel_loop3A_1966, %parallel_loop3A_1995 : i32
      %parallel_loop3A_1997 = arith.constant 0 : i32
      %parallel_loop3A_1998 = arith.cmpi ne, %parallel_loop3A_1996, %parallel_loop3A_1997 : i32
      %parallel_loop3A_1999 = arith.constant 0 : i32
      %parallel_loop3A_2000 = arith.cmpi slt, %parallel_loop3A_1996, %parallel_loop3A_1999 : i32
      %parallel_loop3A_2001 = arith.constant 0 : i32
      %parallel_loop3A_2002 = arith.cmpi slt, %parallel_loop3A_1995, %parallel_loop3A_2001 : i32
      %parallel_loop3A_2003 = arith.xori %parallel_loop3A_2000, %parallel_loop3A_2002 : i1
      %parallel_loop3A_2004 = arith.andi %parallel_loop3A_2003, %parallel_loop3A_1998 : i1
      %parallel_loop3A_2005 = arith.addi %parallel_loop3A_1996, %parallel_loop3A_1995 : i32
      %parallel_loop3A_2006 = arith.select %parallel_loop3A_2004, %parallel_loop3A_2005, %parallel_loop3A_1996 : i32
      %parallel_loop3A_2007 = arith.constant 16 : i32
      %parallel_loop3A_2008 = arith.muli %parallel_loop3A_2006, %parallel_loop3A_2007 : i32
      %parallel_loop3A_2009 = arith.constant 1 : i32
      %parallel_loop3A_2010 = arith.index_cast %parallel_loop3A_2009 : i32 to index
      %parallel_loop3A_2011 = arith.index_cast %parallel_loop3A_1990 : i32 to index
      %parallel_loop3A_2012 = arith.index_cast %parallel_loop3A_2008 : i32 to index
      %parallel_loop3A_2013 = tpu.vector_load %arg6[%parallel_loop3A_2010, %parallel_loop3A_2011, %parallel_loop3A_2012] {strides = array<i32>} : memref<3x8x1024xf32, #tpu.memory_space<vmem>>, vector<1x1x16xf32>,
      %parallel_loop3A_2014 = vector.shape_cast %parallel_loop3A_2013 : vector<1x1x16xf32> to vector<16xf32>
      %parallel_loop3A_2015 = arith.constant 3.125000e-02 : f32
      %parallel_loop3A_2016 = vector.broadcast %parallel_loop3A_2015 : f32 to vector<16xf32>
      %parallel_loop3A_2017 = arith.mulf %parallel_loop3A_2014, %parallel_loop3A_2016 : vector<16xf32>
      %parallel_loop3A_2018 = arith.constant 1 : i32
      %parallel_loop3A_2019 = arith.constant 0 : i32
      %parallel_loop3A_2020 = arith.index_cast %parallel_loop3A_2018 : i32 to index
      %parallel_loop3A_2021 = arith.index_cast %parallel_loop3A_1990 : i32 to index
      %parallel_loop3A_2022 = arith.index_cast %parallel_loop3A_2019 : i32 to index
      %parallel_loop3A_2023 = arith.index_cast %parallel_loop3A_2008 : i32 to index
      %parallel_loop3A_2024 = tpu.vector_load %arg5[%parallel_loop3A_2020, %parallel_loop3A_2021, %parallel_loop3A_2022, %parallel_loop3A_2023] {strides = array<i32>} : memref<3x8x4x1024xf32, #tpu.memory_space<vmem>>, vector<1x1x1x16xf32>,
      %parallel_loop3A_2025 = vector.shape_cast %parallel_loop3A_2024 : vector<1x1x1x16xf32> to vector<16xf32>
      %parallel_loop3A_2026 = vector.shape_cast %parallel_loop3A_2017 : vector<16xf32> to vector<1x1x1x16xf32>
      tpu.vector_store %arg5[%parallel_loop3A_2020, %parallel_loop3A_2021, %parallel_loop3A_2022, %parallel_loop3A_2023], %parallel_loop3A_2026 {add = true, strides = array<i32>} : memref<3x8x4x1024xf32, #tpu.memory_space<vmem>>, vector<1x1x1x16xf32>,
      %parallel_loop3A_2027 = arith.constant 1 : i32
      %parallel_loop3A_2028 = arith.constant 1 : i32
      %parallel_loop3A_2029 = arith.index_cast %parallel_loop3A_2027 : i32 to index
      %parallel_loop3A_2030 = arith.index_cast %parallel_loop3A_1990 : i32 to index
      %parallel_loop3A_2031 = arith.index_cast %parallel_loop3A_2028 : i32 to index
      %parallel_loop3A_2032 = arith.index_cast %parallel_loop3A_2008 : i32 to index
      %parallel_loop3A_2033 = tpu.vector_load %arg5[%parallel_loop3A_2029, %parallel_loop3A_2030, %parallel_loop3A_2031, %parallel_loop3A_2032] {strides = array<i32>} : memref<3x8x4x1024xf32, #tpu.memory_space<vmem>>, vector<1x1x1x16xf32>,
      %parallel_loop3A_2034 = vector.shape_cast %parallel_loop3A_2033 : vector<1x1x1x16xf32> to vector<16xf32>
      %parallel_loop3A_2035 = vector.shape_cast %parallel_loop3A_2017 : vector<16xf32> to vector<1x1x1x16xf32>
      tpu.vector_store %arg5[%parallel_loop3A_2029, %parallel_loop3A_2030, %parallel_loop3A_2031, %parallel_loop3A_2032], %parallel_loop3A_2035 {add = true, strides = array<i32>} : memref<3x8x4x1024xf32, #tpu.memory_space<vmem>>, vector<1x1x1x16xf32>,
      %parallel_loop3A_2036 = arith.constant 1 : i32
      %parallel_loop3A_2037 = arith.constant 2 : i32
      %parallel_loop3A_2038 = arith.index_cast %parallel_loop3A_2036 : i32 to index
      %parallel_loop3A_2039 = arith.index_cast %parallel_loop3A_1990 : i32 to index
      %parallel_loop3A_2040 = arith.index_cast %parallel_loop3A_2037 : i32 to index
      %parallel_loop3A_2041 = arith.index_cast %parallel_loop3A_2008 : i32 to index
      %parallel_loop3A_2042 = tpu.vector_load %arg5[%parallel_loop3A_2038, %parallel_loop3A_2039, %parallel_loop3A_2040, %parallel_loop3A_2041] {strides = array<i32>} : memref<3x8x4x1024xf32, #tpu.memory_space<vmem>>, vector<1x1x1x16xf32>,
      %parallel_loop3A_2043 = vector.shape_cast %parallel_loop3A_2042 : vector<1x1x1x16xf32> to vector<16xf32>
      %parallel_loop3A_2044 = vector.shape_cast %parallel_loop3A_2017 : vector<16xf32> to vector<1x1x1x16xf32>
      tpu.vector_store %arg5[%parallel_loop3A_2038, %parallel_loop3A_2039, %parallel_loop3A_2040, %parallel_loop3A_2041], %parallel_loop3A_2044 {add = true, strides = array<i32>} : memref<3x8x4x1024xf32, #tpu.memory_space<vmem>>, vector<1x1x1x16xf32>,
      %parallel_loop3A_2045 = arith.constant 1 : i32
      %parallel_loop3A_2046 = arith.constant 3 : i32
      %parallel_loop3A_2047 = arith.index_cast %parallel_loop3A_2045 : i32 to index
      %parallel_loop3A_2048 = arith.index_cast %parallel_loop3A_1990 : i32 to index
      %parallel_loop3A_2049 = arith.index_cast %parallel_loop3A_2046 : i32 to index
      %parallel_loop3A_2050 = arith.index_cast %parallel_loop3A_2008 : i32 to index
      %parallel_loop3A_2051 = tpu.vector_load %arg5[%parallel_loop3A_2047, %parallel_loop3A_2048, %parallel_loop3A_2049, %parallel_loop3A_2050] {strides = array<i32>} : memref<3x8x4x1024xf32, #tpu.memory_space<vmem>>, vector<1x1x1x16xf32>,
      %parallel_loop3A_2052 = vector.shape_cast %parallel_loop3A_2051 : vector<1x1x1x16xf32> to vector<16xf32>
      %parallel_loop3A_2053 = vector.shape_cast %parallel_loop3A_2017 : vector<16xf32> to vector<1x1x1x16xf32>
      tpu.vector_store %arg5[%parallel_loop3A_2047, %parallel_loop3A_2048, %parallel_loop3A_2049, %parallel_loop3A_2050], %parallel_loop3A_2053 {add = true, strides = array<i32>} : memref<3x8x4x1024xf32, #tpu.memory_space<vmem>>, vector<1x1x1x16xf32>,
    } {sc.loop_unroll_factor = 4 : i64, sc.parallel_access}
    %add3A_958 = arith.constant 224 : i32
    %add3A_959 = arith.addi %add3A_958, %add3A : i32
    %mul3A_960 = arith.constant 8 : i32
    %mul3A_961 = arith.muli %add3A_959, %mul3A_960 : i32
    %dma_start3A_962 = arith.constant 1 : i32
    %dma_start3A_963 = arith.constant 1 : i32
    %dma_start3A_964 = arith.constant 0 : i32
    %dma_start3A_965 = arith.constant 0 : i32
    %dma_start3A_966 = arith.constant 0 : i32
    %dma_start3A_967 = tpu.memref_slice %arg5[%dma_start3A_962, %dma_start3A_964, %dma_start3A_965, %dma_start3A_966] : memref<3x8x4x1024xf32, #tpu.memory_space<vmem>> -> memref<1x8x4x1024xf32, #tpu.memory_space<vmem>>
    %dma_start3A_968 = tpu.memref_squeeze %dma_start3A_967 : memref<1x8x4x1024xf32, #tpu.memory_space<vmem>> -> memref<8x4x1024xf32, #tpu.memory_space<vmem>>
    %dma_start3A_969 = arith.constant 0 : i32
    %dma_start3A_970 = arith.constant 0 : i32
    %dma_start3A_971 = tpu.memref_slice %arg4[%mul3A_961, %dma_start3A_969, %dma_start3A_970] : memref<4096x4x1024xf32, #tpu.memory_space<hbm>> -> memref<8x4x1024xf32, #tpu.memory_space<hbm>>
    %dma_start3A_972 = tpu.memref_slice %arg9[%dma_start3A_963] : memref<3x!tpu.dma_semaphore, #tpu.memory_space<semaphore_mem>> -> memref<1x!tpu.dma_semaphore, #tpu.memory_space<semaphore_mem>>
    %dma_start3A_973 = tpu.memref_squeeze %dma_start3A_972 : memref<1x!tpu.dma_semaphore, #tpu.memory_space<semaphore_mem>> -> memref<!tpu.dma_semaphore, #tpu.memory_space<semaphore_mem>>
    %dma_start3A_974 = arith.constant 0 : i32
    %dma_start3A_975 = arith.constant 0 : i32
    %dma_start3A_976 = tpu.memref_slice %arg4[%mul3A_961, %dma_start3A_974, %dma_start3A_975] : memref<4096x4x1024xf32, #tpu.memory_space<hbm>> -> memref<8x4x1024xf32, #tpu.memory_space<hbm>>
    %dma_start3A_977 = arith.constant 0 : i32
    %dma_start3A_978 = arith.constant 0 : i32
    %dma_start3A_979 = arith.constant 0 : i32
    %dma_start3A_980 = tpu.memref_slice %arg5[%dma_start3A_962, %dma_start3A_977, %dma_start3A_978, %dma_start3A_979] : memref<3x8x4x1024xf32, #tpu.memory_space<vmem>> -> memref<1x8x4x1024xf32, #tpu.memory_space<vmem>>
    %dma_start3A_981 = tpu.memref_squeeze %dma_start3A_980 : memref<1x8x4x1024xf32, #tpu.memory_space<vmem>> -> memref<8x4x1024xf32, #tpu.memory_space<vmem>>
    tpu.enqueue_dma source(%dma_start3A_981 : memref<8x4x1024xf32, #tpu.memory_space<vmem>>) target(%dma_start3A_976 : memref<8x4x1024xf32, #tpu.memory_space<hbm>>) target_semaphore(%dma_start3A_973 : memref<!tpu.dma_semaphore, #tpu.memory_space<semaphore_mem>>)
    %dma_wait3A_982 = arith.constant 0 : i32
    %dma_wait3A_983 = arith.constant 0 : i32
    %dma_wait3A_984 = arith.constant 0 : i32
    %dma_wait3A_985 = arith.constant 0 : i32
    %dma_wait3A_986 = arith.constant 0 : i32
    %dma_wait3A_987 = tpu.memref_slice %arg5[%dma_wait3A_982, %dma_wait3A_984, %dma_wait3A_985, %dma_wait3A_986] : memref<3x8x4x1024xf32, #tpu.memory_space<vmem>> -> memref<1x8x4x1024xf32, #tpu.memory_space<vmem>>
    %dma_wait3A_988 = tpu.memref_squeeze %dma_wait3A_987 : memref<1x8x4x1024xf32, #tpu.memory_space<vmem>> -> memref<8x4x1024xf32, #tpu.memory_space<vmem>>
    %dma_wait3A_989 = arith.constant 0 : i32
    %dma_wait3A_990 = arith.constant 0 : i32
    %dma_wait3A_991 = tpu.memref_slice %arg4[%mul3A_838, %dma_wait3A_989, %dma_wait3A_990] : memref<4096x4x1024xf32, #tpu.memory_space<hbm>> -> memref<8x4x1024xf32, #tpu.memory_space<hbm>>
    %dma_wait3A_992 = tpu.memref_slice %arg9[%dma_wait3A_983] : memref<3x!tpu.dma_semaphore, #tpu.memory_space<semaphore_mem>> -> memref<1x!tpu.dma_semaphore, #tpu.memory_space<semaphore_mem>>
    %dma_wait3A_993 = tpu.memref_squeeze %dma_wait3A_992 : memref<1x!tpu.dma_semaphore, #tpu.memory_space<semaphore_mem>> -> memref<!tpu.dma_semaphore, #tpu.memory_space<semaphore_mem>>
    %dma_wait3A_994 = arith.constant 0 : i32
    %dma_wait3A_995 = arith.constant 0 : i32
    %dma_wait3A_996 = tpu.memref_slice %arg4[%mul3A_838, %dma_wait3A_994, %dma_wait3A_995] : memref<4096x4x1024xf32, #tpu.memory_space<hbm>> -> memref<8x4x1024xf32, #tpu.memory_space<hbm>>
    %dma_wait3A_997 = arith.constant 0 : i32
    %dma_wait3A_998 = arith.constant 0 : i32
    %dma_wait3A_999 = arith.constant 0 : i32
    %dma_wait3A_1000 = tpu.memref_slice %arg5[%dma_wait3A_982, %dma_wait3A_997, %dma_wait3A_998, %dma_wait3A_999] : memref<3x8x4x1024xf32, #tpu.memory_space<vmem>> -> memref<1x8x4x1024xf32, #tpu.memory_space<vmem>>
    %dma_wait3A_1001 = tpu.memref_squeeze %dma_wait3A_1000 : memref<1x8x4x1024xf32, #tpu.memory_space<vmem>> -> memref<8x4x1024xf32, #tpu.memory_space<vmem>>
    tpu.wait_dma2 semaphore(%dma_wait3A_993 : memref<!tpu.dma_semaphore, #tpu.memory_space<semaphore_mem>>) src(%dma_wait3A_1001 : memref<8x4x1024xf32, #tpu.memory_space<vmem>>) dst(%dma_wait3A_996 : memref<8x4x1024xf32, #tpu.memory_space<hbm>>)
    %add3A_1002 = arith.constant 288 : i32
    %add3A_1003 = arith.addi %add3A_1002, %add3A : i32
    %mul3A_1004 = arith.constant 8 : i32
    %mul3A_1005 = arith.muli %add3A_1003, %mul3A_1004 : i32
    %dma_start3A_1006 = arith.constant 0 : i32
    %dma_start3A_1007 = arith.constant 0 : i32
    %dma_start3A_1008 = arith.constant 0 : i32
    %dma_start3A_1009 = arith.constant 0 : i32
    %dma_start3A_1010 = arith.constant 0 : i32
    %dma_start3A_1011 = tpu.memref_slice %arg5[%dma_start3A_1006, %dma_start3A_1008, %dma_start3A_1009, %dma_start3A_1010] : memref<3x8x4x1024xf32, #tpu.memory_space<vmem>> -> memref<1x8x4x1024xf32, #tpu.memory_space<vmem>>
    %dma_start3A_1012 = tpu.memref_squeeze %dma_start3A_1011 : memref<1x8x4x1024xf32, #tpu.memory_space<vmem>> -> memref<8x4x1024xf32, #tpu.memory_space<vmem>>
    %dma_start3A_1013 = arith.constant 0 : i32
    %dma_start3A_1014 = arith.constant 0 : i32
    %dma_start3A_1015 = tpu.memref_slice %arg2[%mul3A_1005, %dma_start3A_1013, %dma_start3A_1014] : memref<4096x4x1024xf32, #tpu.memory_space<hbm>> -> memref<8x4x1024xf32, #tpu.memory_space<hbm>>
    %dma_start3A_1016 = tpu.memref_slice %arg7[%dma_start3A_1007] : memref<3x!tpu.dma_semaphore, #tpu.memory_space<semaphore_mem>> -> memref<1x!tpu.dma_semaphore, #tpu.memory_space<semaphore_mem>>
    %dma_start3A_1017 = tpu.memref_squeeze %dma_start3A_1016 : memref<1x!tpu.dma_semaphore, #tpu.memory_space<semaphore_mem>> -> memref<!tpu.dma_semaphore, #tpu.memory_space<semaphore_mem>>
    %dma_start3A_1018 = arith.constant 0 : i32
    %dma_start3A_1019 = arith.constant 0 : i32
    %dma_start3A_1020 = arith.constant 0 : i32
    %dma_start3A_1021 = tpu.memref_slice %arg5[%dma_start3A_1006, %dma_start3A_1018, %dma_start3A_1019, %dma_start3A_1020] : memref<3x8x4x1024xf32, #tpu.memory_space<vmem>> -> memref<1x8x4x1024xf32, #tpu.memory_space<vmem>>
    %dma_start3A_1022 = tpu.memref_squeeze %dma_start3A_1021 : memref<1x8x4x1024xf32, #tpu.memory_space<vmem>> -> memref<8x4x1024xf32, #tpu.memory_space<vmem>>
    %dma_start3A_1023 = arith.constant 0 : i32
    %dma_start3A_1024 = arith.constant 0 : i32
    %dma_start3A_1025 = tpu.memref_slice %arg2[%mul3A_1005, %dma_start3A_1023, %dma_start3A_1024] : memref<4096x4x1024xf32, #tpu.memory_space<hbm>> -> memref<8x4x1024xf32, #tpu.memory_space<hbm>>
    tpu.enqueue_dma source(%dma_start3A_1025 : memref<8x4x1024xf32, #tpu.memory_space<hbm>>) target(%dma_start3A_1022 : memref<8x4x1024xf32, #tpu.memory_space<vmem>>) target_semaphore(%dma_start3A_1017 : memref<!tpu.dma_semaphore, #tpu.memory_space<semaphore_mem>>)
    %dma_start3A_1026 = arith.constant 0 : i32
    %dma_start3A_1027 = arith.constant 0 : i32
    %dma_start3A_1028 = arith.constant 0 : i32
    %dma_start3A_1029 = arith.constant 0 : i32
    %dma_start3A_1030 = tpu.memref_slice %arg6[%dma_start3A_1026, %dma_start3A_1028, %dma_start3A_1029] : memref<3x8x1024xf32, #tpu.memory_space<vmem>> -> memref<1x8x1024xf32, #tpu.memory_space<vmem>>
    %dma_start3A_1031 = tpu.memref_squeeze %dma_start3A_1030 : memref<1x8x1024xf32, #tpu.memory_space<vmem>> -> memref<8x1024xf32, #tpu.memory_space<vmem>>
    %dma_start3A_1032 = arith.constant 0 : i32
    %dma_start3A_1033 = tpu.memref_slice %arg3[%mul3A_1005, %dma_start3A_1032] : memref<8192x1024xf32, #tpu.memory_space<hbm>> -> memref<8x1024xf32, #tpu.memory_space<hbm>>
    %dma_start3A_1034 = tpu.memref_slice %arg8[%dma_start3A_1027] : memref<3x!tpu.dma_semaphore, #tpu.memory_space<semaphore_mem>> -> memref<1x!tpu.dma_semaphore, #tpu.memory_space<semaphore_mem>>
    %dma_start3A_1035 = tpu.memref_squeeze %dma_start3A_1034 : memref<1x!tpu.dma_semaphore, #tpu.memory_space<semaphore_mem>> -> memref<!tpu.dma_semaphore, #tpu.memory_space<semaphore_mem>>
    %dma_start3A_1036 = arith.constant 0 : i32
    %dma_start3A_1037 = arith.constant 0 : i32
    %dma_start3A_1038 = tpu.memref_slice %arg6[%dma_start3A_1026, %dma_start3A_1036, %dma_start3A_1037] : memref<3x8x1024xf32, #tpu.memory_space<vmem>> -> memref<1x8x1024xf32, #tpu.memory_space<vmem>>
    %dma_start3A_1039 = tpu.memref_squeeze %dma_start3A_1038 : memref<1x8x1024xf32, #tpu.memory_space<vmem>> -> memref<8x1024xf32, #tpu.memory_space<vmem>>
    %dma_start3A_1040 = arith.constant 0 : i32
    %dma_start3A_1041 = tpu.memref_slice %arg3[%mul3A_1005, %dma_start3A_1040] : memref<8192x1024xf32, #tpu.memory_space<hbm>> -> memref<8x1024xf32, #tpu.memory_space<hbm>>
    tpu.enqueue_dma source(%dma_start3A_1041 : memref<8x1024xf32, #tpu.memory_space<hbm>>) target(%dma_start3A_1039 : memref<8x1024xf32, #tpu.memory_space<vmem>>) target_semaphore(%dma_start3A_1035 : memref<!tpu.dma_semaphore, #tpu.memory_space<semaphore_mem>>)
    %dma_wait3A_1042 = arith.constant 2 : i32
    %dma_wait3A_1043 = arith.constant 2 : i32
    %dma_wait3A_1044 = arith.constant 0 : i32
    %dma_wait3A_1045 = arith.constant 0 : i32
    %dma_wait3A_1046 = arith.constant 0 : i32
    %dma_wait3A_1047 = tpu.memref_slice %arg5[%dma_wait3A_1042, %dma_wait3A_1044, %dma_wait3A_1045, %dma_wait3A_1046] : memref<3x8x4x1024xf32, #tpu.memory_space<vmem>> -> memref<1x8x4x1024xf32, #tpu.memory_space<vmem>>
    %dma_wait3A_1048 = tpu.memref_squeeze %dma_wait3A_1047 : memref<1x8x4x1024xf32, #tpu.memory_space<vmem>> -> memref<8x4x1024xf32, #tpu.memory_space<vmem>>
    %dma_wait3A_1049 = arith.constant 0 : i32
    %dma_wait3A_1050 = arith.constant 0 : i32
    %dma_wait3A_1051 = tpu.memref_slice %arg2[%mul3A_882, %dma_wait3A_1049, %dma_wait3A_1050] : memref<4096x4x1024xf32, #tpu.memory_space<hbm>> -> memref<8x4x1024xf32, #tpu.memory_space<hbm>>
    %dma_wait3A_1052 = tpu.memref_slice %arg7[%dma_wait3A_1043] : memref<3x!tpu.dma_semaphore, #tpu.memory_space<semaphore_mem>> -> memref<1x!tpu.dma_semaphore, #tpu.memory_space<semaphore_mem>>
    %dma_wait3A_1053 = tpu.memref_squeeze %dma_wait3A_1052 : memref<1x!tpu.dma_semaphore, #tpu.memory_space<semaphore_mem>> -> memref<!tpu.dma_semaphore, #tpu.memory_space<semaphore_mem>>
    %dma_wait3A_1054 = arith.constant 0 : i32
    %dma_wait3A_1055 = arith.constant 0 : i32
    %dma_wait3A_1056 = arith.constant 0 : i32
    %dma_wait3A_1057 = tpu.memref_slice %arg5[%dma_wait3A_1042, %dma_wait3A_1054, %dma_wait3A_1055, %dma_wait3A_1056] : memref<3x8x4x1024xf32, #tpu.memory_space<vmem>> -> memref<1x8x4x1024xf32, #tpu.memory_space<vmem>>
    %dma_wait3A_1058 = tpu.memref_squeeze %dma_wait3A_1057 : memref<1x8x4x1024xf32, #tpu.memory_space<vmem>> -> memref<8x4x1024xf32, #tpu.memory_space<vmem>>
    %dma_wait3A_1059 = arith.constant 0 : i32
    %dma_wait3A_1060 = arith.constant 0 : i32
    %dma_wait3A_1061 = tpu.memref_slice %arg2[%mul3A_882, %dma_wait3A_1059, %dma_wait3A_1060] : memref<4096x4x1024xf32, #tpu.memory_space<hbm>> -> memref<8x4x1024xf32, #tpu.memory_space<hbm>>
    tpu.wait_dma2 semaphore(%dma_wait3A_1053 : memref<!tpu.dma_semaphore, #tpu.memory_space<semaphore_mem>>) src(%dma_wait3A_1061 : memref<8x4x1024xf32, #tpu.memory_space<hbm>>) dst(%dma_wait3A_1058 : memref<8x4x1024xf32, #tpu.memory_space<vmem>>)
    %dma_wait3A_1062 = arith.constant 2 : i32
    %dma_wait3A_1063 = arith.constant 2 : i32
    %dma_wait3A_1064 = arith.constant 0 : i32
    %dma_wait3A_1065 = arith.constant 0 : i32
    %dma_wait3A_1066 = tpu.memref_slice %arg6[%dma_wait3A_1062, %dma_wait3A_1064, %dma_wait3A_1065] : memref<3x8x1024xf32, #tpu.memory_space<vmem>> -> memref<1x8x1024xf32, #tpu.memory_space<vmem>>
    %dma_wait3A_1067 = tpu.memref_squeeze %dma_wait3A_1066 : memref<1x8x1024xf32, #tpu.memory_space<vmem>> -> memref<8x1024xf32, #tpu.memory_space<vmem>>
    %dma_wait3A_1068 = arith.constant 0 : i32
    %dma_wait3A_1069 = tpu.memref_slice %arg3[%mul3A_882, %dma_wait3A_1068] : memref<8192x1024xf32, #tpu.memory_space<hbm>> -> memref<8x1024xf32, #tpu.memory_space<hbm>>
    %dma_wait3A_1070 = tpu.memref_slice %arg8[%dma_wait3A_1063] : memref<3x!tpu.dma_semaphore, #tpu.memory_space<semaphore_mem>> -> memref<1x!tpu.dma_semaphore, #tpu.memory_space<semaphore_mem>>
    %dma_wait3A_1071 = tpu.memref_squeeze %dma_wait3A_1070 : memref<1x!tpu.dma_semaphore, #tpu.memory_space<semaphore_mem>> -> memref<!tpu.dma_semaphore, #tpu.memory_space<semaphore_mem>>
    %dma_wait3A_1072 = arith.constant 0 : i32
    %dma_wait3A_1073 = arith.constant 0 : i32
    %dma_wait3A_1074 = tpu.memref_slice %arg6[%dma_wait3A_1062, %dma_wait3A_1072, %dma_wait3A_1073] : memref<3x8x1024xf32, #tpu.memory_space<vmem>> -> memref<1x8x1024xf32, #tpu.memory_space<vmem>>
    %dma_wait3A_1075 = tpu.memref_squeeze %dma_wait3A_1074 : memref<1x8x1024xf32, #tpu.memory_space<vmem>> -> memref<8x1024xf32, #tpu.memory_space<vmem>>
    %dma_wait3A_1076 = arith.constant 0 : i32
    %dma_wait3A_1077 = tpu.memref_slice %arg3[%mul3A_882, %dma_wait3A_1076] : memref<8192x1024xf32, #tpu.memory_space<hbm>> -> memref<8x1024xf32, #tpu.memory_space<hbm>>
    tpu.wait_dma2 semaphore(%dma_wait3A_1071 : memref<!tpu.dma_semaphore, #tpu.memory_space<semaphore_mem>>) src(%dma_wait3A_1077 : memref<8x1024xf32, #tpu.memory_space<hbm>>) dst(%dma_wait3A_1075 : memref<8x1024xf32, #tpu.memory_space<vmem>>)
    %parallel_loop3A_1078 = arith.constant 0 : i32
    %parallel_loop3A_1079 = arith.constant 512 : i32
    %parallel_loop3A_1080 = arith.constant 1 : i32
    scf.for %parallel_loop3A_1966 = %parallel_loop3A_1078 to %parallel_loop3A_1079 step %parallel_loop3A_1080  : i32 {
      %parallel_loop3A_1967 = arith.constant 64 : i32
      %parallel_loop3A_1968 = arith.divsi %parallel_loop3A_1966, %parallel_loop3A_1967 : i32
      %parallel_loop3A_1969 = arith.constant 0 : i32
      %parallel_loop3A_1970 = arith.cmpi sgt, %parallel_loop3A_1966, %parallel_loop3A_1969 : i32
      %parallel_loop3A_1971 = arith.extui %parallel_loop3A_1970 : i1 to i32
      %parallel_loop3A_1972 = arith.constant 0 : i32
      %parallel_loop3A_1973 = arith.cmpi slt, %parallel_loop3A_1966, %parallel_loop3A_1972 : i32
      %parallel_loop3A_1974 = arith.extui %parallel_loop3A_1973 : i1 to i32
      %parallel_loop3A_1975 = arith.subi %parallel_loop3A_1971, %parallel_loop3A_1974 : i32
      %parallel_loop3A_1976 = arith.constant 0 : i32
      %parallel_loop3A_1977 = arith.cmpi sgt, %parallel_loop3A_1967, %parallel_loop3A_1976 : i32
      %parallel_loop3A_1978 = arith.extui %parallel_loop3A_1977 : i1 to i32
      %parallel_loop3A_1979 = arith.constant 0 : i32
      %parallel_loop3A_1980 = arith.cmpi slt, %parallel_loop3A_1967, %parallel_loop3A_1979 : i32
      %parallel_loop3A_1981 = arith.extui %parallel_loop3A_1980 : i1 to i32
      %parallel_loop3A_1982 = arith.subi %parallel_loop3A_1978, %parallel_loop3A_1981 : i32
      %parallel_loop3A_1983 = arith.cmpi ne, %parallel_loop3A_1975, %parallel_loop3A_1982 : i32
      %parallel_loop3A_1984 = arith.remsi %parallel_loop3A_1966, %parallel_loop3A_1967 : i32
      %parallel_loop3A_1985 = arith.constant 0 : i32
      %parallel_loop3A_1986 = arith.cmpi ne, %parallel_loop3A_1984, %parallel_loop3A_1985 : i32
      %parallel_loop3A_1987 = arith.andi %parallel_loop3A_1983, %parallel_loop3A_1986 : i1
      %parallel_loop3A_1988 = arith.constant 1 : i32
      %parallel_loop3A_1989 = arith.subi %parallel_loop3A_1968, %parallel_loop3A_1988 : i32
      %parallel_loop3A_1990 = arith.select %parallel_loop3A_1987, %parallel_loop3A_1989, %parallel_loop3A_1968 : i32
      %parallel_loop3A_1991 = arith.constant 64 : i32
      %parallel_loop3A_1992 = arith.constant 0 : i32
      %parallel_loop3A_1993 = arith.cmpi eq, %parallel_loop3A_1991, %parallel_loop3A_1992 : i32
      %parallel_loop3A_1994 = arith.constant 1 : i32
      %parallel_loop3A_1995 = arith.select %parallel_loop3A_1993, %parallel_loop3A_1994, %parallel_loop3A_1991 : i32
      %parallel_loop3A_1996 = arith.remsi %parallel_loop3A_1966, %parallel_loop3A_1995 : i32
      %parallel_loop3A_1997 = arith.constant 0 : i32
      %parallel_loop3A_1998 = arith.cmpi ne, %parallel_loop3A_1996, %parallel_loop3A_1997 : i32
      %parallel_loop3A_1999 = arith.constant 0 : i32
      %parallel_loop3A_2000 = arith.cmpi slt, %parallel_loop3A_1996, %parallel_loop3A_1999 : i32
      %parallel_loop3A_2001 = arith.constant 0 : i32
      %parallel_loop3A_2002 = arith.cmpi slt, %parallel_loop3A_1995, %parallel_loop3A_2001 : i32
      %parallel_loop3A_2003 = arith.xori %parallel_loop3A_2000, %parallel_loop3A_2002 : i1
      %parallel_loop3A_2004 = arith.andi %parallel_loop3A_2003, %parallel_loop3A_1998 : i1
      %parallel_loop3A_2005 = arith.addi %parallel_loop3A_1996, %parallel_loop3A_1995 : i32
      %parallel_loop3A_2006 = arith.select %parallel_loop3A_2004, %parallel_loop3A_2005, %parallel_loop3A_1996 : i32
      %parallel_loop3A_2007 = arith.constant 16 : i32
      %parallel_loop3A_2008 = arith.muli %parallel_loop3A_2006, %parallel_loop3A_2007 : i32
      %parallel_loop3A_2009 = arith.constant 2 : i32
      %parallel_loop3A_2010 = arith.index_cast %parallel_loop3A_2009 : i32 to index
      %parallel_loop3A_2011 = arith.index_cast %parallel_loop3A_1990 : i32 to index
      %parallel_loop3A_2012 = arith.index_cast %parallel_loop3A_2008 : i32 to index
      %parallel_loop3A_2013 = tpu.vector_load %arg6[%parallel_loop3A_2010, %parallel_loop3A_2011, %parallel_loop3A_2012] {strides = array<i32>} : memref<3x8x1024xf32, #tpu.memory_space<vmem>>, vector<1x1x16xf32>,
      %parallel_loop3A_2014 = vector.shape_cast %parallel_loop3A_2013 : vector<1x1x16xf32> to vector<16xf32>
      %parallel_loop3A_2015 = arith.constant 3.125000e-02 : f32
      %parallel_loop3A_2016 = vector.broadcast %parallel_loop3A_2015 : f32 to vector<16xf32>
      %parallel_loop3A_2017 = arith.mulf %parallel_loop3A_2014, %parallel_loop3A_2016 : vector<16xf32>
      %parallel_loop3A_2018 = arith.constant 2 : i32
      %parallel_loop3A_2019 = arith.constant 0 : i32
      %parallel_loop3A_2020 = arith.index_cast %parallel_loop3A_2018 : i32 to index
      %parallel_loop3A_2021 = arith.index_cast %parallel_loop3A_1990 : i32 to index
      %parallel_loop3A_2022 = arith.index_cast %parallel_loop3A_2019 : i32 to index
      %parallel_loop3A_2023 = arith.index_cast %parallel_loop3A_2008 : i32 to index
      %parallel_loop3A_2024 = tpu.vector_load %arg5[%parallel_loop3A_2020, %parallel_loop3A_2021, %parallel_loop3A_2022, %parallel_loop3A_2023] {strides = array<i32>} : memref<3x8x4x1024xf32, #tpu.memory_space<vmem>>, vector<1x1x1x16xf32>,
      %parallel_loop3A_2025 = vector.shape_cast %parallel_loop3A_2024 : vector<1x1x1x16xf32> to vector<16xf32>
      %parallel_loop3A_2026 = vector.shape_cast %parallel_loop3A_2017 : vector<16xf32> to vector<1x1x1x16xf32>
      tpu.vector_store %arg5[%parallel_loop3A_2020, %parallel_loop3A_2021, %parallel_loop3A_2022, %parallel_loop3A_2023], %parallel_loop3A_2026 {add = true, strides = array<i32>} : memref<3x8x4x1024xf32, #tpu.memory_space<vmem>>, vector<1x1x1x16xf32>,
      %parallel_loop3A_2027 = arith.constant 2 : i32
      %parallel_loop3A_2028 = arith.constant 1 : i32
      %parallel_loop3A_2029 = arith.index_cast %parallel_loop3A_2027 : i32 to index
      %parallel_loop3A_2030 = arith.index_cast %parallel_loop3A_1990 : i32 to index
      %parallel_loop3A_2031 = arith.index_cast %parallel_loop3A_2028 : i32 to index
      %parallel_loop3A_2032 = arith.index_cast %parallel_loop3A_2008 : i32 to index
      %parallel_loop3A_2033 = tpu.vector_load %arg5[%parallel_loop3A_2029, %parallel_loop3A_2030, %parallel_loop3A_2031, %parallel_loop3A_2032] {strides = array<i32>} : memref<3x8x4x1024xf32, #tpu.memory_space<vmem>>, vector<1x1x1x16xf32>,
      %parallel_loop3A_2034 = vector.shape_cast %parallel_loop3A_2033 : vector<1x1x1x16xf32> to vector<16xf32>
      %parallel_loop3A_2035 = vector.shape_cast %parallel_loop3A_2017 : vector<16xf32> to vector<1x1x1x16xf32>
      tpu.vector_store %arg5[%parallel_loop3A_2029, %parallel_loop3A_2030, %parallel_loop3A_2031, %parallel_loop3A_2032], %parallel_loop3A_2035 {add = true, strides = array<i32>} : memref<3x8x4x1024xf32, #tpu.memory_space<vmem>>, vector<1x1x1x16xf32>,
      %parallel_loop3A_2036 = arith.constant 2 : i32
      %parallel_loop3A_2037 = arith.constant 2 : i32
      %parallel_loop3A_2038 = arith.index_cast %parallel_loop3A_2036 : i32 to index
      %parallel_loop3A_2039 = arith.index_cast %parallel_loop3A_1990 : i32 to index
      %parallel_loop3A_2040 = arith.index_cast %parallel_loop3A_2037 : i32 to index
      %parallel_loop3A_2041 = arith.index_cast %parallel_loop3A_2008 : i32 to index
      %parallel_loop3A_2042 = tpu.vector_load %arg5[%parallel_loop3A_2038, %parallel_loop3A_2039, %parallel_loop3A_2040, %parallel_loop3A_2041] {strides = array<i32>} : memref<3x8x4x1024xf32, #tpu.memory_space<vmem>>, vector<1x1x1x16xf32>,
      %parallel_loop3A_2043 = vector.shape_cast %parallel_loop3A_2042 : vector<1x1x1x16xf32> to vector<16xf32>
      %parallel_loop3A_2044 = vector.shape_cast %parallel_loop3A_2017 : vector<16xf32> to vector<1x1x1x16xf32>
      tpu.vector_store %arg5[%parallel_loop3A_2038, %parallel_loop3A_2039, %parallel_loop3A_2040, %parallel_loop3A_2041], %parallel_loop3A_2044 {add = true, strides = array<i32>} : memref<3x8x4x1024xf32, #tpu.memory_space<vmem>>, vector<1x1x1x16xf32>,
      %parallel_loop3A_2045 = arith.constant 2 : i32
      %parallel_loop3A_2046 = arith.constant 3 : i32
      %parallel_loop3A_2047 = arith.index_cast %parallel_loop3A_2045 : i32 to index
      %parallel_loop3A_2048 = arith.index_cast %parallel_loop3A_1990 : i32 to index
      %parallel_loop3A_2049 = arith.index_cast %parallel_loop3A_2046 : i32 to index
      %parallel_loop3A_2050 = arith.index_cast %parallel_loop3A_2008 : i32 to index
      %parallel_loop3A_2051 = tpu.vector_load %arg5[%parallel_loop3A_2047, %parallel_loop3A_2048, %parallel_loop3A_2049, %parallel_loop3A_2050] {strides = array<i32>} : memref<3x8x4x1024xf32, #tpu.memory_space<vmem>>, vector<1x1x1x16xf32>,
      %parallel_loop3A_2052 = vector.shape_cast %parallel_loop3A_2051 : vector<1x1x1x16xf32> to vector<16xf32>
      %parallel_loop3A_2053 = vector.shape_cast %parallel_loop3A_2017 : vector<16xf32> to vector<1x1x1x16xf32>
      tpu.vector_store %arg5[%parallel_loop3A_2047, %parallel_loop3A_2048, %parallel_loop3A_2049, %parallel_loop3A_2050], %parallel_loop3A_2053 {add = true, strides = array<i32>} : memref<3x8x4x1024xf32, #tpu.memory_space<vmem>>, vector<1x1x1x16xf32>,
    } {sc.loop_unroll_factor = 4 : i64, sc.parallel_access}
    %add3A_1081 = arith.constant 256 : i32
    %add3A_1082 = arith.addi %add3A_1081, %add3A : i32
    %mul3A_1083 = arith.constant 8 : i32
    %mul3A_1084 = arith.muli %add3A_1082, %mul3A_1083 : i32
    %dma_start3A_1085 = arith.constant 2 : i32
    %dma_start3A_1086 = arith.constant 2 : i32
    %dma_start3A_1087 = arith.constant 0 : i32
    %dma_start3A_1088 = arith.constant 0 : i32
    %dma_start3A_1089 = arith.constant 0 : i32
    %dma_start3A_1090 = tpu.memref_slice %arg5[%dma_start3A_1085, %dma_start3A_1087, %dma_start3A_1088, %dma_start3A_1089] : memref<3x8x4x1024xf32, #tpu.memory_space<vmem>> -> memref<1x8x4x1024xf32, #tpu.memory_space<vmem>>
    %dma_start3A_1091 = tpu.memref_squeeze %dma_start3A_1090 : memref<1x8x4x1024xf32, #tpu.memory_space<vmem>> -> memref<8x4x1024xf32, #tpu.memory_space<vmem>>
    %dma_start3A_1092 = arith.constant 0 : i32
    %dma_start3A_1093 = arith.constant 0 : i32
    %dma_start3A_1094 = tpu.memref_slice %arg4[%mul3A_1084, %dma_start3A_1092, %dma_start3A_1093] : memref<4096x4x1024xf32, #tpu.memory_space<hbm>> -> memref<8x4x1024xf32, #tpu.memory_space<hbm>>
    %dma_start3A_1095 = tpu.memref_slice %arg9[%dma_start3A_1086] : memref<3x!tpu.dma_semaphore, #tpu.memory_space<semaphore_mem>> -> memref<1x!tpu.dma_semaphore, #tpu.memory_space<semaphore_mem>>
    %dma_start3A_1096 = tpu.memref_squeeze %dma_start3A_1095 : memref<1x!tpu.dma_semaphore, #tpu.memory_space<semaphore_mem>> -> memref<!tpu.dma_semaphore, #tpu.memory_space<semaphore_mem>>
    %dma_start3A_1097 = arith.constant 0 : i32
    %dma_start3A_1098 = arith.constant 0 : i32
    %dma_start3A_1099 = tpu.memref_slice %arg4[%mul3A_1084, %dma_start3A_1097, %dma_start3A_1098] : memref<4096x4x1024xf32, #tpu.memory_space<hbm>> -> memref<8x4x1024xf32, #tpu.memory_space<hbm>>
    %dma_start3A_1100 = arith.constant 0 : i32
    %dma_start3A_1101 = arith.constant 0 : i32
    %dma_start3A_1102 = arith.constant 0 : i32
    %dma_start3A_1103 = tpu.memref_slice %arg5[%dma_start3A_1085, %dma_start3A_1100, %dma_start3A_1101, %dma_start3A_1102] : memref<3x8x4x1024xf32, #tpu.memory_space<vmem>> -> memref<1x8x4x1024xf32, #tpu.memory_space<vmem>>
    %dma_start3A_1104 = tpu.memref_squeeze %dma_start3A_1103 : memref<1x8x4x1024xf32, #tpu.memory_space<vmem>> -> memref<8x4x1024xf32, #tpu.memory_space<vmem>>
    tpu.enqueue_dma source(%dma_start3A_1104 : memref<8x4x1024xf32, #tpu.memory_space<vmem>>) target(%dma_start3A_1099 : memref<8x4x1024xf32, #tpu.memory_space<hbm>>) target_semaphore(%dma_start3A_1096 : memref<!tpu.dma_semaphore, #tpu.memory_space<semaphore_mem>>)
    %dma_wait3A_1105 = arith.constant 1 : i32
    %dma_wait3A_1106 = arith.constant 1 : i32
    %dma_wait3A_1107 = arith.constant 0 : i32
    %dma_wait3A_1108 = arith.constant 0 : i32
    %dma_wait3A_1109 = arith.constant 0 : i32
    %dma_wait3A_1110 = tpu.memref_slice %arg5[%dma_wait3A_1105, %dma_wait3A_1107, %dma_wait3A_1108, %dma_wait3A_1109] : memref<3x8x4x1024xf32, #tpu.memory_space<vmem>> -> memref<1x8x4x1024xf32, #tpu.memory_space<vmem>>
    %dma_wait3A_1111 = tpu.memref_squeeze %dma_wait3A_1110 : memref<1x8x4x1024xf32, #tpu.memory_space<vmem>> -> memref<8x4x1024xf32, #tpu.memory_space<vmem>>
    %dma_wait3A_1112 = arith.constant 0 : i32
    %dma_wait3A_1113 = arith.constant 0 : i32
    %dma_wait3A_1114 = tpu.memref_slice %arg4[%mul3A_961, %dma_wait3A_1112, %dma_wait3A_1113] : memref<4096x4x1024xf32, #tpu.memory_space<hbm>> -> memref<8x4x1024xf32, #tpu.memory_space<hbm>>
    %dma_wait3A_1115 = tpu.memref_slice %arg9[%dma_wait3A_1106] : memref<3x!tpu.dma_semaphore, #tpu.memory_space<semaphore_mem>> -> memref<1x!tpu.dma_semaphore, #tpu.memory_space<semaphore_mem>>
    %dma_wait3A_1116 = tpu.memref_squeeze %dma_wait3A_1115 : memref<1x!tpu.dma_semaphore, #tpu.memory_space<semaphore_mem>> -> memref<!tpu.dma_semaphore, #tpu.memory_space<semaphore_mem>>
    %dma_wait3A_1117 = arith.constant 0 : i32
    %dma_wait3A_1118 = arith.constant 0 : i32
    %dma_wait3A_1119 = tpu.memref_slice %arg4[%mul3A_961, %dma_wait3A_1117, %dma_wait3A_1118] : memref<4096x4x1024xf32, #tpu.memory_space<hbm>> -> memref<8x4x1024xf32, #tpu.memory_space<hbm>>
    %dma_wait3A_1120 = arith.constant 0 : i32
    %dma_wait3A_1121 = arith.constant 0 : i32
    %dma_wait3A_1122 = arith.constant 0 : i32
    %dma_wait3A_1123 = tpu.memref_slice %arg5[%dma_wait3A_1105, %dma_wait3A_1120, %dma_wait3A_1121, %dma_wait3A_1122] : memref<3x8x4x1024xf32, #tpu.memory_space<vmem>> -> memref<1x8x4x1024xf32, #tpu.memory_space<vmem>>
    %dma_wait3A_1124 = tpu.memref_squeeze %dma_wait3A_1123 : memref<1x8x4x1024xf32, #tpu.memory_space<vmem>> -> memref<8x4x1024xf32, #tpu.memory_space<vmem>>
    tpu.wait_dma2 semaphore(%dma_wait3A_1116 : memref<!tpu.dma_semaphore, #tpu.memory_space<semaphore_mem>>) src(%dma_wait3A_1124 : memref<8x4x1024xf32, #tpu.memory_space<vmem>>) dst(%dma_wait3A_1119 : memref<8x4x1024xf32, #tpu.memory_space<hbm>>)
    %add3A_1125 = arith.constant 320 : i32
    %add3A_1126 = arith.addi %add3A_1125, %add3A : i32
    %mul3A_1127 = arith.constant 8 : i32
    %mul3A_1128 = arith.muli %add3A_1126, %mul3A_1127 : i32
    %dma_start3A_1129 = arith.constant 1 : i32
    %dma_start3A_1130 = arith.constant 1 : i32
    %dma_start3A_1131 = arith.constant 0 : i32
    %dma_start3A_1132 = arith.constant 0 : i32
    %dma_start3A_1133 = arith.constant 0 : i32
    %dma_start3A_1134 = tpu.memref_slice %arg5[%dma_start3A_1129, %dma_start3A_1131, %dma_start3A_1132, %dma_start3A_1133] : memref<3x8x4x1024xf32, #tpu.memory_space<vmem>> -> memref<1x8x4x1024xf32, #tpu.memory_space<vmem>>
    %dma_start3A_1135 = tpu.memref_squeeze %dma_start3A_1134 : memref<1x8x4x1024xf32, #tpu.memory_space<vmem>> -> memref<8x4x1024xf32, #tpu.memory_space<vmem>>
    %dma_start3A_1136 = arith.constant 0 : i32
    %dma_start3A_1137 = arith.constant 0 : i32
    %dma_start3A_1138 = tpu.memref_slice %arg2[%mul3A_1128, %dma_start3A_1136, %dma_start3A_1137] : memref<4096x4x1024xf32, #tpu.memory_space<hbm>> -> memref<8x4x1024xf32, #tpu.memory_space<hbm>>
    %dma_start3A_1139 = tpu.memref_slice %arg7[%dma_start3A_1130] : memref<3x!tpu.dma_semaphore, #tpu.memory_space<semaphore_mem>> -> memref<1x!tpu.dma_semaphore, #tpu.memory_space<semaphore_mem>>
    %dma_start3A_1140 = tpu.memref_squeeze %dma_start3A_1139 : memref<1x!tpu.dma_semaphore, #tpu.memory_space<semaphore_mem>> -> memref<!tpu.dma_semaphore, #tpu.memory_space<semaphore_mem>>
    %dma_start3A_1141 = arith.constant 0 : i32
    %dma_start3A_1142 = arith.constant 0 : i32
    %dma_start3A_1143 = arith.constant 0 : i32
    %dma_start3A_1144 = tpu.memref_slice %arg5[%dma_start3A_1129, %dma_start3A_1141, %dma_start3A_1142, %dma_start3A_1143] : memref<3x8x4x1024xf32, #tpu.memory_space<vmem>> -> memref<1x8x4x1024xf32, #tpu.memory_space<vmem>>
    %dma_start3A_1145 = tpu.memref_squeeze %dma_start3A_1144 : memref<1x8x4x1024xf32, #tpu.memory_space<vmem>> -> memref<8x4x1024xf32, #tpu.memory_space<vmem>>
    %dma_start3A_1146 = arith.constant 0 : i32
    %dma_start3A_1147 = arith.constant 0 : i32
    %dma_start3A_1148 = tpu.memref_slice %arg2[%mul3A_1128, %dma_start3A_1146, %dma_start3A_1147] : memref<4096x4x1024xf32, #tpu.memory_space<hbm>> -> memref<8x4x1024xf32, #tpu.memory_space<hbm>>
    tpu.enqueue_dma source(%dma_start3A_1148 : memref<8x4x1024xf32, #tpu.memory_space<hbm>>) target(%dma_start3A_1145 : memref<8x4x1024xf32, #tpu.memory_space<vmem>>) target_semaphore(%dma_start3A_1140 : memref<!tpu.dma_semaphore, #tpu.memory_space<semaphore_mem>>)
    %dma_start3A_1149 = arith.constant 1 : i32
    %dma_start3A_1150 = arith.constant 1 : i32
    %dma_start3A_1151 = arith.constant 0 : i32
    %dma_start3A_1152 = arith.constant 0 : i32
    %dma_start3A_1153 = tpu.memref_slice %arg6[%dma_start3A_1149, %dma_start3A_1151, %dma_start3A_1152] : memref<3x8x1024xf32, #tpu.memory_space<vmem>> -> memref<1x8x1024xf32, #tpu.memory_space<vmem>>
    %dma_start3A_1154 = tpu.memref_squeeze %dma_start3A_1153 : memref<1x8x1024xf32, #tpu.memory_space<vmem>> -> memref<8x1024xf32, #tpu.memory_space<vmem>>
    %dma_start3A_1155 = arith.constant 0 : i32
    %dma_start3A_1156 = tpu.memref_slice %arg3[%mul3A_1128, %dma_start3A_1155] : memref<8192x1024xf32, #tpu.memory_space<hbm>> -> memref<8x1024xf32, #tpu.memory_space<hbm>>
    %dma_start3A_1157 = tpu.memref_slice %arg8[%dma_start3A_1150] : memref<3x!tpu.dma_semaphore, #tpu.memory_space<semaphore_mem>> -> memref<1x!tpu.dma_semaphore, #tpu.memory_space<semaphore_mem>>
    %dma_start3A_1158 = tpu.memref_squeeze %dma_start3A_1157 : memref<1x!tpu.dma_semaphore, #tpu.memory_space<semaphore_mem>> -> memref<!tpu.dma_semaphore, #tpu.memory_space<semaphore_mem>>
    %dma_start3A_1159 = arith.constant 0 : i32
    %dma_start3A_1160 = arith.constant 0 : i32
    %dma_start3A_1161 = tpu.memref_slice %arg6[%dma_start3A_1149, %dma_start3A_1159, %dma_start3A_1160] : memref<3x8x1024xf32, #tpu.memory_space<vmem>> -> memref<1x8x1024xf32, #tpu.memory_space<vmem>>
    %dma_start3A_1162 = tpu.memref_squeeze %dma_start3A_1161 : memref<1x8x1024xf32, #tpu.memory_space<vmem>> -> memref<8x1024xf32, #tpu.memory_space<vmem>>
    %dma_start3A_1163 = arith.constant 0 : i32
    %dma_start3A_1164 = tpu.memref_slice %arg3[%mul3A_1128, %dma_start3A_1163] : memref<8192x1024xf32, #tpu.memory_space<hbm>> -> memref<8x1024xf32, #tpu.memory_space<hbm>>
    tpu.enqueue_dma source(%dma_start3A_1164 : memref<8x1024xf32, #tpu.memory_space<hbm>>) target(%dma_start3A_1162 : memref<8x1024xf32, #tpu.memory_space<vmem>>) target_semaphore(%dma_start3A_1158 : memref<!tpu.dma_semaphore, #tpu.memory_space<semaphore_mem>>)
    %dma_wait3A_1165 = arith.constant 0 : i32
    %dma_wait3A_1166 = arith.constant 0 : i32
    %dma_wait3A_1167 = arith.constant 0 : i32
    %dma_wait3A_1168 = arith.constant 0 : i32
    %dma_wait3A_1169 = arith.constant 0 : i32
    %dma_wait3A_1170 = tpu.memref_slice %arg5[%dma_wait3A_1165, %dma_wait3A_1167, %dma_wait3A_1168, %dma_wait3A_1169] : memref<3x8x4x1024xf32, #tpu.memory_space<vmem>> -> memref<1x8x4x1024xf32, #tpu.memory_space<vmem>>
    %dma_wait3A_1171 = tpu.memref_squeeze %dma_wait3A_1170 : memref<1x8x4x1024xf32, #tpu.memory_space<vmem>> -> memref<8x4x1024xf32, #tpu.memory_space<vmem>>
    %dma_wait3A_1172 = arith.constant 0 : i32
    %dma_wait3A_1173 = arith.constant 0 : i32
    %dma_wait3A_1174 = tpu.memref_slice %arg2[%mul3A_1005, %dma_wait3A_1172, %dma_wait3A_1173] : memref<4096x4x1024xf32, #tpu.memory_space<hbm>> -> memref<8x4x1024xf32, #tpu.memory_space<hbm>>
    %dma_wait3A_1175 = tpu.memref_slice %arg7[%dma_wait3A_1166] : memref<3x!tpu.dma_semaphore, #tpu.memory_space<semaphore_mem>> -> memref<1x!tpu.dma_semaphore, #tpu.memory_space<semaphore_mem>>
    %dma_wait3A_1176 = tpu.memref_squeeze %dma_wait3A_1175 : memref<1x!tpu.dma_semaphore, #tpu.memory_space<semaphore_mem>> -> memref<!tpu.dma_semaphore, #tpu.memory_space<semaphore_mem>>
    %dma_wait3A_1177 = arith.constant 0 : i32
    %dma_wait3A_1178 = arith.constant 0 : i32
    %dma_wait3A_1179 = arith.constant 0 : i32
    %dma_wait3A_1180 = tpu.memref_slice %arg5[%dma_wait3A_1165, %dma_wait3A_1177, %dma_wait3A_1178, %dma_wait3A_1179] : memref<3x8x4x1024xf32, #tpu.memory_space<vmem>> -> memref<1x8x4x1024xf32, #tpu.memory_space<vmem>>
    %dma_wait3A_1181 = tpu.memref_squeeze %dma_wait3A_1180 : memref<1x8x4x1024xf32, #tpu.memory_space<vmem>> -> memref<8x4x1024xf32, #tpu.memory_space<vmem>>
    %dma_wait3A_1182 = arith.constant 0 : i32
    %dma_wait3A_1183 = arith.constant 0 : i32
    %dma_wait3A_1184 = tpu.memref_slice %arg2[%mul3A_1005, %dma_wait3A_1182, %dma_wait3A_1183] : memref<4096x4x1024xf32, #tpu.memory_space<hbm>> -> memref<8x4x1024xf32, #tpu.memory_space<hbm>>
    tpu.wait_dma2 semaphore(%dma_wait3A_1176 : memref<!tpu.dma_semaphore, #tpu.memory_space<semaphore_mem>>) src(%dma_wait3A_1184 : memref<8x4x1024xf32, #tpu.memory_space<hbm>>) dst(%dma_wait3A_1181 : memref<8x4x1024xf32, #tpu.memory_space<vmem>>)
    %dma_wait3A_1185 = arith.constant 0 : i32
    %dma_wait3A_1186 = arith.constant 0 : i32
    %dma_wait3A_1187 = arith.constant 0 : i32
    %dma_wait3A_1188 = arith.constant 0 : i32
    %dma_wait3A_1189 = tpu.memref_slice %arg6[%dma_wait3A_1185, %dma_wait3A_1187, %dma_wait3A_1188] : memref<3x8x1024xf32, #tpu.memory_space<vmem>> -> memref<1x8x1024xf32, #tpu.memory_space<vmem>>
    %dma_wait3A_1190 = tpu.memref_squeeze %dma_wait3A_1189 : memref<1x8x1024xf32, #tpu.memory_space<vmem>> -> memref<8x1024xf32, #tpu.memory_space<vmem>>
    %dma_wait3A_1191 = arith.constant 0 : i32
    %dma_wait3A_1192 = tpu.memref_slice %arg3[%mul3A_1005, %dma_wait3A_1191] : memref<8192x1024xf32, #tpu.memory_space<hbm>> -> memref<8x1024xf32, #tpu.memory_space<hbm>>
    %dma_wait3A_1193 = tpu.memref_slice %arg8[%dma_wait3A_1186] : memref<3x!tpu.dma_semaphore, #tpu.memory_space<semaphore_mem>> -> memref<1x!tpu.dma_semaphore, #tpu.memory_space<semaphore_mem>>
    %dma_wait3A_1194 = tpu.memref_squeeze %dma_wait3A_1193 : memref<1x!tpu.dma_semaphore, #tpu.memory_space<semaphore_mem>> -> memref<!tpu.dma_semaphore, #tpu.memory_space<semaphore_mem>>
    %dma_wait3A_1195 = arith.constant 0 : i32
    %dma_wait3A_1196 = arith.constant 0 : i32
    %dma_wait3A_1197 = tpu.memref_slice %arg6[%dma_wait3A_1185, %dma_wait3A_1195, %dma_wait3A_1196] : memref<3x8x1024xf32, #tpu.memory_space<vmem>> -> memref<1x8x1024xf32, #tpu.memory_space<vmem>>
    %dma_wait3A_1198 = tpu.memref_squeeze %dma_wait3A_1197 : memref<1x8x1024xf32, #tpu.memory_space<vmem>> -> memref<8x1024xf32, #tpu.memory_space<vmem>>
    %dma_wait3A_1199 = arith.constant 0 : i32
    %dma_wait3A_1200 = tpu.memref_slice %arg3[%mul3A_1005, %dma_wait3A_1199] : memref<8192x1024xf32, #tpu.memory_space<hbm>> -> memref<8x1024xf32, #tpu.memory_space<hbm>>
    tpu.wait_dma2 semaphore(%dma_wait3A_1194 : memref<!tpu.dma_semaphore, #tpu.memory_space<semaphore_mem>>) src(%dma_wait3A_1200 : memref<8x1024xf32, #tpu.memory_space<hbm>>) dst(%dma_wait3A_1198 : memref<8x1024xf32, #tpu.memory_space<vmem>>)
    %parallel_loop3A_1201 = arith.constant 0 : i32
    %parallel_loop3A_1202 = arith.constant 512 : i32
    %parallel_loop3A_1203 = arith.constant 1 : i32
    scf.for %parallel_loop3A_1966 = %parallel_loop3A_1201 to %parallel_loop3A_1202 step %parallel_loop3A_1203  : i32 {
      %parallel_loop3A_1967 = arith.constant 64 : i32
      %parallel_loop3A_1968 = arith.divsi %parallel_loop3A_1966, %parallel_loop3A_1967 : i32
      %parallel_loop3A_1969 = arith.constant 0 : i32
      %parallel_loop3A_1970 = arith.cmpi sgt, %parallel_loop3A_1966, %parallel_loop3A_1969 : i32
      %parallel_loop3A_1971 = arith.extui %parallel_loop3A_1970 : i1 to i32
      %parallel_loop3A_1972 = arith.constant 0 : i32
      %parallel_loop3A_1973 = arith.cmpi slt, %parallel_loop3A_1966, %parallel_loop3A_1972 : i32
      %parallel_loop3A_1974 = arith.extui %parallel_loop3A_1973 : i1 to i32
      %parallel_loop3A_1975 = arith.subi %parallel_loop3A_1971, %parallel_loop3A_1974 : i32
      %parallel_loop3A_1976 = arith.constant 0 : i32
      %parallel_loop3A_1977 = arith.cmpi sgt, %parallel_loop3A_1967, %parallel_loop3A_1976 : i32
      %parallel_loop3A_1978 = arith.extui %parallel_loop3A_1977 : i1 to i32
      %parallel_loop3A_1979 = arith.constant 0 : i32
      %parallel_loop3A_1980 = arith.cmpi slt, %parallel_loop3A_1967, %parallel_loop3A_1979 : i32
      %parallel_loop3A_1981 = arith.extui %parallel_loop3A_1980 : i1 to i32
      %parallel_loop3A_1982 = arith.subi %parallel_loop3A_1978, %parallel_loop3A_1981 : i32
      %parallel_loop3A_1983 = arith.cmpi ne, %parallel_loop3A_1975, %parallel_loop3A_1982 : i32
      %parallel_loop3A_1984 = arith.remsi %parallel_loop3A_1966, %parallel_loop3A_1967 : i32
      %parallel_loop3A_1985 = arith.constant 0 : i32
      %parallel_loop3A_1986 = arith.cmpi ne, %parallel_loop3A_1984, %parallel_loop3A_1985 : i32
      %parallel_loop3A_1987 = arith.andi %parallel_loop3A_1983, %parallel_loop3A_1986 : i1
      %parallel_loop3A_1988 = arith.constant 1 : i32
      %parallel_loop3A_1989 = arith.subi %parallel_loop3A_1968, %parallel_loop3A_1988 : i32
      %parallel_loop3A_1990 = arith.select %parallel_loop3A_1987, %parallel_loop3A_1989, %parallel_loop3A_1968 : i32
      %parallel_loop3A_1991 = arith.constant 64 : i32
      %parallel_loop3A_1992 = arith.constant 0 : i32
      %parallel_loop3A_1993 = arith.cmpi eq, %parallel_loop3A_1991, %parallel_loop3A_1992 : i32
      %parallel_loop3A_1994 = arith.constant 1 : i32
      %parallel_loop3A_1995 = arith.select %parallel_loop3A_1993, %parallel_loop3A_1994, %parallel_loop3A_1991 : i32
      %parallel_loop3A_1996 = arith.remsi %parallel_loop3A_1966, %parallel_loop3A_1995 : i32
      %parallel_loop3A_1997 = arith.constant 0 : i32
      %parallel_loop3A_1998 = arith.cmpi ne, %parallel_loop3A_1996, %parallel_loop3A_1997 : i32
      %parallel_loop3A_1999 = arith.constant 0 : i32
      %parallel_loop3A_2000 = arith.cmpi slt, %parallel_loop3A_1996, %parallel_loop3A_1999 : i32
      %parallel_loop3A_2001 = arith.constant 0 : i32
      %parallel_loop3A_2002 = arith.cmpi slt, %parallel_loop3A_1995, %parallel_loop3A_2001 : i32
      %parallel_loop3A_2003 = arith.xori %parallel_loop3A_2000, %parallel_loop3A_2002 : i1
      %parallel_loop3A_2004 = arith.andi %parallel_loop3A_2003, %parallel_loop3A_1998 : i1
      %parallel_loop3A_2005 = arith.addi %parallel_loop3A_1996, %parallel_loop3A_1995 : i32
      %parallel_loop3A_2006 = arith.select %parallel_loop3A_2004, %parallel_loop3A_2005, %parallel_loop3A_1996 : i32
      %parallel_loop3A_2007 = arith.constant 16 : i32
      %parallel_loop3A_2008 = arith.muli %parallel_loop3A_2006, %parallel_loop3A_2007 : i32
      %parallel_loop3A_2009 = arith.constant 0 : i32
      %parallel_loop3A_2010 = arith.index_cast %parallel_loop3A_2009 : i32 to index
      %parallel_loop3A_2011 = arith.index_cast %parallel_loop3A_1990 : i32 to index
      %parallel_loop3A_2012 = arith.index_cast %parallel_loop3A_2008 : i32 to index
      %parallel_loop3A_2013 = tpu.vector_load %arg6[%parallel_loop3A_2010, %parallel_loop3A_2011, %parallel_loop3A_2012] {strides = array<i32>} : memref<3x8x1024xf32, #tpu.memory_space<vmem>>, vector<1x1x16xf32>,
      %parallel_loop3A_2014 = vector.shape_cast %parallel_loop3A_2013 : vector<1x1x16xf32> to vector<16xf32>
      %parallel_loop3A_2015 = arith.constant 3.125000e-02 : f32
      %parallel_loop3A_2016 = vector.broadcast %parallel_loop3A_2015 : f32 to vector<16xf32>
      %parallel_loop3A_2017 = arith.mulf %parallel_loop3A_2014, %parallel_loop3A_2016 : vector<16xf32>
      %parallel_loop3A_2018 = arith.constant 0 : i32
      %parallel_loop3A_2019 = arith.constant 0 : i32
      %parallel_loop3A_2020 = arith.index_cast %parallel_loop3A_2018 : i32 to index
      %parallel_loop3A_2021 = arith.index_cast %parallel_loop3A_1990 : i32 to index
      %parallel_loop3A_2022 = arith.index_cast %parallel_loop3A_2019 : i32 to index
      %parallel_loop3A_2023 = arith.index_cast %parallel_loop3A_2008 : i32 to index
      %parallel_loop3A_2024 = tpu.vector_load %arg5[%parallel_loop3A_2020, %parallel_loop3A_2021, %parallel_loop3A_2022, %parallel_loop3A_2023] {strides = array<i32>} : memref<3x8x4x1024xf32, #tpu.memory_space<vmem>>, vector<1x1x1x16xf32>,
      %parallel_loop3A_2025 = vector.shape_cast %parallel_loop3A_2024 : vector<1x1x1x16xf32> to vector<16xf32>
      %parallel_loop3A_2026 = vector.shape_cast %parallel_loop3A_2017 : vector<16xf32> to vector<1x1x1x16xf32>
      tpu.vector_store %arg5[%parallel_loop3A_2020, %parallel_loop3A_2021, %parallel_loop3A_2022, %parallel_loop3A_2023], %parallel_loop3A_2026 {add = true, strides = array<i32>} : memref<3x8x4x1024xf32, #tpu.memory_space<vmem>>, vector<1x1x1x16xf32>,
      %parallel_loop3A_2027 = arith.constant 0 : i32
      %parallel_loop3A_2028 = arith.constant 1 : i32
      %parallel_loop3A_2029 = arith.index_cast %parallel_loop3A_2027 : i32 to index
      %parallel_loop3A_2030 = arith.index_cast %parallel_loop3A_1990 : i32 to index
      %parallel_loop3A_2031 = arith.index_cast %parallel_loop3A_2028 : i32 to index
      %parallel_loop3A_2032 = arith.index_cast %parallel_loop3A_2008 : i32 to index
      %parallel_loop3A_2033 = tpu.vector_load %arg5[%parallel_loop3A_2029, %parallel_loop3A_2030, %parallel_loop3A_2031, %parallel_loop3A_2032] {strides = array<i32>} : memref<3x8x4x1024xf32, #tpu.memory_space<vmem>>, vector<1x1x1x16xf32>,
      %parallel_loop3A_2034 = vector.shape_cast %parallel_loop3A_2033 : vector<1x1x1x16xf32> to vector<16xf32>
      %parallel_loop3A_2035 = vector.shape_cast %parallel_loop3A_2017 : vector<16xf32> to vector<1x1x1x16xf32>
      tpu.vector_store %arg5[%parallel_loop3A_2029, %parallel_loop3A_2030, %parallel_loop3A_2031, %parallel_loop3A_2032], %parallel_loop3A_2035 {add = true, strides = array<i32>} : memref<3x8x4x1024xf32, #tpu.memory_space<vmem>>, vector<1x1x1x16xf32>,
      %parallel_loop3A_2036 = arith.constant 0 : i32
      %parallel_loop3A_2037 = arith.constant 2 : i32
      %parallel_loop3A_2038 = arith.index_cast %parallel_loop3A_2036 : i32 to index
      %parallel_loop3A_2039 = arith.index_cast %parallel_loop3A_1990 : i32 to index
      %parallel_loop3A_2040 = arith.index_cast %parallel_loop3A_2037 : i32 to index
      %parallel_loop3A_2041 = arith.index_cast %parallel_loop3A_2008 : i32 to index
      %parallel_loop3A_2042 = tpu.vector_load %arg5[%parallel_loop3A_2038, %parallel_loop3A_2039, %parallel_loop3A_2040, %parallel_loop3A_2041] {strides = array<i32>} : memref<3x8x4x1024xf32, #tpu.memory_space<vmem>>, vector<1x1x1x16xf32>,
      %parallel_loop3A_2043 = vector.shape_cast %parallel_loop3A_2042 : vector<1x1x1x16xf32> to vector<16xf32>
      %parallel_loop3A_2044 = vector.shape_cast %parallel_loop3A_2017 : vector<16xf32> to vector<1x1x1x16xf32>
      tpu.vector_store %arg5[%parallel_loop3A_2038, %parallel_loop3A_2039, %parallel_loop3A_2040, %parallel_loop3A_2041], %parallel_loop3A_2044 {add = true, strides = array<i32>} : memref<3x8x4x1024xf32, #tpu.memory_space<vmem>>, vector<1x1x1x16xf32>,
      %parallel_loop3A_2045 = arith.constant 0 : i32
      %parallel_loop3A_2046 = arith.constant 3 : i32
      %parallel_loop3A_2047 = arith.index_cast %parallel_loop3A_2045 : i32 to index
      %parallel_loop3A_2048 = arith.index_cast %parallel_loop3A_1990 : i32 to index
      %parallel_loop3A_2049 = arith.index_cast %parallel_loop3A_2046 : i32 to index
      %parallel_loop3A_2050 = arith.index_cast %parallel_loop3A_2008 : i32 to index
      %parallel_loop3A_2051 = tpu.vector_load %arg5[%parallel_loop3A_2047, %parallel_loop3A_2048, %parallel_loop3A_2049, %parallel_loop3A_2050] {strides = array<i32>} : memref<3x8x4x1024xf32, #tpu.memory_space<vmem>>, vector<1x1x1x16xf32>,
      %parallel_loop3A_2052 = vector.shape_cast %parallel_loop3A_2051 : vector<1x1x1x16xf32> to vector<16xf32>
      %parallel_loop3A_2053 = vector.shape_cast %parallel_loop3A_2017 : vector<16xf32> to vector<1x1x1x16xf32>
      tpu.vector_store %arg5[%parallel_loop3A_2047, %parallel_loop3A_2048, %parallel_loop3A_2049, %parallel_loop3A_2050], %parallel_loop3A_2053 {add = true, strides = array<i32>} : memref<3x8x4x1024xf32, #tpu.memory_space<vmem>>, vector<1x1x1x16xf32>,
    } {sc.loop_unroll_factor = 4 : i64, sc.parallel_access}
    %add3A_1204 = arith.constant 288 : i32
    %add3A_1205 = arith.addi %add3A_1204, %add3A : i32
    %mul3A_1206 = arith.constant 8 : i32
    %mul3A_1207 = arith.muli %add3A_1205, %mul3A_1206 : i32
    %dma_start3A_1208 = arith.constant 0 : i32
    %dma_start3A_1209 = arith.constant 0 : i32
    %dma_start3A_1210 = arith.constant 0 : i32
    %dma_start3A_1211 = arith.constant 0 : i32
    %dma_start3A_1212 = arith.constant 0 : i32
    %dma_start3A_1213 = tpu.memref_slice %arg5[%dma_start3A_1208, %dma_start3A_1210, %dma_start3A_1211, %dma_start3A_1212] : memref<3x8x4x1024xf32, #tpu.memory_space<vmem>> -> memref<1x8x4x1024xf32, #tpu.memory_space<vmem>>
    %dma_start3A_1214 = tpu.memref_squeeze %dma_start3A_1213 : memref<1x8x4x1024xf32, #tpu.memory_space<vmem>> -> memref<8x4x1024xf32, #tpu.memory_space<vmem>>
    %dma_start3A_1215 = arith.constant 0 : i32
    %dma_start3A_1216 = arith.constant 0 : i32
    %dma_start3A_1217 = tpu.memref_slice %arg4[%mul3A_1207, %dma_start3A_1215, %dma_start3A_1216] : memref<4096x4x1024xf32, #tpu.memory_space<hbm>> -> memref<8x4x1024xf32, #tpu.memory_space<hbm>>
    %dma_start3A_1218 = tpu.memref_slice %arg9[%dma_start3A_1209] : memref<3x!tpu.dma_semaphore, #tpu.memory_space<semaphore_mem>> -> memref<1x!tpu.dma_semaphore, #tpu.memory_space<semaphore_mem>>
    %dma_start3A_1219 = tpu.memref_squeeze %dma_start3A_1218 : memref<1x!tpu.dma_semaphore, #tpu.memory_space<semaphore_mem>> -> memref<!tpu.dma_semaphore, #tpu.memory_space<semaphore_mem>>
    %dma_start3A_1220 = arith.constant 0 : i32
    %dma_start3A_1221 = arith.constant 0 : i32
    %dma_start3A_1222 = tpu.memref_slice %arg4[%mul3A_1207, %dma_start3A_1220, %dma_start3A_1221] : memref<4096x4x1024xf32, #tpu.memory_space<hbm>> -> memref<8x4x1024xf32, #tpu.memory_space<hbm>>
    %dma_start3A_1223 = arith.constant 0 : i32
    %dma_start3A_1224 = arith.constant 0 : i32
    %dma_start3A_1225 = arith.constant 0 : i32
    %dma_start3A_1226 = tpu.memref_slice %arg5[%dma_start3A_1208, %dma_start3A_1223, %dma_start3A_1224, %dma_start3A_1225] : memref<3x8x4x1024xf32, #tpu.memory_space<vmem>> -> memref<1x8x4x1024xf32, #tpu.memory_space<vmem>>
    %dma_start3A_1227 = tpu.memref_squeeze %dma_start3A_1226 : memref<1x8x4x1024xf32, #tpu.memory_space<vmem>> -> memref<8x4x1024xf32, #tpu.memory_space<vmem>>
    tpu.enqueue_dma source(%dma_start3A_1227 : memref<8x4x1024xf32, #tpu.memory_space<vmem>>) target(%dma_start3A_1222 : memref<8x4x1024xf32, #tpu.memory_space<hbm>>) target_semaphore(%dma_start3A_1219 : memref<!tpu.dma_semaphore, #tpu.memory_space<semaphore_mem>>)
    %dma_wait3A_1228 = arith.constant 2 : i32
    %dma_wait3A_1229 = arith.constant 2 : i32
    %dma_wait3A_1230 = arith.constant 0 : i32
    %dma_wait3A_1231 = arith.constant 0 : i32
    %dma_wait3A_1232 = arith.constant 0 : i32
    %dma_wait3A_1233 = tpu.memref_slice %arg5[%dma_wait3A_1228, %dma_wait3A_1230, %dma_wait3A_1231, %dma_wait3A_1232] : memref<3x8x4x1024xf32, #tpu.memory_space<vmem>> -> memref<1x8x4x1024xf32, #tpu.memory_space<vmem>>
    %dma_wait3A_1234 = tpu.memref_squeeze %dma_wait3A_1233 : memref<1x8x4x1024xf32, #tpu.memory_space<vmem>> -> memref<8x4x1024xf32, #tpu.memory_space<vmem>>
    %dma_wait3A_1235 = arith.constant 0 : i32
    %dma_wait3A_1236 = arith.constant 0 : i32
    %dma_wait3A_1237 = tpu.memref_slice %arg4[%mul3A_1084, %dma_wait3A_1235, %dma_wait3A_1236] : memref<4096x4x1024xf32, #tpu.memory_space<hbm>> -> memref<8x4x1024xf32, #tpu.memory_space<hbm>>
    %dma_wait3A_1238 = tpu.memref_slice %arg9[%dma_wait3A_1229] : memref<3x!tpu.dma_semaphore, #tpu.memory_space<semaphore_mem>> -> memref<1x!tpu.dma_semaphore, #tpu.memory_space<semaphore_mem>>
    %dma_wait3A_1239 = tpu.memref_squeeze %dma_wait3A_1238 : memref<1x!tpu.dma_semaphore, #tpu.memory_space<semaphore_mem>> -> memref<!tpu.dma_semaphore, #tpu.memory_space<semaphore_mem>>
    %dma_wait3A_1240 = arith.constant 0 : i32
    %dma_wait3A_1241 = arith.constant 0 : i32
    %dma_wait3A_1242 = tpu.memref_slice %arg4[%mul3A_1084, %dma_wait3A_1240, %dma_wait3A_1241] : memref<4096x4x1024xf32, #tpu.memory_space<hbm>> -> memref<8x4x1024xf32, #tpu.memory_space<hbm>>
    %dma_wait3A_1243 = arith.constant 0 : i32
    %dma_wait3A_1244 = arith.constant 0 : i32
    %dma_wait3A_1245 = arith.constant 0 : i32
    %dma_wait3A_1246 = tpu.memref_slice %arg5[%dma_wait3A_1228, %dma_wait3A_1243, %dma_wait3A_1244, %dma_wait3A_1245] : memref<3x8x4x1024xf32, #tpu.memory_space<vmem>> -> memref<1x8x4x1024xf32, #tpu.memory_space<vmem>>
    %dma_wait3A_1247 = tpu.memref_squeeze %dma_wait3A_1246 : memref<1x8x4x1024xf32, #tpu.memory_space<vmem>> -> memref<8x4x1024xf32, #tpu.memory_space<vmem>>
    tpu.wait_dma2 semaphore(%dma_wait3A_1239 : memref<!tpu.dma_semaphore, #tpu.memory_space<semaphore_mem>>) src(%dma_wait3A_1247 : memref<8x4x1024xf32, #tpu.memory_space<vmem>>) dst(%dma_wait3A_1242 : memref<8x4x1024xf32, #tpu.memory_space<hbm>>)
    %add3A_1248 = arith.constant 352 : i32
    %add3A_1249 = arith.addi %add3A_1248, %add3A : i32
    %mul3A_1250 = arith.constant 8 : i32
    %mul3A_1251 = arith.muli %add3A_1249, %mul3A_1250 : i32
    %dma_start3A_1252 = arith.constant 2 : i32
    %dma_start3A_1253 = arith.constant 2 : i32
    %dma_start3A_1254 = arith.constant 0 : i32
    %dma_start3A_1255 = arith.constant 0 : i32
    %dma_start3A_1256 = arith.constant 0 : i32
    %dma_start3A_1257 = tpu.memref_slice %arg5[%dma_start3A_1252, %dma_start3A_1254, %dma_start3A_1255, %dma_start3A_1256] : memref<3x8x4x1024xf32, #tpu.memory_space<vmem>> -> memref<1x8x4x1024xf32, #tpu.memory_space<vmem>>
    %dma_start3A_1258 = tpu.memref_squeeze %dma_start3A_1257 : memref<1x8x4x1024xf32, #tpu.memory_space<vmem>> -> memref<8x4x1024xf32, #tpu.memory_space<vmem>>
    %dma_start3A_1259 = arith.constant 0 : i32
    %dma_start3A_1260 = arith.constant 0 : i32
    %dma_start3A_1261 = tpu.memref_slice %arg2[%mul3A_1251, %dma_start3A_1259, %dma_start3A_1260] : memref<4096x4x1024xf32, #tpu.memory_space<hbm>> -> memref<8x4x1024xf32, #tpu.memory_space<hbm>>
    %dma_start3A_1262 = tpu.memref_slice %arg7[%dma_start3A_1253] : memref<3x!tpu.dma_semaphore, #tpu.memory_space<semaphore_mem>> -> memref<1x!tpu.dma_semaphore, #tpu.memory_space<semaphore_mem>>
    %dma_start3A_1263 = tpu.memref_squeeze %dma_start3A_1262 : memref<1x!tpu.dma_semaphore, #tpu.memory_space<semaphore_mem>> -> memref<!tpu.dma_semaphore, #tpu.memory_space<semaphore_mem>>
    %dma_start3A_1264 = arith.constant 0 : i32
    %dma_start3A_1265 = arith.constant 0 : i32
    %dma_start3A_1266 = arith.constant 0 : i32
    %dma_start3A_1267 = tpu.memref_slice %arg5[%dma_start3A_1252, %dma_start3A_1264, %dma_start3A_1265, %dma_start3A_1266] : memref<3x8x4x1024xf32, #tpu.memory_space<vmem>> -> memref<1x8x4x1024xf32, #tpu.memory_space<vmem>>
    %dma_start3A_1268 = tpu.memref_squeeze %dma_start3A_1267 : memref<1x8x4x1024xf32, #tpu.memory_space<vmem>> -> memref<8x4x1024xf32, #tpu.memory_space<vmem>>
    %dma_start3A_1269 = arith.constant 0 : i32
    %dma_start3A_1270 = arith.constant 0 : i32
    %dma_start3A_1271 = tpu.memref_slice %arg2[%mul3A_1251, %dma_start3A_1269, %dma_start3A_1270] : memref<4096x4x1024xf32, #tpu.memory_space<hbm>> -> memref<8x4x1024xf32, #tpu.memory_space<hbm>>
    tpu.enqueue_dma source(%dma_start3A_1271 : memref<8x4x1024xf32, #tpu.memory_space<hbm>>) target(%dma_start3A_1268 : memref<8x4x1024xf32, #tpu.memory_space<vmem>>) target_semaphore(%dma_start3A_1263 : memref<!tpu.dma_semaphore, #tpu.memory_space<semaphore_mem>>)
    %dma_start3A_1272 = arith.constant 2 : i32
    %dma_start3A_1273 = arith.constant 2 : i32
    %dma_start3A_1274 = arith.constant 0 : i32
    %dma_start3A_1275 = arith.constant 0 : i32
    %dma_start3A_1276 = tpu.memref_slice %arg6[%dma_start3A_1272, %dma_start3A_1274, %dma_start3A_1275] : memref<3x8x1024xf32, #tpu.memory_space<vmem>> -> memref<1x8x1024xf32, #tpu.memory_space<vmem>>
    %dma_start3A_1277 = tpu.memref_squeeze %dma_start3A_1276 : memref<1x8x1024xf32, #tpu.memory_space<vmem>> -> memref<8x1024xf32, #tpu.memory_space<vmem>>
    %dma_start3A_1278 = arith.constant 0 : i32
    %dma_start3A_1279 = tpu.memref_slice %arg3[%mul3A_1251, %dma_start3A_1278] : memref<8192x1024xf32, #tpu.memory_space<hbm>> -> memref<8x1024xf32, #tpu.memory_space<hbm>>
    %dma_start3A_1280 = tpu.memref_slice %arg8[%dma_start3A_1273] : memref<3x!tpu.dma_semaphore, #tpu.memory_space<semaphore_mem>> -> memref<1x!tpu.dma_semaphore, #tpu.memory_space<semaphore_mem>>
    %dma_start3A_1281 = tpu.memref_squeeze %dma_start3A_1280 : memref<1x!tpu.dma_semaphore, #tpu.memory_space<semaphore_mem>> -> memref<!tpu.dma_semaphore, #tpu.memory_space<semaphore_mem>>
    %dma_start3A_1282 = arith.constant 0 : i32
    %dma_start3A_1283 = arith.constant 0 : i32
    %dma_start3A_1284 = tpu.memref_slice %arg6[%dma_start3A_1272, %dma_start3A_1282, %dma_start3A_1283] : memref<3x8x1024xf32, #tpu.memory_space<vmem>> -> memref<1x8x1024xf32, #tpu.memory_space<vmem>>
    %dma_start3A_1285 = tpu.memref_squeeze %dma_start3A_1284 : memref<1x8x1024xf32, #tpu.memory_space<vmem>> -> memref<8x1024xf32, #tpu.memory_space<vmem>>
    %dma_start3A_1286 = arith.constant 0 : i32
    %dma_start3A_1287 = tpu.memref_slice %arg3[%mul3A_1251, %dma_start3A_1286] : memref<8192x1024xf32, #tpu.memory_space<hbm>> -> memref<8x1024xf32, #tpu.memory_space<hbm>>
    tpu.enqueue_dma source(%dma_start3A_1287 : memref<8x1024xf32, #tpu.memory_space<hbm>>) target(%dma_start3A_1285 : memref<8x1024xf32, #tpu.memory_space<vmem>>) target_semaphore(%dma_start3A_1281 : memref<!tpu.dma_semaphore, #tpu.memory_space<semaphore_mem>>)
    %dma_wait3A_1288 = arith.constant 1 : i32
    %dma_wait3A_1289 = arith.constant 1 : i32
    %dma_wait3A_1290 = arith.constant 0 : i32
    %dma_wait3A_1291 = arith.constant 0 : i32
    %dma_wait3A_1292 = arith.constant 0 : i32
    %dma_wait3A_1293 = tpu.memref_slice %arg5[%dma_wait3A_1288, %dma_wait3A_1290, %dma_wait3A_1291, %dma_wait3A_1292] : memref<3x8x4x1024xf32, #tpu.memory_space<vmem>> -> memref<1x8x4x1024xf32, #tpu.memory_space<vmem>>
    %dma_wait3A_1294 = tpu.memref_squeeze %dma_wait3A_1293 : memref<1x8x4x1024xf32, #tpu.memory_space<vmem>> -> memref<8x4x1024xf32, #tpu.memory_space<vmem>>
    %dma_wait3A_1295 = arith.constant 0 : i32
    %dma_wait3A_1296 = arith.constant 0 : i32
    %dma_wait3A_1297 = tpu.memref_slice %arg2[%mul3A_1128, %dma_wait3A_1295, %dma_wait3A_1296] : memref<4096x4x1024xf32, #tpu.memory_space<hbm>> -> memref<8x4x1024xf32, #tpu.memory_space<hbm>>
    %dma_wait3A_1298 = tpu.memref_slice %arg7[%dma_wait3A_1289] : memref<3x!tpu.dma_semaphore, #tpu.memory_space<semaphore_mem>> -> memref<1x!tpu.dma_semaphore, #tpu.memory_space<semaphore_mem>>
    %dma_wait3A_1299 = tpu.memref_squeeze %dma_wait3A_1298 : memref<1x!tpu.dma_semaphore, #tpu.memory_space<semaphore_mem>> -> memref<!tpu.dma_semaphore, #tpu.memory_space<semaphore_mem>>
    %dma_wait3A_1300 = arith.constant 0 : i32
    %dma_wait3A_1301 = arith.constant 0 : i32
    %dma_wait3A_1302 = arith.constant 0 : i32
    %dma_wait3A_1303 = tpu.memref_slice %arg5[%dma_wait3A_1288, %dma_wait3A_1300, %dma_wait3A_1301, %dma_wait3A_1302] : memref<3x8x4x1024xf32, #tpu.memory_space<vmem>> -> memref<1x8x4x1024xf32, #tpu.memory_space<vmem>>
    %dma_wait3A_1304 = tpu.memref_squeeze %dma_wait3A_1303 : memref<1x8x4x1024xf32, #tpu.memory_space<vmem>> -> memref<8x4x1024xf32, #tpu.memory_space<vmem>>
    %dma_wait3A_1305 = arith.constant 0 : i32
    %dma_wait3A_1306 = arith.constant 0 : i32
    %dma_wait3A_1307 = tpu.memref_slice %arg2[%mul3A_1128, %dma_wait3A_1305, %dma_wait3A_1306] : memref<4096x4x1024xf32, #tpu.memory_space<hbm>> -> memref<8x4x1024xf32, #tpu.memory_space<hbm>>
    tpu.wait_dma2 semaphore(%dma_wait3A_1299 : memref<!tpu.dma_semaphore, #tpu.memory_space<semaphore_mem>>) src(%dma_wait3A_1307 : memref<8x4x1024xf32, #tpu.memory_space<hbm>>) dst(%dma_wait3A_1304 : memref<8x4x1024xf32, #tpu.memory_space<vmem>>)
    %dma_wait3A_1308 = arith.constant 1 : i32
    %dma_wait3A_1309 = arith.constant 1 : i32
    %dma_wait3A_1310 = arith.constant 0 : i32
    %dma_wait3A_1311 = arith.constant 0 : i32
    %dma_wait3A_1312 = tpu.memref_slice %arg6[%dma_wait3A_1308, %dma_wait3A_1310, %dma_wait3A_1311] : memref<3x8x1024xf32, #tpu.memory_space<vmem>> -> memref<1x8x1024xf32, #tpu.memory_space<vmem>>
    %dma_wait3A_1313 = tpu.memref_squeeze %dma_wait3A_1312 : memref<1x8x1024xf32, #tpu.memory_space<vmem>> -> memref<8x1024xf32, #tpu.memory_space<vmem>>
    %dma_wait3A_1314 = arith.constant 0 : i32
    %dma_wait3A_1315 = tpu.memref_slice %arg3[%mul3A_1128, %dma_wait3A_1314] : memref<8192x1024xf32, #tpu.memory_space<hbm>> -> memref<8x1024xf32, #tpu.memory_space<hbm>>
    %dma_wait3A_1316 = tpu.memref_slice %arg8[%dma_wait3A_1309] : memref<3x!tpu.dma_semaphore, #tpu.memory_space<semaphore_mem>> -> memref<1x!tpu.dma_semaphore, #tpu.memory_space<semaphore_mem>>
    %dma_wait3A_1317 = tpu.memref_squeeze %dma_wait3A_1316 : memref<1x!tpu.dma_semaphore, #tpu.memory_space<semaphore_mem>> -> memref<!tpu.dma_semaphore, #tpu.memory_space<semaphore_mem>>
    %dma_wait3A_1318 = arith.constant 0 : i32
    %dma_wait3A_1319 = arith.constant 0 : i32
    %dma_wait3A_1320 = tpu.memref_slice %arg6[%dma_wait3A_1308, %dma_wait3A_1318, %dma_wait3A_1319] : memref<3x8x1024xf32, #tpu.memory_space<vmem>> -> memref<1x8x1024xf32, #tpu.memory_space<vmem>>
    %dma_wait3A_1321 = tpu.memref_squeeze %dma_wait3A_1320 : memref<1x8x1024xf32, #tpu.memory_space<vmem>> -> memref<8x1024xf32, #tpu.memory_space<vmem>>
    %dma_wait3A_1322 = arith.constant 0 : i32
    %dma_wait3A_1323 = tpu.memref_slice %arg3[%mul3A_1128, %dma_wait3A_1322] : memref<8192x1024xf32, #tpu.memory_space<hbm>> -> memref<8x1024xf32, #tpu.memory_space<hbm>>
    tpu.wait_dma2 semaphore(%dma_wait3A_1317 : memref<!tpu.dma_semaphore, #tpu.memory_space<semaphore_mem>>) src(%dma_wait3A_1323 : memref<8x1024xf32, #tpu.memory_space<hbm>>) dst(%dma_wait3A_1321 : memref<8x1024xf32, #tpu.memory_space<vmem>>)
    %parallel_loop3A_1324 = arith.constant 0 : i32
    %parallel_loop3A_1325 = arith.constant 512 : i32
    %parallel_loop3A_1326 = arith.constant 1 : i32
    scf.for %parallel_loop3A_1966 = %parallel_loop3A_1324 to %parallel_loop3A_1325 step %parallel_loop3A_1326  : i32 {
      %parallel_loop3A_1967 = arith.constant 64 : i32
      %parallel_loop3A_1968 = arith.divsi %parallel_loop3A_1966, %parallel_loop3A_1967 : i32
      %parallel_loop3A_1969 = arith.constant 0 : i32
      %parallel_loop3A_1970 = arith.cmpi sgt, %parallel_loop3A_1966, %parallel_loop3A_1969 : i32
      %parallel_loop3A_1971 = arith.extui %parallel_loop3A_1970 : i1 to i32
      %parallel_loop3A_1972 = arith.constant 0 : i32
      %parallel_loop3A_1973 = arith.cmpi slt, %parallel_loop3A_1966, %parallel_loop3A_1972 : i32
      %parallel_loop3A_1974 = arith.extui %parallel_loop3A_1973 : i1 to i32
      %parallel_loop3A_1975 = arith.subi %parallel_loop3A_1971, %parallel_loop3A_1974 : i32
      %parallel_loop3A_1976 = arith.constant 0 : i32
      %parallel_loop3A_1977 = arith.cmpi sgt, %parallel_loop3A_1967, %parallel_loop3A_1976 : i32
      %parallel_loop3A_1978 = arith.extui %parallel_loop3A_1977 : i1 to i32
      %parallel_loop3A_1979 = arith.constant 0 : i32
      %parallel_loop3A_1980 = arith.cmpi slt, %parallel_loop3A_1967, %parallel_loop3A_1979 : i32
      %parallel_loop3A_1981 = arith.extui %parallel_loop3A_1980 : i1 to i32
      %parallel_loop3A_1982 = arith.subi %parallel_loop3A_1978, %parallel_loop3A_1981 : i32
      %parallel_loop3A_1983 = arith.cmpi ne, %parallel_loop3A_1975, %parallel_loop3A_1982 : i32
      %parallel_loop3A_1984 = arith.remsi %parallel_loop3A_1966, %parallel_loop3A_1967 : i32
      %parallel_loop3A_1985 = arith.constant 0 : i32
      %parallel_loop3A_1986 = arith.cmpi ne, %parallel_loop3A_1984, %parallel_loop3A_1985 : i32
      %parallel_loop3A_1987 = arith.andi %parallel_loop3A_1983, %parallel_loop3A_1986 : i1
      %parallel_loop3A_1988 = arith.constant 1 : i32
      %parallel_loop3A_1989 = arith.subi %parallel_loop3A_1968, %parallel_loop3A_1988 : i32
      %parallel_loop3A_1990 = arith.select %parallel_loop3A_1987, %parallel_loop3A_1989, %parallel_loop3A_1968 : i32
      %parallel_loop3A_1991 = arith.constant 64 : i32
      %parallel_loop3A_1992 = arith.constant 0 : i32
      %parallel_loop3A_1993 = arith.cmpi eq, %parallel_loop3A_1991, %parallel_loop3A_1992 : i32
      %parallel_loop3A_1994 = arith.constant 1 : i32
      %parallel_loop3A_1995 = arith.select %parallel_loop3A_1993, %parallel_loop3A_1994, %parallel_loop3A_1991 : i32
      %parallel_loop3A_1996 = arith.remsi %parallel_loop3A_1966, %parallel_loop3A_1995 : i32
      %parallel_loop3A_1997 = arith.constant 0 : i32
      %parallel_loop3A_1998 = arith.cmpi ne, %parallel_loop3A_1996, %parallel_loop3A_1997 : i32
      %parallel_loop3A_1999 = arith.constant 0 : i32
      %parallel_loop3A_2000 = arith.cmpi slt, %parallel_loop3A_1996, %parallel_loop3A_1999 : i32
      %parallel_loop3A_2001 = arith.constant 0 : i32
      %parallel_loop3A_2002 = arith.cmpi slt, %parallel_loop3A_1995, %parallel_loop3A_2001 : i32
      %parallel_loop3A_2003 = arith.xori %parallel_loop3A_2000, %parallel_loop3A_2002 : i1
      %parallel_loop3A_2004 = arith.andi %parallel_loop3A_2003, %parallel_loop3A_1998 : i1
      %parallel_loop3A_2005 = arith.addi %parallel_loop3A_1996, %parallel_loop3A_1995 : i32
      %parallel_loop3A_2006 = arith.select %parallel_loop3A_2004, %parallel_loop3A_2005, %parallel_loop3A_1996 : i32
      %parallel_loop3A_2007 = arith.constant 16 : i32
      %parallel_loop3A_2008 = arith.muli %parallel_loop3A_2006, %parallel_loop3A_2007 : i32
      %parallel_loop3A_2009 = arith.constant 1 : i32
      %parallel_loop3A_2010 = arith.index_cast %parallel_loop3A_2009 : i32 to index
      %parallel_loop3A_2011 = arith.index_cast %parallel_loop3A_1990 : i32 to index
      %parallel_loop3A_2012 = arith.index_cast %parallel_loop3A_2008 : i32 to index
      %parallel_loop3A_2013 = tpu.vector_load %arg6[%parallel_loop3A_2010, %parallel_loop3A_2011, %parallel_loop3A_2012] {strides = array<i32>} : memref<3x8x1024xf32, #tpu.memory_space<vmem>>, vector<1x1x16xf32>,
      %parallel_loop3A_2014 = vector.shape_cast %parallel_loop3A_2013 : vector<1x1x16xf32> to vector<16xf32>
      %parallel_loop3A_2015 = arith.constant 3.125000e-02 : f32
      %parallel_loop3A_2016 = vector.broadcast %parallel_loop3A_2015 : f32 to vector<16xf32>
      %parallel_loop3A_2017 = arith.mulf %parallel_loop3A_2014, %parallel_loop3A_2016 : vector<16xf32>
      %parallel_loop3A_2018 = arith.constant 1 : i32
      %parallel_loop3A_2019 = arith.constant 0 : i32
      %parallel_loop3A_2020 = arith.index_cast %parallel_loop3A_2018 : i32 to index
      %parallel_loop3A_2021 = arith.index_cast %parallel_loop3A_1990 : i32 to index
      %parallel_loop3A_2022 = arith.index_cast %parallel_loop3A_2019 : i32 to index
      %parallel_loop3A_2023 = arith.index_cast %parallel_loop3A_2008 : i32 to index
      %parallel_loop3A_2024 = tpu.vector_load %arg5[%parallel_loop3A_2020, %parallel_loop3A_2021, %parallel_loop3A_2022, %parallel_loop3A_2023] {strides = array<i32>} : memref<3x8x4x1024xf32, #tpu.memory_space<vmem>>, vector<1x1x1x16xf32>,
      %parallel_loop3A_2025 = vector.shape_cast %parallel_loop3A_2024 : vector<1x1x1x16xf32> to vector<16xf32>
      %parallel_loop3A_2026 = vector.shape_cast %parallel_loop3A_2017 : vector<16xf32> to vector<1x1x1x16xf32>
      tpu.vector_store %arg5[%parallel_loop3A_2020, %parallel_loop3A_2021, %parallel_loop3A_2022, %parallel_loop3A_2023], %parallel_loop3A_2026 {add = true, strides = array<i32>} : memref<3x8x4x1024xf32, #tpu.memory_space<vmem>>, vector<1x1x1x16xf32>,
      %parallel_loop3A_2027 = arith.constant 1 : i32
      %parallel_loop3A_2028 = arith.constant 1 : i32
      %parallel_loop3A_2029 = arith.index_cast %parallel_loop3A_2027 : i32 to index
      %parallel_loop3A_2030 = arith.index_cast %parallel_loop3A_1990 : i32 to index
      %parallel_loop3A_2031 = arith.index_cast %parallel_loop3A_2028 : i32 to index
      %parallel_loop3A_2032 = arith.index_cast %parallel_loop3A_2008 : i32 to index
      %parallel_loop3A_2033 = tpu.vector_load %arg5[%parallel_loop3A_2029, %parallel_loop3A_2030, %parallel_loop3A_2031, %parallel_loop3A_2032] {strides = array<i32>} : memref<3x8x4x1024xf32, #tpu.memory_space<vmem>>, vector<1x1x1x16xf32>,
      %parallel_loop3A_2034 = vector.shape_cast %parallel_loop3A_2033 : vector<1x1x1x16xf32> to vector<16xf32>
      %parallel_loop3A_2035 = vector.shape_cast %parallel_loop3A_2017 : vector<16xf32> to vector<1x1x1x16xf32>
      tpu.vector_store %arg5[%parallel_loop3A_2029, %parallel_loop3A_2030, %parallel_loop3A_2031, %parallel_loop3A_2032], %parallel_loop3A_2035 {add = true, strides = array<i32>} : memref<3x8x4x1024xf32, #tpu.memory_space<vmem>>, vector<1x1x1x16xf32>,
      %parallel_loop3A_2036 = arith.constant 1 : i32
      %parallel_loop3A_2037 = arith.constant 2 : i32
      %parallel_loop3A_2038 = arith.index_cast %parallel_loop3A_2036 : i32 to index
      %parallel_loop3A_2039 = arith.index_cast %parallel_loop3A_1990 : i32 to index
      %parallel_loop3A_2040 = arith.index_cast %parallel_loop3A_2037 : i32 to index
      %parallel_loop3A_2041 = arith.index_cast %parallel_loop3A_2008 : i32 to index
      %parallel_loop3A_2042 = tpu.vector_load %arg5[%parallel_loop3A_2038, %parallel_loop3A_2039, %parallel_loop3A_2040, %parallel_loop3A_2041] {strides = array<i32>} : memref<3x8x4x1024xf32, #tpu.memory_space<vmem>>, vector<1x1x1x16xf32>,
      %parallel_loop3A_2043 = vector.shape_cast %parallel_loop3A_2042 : vector<1x1x1x16xf32> to vector<16xf32>
      %parallel_loop3A_2044 = vector.shape_cast %parallel_loop3A_2017 : vector<16xf32> to vector<1x1x1x16xf32>
      tpu.vector_store %arg5[%parallel_loop3A_2038, %parallel_loop3A_2039, %parallel_loop3A_2040, %parallel_loop3A_2041], %parallel_loop3A_2044 {add = true, strides = array<i32>} : memref<3x8x4x1024xf32, #tpu.memory_space<vmem>>, vector<1x1x1x16xf32>,
      %parallel_loop3A_2045 = arith.constant 1 : i32
      %parallel_loop3A_2046 = arith.constant 3 : i32
      %parallel_loop3A_2047 = arith.index_cast %parallel_loop3A_2045 : i32 to index
      %parallel_loop3A_2048 = arith.index_cast %parallel_loop3A_1990 : i32 to index
      %parallel_loop3A_2049 = arith.index_cast %parallel_loop3A_2046 : i32 to index
      %parallel_loop3A_2050 = arith.index_cast %parallel_loop3A_2008 : i32 to index
      %parallel_loop3A_2051 = tpu.vector_load %arg5[%parallel_loop3A_2047, %parallel_loop3A_2048, %parallel_loop3A_2049, %parallel_loop3A_2050] {strides = array<i32>} : memref<3x8x4x1024xf32, #tpu.memory_space<vmem>>, vector<1x1x1x16xf32>,
      %parallel_loop3A_2052 = vector.shape_cast %parallel_loop3A_2051 : vector<1x1x1x16xf32> to vector<16xf32>
      %parallel_loop3A_2053 = vector.shape_cast %parallel_loop3A_2017 : vector<16xf32> to vector<1x1x1x16xf32>
      tpu.vector_store %arg5[%parallel_loop3A_2047, %parallel_loop3A_2048, %parallel_loop3A_2049, %parallel_loop3A_2050], %parallel_loop3A_2053 {add = true, strides = array<i32>} : memref<3x8x4x1024xf32, #tpu.memory_space<vmem>>, vector<1x1x1x16xf32>,
    } {sc.loop_unroll_factor = 4 : i64, sc.parallel_access}
    %add3A_1327 = arith.constant 320 : i32
    %add3A_1328 = arith.addi %add3A_1327, %add3A : i32
    %mul3A_1329 = arith.constant 8 : i32
    %mul3A_1330 = arith.muli %add3A_1328, %mul3A_1329 : i32
    %dma_start3A_1331 = arith.constant 1 : i32
    %dma_start3A_1332 = arith.constant 1 : i32
    %dma_start3A_1333 = arith.constant 0 : i32
    %dma_start3A_1334 = arith.constant 0 : i32
    %dma_start3A_1335 = arith.constant 0 : i32
    %dma_start3A_1336 = tpu.memref_slice %arg5[%dma_start3A_1331, %dma_start3A_1333, %dma_start3A_1334, %dma_start3A_1335] : memref<3x8x4x1024xf32, #tpu.memory_space<vmem>> -> memref<1x8x4x1024xf32, #tpu.memory_space<vmem>>
    %dma_start3A_1337 = tpu.memref_squeeze %dma_start3A_1336 : memref<1x8x4x1024xf32, #tpu.memory_space<vmem>> -> memref<8x4x1024xf32, #tpu.memory_space<vmem>>
    %dma_start3A_1338 = arith.constant 0 : i32
    %dma_start3A_1339 = arith.constant 0 : i32
    %dma_start3A_1340 = tpu.memref_slice %arg4[%mul3A_1330, %dma_start3A_1338, %dma_start3A_1339] : memref<4096x4x1024xf32, #tpu.memory_space<hbm>> -> memref<8x4x1024xf32, #tpu.memory_space<hbm>>
    %dma_start3A_1341 = tpu.memref_slice %arg9[%dma_start3A_1332] : memref<3x!tpu.dma_semaphore, #tpu.memory_space<semaphore_mem>> -> memref<1x!tpu.dma_semaphore, #tpu.memory_space<semaphore_mem>>
    %dma_start3A_1342 = tpu.memref_squeeze %dma_start3A_1341 : memref<1x!tpu.dma_semaphore, #tpu.memory_space<semaphore_mem>> -> memref<!tpu.dma_semaphore, #tpu.memory_space<semaphore_mem>>
    %dma_start3A_1343 = arith.constant 0 : i32
    %dma_start3A_1344 = arith.constant 0 : i32
    %dma_start3A_1345 = tpu.memref_slice %arg4[%mul3A_1330, %dma_start3A_1343, %dma_start3A_1344] : memref<4096x4x1024xf32, #tpu.memory_space<hbm>> -> memref<8x4x1024xf32, #tpu.memory_space<hbm>>
    %dma_start3A_1346 = arith.constant 0 : i32
    %dma_start3A_1347 = arith.constant 0 : i32
    %dma_start3A_1348 = arith.constant 0 : i32
    %dma_start3A_1349 = tpu.memref_slice %arg5[%dma_start3A_1331, %dma_start3A_1346, %dma_start3A_1347, %dma_start3A_1348] : memref<3x8x4x1024xf32, #tpu.memory_space<vmem>> -> memref<1x8x4x1024xf32, #tpu.memory_space<vmem>>
    %dma_start3A_1350 = tpu.memref_squeeze %dma_start3A_1349 : memref<1x8x4x1024xf32, #tpu.memory_space<vmem>> -> memref<8x4x1024xf32, #tpu.memory_space<vmem>>
    tpu.enqueue_dma source(%dma_start3A_1350 : memref<8x4x1024xf32, #tpu.memory_space<vmem>>) target(%dma_start3A_1345 : memref<8x4x1024xf32, #tpu.memory_space<hbm>>) target_semaphore(%dma_start3A_1342 : memref<!tpu.dma_semaphore, #tpu.memory_space<semaphore_mem>>)
    %dma_wait3A_1351 = arith.constant 0 : i32
    %dma_wait3A_1352 = arith.constant 0 : i32
    %dma_wait3A_1353 = arith.constant 0 : i32
    %dma_wait3A_1354 = arith.constant 0 : i32
    %dma_wait3A_1355 = arith.constant 0 : i32
    %dma_wait3A_1356 = tpu.memref_slice %arg5[%dma_wait3A_1351, %dma_wait3A_1353, %dma_wait3A_1354, %dma_wait3A_1355] : memref<3x8x4x1024xf32, #tpu.memory_space<vmem>> -> memref<1x8x4x1024xf32, #tpu.memory_space<vmem>>
    %dma_wait3A_1357 = tpu.memref_squeeze %dma_wait3A_1356 : memref<1x8x4x1024xf32, #tpu.memory_space<vmem>> -> memref<8x4x1024xf32, #tpu.memory_space<vmem>>
    %dma_wait3A_1358 = arith.constant 0 : i32
    %dma_wait3A_1359 = arith.constant 0 : i32
    %dma_wait3A_1360 = tpu.memref_slice %arg4[%mul3A_1207, %dma_wait3A_1358, %dma_wait3A_1359] : memref<4096x4x1024xf32, #tpu.memory_space<hbm>> -> memref<8x4x1024xf32, #tpu.memory_space<hbm>>
    %dma_wait3A_1361 = tpu.memref_slice %arg9[%dma_wait3A_1352] : memref<3x!tpu.dma_semaphore, #tpu.memory_space<semaphore_mem>> -> memref<1x!tpu.dma_semaphore, #tpu.memory_space<semaphore_mem>>
    %dma_wait3A_1362 = tpu.memref_squeeze %dma_wait3A_1361 : memref<1x!tpu.dma_semaphore, #tpu.memory_space<semaphore_mem>> -> memref<!tpu.dma_semaphore, #tpu.memory_space<semaphore_mem>>
    %dma_wait3A_1363 = arith.constant 0 : i32
    %dma_wait3A_1364 = arith.constant 0 : i32
    %dma_wait3A_1365 = tpu.memref_slice %arg4[%mul3A_1207, %dma_wait3A_1363, %dma_wait3A_1364] : memref<4096x4x1024xf32, #tpu.memory_space<hbm>> -> memref<8x4x1024xf32, #tpu.memory_space<hbm>>
    %dma_wait3A_1366 = arith.constant 0 : i32
    %dma_wait3A_1367 = arith.constant 0 : i32
    %dma_wait3A_1368 = arith.constant 0 : i32
    %dma_wait3A_1369 = tpu.memref_slice %arg5[%dma_wait3A_1351, %dma_wait3A_1366, %dma_wait3A_1367, %dma_wait3A_1368] : memref<3x8x4x1024xf32, #tpu.memory_space<vmem>> -> memref<1x8x4x1024xf32, #tpu.memory_space<vmem>>
    %dma_wait3A_1370 = tpu.memref_squeeze %dma_wait3A_1369 : memref<1x8x4x1024xf32, #tpu.memory_space<vmem>> -> memref<8x4x1024xf32, #tpu.memory_space<vmem>>
    tpu.wait_dma2 semaphore(%dma_wait3A_1362 : memref<!tpu.dma_semaphore, #tpu.memory_space<semaphore_mem>>) src(%dma_wait3A_1370 : memref<8x4x1024xf32, #tpu.memory_space<vmem>>) dst(%dma_wait3A_1365 : memref<8x4x1024xf32, #tpu.memory_space<hbm>>)
    %add3A_1371 = arith.constant 384 : i32
    %add3A_1372 = arith.addi %add3A_1371, %add3A : i32
    %mul3A_1373 = arith.constant 8 : i32
    %mul3A_1374 = arith.muli %add3A_1372, %mul3A_1373 : i32
    %dma_start3A_1375 = arith.constant 0 : i32
    %dma_start3A_1376 = arith.constant 0 : i32
    %dma_start3A_1377 = arith.constant 0 : i32
    %dma_start3A_1378 = arith.constant 0 : i32
    %dma_start3A_1379 = arith.constant 0 : i32
    %dma_start3A_1380 = tpu.memref_slice %arg5[%dma_start3A_1375, %dma_start3A_1377, %dma_start3A_1378, %dma_start3A_1379] : memref<3x8x4x1024xf32, #tpu.memory_space<vmem>> -> memref<1x8x4x1024xf32, #tpu.memory_space<vmem>>
    %dma_start3A_1381 = tpu.memref_squeeze %dma_start3A_1380 : memref<1x8x4x1024xf32, #tpu.memory_space<vmem>> -> memref<8x4x1024xf32, #tpu.memory_space<vmem>>
    %dma_start3A_1382 = arith.constant 0 : i32
    %dma_start3A_1383 = arith.constant 0 : i32
    %dma_start3A_1384 = tpu.memref_slice %arg2[%mul3A_1374, %dma_start3A_1382, %dma_start3A_1383] : memref<4096x4x1024xf32, #tpu.memory_space<hbm>> -> memref<8x4x1024xf32, #tpu.memory_space<hbm>>
    %dma_start3A_1385 = tpu.memref_slice %arg7[%dma_start3A_1376] : memref<3x!tpu.dma_semaphore, #tpu.memory_space<semaphore_mem>> -> memref<1x!tpu.dma_semaphore, #tpu.memory_space<semaphore_mem>>
    %dma_start3A_1386 = tpu.memref_squeeze %dma_start3A_1385 : memref<1x!tpu.dma_semaphore, #tpu.memory_space<semaphore_mem>> -> memref<!tpu.dma_semaphore, #tpu.memory_space<semaphore_mem>>
    %dma_start3A_1387 = arith.constant 0 : i32
    %dma_start3A_1388 = arith.constant 0 : i32
    %dma_start3A_1389 = arith.constant 0 : i32
    %dma_start3A_1390 = tpu.memref_slice %arg5[%dma_start3A_1375, %dma_start3A_1387, %dma_start3A_1388, %dma_start3A_1389] : memref<3x8x4x1024xf32, #tpu.memory_space<vmem>> -> memref<1x8x4x1024xf32, #tpu.memory_space<vmem>>
    %dma_start3A_1391 = tpu.memref_squeeze %dma_start3A_1390 : memref<1x8x4x1024xf32, #tpu.memory_space<vmem>> -> memref<8x4x1024xf32, #tpu.memory_space<vmem>>
    %dma_start3A_1392 = arith.constant 0 : i32
    %dma_start3A_1393 = arith.constant 0 : i32
    %dma_start3A_1394 = tpu.memref_slice %arg2[%mul3A_1374, %dma_start3A_1392, %dma_start3A_1393] : memref<4096x4x1024xf32, #tpu.memory_space<hbm>> -> memref<8x4x1024xf32, #tpu.memory_space<hbm>>
    tpu.enqueue_dma source(%dma_start3A_1394 : memref<8x4x1024xf32, #tpu.memory_space<hbm>>) target(%dma_start3A_1391 : memref<8x4x1024xf32, #tpu.memory_space<vmem>>) target_semaphore(%dma_start3A_1386 : memref<!tpu.dma_semaphore, #tpu.memory_space<semaphore_mem>>)
    %dma_start3A_1395 = arith.constant 0 : i32
    %dma_start3A_1396 = arith.constant 0 : i32
    %dma_start3A_1397 = arith.constant 0 : i32
    %dma_start3A_1398 = arith.constant 0 : i32
    %dma_start3A_1399 = tpu.memref_slice %arg6[%dma_start3A_1395, %dma_start3A_1397, %dma_start3A_1398] : memref<3x8x1024xf32, #tpu.memory_space<vmem>> -> memref<1x8x1024xf32, #tpu.memory_space<vmem>>
    %dma_start3A_1400 = tpu.memref_squeeze %dma_start3A_1399 : memref<1x8x1024xf32, #tpu.memory_space<vmem>> -> memref<8x1024xf32, #tpu.memory_space<vmem>>
    %dma_start3A_1401 = arith.constant 0 : i32
    %dma_start3A_1402 = tpu.memref_slice %arg3[%mul3A_1374, %dma_start3A_1401] : memref<8192x1024xf32, #tpu.memory_space<hbm>> -> memref<8x1024xf32, #tpu.memory_space<hbm>>
    %dma_start3A_1403 = tpu.memref_slice %arg8[%dma_start3A_1396] : memref<3x!tpu.dma_semaphore, #tpu.memory_space<semaphore_mem>> -> memref<1x!tpu.dma_semaphore, #tpu.memory_space<semaphore_mem>>
    %dma_start3A_1404 = tpu.memref_squeeze %dma_start3A_1403 : memref<1x!tpu.dma_semaphore, #tpu.memory_space<semaphore_mem>> -> memref<!tpu.dma_semaphore, #tpu.memory_space<semaphore_mem>>
    %dma_start3A_1405 = arith.constant 0 : i32
    %dma_start3A_1406 = arith.constant 0 : i32
    %dma_start3A_1407 = tpu.memref_slice %arg6[%dma_start3A_1395, %dma_start3A_1405, %dma_start3A_1406] : memref<3x8x1024xf32, #tpu.memory_space<vmem>> -> memref<1x8x1024xf32, #tpu.memory_space<vmem>>
    %dma_start3A_1408 = tpu.memref_squeeze %dma_start3A_1407 : memref<1x8x1024xf32, #tpu.memory_space<vmem>> -> memref<8x1024xf32, #tpu.memory_space<vmem>>
    %dma_start3A_1409 = arith.constant 0 : i32
    %dma_start3A_1410 = tpu.memref_slice %arg3[%mul3A_1374, %dma_start3A_1409] : memref<8192x1024xf32, #tpu.memory_space<hbm>> -> memref<8x1024xf32, #tpu.memory_space<hbm>>
    tpu.enqueue_dma source(%dma_start3A_1410 : memref<8x1024xf32, #tpu.memory_space<hbm>>) target(%dma_start3A_1408 : memref<8x1024xf32, #tpu.memory_space<vmem>>) target_semaphore(%dma_start3A_1404 : memref<!tpu.dma_semaphore, #tpu.memory_space<semaphore_mem>>)
    %dma_wait3A_1411 = arith.constant 2 : i32
    %dma_wait3A_1412 = arith.constant 2 : i32
    %dma_wait3A_1413 = arith.constant 0 : i32
    %dma_wait3A_1414 = arith.constant 0 : i32
    %dma_wait3A_1415 = arith.constant 0 : i32
    %dma_wait3A_1416 = tpu.memref_slice %arg5[%dma_wait3A_1411, %dma_wait3A_1413, %dma_wait3A_1414, %dma_wait3A_1415] : memref<3x8x4x1024xf32, #tpu.memory_space<vmem>> -> memref<1x8x4x1024xf32, #tpu.memory_space<vmem>>
    %dma_wait3A_1417 = tpu.memref_squeeze %dma_wait3A_1416 : memref<1x8x4x1024xf32, #tpu.memory_space<vmem>> -> memref<8x4x1024xf32, #tpu.memory_space<vmem>>
    %dma_wait3A_1418 = arith.constant 0 : i32
    %dma_wait3A_1419 = arith.constant 0 : i32
    %dma_wait3A_1420 = tpu.memref_slice %arg2[%mul3A_1251, %dma_wait3A_1418, %dma_wait3A_1419] : memref<4096x4x1024xf32, #tpu.memory_space<hbm>> -> memref<8x4x1024xf32, #tpu.memory_space<hbm>>
    %dma_wait3A_1421 = tpu.memref_slice %arg7[%dma_wait3A_1412] : memref<3x!tpu.dma_semaphore, #tpu.memory_space<semaphore_mem>> -> memref<1x!tpu.dma_semaphore, #tpu.memory_space<semaphore_mem>>
    %dma_wait3A_1422 = tpu.memref_squeeze %dma_wait3A_1421 : memref<1x!tpu.dma_semaphore, #tpu.memory_space<semaphore_mem>> -> memref<!tpu.dma_semaphore, #tpu.memory_space<semaphore_mem>>
    %dma_wait3A_1423 = arith.constant 0 : i32
    %dma_wait3A_1424 = arith.constant 0 : i32
    %dma_wait3A_1425 = arith.constant 0 : i32
    %dma_wait3A_1426 = tpu.memref_slice %arg5[%dma_wait3A_1411, %dma_wait3A_1423, %dma_wait3A_1424, %dma_wait3A_1425] : memref<3x8x4x1024xf32, #tpu.memory_space<vmem>> -> memref<1x8x4x1024xf32, #tpu.memory_space<vmem>>
    %dma_wait3A_1427 = tpu.memref_squeeze %dma_wait3A_1426 : memref<1x8x4x1024xf32, #tpu.memory_space<vmem>> -> memref<8x4x1024xf32, #tpu.memory_space<vmem>>
    %dma_wait3A_1428 = arith.constant 0 : i32
    %dma_wait3A_1429 = arith.constant 0 : i32
    %dma_wait3A_1430 = tpu.memref_slice %arg2[%mul3A_1251, %dma_wait3A_1428, %dma_wait3A_1429] : memref<4096x4x1024xf32, #tpu.memory_space<hbm>> -> memref<8x4x1024xf32, #tpu.memory_space<hbm>>
    tpu.wait_dma2 semaphore(%dma_wait3A_1422 : memref<!tpu.dma_semaphore, #tpu.memory_space<semaphore_mem>>) src(%dma_wait3A_1430 : memref<8x4x1024xf32, #tpu.memory_space<hbm>>) dst(%dma_wait3A_1427 : memref<8x4x1024xf32, #tpu.memory_space<vmem>>)
    %dma_wait3A_1431 = arith.constant 2 : i32
    %dma_wait3A_1432 = arith.constant 2 : i32
    %dma_wait3A_1433 = arith.constant 0 : i32
    %dma_wait3A_1434 = arith.constant 0 : i32
    %dma_wait3A_1435 = tpu.memref_slice %arg6[%dma_wait3A_1431, %dma_wait3A_1433, %dma_wait3A_1434] : memref<3x8x1024xf32, #tpu.memory_space<vmem>> -> memref<1x8x1024xf32, #tpu.memory_space<vmem>>
    %dma_wait3A_1436 = tpu.memref_squeeze %dma_wait3A_1435 : memref<1x8x1024xf32, #tpu.memory_space<vmem>> -> memref<8x1024xf32, #tpu.memory_space<vmem>>
    %dma_wait3A_1437 = arith.constant 0 : i32
    %dma_wait3A_1438 = tpu.memref_slice %arg3[%mul3A_1251, %dma_wait3A_1437] : memref<8192x1024xf32, #tpu.memory_space<hbm>> -> memref<8x1024xf32, #tpu.memory_space<hbm>>
    %dma_wait3A_1439 = tpu.memref_slice %arg8[%dma_wait3A_1432] : memref<3x!tpu.dma_semaphore, #tpu.memory_space<semaphore_mem>> -> memref<1x!tpu.dma_semaphore, #tpu.memory_space<semaphore_mem>>
    %dma_wait3A_1440 = tpu.memref_squeeze %dma_wait3A_1439 : memref<1x!tpu.dma_semaphore, #tpu.memory_space<semaphore_mem>> -> memref<!tpu.dma_semaphore, #tpu.memory_space<semaphore_mem>>
    %dma_wait3A_1441 = arith.constant 0 : i32
    %dma_wait3A_1442 = arith.constant 0 : i32
    %dma_wait3A_1443 = tpu.memref_slice %arg6[%dma_wait3A_1431, %dma_wait3A_1441, %dma_wait3A_1442] : memref<3x8x1024xf32, #tpu.memory_space<vmem>> -> memref<1x8x1024xf32, #tpu.memory_space<vmem>>
    %dma_wait3A_1444 = tpu.memref_squeeze %dma_wait3A_1443 : memref<1x8x1024xf32, #tpu.memory_space<vmem>> -> memref<8x1024xf32, #tpu.memory_space<vmem>>
    %dma_wait3A_1445 = arith.constant 0 : i32
    %dma_wait3A_1446 = tpu.memref_slice %arg3[%mul3A_1251, %dma_wait3A_1445] : memref<8192x1024xf32, #tpu.memory_space<hbm>> -> memref<8x1024xf32, #tpu.memory_space<hbm>>
    tpu.wait_dma2 semaphore(%dma_wait3A_1440 : memref<!tpu.dma_semaphore, #tpu.memory_space<semaphore_mem>>) src(%dma_wait3A_1446 : memref<8x1024xf32, #tpu.memory_space<hbm>>) dst(%dma_wait3A_1444 : memref<8x1024xf32, #tpu.memory_space<vmem>>)
    %parallel_loop3A_1447 = arith.constant 0 : i32
    %parallel_loop3A_1448 = arith.constant 512 : i32
    %parallel_loop3A_1449 = arith.constant 1 : i32
    scf.for %parallel_loop3A_1966 = %parallel_loop3A_1447 to %parallel_loop3A_1448 step %parallel_loop3A_1449  : i32 {
      %parallel_loop3A_1967 = arith.constant 64 : i32
      %parallel_loop3A_1968 = arith.divsi %parallel_loop3A_1966, %parallel_loop3A_1967 : i32
      %parallel_loop3A_1969 = arith.constant 0 : i32
      %parallel_loop3A_1970 = arith.cmpi sgt, %parallel_loop3A_1966, %parallel_loop3A_1969 : i32
      %parallel_loop3A_1971 = arith.extui %parallel_loop3A_1970 : i1 to i32
      %parallel_loop3A_1972 = arith.constant 0 : i32
      %parallel_loop3A_1973 = arith.cmpi slt, %parallel_loop3A_1966, %parallel_loop3A_1972 : i32
      %parallel_loop3A_1974 = arith.extui %parallel_loop3A_1973 : i1 to i32
      %parallel_loop3A_1975 = arith.subi %parallel_loop3A_1971, %parallel_loop3A_1974 : i32
      %parallel_loop3A_1976 = arith.constant 0 : i32
      %parallel_loop3A_1977 = arith.cmpi sgt, %parallel_loop3A_1967, %parallel_loop3A_1976 : i32
      %parallel_loop3A_1978 = arith.extui %parallel_loop3A_1977 : i1 to i32
      %parallel_loop3A_1979 = arith.constant 0 : i32
      %parallel_loop3A_1980 = arith.cmpi slt, %parallel_loop3A_1967, %parallel_loop3A_1979 : i32
      %parallel_loop3A_1981 = arith.extui %parallel_loop3A_1980 : i1 to i32
      %parallel_loop3A_1982 = arith.subi %parallel_loop3A_1978, %parallel_loop3A_1981 : i32
      %parallel_loop3A_1983 = arith.cmpi ne, %parallel_loop3A_1975, %parallel_loop3A_1982 : i32
      %parallel_loop3A_1984 = arith.remsi %parallel_loop3A_1966, %parallel_loop3A_1967 : i32
      %parallel_loop3A_1985 = arith.constant 0 : i32
      %parallel_loop3A_1986 = arith.cmpi ne, %parallel_loop3A_1984, %parallel_loop3A_1985 : i32
      %parallel_loop3A_1987 = arith.andi %parallel_loop3A_1983, %parallel_loop3A_1986 : i1
      %parallel_loop3A_1988 = arith.constant 1 : i32
      %parallel_loop3A_1989 = arith.subi %parallel_loop3A_1968, %parallel_loop3A_1988 : i32
      %parallel_loop3A_1990 = arith.select %parallel_loop3A_1987, %parallel_loop3A_1989, %parallel_loop3A_1968 : i32
      %parallel_loop3A_1991 = arith.constant 64 : i32
      %parallel_loop3A_1992 = arith.constant 0 : i32
      %parallel_loop3A_1993 = arith.cmpi eq, %parallel_loop3A_1991, %parallel_loop3A_1992 : i32
      %parallel_loop3A_1994 = arith.constant 1 : i32
      %parallel_loop3A_1995 = arith.select %parallel_loop3A_1993, %parallel_loop3A_1994, %parallel_loop3A_1991 : i32
      %parallel_loop3A_1996 = arith.remsi %parallel_loop3A_1966, %parallel_loop3A_1995 : i32
      %parallel_loop3A_1997 = arith.constant 0 : i32
      %parallel_loop3A_1998 = arith.cmpi ne, %parallel_loop3A_1996, %parallel_loop3A_1997 : i32
      %parallel_loop3A_1999 = arith.constant 0 : i32
      %parallel_loop3A_2000 = arith.cmpi slt, %parallel_loop3A_1996, %parallel_loop3A_1999 : i32
      %parallel_loop3A_2001 = arith.constant 0 : i32
      %parallel_loop3A_2002 = arith.cmpi slt, %parallel_loop3A_1995, %parallel_loop3A_2001 : i32
      %parallel_loop3A_2003 = arith.xori %parallel_loop3A_2000, %parallel_loop3A_2002 : i1
      %parallel_loop3A_2004 = arith.andi %parallel_loop3A_2003, %parallel_loop3A_1998 : i1
      %parallel_loop3A_2005 = arith.addi %parallel_loop3A_1996, %parallel_loop3A_1995 : i32
      %parallel_loop3A_2006 = arith.select %parallel_loop3A_2004, %parallel_loop3A_2005, %parallel_loop3A_1996 : i32
      %parallel_loop3A_2007 = arith.constant 16 : i32
      %parallel_loop3A_2008 = arith.muli %parallel_loop3A_2006, %parallel_loop3A_2007 : i32
      %parallel_loop3A_2009 = arith.constant 2 : i32
      %parallel_loop3A_2010 = arith.index_cast %parallel_loop3A_2009 : i32 to index
      %parallel_loop3A_2011 = arith.index_cast %parallel_loop3A_1990 : i32 to index
      %parallel_loop3A_2012 = arith.index_cast %parallel_loop3A_2008 : i32 to index
      %parallel_loop3A_2013 = tpu.vector_load %arg6[%parallel_loop3A_2010, %parallel_loop3A_2011, %parallel_loop3A_2012] {strides = array<i32>} : memref<3x8x1024xf32, #tpu.memory_space<vmem>>, vector<1x1x16xf32>,
      %parallel_loop3A_2014 = vector.shape_cast %parallel_loop3A_2013 : vector<1x1x16xf32> to vector<16xf32>
      %parallel_loop3A_2015 = arith.constant 3.125000e-02 : f32
      %parallel_loop3A_2016 = vector.broadcast %parallel_loop3A_2015 : f32 to vector<16xf32>
      %parallel_loop3A_2017 = arith.mulf %parallel_loop3A_2014, %parallel_loop3A_2016 : vector<16xf32>
      %parallel_loop3A_2018 = arith.constant 2 : i32
      %parallel_loop3A_2019 = arith.constant 0 : i32
      %parallel_loop3A_2020 = arith.index_cast %parallel_loop3A_2018 : i32 to index
      %parallel_loop3A_2021 = arith.index_cast %parallel_loop3A_1990 : i32 to index
      %parallel_loop3A_2022 = arith.index_cast %parallel_loop3A_2019 : i32 to index
      %parallel_loop3A_2023 = arith.index_cast %parallel_loop3A_2008 : i32 to index
      %parallel_loop3A_2024 = tpu.vector_load %arg5[%parallel_loop3A_2020, %parallel_loop3A_2021, %parallel_loop3A_2022, %parallel_loop3A_2023] {strides = array<i32>} : memref<3x8x4x1024xf32, #tpu.memory_space<vmem>>, vector<1x1x1x16xf32>,
      %parallel_loop3A_2025 = vector.shape_cast %parallel_loop3A_2024 : vector<1x1x1x16xf32> to vector<16xf32>
      %parallel_loop3A_2026 = vector.shape_cast %parallel_loop3A_2017 : vector<16xf32> to vector<1x1x1x16xf32>
      tpu.vector_store %arg5[%parallel_loop3A_2020, %parallel_loop3A_2021, %parallel_loop3A_2022, %parallel_loop3A_2023], %parallel_loop3A_2026 {add = true, strides = array<i32>} : memref<3x8x4x1024xf32, #tpu.memory_space<vmem>>, vector<1x1x1x16xf32>,
      %parallel_loop3A_2027 = arith.constant 2 : i32
      %parallel_loop3A_2028 = arith.constant 1 : i32
      %parallel_loop3A_2029 = arith.index_cast %parallel_loop3A_2027 : i32 to index
      %parallel_loop3A_2030 = arith.index_cast %parallel_loop3A_1990 : i32 to index
      %parallel_loop3A_2031 = arith.index_cast %parallel_loop3A_2028 : i32 to index
      %parallel_loop3A_2032 = arith.index_cast %parallel_loop3A_2008 : i32 to index
      %parallel_loop3A_2033 = tpu.vector_load %arg5[%parallel_loop3A_2029, %parallel_loop3A_2030, %parallel_loop3A_2031, %parallel_loop3A_2032] {strides = array<i32>} : memref<3x8x4x1024xf32, #tpu.memory_space<vmem>>, vector<1x1x1x16xf32>,
      %parallel_loop3A_2034 = vector.shape_cast %parallel_loop3A_2033 : vector<1x1x1x16xf32> to vector<16xf32>
      %parallel_loop3A_2035 = vector.shape_cast %parallel_loop3A_2017 : vector<16xf32> to vector<1x1x1x16xf32>
      tpu.vector_store %arg5[%parallel_loop3A_2029, %parallel_loop3A_2030, %parallel_loop3A_2031, %parallel_loop3A_2032], %parallel_loop3A_2035 {add = true, strides = array<i32>} : memref<3x8x4x1024xf32, #tpu.memory_space<vmem>>, vector<1x1x1x16xf32>,
      %parallel_loop3A_2036 = arith.constant 2 : i32
      %parallel_loop3A_2037 = arith.constant 2 : i32
      %parallel_loop3A_2038 = arith.index_cast %parallel_loop3A_2036 : i32 to index
      %parallel_loop3A_2039 = arith.index_cast %parallel_loop3A_1990 : i32 to index
      %parallel_loop3A_2040 = arith.index_cast %parallel_loop3A_2037 : i32 to index
      %parallel_loop3A_2041 = arith.index_cast %parallel_loop3A_2008 : i32 to index
      %parallel_loop3A_2042 = tpu.vector_load %arg5[%parallel_loop3A_2038, %parallel_loop3A_2039, %parallel_loop3A_2040, %parallel_loop3A_2041] {strides = array<i32>} : memref<3x8x4x1024xf32, #tpu.memory_space<vmem>>, vector<1x1x1x16xf32>,
      %parallel_loop3A_2043 = vector.shape_cast %parallel_loop3A_2042 : vector<1x1x1x16xf32> to vector<16xf32>
      %parallel_loop3A_2044 = vector.shape_cast %parallel_loop3A_2017 : vector<16xf32> to vector<1x1x1x16xf32>
      tpu.vector_store %arg5[%parallel_loop3A_2038, %parallel_loop3A_2039, %parallel_loop3A_2040, %parallel_loop3A_2041], %parallel_loop3A_2044 {add = true, strides = array<i32>} : memref<3x8x4x1024xf32, #tpu.memory_space<vmem>>, vector<1x1x1x16xf32>,
      %parallel_loop3A_2045 = arith.constant 2 : i32
      %parallel_loop3A_2046 = arith.constant 3 : i32
      %parallel_loop3A_2047 = arith.index_cast %parallel_loop3A_2045 : i32 to index
      %parallel_loop3A_2048 = arith.index_cast %parallel_loop3A_1990 : i32 to index
      %parallel_loop3A_2049 = arith.index_cast %parallel_loop3A_2046 : i32 to index
      %parallel_loop3A_2050 = arith.index_cast %parallel_loop3A_2008 : i32 to index
      %parallel_loop3A_2051 = tpu.vector_load %arg5[%parallel_loop3A_2047, %parallel_loop3A_2048, %parallel_loop3A_2049, %parallel_loop3A_2050] {strides = array<i32>} : memref<3x8x4x1024xf32, #tpu.memory_space<vmem>>, vector<1x1x1x16xf32>,
      %parallel_loop3A_2052 = vector.shape_cast %parallel_loop3A_2051 : vector<1x1x1x16xf32> to vector<16xf32>
      %parallel_loop3A_2053 = vector.shape_cast %parallel_loop3A_2017 : vector<16xf32> to vector<1x1x1x16xf32>
      tpu.vector_store %arg5[%parallel_loop3A_2047, %parallel_loop3A_2048, %parallel_loop3A_2049, %parallel_loop3A_2050], %parallel_loop3A_2053 {add = true, strides = array<i32>} : memref<3x8x4x1024xf32, #tpu.memory_space<vmem>>, vector<1x1x1x16xf32>,
    } {sc.loop_unroll_factor = 4 : i64, sc.parallel_access}
    %add3A_1450 = arith.constant 352 : i32
    %add3A_1451 = arith.addi %add3A_1450, %add3A : i32
    %mul3A_1452 = arith.constant 8 : i32
    %mul3A_1453 = arith.muli %add3A_1451, %mul3A_1452 : i32
    %dma_start3A_1454 = arith.constant 2 : i32
    %dma_start3A_1455 = arith.constant 2 : i32
    %dma_start3A_1456 = arith.constant 0 : i32
    %dma_start3A_1457 = arith.constant 0 : i32
    %dma_start3A_1458 = arith.constant 0 : i32
    %dma_start3A_1459 = tpu.memref_slice %arg5[%dma_start3A_1454, %dma_start3A_1456, %dma_start3A_1457, %dma_start3A_1458] : memref<3x8x4x1024xf32, #tpu.memory_space<vmem>> -> memref<1x8x4x1024xf32, #tpu.memory_space<vmem>>
    %dma_start3A_1460 = tpu.memref_squeeze %dma_start3A_1459 : memref<1x8x4x1024xf32, #tpu.memory_space<vmem>> -> memref<8x4x1024xf32, #tpu.memory_space<vmem>>
    %dma_start3A_1461 = arith.constant 0 : i32
    %dma_start3A_1462 = arith.constant 0 : i32
    %dma_start3A_1463 = tpu.memref_slice %arg4[%mul3A_1453, %dma_start3A_1461, %dma_start3A_1462] : memref<4096x4x1024xf32, #tpu.memory_space<hbm>> -> memref<8x4x1024xf32, #tpu.memory_space<hbm>>
    %dma_start3A_1464 = tpu.memref_slice %arg9[%dma_start3A_1455] : memref<3x!tpu.dma_semaphore, #tpu.memory_space<semaphore_mem>> -> memref<1x!tpu.dma_semaphore, #tpu.memory_space<semaphore_mem>>
    %dma_start3A_1465 = tpu.memref_squeeze %dma_start3A_1464 : memref<1x!tpu.dma_semaphore, #tpu.memory_space<semaphore_mem>> -> memref<!tpu.dma_semaphore, #tpu.memory_space<semaphore_mem>>
    %dma_start3A_1466 = arith.constant 0 : i32
    %dma_start3A_1467 = arith.constant 0 : i32
    %dma_start3A_1468 = tpu.memref_slice %arg4[%mul3A_1453, %dma_start3A_1466, %dma_start3A_1467] : memref<4096x4x1024xf32, #tpu.memory_space<hbm>> -> memref<8x4x1024xf32, #tpu.memory_space<hbm>>
    %dma_start3A_1469 = arith.constant 0 : i32
    %dma_start3A_1470 = arith.constant 0 : i32
    %dma_start3A_1471 = arith.constant 0 : i32
    %dma_start3A_1472 = tpu.memref_slice %arg5[%dma_start3A_1454, %dma_start3A_1469, %dma_start3A_1470, %dma_start3A_1471] : memref<3x8x4x1024xf32, #tpu.memory_space<vmem>> -> memref<1x8x4x1024xf32, #tpu.memory_space<vmem>>
    %dma_start3A_1473 = tpu.memref_squeeze %dma_start3A_1472 : memref<1x8x4x1024xf32, #tpu.memory_space<vmem>> -> memref<8x4x1024xf32, #tpu.memory_space<vmem>>
    tpu.enqueue_dma source(%dma_start3A_1473 : memref<8x4x1024xf32, #tpu.memory_space<vmem>>) target(%dma_start3A_1468 : memref<8x4x1024xf32, #tpu.memory_space<hbm>>) target_semaphore(%dma_start3A_1465 : memref<!tpu.dma_semaphore, #tpu.memory_space<semaphore_mem>>)
    %dma_wait3A_1474 = arith.constant 1 : i32
    %dma_wait3A_1475 = arith.constant 1 : i32
    %dma_wait3A_1476 = arith.constant 0 : i32
    %dma_wait3A_1477 = arith.constant 0 : i32
    %dma_wait3A_1478 = arith.constant 0 : i32
    %dma_wait3A_1479 = tpu.memref_slice %arg5[%dma_wait3A_1474, %dma_wait3A_1476, %dma_wait3A_1477, %dma_wait3A_1478] : memref<3x8x4x1024xf32, #tpu.memory_space<vmem>> -> memref<1x8x4x1024xf32, #tpu.memory_space<vmem>>
    %dma_wait3A_1480 = tpu.memref_squeeze %dma_wait3A_1479 : memref<1x8x4x1024xf32, #tpu.memory_space<vmem>> -> memref<8x4x1024xf32, #tpu.memory_space<vmem>>
    %dma_wait3A_1481 = arith.constant 0 : i32
    %dma_wait3A_1482 = arith.constant 0 : i32
    %dma_wait3A_1483 = tpu.memref_slice %arg4[%mul3A_1330, %dma_wait3A_1481, %dma_wait3A_1482] : memref<4096x4x1024xf32, #tpu.memory_space<hbm>> -> memref<8x4x1024xf32, #tpu.memory_space<hbm>>
    %dma_wait3A_1484 = tpu.memref_slice %arg9[%dma_wait3A_1475] : memref<3x!tpu.dma_semaphore, #tpu.memory_space<semaphore_mem>> -> memref<1x!tpu.dma_semaphore, #tpu.memory_space<semaphore_mem>>
    %dma_wait3A_1485 = tpu.memref_squeeze %dma_wait3A_1484 : memref<1x!tpu.dma_semaphore, #tpu.memory_space<semaphore_mem>> -> memref<!tpu.dma_semaphore, #tpu.memory_space<semaphore_mem>>
    %dma_wait3A_1486 = arith.constant 0 : i32
    %dma_wait3A_1487 = arith.constant 0 : i32
    %dma_wait3A_1488 = tpu.memref_slice %arg4[%mul3A_1330, %dma_wait3A_1486, %dma_wait3A_1487] : memref<4096x4x1024xf32, #tpu.memory_space<hbm>> -> memref<8x4x1024xf32, #tpu.memory_space<hbm>>
    %dma_wait3A_1489 = arith.constant 0 : i32
    %dma_wait3A_1490 = arith.constant 0 : i32
    %dma_wait3A_1491 = arith.constant 0 : i32
    %dma_wait3A_1492 = tpu.memref_slice %arg5[%dma_wait3A_1474, %dma_wait3A_1489, %dma_wait3A_1490, %dma_wait3A_1491] : memref<3x8x4x1024xf32, #tpu.memory_space<vmem>> -> memref<1x8x4x1024xf32, #tpu.memory_space<vmem>>
    %dma_wait3A_1493 = tpu.memref_squeeze %dma_wait3A_1492 : memref<1x8x4x1024xf32, #tpu.memory_space<vmem>> -> memref<8x4x1024xf32, #tpu.memory_space<vmem>>
    tpu.wait_dma2 semaphore(%dma_wait3A_1485 : memref<!tpu.dma_semaphore, #tpu.memory_space<semaphore_mem>>) src(%dma_wait3A_1493 : memref<8x4x1024xf32, #tpu.memory_space<vmem>>) dst(%dma_wait3A_1488 : memref<8x4x1024xf32, #tpu.memory_space<hbm>>)
    %add3A_1494 = arith.constant 416 : i32
    %add3A_1495 = arith.addi %add3A_1494, %add3A : i32
    %mul3A_1496 = arith.constant 8 : i32
    %mul3A_1497 = arith.muli %add3A_1495, %mul3A_1496 : i32
    %dma_start3A_1498 = arith.constant 1 : i32
    %dma_start3A_1499 = arith.constant 1 : i32
    %dma_start3A_1500 = arith.constant 0 : i32
    %dma_start3A_1501 = arith.constant 0 : i32
    %dma_start3A_1502 = arith.constant 0 : i32
    %dma_start3A_1503 = tpu.memref_slice %arg5[%dma_start3A_1498, %dma_start3A_1500, %dma_start3A_1501, %dma_start3A_1502] : memref<3x8x4x1024xf32, #tpu.memory_space<vmem>> -> memref<1x8x4x1024xf32, #tpu.memory_space<vmem>>
    %dma_start3A_1504 = tpu.memref_squeeze %dma_start3A_1503 : memref<1x8x4x1024xf32, #tpu.memory_space<vmem>> -> memref<8x4x1024xf32, #tpu.memory_space<vmem>>
    %dma_start3A_1505 = arith.constant 0 : i32
    %dma_start3A_1506 = arith.constant 0 : i32
    %dma_start3A_1507 = tpu.memref_slice %arg2[%mul3A_1497, %dma_start3A_1505, %dma_start3A_1506] : memref<4096x4x1024xf32, #tpu.memory_space<hbm>> -> memref<8x4x1024xf32, #tpu.memory_space<hbm>>
    %dma_start3A_1508 = tpu.memref_slice %arg7[%dma_start3A_1499] : memref<3x!tpu.dma_semaphore, #tpu.memory_space<semaphore_mem>> -> memref<1x!tpu.dma_semaphore, #tpu.memory_space<semaphore_mem>>
    %dma_start3A_1509 = tpu.memref_squeeze %dma_start3A_1508 : memref<1x!tpu.dma_semaphore, #tpu.memory_space<semaphore_mem>> -> memref<!tpu.dma_semaphore, #tpu.memory_space<semaphore_mem>>
    %dma_start3A_1510 = arith.constant 0 : i32
    %dma_start3A_1511 = arith.constant 0 : i32
    %dma_start3A_1512 = arith.constant 0 : i32
    %dma_start3A_1513 = tpu.memref_slice %arg5[%dma_start3A_1498, %dma_start3A_1510, %dma_start3A_1511, %dma_start3A_1512] : memref<3x8x4x1024xf32, #tpu.memory_space<vmem>> -> memref<1x8x4x1024xf32, #tpu.memory_space<vmem>>
    %dma_start3A_1514 = tpu.memref_squeeze %dma_start3A_1513 : memref<1x8x4x1024xf32, #tpu.memory_space<vmem>> -> memref<8x4x1024xf32, #tpu.memory_space<vmem>>
    %dma_start3A_1515 = arith.constant 0 : i32
    %dma_start3A_1516 = arith.constant 0 : i32
    %dma_start3A_1517 = tpu.memref_slice %arg2[%mul3A_1497, %dma_start3A_1515, %dma_start3A_1516] : memref<4096x4x1024xf32, #tpu.memory_space<hbm>> -> memref<8x4x1024xf32, #tpu.memory_space<hbm>>
    tpu.enqueue_dma source(%dma_start3A_1517 : memref<8x4x1024xf32, #tpu.memory_space<hbm>>) target(%dma_start3A_1514 : memref<8x4x1024xf32, #tpu.memory_space<vmem>>) target_semaphore(%dma_start3A_1509 : memref<!tpu.dma_semaphore, #tpu.memory_space<semaphore_mem>>)
    %dma_start3A_1518 = arith.constant 1 : i32
    %dma_start3A_1519 = arith.constant 1 : i32
    %dma_start3A_1520 = arith.constant 0 : i32
    %dma_start3A_1521 = arith.constant 0 : i32
    %dma_start3A_1522 = tpu.memref_slice %arg6[%dma_start3A_1518, %dma_start3A_1520, %dma_start3A_1521] : memref<3x8x1024xf32, #tpu.memory_space<vmem>> -> memref<1x8x1024xf32, #tpu.memory_space<vmem>>
    %dma_start3A_1523 = tpu.memref_squeeze %dma_start3A_1522 : memref<1x8x1024xf32, #tpu.memory_space<vmem>> -> memref<8x1024xf32, #tpu.memory_space<vmem>>
    %dma_start3A_1524 = arith.constant 0 : i32
    %dma_start3A_1525 = tpu.memref_slice %arg3[%mul3A_1497, %dma_start3A_1524] : memref<8192x1024xf32, #tpu.memory_space<hbm>> -> memref<8x1024xf32, #tpu.memory_space<hbm>>
    %dma_start3A_1526 = tpu.memref_slice %arg8[%dma_start3A_1519] : memref<3x!tpu.dma_semaphore, #tpu.memory_space<semaphore_mem>> -> memref<1x!tpu.dma_semaphore, #tpu.memory_space<semaphore_mem>>
    %dma_start3A_1527 = tpu.memref_squeeze %dma_start3A_1526 : memref<1x!tpu.dma_semaphore, #tpu.memory_space<semaphore_mem>> -> memref<!tpu.dma_semaphore, #tpu.memory_space<semaphore_mem>>
    %dma_start3A_1528 = arith.constant 0 : i32
    %dma_start3A_1529 = arith.constant 0 : i32
    %dma_start3A_1530 = tpu.memref_slice %arg6[%dma_start3A_1518, %dma_start3A_1528, %dma_start3A_1529] : memref<3x8x1024xf32, #tpu.memory_space<vmem>> -> memref<1x8x1024xf32, #tpu.memory_space<vmem>>
    %dma_start3A_1531 = tpu.memref_squeeze %dma_start3A_1530 : memref<1x8x1024xf32, #tpu.memory_space<vmem>> -> memref<8x1024xf32, #tpu.memory_space<vmem>>
    %dma_start3A_1532 = arith.constant 0 : i32
    %dma_start3A_1533 = tpu.memref_slice %arg3[%mul3A_1497, %dma_start3A_1532] : memref<8192x1024xf32, #tpu.memory_space<hbm>> -> memref<8x1024xf32, #tpu.memory_space<hbm>>
    tpu.enqueue_dma source(%dma_start3A_1533 : memref<8x1024xf32, #tpu.memory_space<hbm>>) target(%dma_start3A_1531 : memref<8x1024xf32, #tpu.memory_space<vmem>>) target_semaphore(%dma_start3A_1527 : memref<!tpu.dma_semaphore, #tpu.memory_space<semaphore_mem>>)
    %dma_wait3A_1534 = arith.constant 0 : i32
    %dma_wait3A_1535 = arith.constant 0 : i32
    %dma_wait3A_1536 = arith.constant 0 : i32
    %dma_wait3A_1537 = arith.constant 0 : i32
    %dma_wait3A_1538 = arith.constant 0 : i32
    %dma_wait3A_1539 = tpu.memref_slice %arg5[%dma_wait3A_1534, %dma_wait3A_1536, %dma_wait3A_1537, %dma_wait3A_1538] : memref<3x8x4x1024xf32, #tpu.memory_space<vmem>> -> memref<1x8x4x1024xf32, #tpu.memory_space<vmem>>
    %dma_wait3A_1540 = tpu.memref_squeeze %dma_wait3A_1539 : memref<1x8x4x1024xf32, #tpu.memory_space<vmem>> -> memref<8x4x1024xf32, #tpu.memory_space<vmem>>
    %dma_wait3A_1541 = arith.constant 0 : i32
    %dma_wait3A_1542 = arith.constant 0 : i32
    %dma_wait3A_1543 = tpu.memref_slice %arg2[%mul3A_1374, %dma_wait3A_1541, %dma_wait3A_1542] : memref<4096x4x1024xf32, #tpu.memory_space<hbm>> -> memref<8x4x1024xf32, #tpu.memory_space<hbm>>
    %dma_wait3A_1544 = tpu.memref_slice %arg7[%dma_wait3A_1535] : memref<3x!tpu.dma_semaphore, #tpu.memory_space<semaphore_mem>> -> memref<1x!tpu.dma_semaphore, #tpu.memory_space<semaphore_mem>>
    %dma_wait3A_1545 = tpu.memref_squeeze %dma_wait3A_1544 : memref<1x!tpu.dma_semaphore, #tpu.memory_space<semaphore_mem>> -> memref<!tpu.dma_semaphore, #tpu.memory_space<semaphore_mem>>
    %dma_wait3A_1546 = arith.constant 0 : i32
    %dma_wait3A_1547 = arith.constant 0 : i32
    %dma_wait3A_1548 = arith.constant 0 : i32
    %dma_wait3A_1549 = tpu.memref_slice %arg5[%dma_wait3A_1534, %dma_wait3A_1546, %dma_wait3A_1547, %dma_wait3A_1548] : memref<3x8x4x1024xf32, #tpu.memory_space<vmem>> -> memref<1x8x4x1024xf32, #tpu.memory_space<vmem>>
    %dma_wait3A_1550 = tpu.memref_squeeze %dma_wait3A_1549 : memref<1x8x4x1024xf32, #tpu.memory_space<vmem>> -> memref<8x4x1024xf32, #tpu.memory_space<vmem>>
    %dma_wait3A_1551 = arith.constant 0 : i32
    %dma_wait3A_1552 = arith.constant 0 : i32
    %dma_wait3A_1553 = tpu.memref_slice %arg2[%mul3A_1374, %dma_wait3A_1551, %dma_wait3A_1552] : memref<4096x4x1024xf32, #tpu.memory_space<hbm>> -> memref<8x4x1024xf32, #tpu.memory_space<hbm>>
    tpu.wait_dma2 semaphore(%dma_wait3A_1545 : memref<!tpu.dma_semaphore, #tpu.memory_space<semaphore_mem>>) src(%dma_wait3A_1553 : memref<8x4x1024xf32, #tpu.memory_space<hbm>>) dst(%dma_wait3A_1550 : memref<8x4x1024xf32, #tpu.memory_space<vmem>>)
    %dma_wait3A_1554 = arith.constant 0 : i32
    %dma_wait3A_1555 = arith.constant 0 : i32
    %dma_wait3A_1556 = arith.constant 0 : i32
    %dma_wait3A_1557 = arith.constant 0 : i32
    %dma_wait3A_1558 = tpu.memref_slice %arg6[%dma_wait3A_1554, %dma_wait3A_1556, %dma_wait3A_1557] : memref<3x8x1024xf32, #tpu.memory_space<vmem>> -> memref<1x8x1024xf32, #tpu.memory_space<vmem>>
    %dma_wait3A_1559 = tpu.memref_squeeze %dma_wait3A_1558 : memref<1x8x1024xf32, #tpu.memory_space<vmem>> -> memref<8x1024xf32, #tpu.memory_space<vmem>>
    %dma_wait3A_1560 = arith.constant 0 : i32
    %dma_wait3A_1561 = tpu.memref_slice %arg3[%mul3A_1374, %dma_wait3A_1560] : memref<8192x1024xf32, #tpu.memory_space<hbm>> -> memref<8x1024xf32, #tpu.memory_space<hbm>>
    %dma_wait3A_1562 = tpu.memref_slice %arg8[%dma_wait3A_1555] : memref<3x!tpu.dma_semaphore, #tpu.memory_space<semaphore_mem>> -> memref<1x!tpu.dma_semaphore, #tpu.memory_space<semaphore_mem>>
    %dma_wait3A_1563 = tpu.memref_squeeze %dma_wait3A_1562 : memref<1x!tpu.dma_semaphore, #tpu.memory_space<semaphore_mem>> -> memref<!tpu.dma_semaphore, #tpu.memory_space<semaphore_mem>>
    %dma_wait3A_1564 = arith.constant 0 : i32
    %dma_wait3A_1565 = arith.constant 0 : i32
    %dma_wait3A_1566 = tpu.memref_slice %arg6[%dma_wait3A_1554, %dma_wait3A_1564, %dma_wait3A_1565] : memref<3x8x1024xf32, #tpu.memory_space<vmem>> -> memref<1x8x1024xf32, #tpu.memory_space<vmem>>
    %dma_wait3A_1567 = tpu.memref_squeeze %dma_wait3A_1566 : memref<1x8x1024xf32, #tpu.memory_space<vmem>> -> memref<8x1024xf32, #tpu.memory_space<vmem>>
    %dma_wait3A_1568 = arith.constant 0 : i32
    %dma_wait3A_1569 = tpu.memref_slice %arg3[%mul3A_1374, %dma_wait3A_1568] : memref<8192x1024xf32, #tpu.memory_space<hbm>> -> memref<8x1024xf32, #tpu.memory_space<hbm>>
    tpu.wait_dma2 semaphore(%dma_wait3A_1563 : memref<!tpu.dma_semaphore, #tpu.memory_space<semaphore_mem>>) src(%dma_wait3A_1569 : memref<8x1024xf32, #tpu.memory_space<hbm>>) dst(%dma_wait3A_1567 : memref<8x1024xf32, #tpu.memory_space<vmem>>)
    %parallel_loop3A_1570 = arith.constant 0 : i32
    %parallel_loop3A_1571 = arith.constant 512 : i32
    %parallel_loop3A_1572 = arith.constant 1 : i32
    scf.for %parallel_loop3A_1966 = %parallel_loop3A_1570 to %parallel_loop3A_1571 step %parallel_loop3A_1572  : i32 {
      %parallel_loop3A_1967 = arith.constant 64 : i32
      %parallel_loop3A_1968 = arith.divsi %parallel_loop3A_1966, %parallel_loop3A_1967 : i32
      %parallel_loop3A_1969 = arith.constant 0 : i32
      %parallel_loop3A_1970 = arith.cmpi sgt, %parallel_loop3A_1966, %parallel_loop3A_1969 : i32
      %parallel_loop3A_1971 = arith.extui %parallel_loop3A_1970 : i1 to i32
      %parallel_loop3A_1972 = arith.constant 0 : i32
      %parallel_loop3A_1973 = arith.cmpi slt, %parallel_loop3A_1966, %parallel_loop3A_1972 : i32
      %parallel_loop3A_1974 = arith.extui %parallel_loop3A_1973 : i1 to i32
      %parallel_loop3A_1975 = arith.subi %parallel_loop3A_1971, %parallel_loop3A_1974 : i32
      %parallel_loop3A_1976 = arith.constant 0 : i32
      %parallel_loop3A_1977 = arith.cmpi sgt, %parallel_loop3A_1967, %parallel_loop3A_1976 : i32
      %parallel_loop3A_1978 = arith.extui %parallel_loop3A_1977 : i1 to i32
      %parallel_loop3A_1979 = arith.constant 0 : i32
      %parallel_loop3A_1980 = arith.cmpi slt, %parallel_loop3A_1967, %parallel_loop3A_1979 : i32
      %parallel_loop3A_1981 = arith.extui %parallel_loop3A_1980 : i1 to i32
      %parallel_loop3A_1982 = arith.subi %parallel_loop3A_1978, %parallel_loop3A_1981 : i32
      %parallel_loop3A_1983 = arith.cmpi ne, %parallel_loop3A_1975, %parallel_loop3A_1982 : i32
      %parallel_loop3A_1984 = arith.remsi %parallel_loop3A_1966, %parallel_loop3A_1967 : i32
      %parallel_loop3A_1985 = arith.constant 0 : i32
      %parallel_loop3A_1986 = arith.cmpi ne, %parallel_loop3A_1984, %parallel_loop3A_1985 : i32
      %parallel_loop3A_1987 = arith.andi %parallel_loop3A_1983, %parallel_loop3A_1986 : i1
      %parallel_loop3A_1988 = arith.constant 1 : i32
      %parallel_loop3A_1989 = arith.subi %parallel_loop3A_1968, %parallel_loop3A_1988 : i32
      %parallel_loop3A_1990 = arith.select %parallel_loop3A_1987, %parallel_loop3A_1989, %parallel_loop3A_1968 : i32
      %parallel_loop3A_1991 = arith.constant 64 : i32
      %parallel_loop3A_1992 = arith.constant 0 : i32
      %parallel_loop3A_1993 = arith.cmpi eq, %parallel_loop3A_1991, %parallel_loop3A_1992 : i32
      %parallel_loop3A_1994 = arith.constant 1 : i32
      %parallel_loop3A_1995 = arith.select %parallel_loop3A_1993, %parallel_loop3A_1994, %parallel_loop3A_1991 : i32
      %parallel_loop3A_1996 = arith.remsi %parallel_loop3A_1966, %parallel_loop3A_1995 : i32
      %parallel_loop3A_1997 = arith.constant 0 : i32
      %parallel_loop3A_1998 = arith.cmpi ne, %parallel_loop3A_1996, %parallel_loop3A_1997 : i32
      %parallel_loop3A_1999 = arith.constant 0 : i32
      %parallel_loop3A_2000 = arith.cmpi slt, %parallel_loop3A_1996, %parallel_loop3A_1999 : i32
      %parallel_loop3A_2001 = arith.constant 0 : i32
      %parallel_loop3A_2002 = arith.cmpi slt, %parallel_loop3A_1995, %parallel_loop3A_2001 : i32
      %parallel_loop3A_2003 = arith.xori %parallel_loop3A_2000, %parallel_loop3A_2002 : i1
      %parallel_loop3A_2004 = arith.andi %parallel_loop3A_2003, %parallel_loop3A_1998 : i1
      %parallel_loop3A_2005 = arith.addi %parallel_loop3A_1996, %parallel_loop3A_1995 : i32
      %parallel_loop3A_2006 = arith.select %parallel_loop3A_2004, %parallel_loop3A_2005, %parallel_loop3A_1996 : i32
      %parallel_loop3A_2007 = arith.constant 16 : i32
      %parallel_loop3A_2008 = arith.muli %parallel_loop3A_2006, %parallel_loop3A_2007 : i32
      %parallel_loop3A_2009 = arith.constant 0 : i32
      %parallel_loop3A_2010 = arith.index_cast %parallel_loop3A_2009 : i32 to index
      %parallel_loop3A_2011 = arith.index_cast %parallel_loop3A_1990 : i32 to index
      %parallel_loop3A_2012 = arith.index_cast %parallel_loop3A_2008 : i32 to index
      %parallel_loop3A_2013 = tpu.vector_load %arg6[%parallel_loop3A_2010, %parallel_loop3A_2011, %parallel_loop3A_2012] {strides = array<i32>} : memref<3x8x1024xf32, #tpu.memory_space<vmem>>, vector<1x1x16xf32>,
      %parallel_loop3A_2014 = vector.shape_cast %parallel_loop3A_2013 : vector<1x1x16xf32> to vector<16xf32>
      %parallel_loop3A_2015 = arith.constant 3.125000e-02 : f32
      %parallel_loop3A_2016 = vector.broadcast %parallel_loop3A_2015 : f32 to vector<16xf32>
      %parallel_loop3A_2017 = arith.mulf %parallel_loop3A_2014, %parallel_loop3A_2016 : vector<16xf32>
      %parallel_loop3A_2018 = arith.constant 0 : i32
      %parallel_loop3A_2019 = arith.constant 0 : i32
      %parallel_loop3A_2020 = arith.index_cast %parallel_loop3A_2018 : i32 to index
      %parallel_loop3A_2021 = arith.index_cast %parallel_loop3A_1990 : i32 to index
      %parallel_loop3A_2022 = arith.index_cast %parallel_loop3A_2019 : i32 to index
      %parallel_loop3A_2023 = arith.index_cast %parallel_loop3A_2008 : i32 to index
      %parallel_loop3A_2024 = tpu.vector_load %arg5[%parallel_loop3A_2020, %parallel_loop3A_2021, %parallel_loop3A_2022, %parallel_loop3A_2023] {strides = array<i32>} : memref<3x8x4x1024xf32, #tpu.memory_space<vmem>>, vector<1x1x1x16xf32>,
      %parallel_loop3A_2025 = vector.shape_cast %parallel_loop3A_2024 : vector<1x1x1x16xf32> to vector<16xf32>
      %parallel_loop3A_2026 = vector.shape_cast %parallel_loop3A_2017 : vector<16xf32> to vector<1x1x1x16xf32>
      tpu.vector_store %arg5[%parallel_loop3A_2020, %parallel_loop3A_2021, %parallel_loop3A_2022, %parallel_loop3A_2023], %parallel_loop3A_2026 {add = true, strides = array<i32>} : memref<3x8x4x1024xf32, #tpu.memory_space<vmem>>, vector<1x1x1x16xf32>,
      %parallel_loop3A_2027 = arith.constant 0 : i32
      %parallel_loop3A_2028 = arith.constant 1 : i32
      %parallel_loop3A_2029 = arith.index_cast %parallel_loop3A_2027 : i32 to index
      %parallel_loop3A_2030 = arith.index_cast %parallel_loop3A_1990 : i32 to index
      %parallel_loop3A_2031 = arith.index_cast %parallel_loop3A_2028 : i32 to index
      %parallel_loop3A_2032 = arith.index_cast %parallel_loop3A_2008 : i32 to index
      %parallel_loop3A_2033 = tpu.vector_load %arg5[%parallel_loop3A_2029, %parallel_loop3A_2030, %parallel_loop3A_2031, %parallel_loop3A_2032] {strides = array<i32>} : memref<3x8x4x1024xf32, #tpu.memory_space<vmem>>, vector<1x1x1x16xf32>,
      %parallel_loop3A_2034 = vector.shape_cast %parallel_loop3A_2033 : vector<1x1x1x16xf32> to vector<16xf32>
      %parallel_loop3A_2035 = vector.shape_cast %parallel_loop3A_2017 : vector<16xf32> to vector<1x1x1x16xf32>
      tpu.vector_store %arg5[%parallel_loop3A_2029, %parallel_loop3A_2030, %parallel_loop3A_2031, %parallel_loop3A_2032], %parallel_loop3A_2035 {add = true, strides = array<i32>} : memref<3x8x4x1024xf32, #tpu.memory_space<vmem>>, vector<1x1x1x16xf32>,
      %parallel_loop3A_2036 = arith.constant 0 : i32
      %parallel_loop3A_2037 = arith.constant 2 : i32
      %parallel_loop3A_2038 = arith.index_cast %parallel_loop3A_2036 : i32 to index
      %parallel_loop3A_2039 = arith.index_cast %parallel_loop3A_1990 : i32 to index
      %parallel_loop3A_2040 = arith.index_cast %parallel_loop3A_2037 : i32 to index
      %parallel_loop3A_2041 = arith.index_cast %parallel_loop3A_2008 : i32 to index
      %parallel_loop3A_2042 = tpu.vector_load %arg5[%parallel_loop3A_2038, %parallel_loop3A_2039, %parallel_loop3A_2040, %parallel_loop3A_2041] {strides = array<i32>} : memref<3x8x4x1024xf32, #tpu.memory_space<vmem>>, vector<1x1x1x16xf32>,
      %parallel_loop3A_2043 = vector.shape_cast %parallel_loop3A_2042 : vector<1x1x1x16xf32> to vector<16xf32>
      %parallel_loop3A_2044 = vector.shape_cast %parallel_loop3A_2017 : vector<16xf32> to vector<1x1x1x16xf32>
      tpu.vector_store %arg5[%parallel_loop3A_2038, %parallel_loop3A_2039, %parallel_loop3A_2040, %parallel_loop3A_2041], %parallel_loop3A_2044 {add = true, strides = array<i32>} : memref<3x8x4x1024xf32, #tpu.memory_space<vmem>>, vector<1x1x1x16xf32>,
      %parallel_loop3A_2045 = arith.constant 0 : i32
      %parallel_loop3A_2046 = arith.constant 3 : i32
      %parallel_loop3A_2047 = arith.index_cast %parallel_loop3A_2045 : i32 to index
      %parallel_loop3A_2048 = arith.index_cast %parallel_loop3A_1990 : i32 to index
      %parallel_loop3A_2049 = arith.index_cast %parallel_loop3A_2046 : i32 to index
      %parallel_loop3A_2050 = arith.index_cast %parallel_loop3A_2008 : i32 to index
      %parallel_loop3A_2051 = tpu.vector_load %arg5[%parallel_loop3A_2047, %parallel_loop3A_2048, %parallel_loop3A_2049, %parallel_loop3A_2050] {strides = array<i32>} : memref<3x8x4x1024xf32, #tpu.memory_space<vmem>>, vector<1x1x1x16xf32>,
      %parallel_loop3A_2052 = vector.shape_cast %parallel_loop3A_2051 : vector<1x1x1x16xf32> to vector<16xf32>
      %parallel_loop3A_2053 = vector.shape_cast %parallel_loop3A_2017 : vector<16xf32> to vector<1x1x1x16xf32>
      tpu.vector_store %arg5[%parallel_loop3A_2047, %parallel_loop3A_2048, %parallel_loop3A_2049, %parallel_loop3A_2050], %parallel_loop3A_2053 {add = true, strides = array<i32>} : memref<3x8x4x1024xf32, #tpu.memory_space<vmem>>, vector<1x1x1x16xf32>,
    } {sc.loop_unroll_factor = 4 : i64, sc.parallel_access}
    %add3A_1573 = arith.constant 384 : i32
    %add3A_1574 = arith.addi %add3A_1573, %add3A : i32
    %mul3A_1575 = arith.constant 8 : i32
    %mul3A_1576 = arith.muli %add3A_1574, %mul3A_1575 : i32
    %dma_start3A_1577 = arith.constant 0 : i32
    %dma_start3A_1578 = arith.constant 0 : i32
    %dma_start3A_1579 = arith.constant 0 : i32
    %dma_start3A_1580 = arith.constant 0 : i32
    %dma_start3A_1581 = arith.constant 0 : i32
    %dma_start3A_1582 = tpu.memref_slice %arg5[%dma_start3A_1577, %dma_start3A_1579, %dma_start3A_1580, %dma_start3A_1581] : memref<3x8x4x1024xf32, #tpu.memory_space<vmem>> -> memref<1x8x4x1024xf32, #tpu.memory_space<vmem>>
    %dma_start3A_1583 = tpu.memref_squeeze %dma_start3A_1582 : memref<1x8x4x1024xf32, #tpu.memory_space<vmem>> -> memref<8x4x1024xf32, #tpu.memory_space<vmem>>
    %dma_start3A_1584 = arith.constant 0 : i32
    %dma_start3A_1585 = arith.constant 0 : i32
    %dma_start3A_1586 = tpu.memref_slice %arg4[%mul3A_1576, %dma_start3A_1584, %dma_start3A_1585] : memref<4096x4x1024xf32, #tpu.memory_space<hbm>> -> memref<8x4x1024xf32, #tpu.memory_space<hbm>>
    %dma_start3A_1587 = tpu.memref_slice %arg9[%dma_start3A_1578] : memref<3x!tpu.dma_semaphore, #tpu.memory_space<semaphore_mem>> -> memref<1x!tpu.dma_semaphore, #tpu.memory_space<semaphore_mem>>
    %dma_start3A_1588 = tpu.memref_squeeze %dma_start3A_1587 : memref<1x!tpu.dma_semaphore, #tpu.memory_space<semaphore_mem>> -> memref<!tpu.dma_semaphore, #tpu.memory_space<semaphore_mem>>
    %dma_start3A_1589 = arith.constant 0 : i32
    %dma_start3A_1590 = arith.constant 0 : i32
    %dma_start3A_1591 = tpu.memref_slice %arg4[%mul3A_1576, %dma_start3A_1589, %dma_start3A_1590] : memref<4096x4x1024xf32, #tpu.memory_space<hbm>> -> memref<8x4x1024xf32, #tpu.memory_space<hbm>>
    %dma_start3A_1592 = arith.constant 0 : i32
    %dma_start3A_1593 = arith.constant 0 : i32
    %dma_start3A_1594 = arith.constant 0 : i32
    %dma_start3A_1595 = tpu.memref_slice %arg5[%dma_start3A_1577, %dma_start3A_1592, %dma_start3A_1593, %dma_start3A_1594] : memref<3x8x4x1024xf32, #tpu.memory_space<vmem>> -> memref<1x8x4x1024xf32, #tpu.memory_space<vmem>>
    %dma_start3A_1596 = tpu.memref_squeeze %dma_start3A_1595 : memref<1x8x4x1024xf32, #tpu.memory_space<vmem>> -> memref<8x4x1024xf32, #tpu.memory_space<vmem>>
    tpu.enqueue_dma source(%dma_start3A_1596 : memref<8x4x1024xf32, #tpu.memory_space<vmem>>) target(%dma_start3A_1591 : memref<8x4x1024xf32, #tpu.memory_space<hbm>>) target_semaphore(%dma_start3A_1588 : memref<!tpu.dma_semaphore, #tpu.memory_space<semaphore_mem>>)
    %dma_wait3A_1597 = arith.constant 2 : i32
    %dma_wait3A_1598 = arith.constant 2 : i32
    %dma_wait3A_1599 = arith.constant 0 : i32
    %dma_wait3A_1600 = arith.constant 0 : i32
    %dma_wait3A_1601 = arith.constant 0 : i32
    %dma_wait3A_1602 = tpu.memref_slice %arg5[%dma_wait3A_1597, %dma_wait3A_1599, %dma_wait3A_1600, %dma_wait3A_1601] : memref<3x8x4x1024xf32, #tpu.memory_space<vmem>> -> memref<1x8x4x1024xf32, #tpu.memory_space<vmem>>
    %dma_wait3A_1603 = tpu.memref_squeeze %dma_wait3A_1602 : memref<1x8x4x1024xf32, #tpu.memory_space<vmem>> -> memref<8x4x1024xf32, #tpu.memory_space<vmem>>
    %dma_wait3A_1604 = arith.constant 0 : i32
    %dma_wait3A_1605 = arith.constant 0 : i32
    %dma_wait3A_1606 = tpu.memref_slice %arg4[%mul3A_1453, %dma_wait3A_1604, %dma_wait3A_1605] : memref<4096x4x1024xf32, #tpu.memory_space<hbm>> -> memref<8x4x1024xf32, #tpu.memory_space<hbm>>
    %dma_wait3A_1607 = tpu.memref_slice %arg9[%dma_wait3A_1598] : memref<3x!tpu.dma_semaphore, #tpu.memory_space<semaphore_mem>> -> memref<1x!tpu.dma_semaphore, #tpu.memory_space<semaphore_mem>>
    %dma_wait3A_1608 = tpu.memref_squeeze %dma_wait3A_1607 : memref<1x!tpu.dma_semaphore, #tpu.memory_space<semaphore_mem>> -> memref<!tpu.dma_semaphore, #tpu.memory_space<semaphore_mem>>
    %dma_wait3A_1609 = arith.constant 0 : i32
    %dma_wait3A_1610 = arith.constant 0 : i32
    %dma_wait3A_1611 = tpu.memref_slice %arg4[%mul3A_1453, %dma_wait3A_1609, %dma_wait3A_1610] : memref<4096x4x1024xf32, #tpu.memory_space<hbm>> -> memref<8x4x1024xf32, #tpu.memory_space<hbm>>
    %dma_wait3A_1612 = arith.constant 0 : i32
    %dma_wait3A_1613 = arith.constant 0 : i32
    %dma_wait3A_1614 = arith.constant 0 : i32
    %dma_wait3A_1615 = tpu.memref_slice %arg5[%dma_wait3A_1597, %dma_wait3A_1612, %dma_wait3A_1613, %dma_wait3A_1614] : memref<3x8x4x1024xf32, #tpu.memory_space<vmem>> -> memref<1x8x4x1024xf32, #tpu.memory_space<vmem>>
    %dma_wait3A_1616 = tpu.memref_squeeze %dma_wait3A_1615 : memref<1x8x4x1024xf32, #tpu.memory_space<vmem>> -> memref<8x4x1024xf32, #tpu.memory_space<vmem>>
    tpu.wait_dma2 semaphore(%dma_wait3A_1608 : memref<!tpu.dma_semaphore, #tpu.memory_space<semaphore_mem>>) src(%dma_wait3A_1616 : memref<8x4x1024xf32, #tpu.memory_space<vmem>>) dst(%dma_wait3A_1611 : memref<8x4x1024xf32, #tpu.memory_space<hbm>>)
    %add3A_1617 = arith.constant 448 : i32
    %add3A_1618 = arith.addi %add3A_1617, %add3A : i32
    %mul3A_1619 = arith.constant 8 : i32
    %mul3A_1620 = arith.muli %add3A_1618, %mul3A_1619 : i32
    %dma_start3A_1621 = arith.constant 2 : i32
    %dma_start3A_1622 = arith.constant 2 : i32
    %dma_start3A_1623 = arith.constant 0 : i32
    %dma_start3A_1624 = arith.constant 0 : i32
    %dma_start3A_1625 = arith.constant 0 : i32
    %dma_start3A_1626 = tpu.memref_slice %arg5[%dma_start3A_1621, %dma_start3A_1623, %dma_start3A_1624, %dma_start3A_1625] : memref<3x8x4x1024xf32, #tpu.memory_space<vmem>> -> memref<1x8x4x1024xf32, #tpu.memory_space<vmem>>
    %dma_start3A_1627 = tpu.memref_squeeze %dma_start3A_1626 : memref<1x8x4x1024xf32, #tpu.memory_space<vmem>> -> memref<8x4x1024xf32, #tpu.memory_space<vmem>>
    %dma_start3A_1628 = arith.constant 0 : i32
    %dma_start3A_1629 = arith.constant 0 : i32
    %dma_start3A_1630 = tpu.memref_slice %arg2[%mul3A_1620, %dma_start3A_1628, %dma_start3A_1629] : memref<4096x4x1024xf32, #tpu.memory_space<hbm>> -> memref<8x4x1024xf32, #tpu.memory_space<hbm>>
    %dma_start3A_1631 = tpu.memref_slice %arg7[%dma_start3A_1622] : memref<3x!tpu.dma_semaphore, #tpu.memory_space<semaphore_mem>> -> memref<1x!tpu.dma_semaphore, #tpu.memory_space<semaphore_mem>>
    %dma_start3A_1632 = tpu.memref_squeeze %dma_start3A_1631 : memref<1x!tpu.dma_semaphore, #tpu.memory_space<semaphore_mem>> -> memref<!tpu.dma_semaphore, #tpu.memory_space<semaphore_mem>>
    %dma_start3A_1633 = arith.constant 0 : i32
    %dma_start3A_1634 = arith.constant 0 : i32
    %dma_start3A_1635 = arith.constant 0 : i32
    %dma_start3A_1636 = tpu.memref_slice %arg5[%dma_start3A_1621, %dma_start3A_1633, %dma_start3A_1634, %dma_start3A_1635] : memref<3x8x4x1024xf32, #tpu.memory_space<vmem>> -> memref<1x8x4x1024xf32, #tpu.memory_space<vmem>>
    %dma_start3A_1637 = tpu.memref_squeeze %dma_start3A_1636 : memref<1x8x4x1024xf32, #tpu.memory_space<vmem>> -> memref<8x4x1024xf32, #tpu.memory_space<vmem>>
    %dma_start3A_1638 = arith.constant 0 : i32
    %dma_start3A_1639 = arith.constant 0 : i32
    %dma_start3A_1640 = tpu.memref_slice %arg2[%mul3A_1620, %dma_start3A_1638, %dma_start3A_1639] : memref<4096x4x1024xf32, #tpu.memory_space<hbm>> -> memref<8x4x1024xf32, #tpu.memory_space<hbm>>
    tpu.enqueue_dma source(%dma_start3A_1640 : memref<8x4x1024xf32, #tpu.memory_space<hbm>>) target(%dma_start3A_1637 : memref<8x4x1024xf32, #tpu.memory_space<vmem>>) target_semaphore(%dma_start3A_1632 : memref<!tpu.dma_semaphore, #tpu.memory_space<semaphore_mem>>)
    %dma_start3A_1641 = arith.constant 2 : i32
    %dma_start3A_1642 = arith.constant 2 : i32
    %dma_start3A_1643 = arith.constant 0 : i32
    %dma_start3A_1644 = arith.constant 0 : i32
    %dma_start3A_1645 = tpu.memref_slice %arg6[%dma_start3A_1641, %dma_start3A_1643, %dma_start3A_1644] : memref<3x8x1024xf32, #tpu.memory_space<vmem>> -> memref<1x8x1024xf32, #tpu.memory_space<vmem>>
    %dma_start3A_1646 = tpu.memref_squeeze %dma_start3A_1645 : memref<1x8x1024xf32, #tpu.memory_space<vmem>> -> memref<8x1024xf32, #tpu.memory_space<vmem>>
    %dma_start3A_1647 = arith.constant 0 : i32
    %dma_start3A_1648 = tpu.memref_slice %arg3[%mul3A_1620, %dma_start3A_1647] : memref<8192x1024xf32, #tpu.memory_space<hbm>> -> memref<8x1024xf32, #tpu.memory_space<hbm>>
    %dma_start3A_1649 = tpu.memref_slice %arg8[%dma_start3A_1642] : memref<3x!tpu.dma_semaphore, #tpu.memory_space<semaphore_mem>> -> memref<1x!tpu.dma_semaphore, #tpu.memory_space<semaphore_mem>>
    %dma_start3A_1650 = tpu.memref_squeeze %dma_start3A_1649 : memref<1x!tpu.dma_semaphore, #tpu.memory_space<semaphore_mem>> -> memref<!tpu.dma_semaphore, #tpu.memory_space<semaphore_mem>>
    %dma_start3A_1651 = arith.constant 0 : i32
    %dma_start3A_1652 = arith.constant 0 : i32
    %dma_start3A_1653 = tpu.memref_slice %arg6[%dma_start3A_1641, %dma_start3A_1651, %dma_start3A_1652] : memref<3x8x1024xf32, #tpu.memory_space<vmem>> -> memref<1x8x1024xf32, #tpu.memory_space<vmem>>
    %dma_start3A_1654 = tpu.memref_squeeze %dma_start3A_1653 : memref<1x8x1024xf32, #tpu.memory_space<vmem>> -> memref<8x1024xf32, #tpu.memory_space<vmem>>
    %dma_start3A_1655 = arith.constant 0 : i32
    %dma_start3A_1656 = tpu.memref_slice %arg3[%mul3A_1620, %dma_start3A_1655] : memref<8192x1024xf32, #tpu.memory_space<hbm>> -> memref<8x1024xf32, #tpu.memory_space<hbm>>
    tpu.enqueue_dma source(%dma_start3A_1656 : memref<8x1024xf32, #tpu.memory_space<hbm>>) target(%dma_start3A_1654 : memref<8x1024xf32, #tpu.memory_space<vmem>>) target_semaphore(%dma_start3A_1650 : memref<!tpu.dma_semaphore, #tpu.memory_space<semaphore_mem>>)
    %dma_wait3A_1657 = arith.constant 1 : i32
    %dma_wait3A_1658 = arith.constant 1 : i32
    %dma_wait3A_1659 = arith.constant 0 : i32
    %dma_wait3A_1660 = arith.constant 0 : i32
    %dma_wait3A_1661 = arith.constant 0 : i32
    %dma_wait3A_1662 = tpu.memref_slice %arg5[%dma_wait3A_1657, %dma_wait3A_1659, %dma_wait3A_1660, %dma_wait3A_1661] : memref<3x8x4x1024xf32, #tpu.memory_space<vmem>> -> memref<1x8x4x1024xf32, #tpu.memory_space<vmem>>
    %dma_wait3A_1663 = tpu.memref_squeeze %dma_wait3A_1662 : memref<1x8x4x1024xf32, #tpu.memory_space<vmem>> -> memref<8x4x1024xf32, #tpu.memory_space<vmem>>
    %dma_wait3A_1664 = arith.constant 0 : i32
    %dma_wait3A_1665 = arith.constant 0 : i32
    %dma_wait3A_1666 = tpu.memref_slice %arg2[%mul3A_1497, %dma_wait3A_1664, %dma_wait3A_1665] : memref<4096x4x1024xf32, #tpu.memory_space<hbm>> -> memref<8x4x1024xf32, #tpu.memory_space<hbm>>
    %dma_wait3A_1667 = tpu.memref_slice %arg7[%dma_wait3A_1658] : memref<3x!tpu.dma_semaphore, #tpu.memory_space<semaphore_mem>> -> memref<1x!tpu.dma_semaphore, #tpu.memory_space<semaphore_mem>>
    %dma_wait3A_1668 = tpu.memref_squeeze %dma_wait3A_1667 : memref<1x!tpu.dma_semaphore, #tpu.memory_space<semaphore_mem>> -> memref<!tpu.dma_semaphore, #tpu.memory_space<semaphore_mem>>
    %dma_wait3A_1669 = arith.constant 0 : i32
    %dma_wait3A_1670 = arith.constant 0 : i32
    %dma_wait3A_1671 = arith.constant 0 : i32
    %dma_wait3A_1672 = tpu.memref_slice %arg5[%dma_wait3A_1657, %dma_wait3A_1669, %dma_wait3A_1670, %dma_wait3A_1671] : memref<3x8x4x1024xf32, #tpu.memory_space<vmem>> -> memref<1x8x4x1024xf32, #tpu.memory_space<vmem>>
    %dma_wait3A_1673 = tpu.memref_squeeze %dma_wait3A_1672 : memref<1x8x4x1024xf32, #tpu.memory_space<vmem>> -> memref<8x4x1024xf32, #tpu.memory_space<vmem>>
    %dma_wait3A_1674 = arith.constant 0 : i32
    %dma_wait3A_1675 = arith.constant 0 : i32
    %dma_wait3A_1676 = tpu.memref_slice %arg2[%mul3A_1497, %dma_wait3A_1674, %dma_wait3A_1675] : memref<4096x4x1024xf32, #tpu.memory_space<hbm>> -> memref<8x4x1024xf32, #tpu.memory_space<hbm>>
    tpu.wait_dma2 semaphore(%dma_wait3A_1668 : memref<!tpu.dma_semaphore, #tpu.memory_space<semaphore_mem>>) src(%dma_wait3A_1676 : memref<8x4x1024xf32, #tpu.memory_space<hbm>>) dst(%dma_wait3A_1673 : memref<8x4x1024xf32, #tpu.memory_space<vmem>>)
    %dma_wait3A_1677 = arith.constant 1 : i32
    %dma_wait3A_1678 = arith.constant 1 : i32
    %dma_wait3A_1679 = arith.constant 0 : i32
    %dma_wait3A_1680 = arith.constant 0 : i32
    %dma_wait3A_1681 = tpu.memref_slice %arg6[%dma_wait3A_1677, %dma_wait3A_1679, %dma_wait3A_1680] : memref<3x8x1024xf32, #tpu.memory_space<vmem>> -> memref<1x8x1024xf32, #tpu.memory_space<vmem>>
    %dma_wait3A_1682 = tpu.memref_squeeze %dma_wait3A_1681 : memref<1x8x1024xf32, #tpu.memory_space<vmem>> -> memref<8x1024xf32, #tpu.memory_space<vmem>>
    %dma_wait3A_1683 = arith.constant 0 : i32
    %dma_wait3A_1684 = tpu.memref_slice %arg3[%mul3A_1497, %dma_wait3A_1683] : memref<8192x1024xf32, #tpu.memory_space<hbm>> -> memref<8x1024xf32, #tpu.memory_space<hbm>>
    %dma_wait3A_1685 = tpu.memref_slice %arg8[%dma_wait3A_1678] : memref<3x!tpu.dma_semaphore, #tpu.memory_space<semaphore_mem>> -> memref<1x!tpu.dma_semaphore, #tpu.memory_space<semaphore_mem>>
    %dma_wait3A_1686 = tpu.memref_squeeze %dma_wait3A_1685 : memref<1x!tpu.dma_semaphore, #tpu.memory_space<semaphore_mem>> -> memref<!tpu.dma_semaphore, #tpu.memory_space<semaphore_mem>>
    %dma_wait3A_1687 = arith.constant 0 : i32
    %dma_wait3A_1688 = arith.constant 0 : i32
    %dma_wait3A_1689 = tpu.memref_slice %arg6[%dma_wait3A_1677, %dma_wait3A_1687, %dma_wait3A_1688] : memref<3x8x1024xf32, #tpu.memory_space<vmem>> -> memref<1x8x1024xf32, #tpu.memory_space<vmem>>
    %dma_wait3A_1690 = tpu.memref_squeeze %dma_wait3A_1689 : memref<1x8x1024xf32, #tpu.memory_space<vmem>> -> memref<8x1024xf32, #tpu.memory_space<vmem>>
    %dma_wait3A_1691 = arith.constant 0 : i32
    %dma_wait3A_1692 = tpu.memref_slice %arg3[%mul3A_1497, %dma_wait3A_1691] : memref<8192x1024xf32, #tpu.memory_space<hbm>> -> memref<8x1024xf32, #tpu.memory_space<hbm>>
    tpu.wait_dma2 semaphore(%dma_wait3A_1686 : memref<!tpu.dma_semaphore, #tpu.memory_space<semaphore_mem>>) src(%dma_wait3A_1692 : memref<8x1024xf32, #tpu.memory_space<hbm>>) dst(%dma_wait3A_1690 : memref<8x1024xf32, #tpu.memory_space<vmem>>)
    %parallel_loop3A_1693 = arith.constant 0 : i32
    %parallel_loop3A_1694 = arith.constant 512 : i32
    %parallel_loop3A_1695 = arith.constant 1 : i32
    scf.for %parallel_loop3A_1966 = %parallel_loop3A_1693 to %parallel_loop3A_1694 step %parallel_loop3A_1695  : i32 {
      %parallel_loop3A_1967 = arith.constant 64 : i32
      %parallel_loop3A_1968 = arith.divsi %parallel_loop3A_1966, %parallel_loop3A_1967 : i32
      %parallel_loop3A_1969 = arith.constant 0 : i32
      %parallel_loop3A_1970 = arith.cmpi sgt, %parallel_loop3A_1966, %parallel_loop3A_1969 : i32
      %parallel_loop3A_1971 = arith.extui %parallel_loop3A_1970 : i1 to i32
      %parallel_loop3A_1972 = arith.constant 0 : i32
      %parallel_loop3A_1973 = arith.cmpi slt, %parallel_loop3A_1966, %parallel_loop3A_1972 : i32
      %parallel_loop3A_1974 = arith.extui %parallel_loop3A_1973 : i1 to i32
      %parallel_loop3A_1975 = arith.subi %parallel_loop3A_1971, %parallel_loop3A_1974 : i32
      %parallel_loop3A_1976 = arith.constant 0 : i32
      %parallel_loop3A_1977 = arith.cmpi sgt, %parallel_loop3A_1967, %parallel_loop3A_1976 : i32
      %parallel_loop3A_1978 = arith.extui %parallel_loop3A_1977 : i1 to i32
      %parallel_loop3A_1979 = arith.constant 0 : i32
      %parallel_loop3A_1980 = arith.cmpi slt, %parallel_loop3A_1967, %parallel_loop3A_1979 : i32
      %parallel_loop3A_1981 = arith.extui %parallel_loop3A_1980 : i1 to i32
      %parallel_loop3A_1982 = arith.subi %parallel_loop3A_1978, %parallel_loop3A_1981 : i32
      %parallel_loop3A_1983 = arith.cmpi ne, %parallel_loop3A_1975, %parallel_loop3A_1982 : i32
      %parallel_loop3A_1984 = arith.remsi %parallel_loop3A_1966, %parallel_loop3A_1967 : i32
      %parallel_loop3A_1985 = arith.constant 0 : i32
      %parallel_loop3A_1986 = arith.cmpi ne, %parallel_loop3A_1984, %parallel_loop3A_1985 : i32
      %parallel_loop3A_1987 = arith.andi %parallel_loop3A_1983, %parallel_loop3A_1986 : i1
      %parallel_loop3A_1988 = arith.constant 1 : i32
      %parallel_loop3A_1989 = arith.subi %parallel_loop3A_1968, %parallel_loop3A_1988 : i32
      %parallel_loop3A_1990 = arith.select %parallel_loop3A_1987, %parallel_loop3A_1989, %parallel_loop3A_1968 : i32
      %parallel_loop3A_1991 = arith.constant 64 : i32
      %parallel_loop3A_1992 = arith.constant 0 : i32
      %parallel_loop3A_1993 = arith.cmpi eq, %parallel_loop3A_1991, %parallel_loop3A_1992 : i32
      %parallel_loop3A_1994 = arith.constant 1 : i32
      %parallel_loop3A_1995 = arith.select %parallel_loop3A_1993, %parallel_loop3A_1994, %parallel_loop3A_1991 : i32
      %parallel_loop3A_1996 = arith.remsi %parallel_loop3A_1966, %parallel_loop3A_1995 : i32
      %parallel_loop3A_1997 = arith.constant 0 : i32
      %parallel_loop3A_1998 = arith.cmpi ne, %parallel_loop3A_1996, %parallel_loop3A_1997 : i32
      %parallel_loop3A_1999 = arith.constant 0 : i32
      %parallel_loop3A_2000 = arith.cmpi slt, %parallel_loop3A_1996, %parallel_loop3A_1999 : i32
      %parallel_loop3A_2001 = arith.constant 0 : i32
      %parallel_loop3A_2002 = arith.cmpi slt, %parallel_loop3A_1995, %parallel_loop3A_2001 : i32
      %parallel_loop3A_2003 = arith.xori %parallel_loop3A_2000, %parallel_loop3A_2002 : i1
      %parallel_loop3A_2004 = arith.andi %parallel_loop3A_2003, %parallel_loop3A_1998 : i1
      %parallel_loop3A_2005 = arith.addi %parallel_loop3A_1996, %parallel_loop3A_1995 : i32
      %parallel_loop3A_2006 = arith.select %parallel_loop3A_2004, %parallel_loop3A_2005, %parallel_loop3A_1996 : i32
      %parallel_loop3A_2007 = arith.constant 16 : i32
      %parallel_loop3A_2008 = arith.muli %parallel_loop3A_2006, %parallel_loop3A_2007 : i32
      %parallel_loop3A_2009 = arith.constant 1 : i32
      %parallel_loop3A_2010 = arith.index_cast %parallel_loop3A_2009 : i32 to index
      %parallel_loop3A_2011 = arith.index_cast %parallel_loop3A_1990 : i32 to index
      %parallel_loop3A_2012 = arith.index_cast %parallel_loop3A_2008 : i32 to index
      %parallel_loop3A_2013 = tpu.vector_load %arg6[%parallel_loop3A_2010, %parallel_loop3A_2011, %parallel_loop3A_2012] {strides = array<i32>} : memref<3x8x1024xf32, #tpu.memory_space<vmem>>, vector<1x1x16xf32>,
      %parallel_loop3A_2014 = vector.shape_cast %parallel_loop3A_2013 : vector<1x1x16xf32> to vector<16xf32>
      %parallel_loop3A_2015 = arith.constant 3.125000e-02 : f32
      %parallel_loop3A_2016 = vector.broadcast %parallel_loop3A_2015 : f32 to vector<16xf32>
      %parallel_loop3A_2017 = arith.mulf %parallel_loop3A_2014, %parallel_loop3A_2016 : vector<16xf32>
      %parallel_loop3A_2018 = arith.constant 1 : i32
      %parallel_loop3A_2019 = arith.constant 0 : i32
      %parallel_loop3A_2020 = arith.index_cast %parallel_loop3A_2018 : i32 to index
      %parallel_loop3A_2021 = arith.index_cast %parallel_loop3A_1990 : i32 to index
      %parallel_loop3A_2022 = arith.index_cast %parallel_loop3A_2019 : i32 to index
      %parallel_loop3A_2023 = arith.index_cast %parallel_loop3A_2008 : i32 to index
      %parallel_loop3A_2024 = tpu.vector_load %arg5[%parallel_loop3A_2020, %parallel_loop3A_2021, %parallel_loop3A_2022, %parallel_loop3A_2023] {strides = array<i32>} : memref<3x8x4x1024xf32, #tpu.memory_space<vmem>>, vector<1x1x1x16xf32>,
      %parallel_loop3A_2025 = vector.shape_cast %parallel_loop3A_2024 : vector<1x1x1x16xf32> to vector<16xf32>
      %parallel_loop3A_2026 = vector.shape_cast %parallel_loop3A_2017 : vector<16xf32> to vector<1x1x1x16xf32>
      tpu.vector_store %arg5[%parallel_loop3A_2020, %parallel_loop3A_2021, %parallel_loop3A_2022, %parallel_loop3A_2023], %parallel_loop3A_2026 {add = true, strides = array<i32>} : memref<3x8x4x1024xf32, #tpu.memory_space<vmem>>, vector<1x1x1x16xf32>,
      %parallel_loop3A_2027 = arith.constant 1 : i32
      %parallel_loop3A_2028 = arith.constant 1 : i32
      %parallel_loop3A_2029 = arith.index_cast %parallel_loop3A_2027 : i32 to index
      %parallel_loop3A_2030 = arith.index_cast %parallel_loop3A_1990 : i32 to index
      %parallel_loop3A_2031 = arith.index_cast %parallel_loop3A_2028 : i32 to index
      %parallel_loop3A_2032 = arith.index_cast %parallel_loop3A_2008 : i32 to index
      %parallel_loop3A_2033 = tpu.vector_load %arg5[%parallel_loop3A_2029, %parallel_loop3A_2030, %parallel_loop3A_2031, %parallel_loop3A_2032] {strides = array<i32>} : memref<3x8x4x1024xf32, #tpu.memory_space<vmem>>, vector<1x1x1x16xf32>,
      %parallel_loop3A_2034 = vector.shape_cast %parallel_loop3A_2033 : vector<1x1x1x16xf32> to vector<16xf32>
      %parallel_loop3A_2035 = vector.shape_cast %parallel_loop3A_2017 : vector<16xf32> to vector<1x1x1x16xf32>
      tpu.vector_store %arg5[%parallel_loop3A_2029, %parallel_loop3A_2030, %parallel_loop3A_2031, %parallel_loop3A_2032], %parallel_loop3A_2035 {add = true, strides = array<i32>} : memref<3x8x4x1024xf32, #tpu.memory_space<vmem>>, vector<1x1x1x16xf32>,
      %parallel_loop3A_2036 = arith.constant 1 : i32
      %parallel_loop3A_2037 = arith.constant 2 : i32
      %parallel_loop3A_2038 = arith.index_cast %parallel_loop3A_2036 : i32 to index
      %parallel_loop3A_2039 = arith.index_cast %parallel_loop3A_1990 : i32 to index
      %parallel_loop3A_2040 = arith.index_cast %parallel_loop3A_2037 : i32 to index
      %parallel_loop3A_2041 = arith.index_cast %parallel_loop3A_2008 : i32 to index
      %parallel_loop3A_2042 = tpu.vector_load %arg5[%parallel_loop3A_2038, %parallel_loop3A_2039, %parallel_loop3A_2040, %parallel_loop3A_2041] {strides = array<i32>} : memref<3x8x4x1024xf32, #tpu.memory_space<vmem>>, vector<1x1x1x16xf32>,
      %parallel_loop3A_2043 = vector.shape_cast %parallel_loop3A_2042 : vector<1x1x1x16xf32> to vector<16xf32>
      %parallel_loop3A_2044 = vector.shape_cast %parallel_loop3A_2017 : vector<16xf32> to vector<1x1x1x16xf32>
      tpu.vector_store %arg5[%parallel_loop3A_2038, %parallel_loop3A_2039, %parallel_loop3A_2040, %parallel_loop3A_2041], %parallel_loop3A_2044 {add = true, strides = array<i32>} : memref<3x8x4x1024xf32, #tpu.memory_space<vmem>>, vector<1x1x1x16xf32>,
      %parallel_loop3A_2045 = arith.constant 1 : i32
      %parallel_loop3A_2046 = arith.constant 3 : i32
      %parallel_loop3A_2047 = arith.index_cast %parallel_loop3A_2045 : i32 to index
      %parallel_loop3A_2048 = arith.index_cast %parallel_loop3A_1990 : i32 to index
      %parallel_loop3A_2049 = arith.index_cast %parallel_loop3A_2046 : i32 to index
      %parallel_loop3A_2050 = arith.index_cast %parallel_loop3A_2008 : i32 to index
      %parallel_loop3A_2051 = tpu.vector_load %arg5[%parallel_loop3A_2047, %parallel_loop3A_2048, %parallel_loop3A_2049, %parallel_loop3A_2050] {strides = array<i32>} : memref<3x8x4x1024xf32, #tpu.memory_space<vmem>>, vector<1x1x1x16xf32>,
      %parallel_loop3A_2052 = vector.shape_cast %parallel_loop3A_2051 : vector<1x1x1x16xf32> to vector<16xf32>
      %parallel_loop3A_2053 = vector.shape_cast %parallel_loop3A_2017 : vector<16xf32> to vector<1x1x1x16xf32>
      tpu.vector_store %arg5[%parallel_loop3A_2047, %parallel_loop3A_2048, %parallel_loop3A_2049, %parallel_loop3A_2050], %parallel_loop3A_2053 {add = true, strides = array<i32>} : memref<3x8x4x1024xf32, #tpu.memory_space<vmem>>, vector<1x1x1x16xf32>,
    } {sc.loop_unroll_factor = 4 : i64, sc.parallel_access}
    %add3A_1696 = arith.constant 416 : i32
    %add3A_1697 = arith.addi %add3A_1696, %add3A : i32
    %mul3A_1698 = arith.constant 8 : i32
    %mul3A_1699 = arith.muli %add3A_1697, %mul3A_1698 : i32
    %dma_start3A_1700 = arith.constant 1 : i32
    %dma_start3A_1701 = arith.constant 1 : i32
    %dma_start3A_1702 = arith.constant 0 : i32
    %dma_start3A_1703 = arith.constant 0 : i32
    %dma_start3A_1704 = arith.constant 0 : i32
    %dma_start3A_1705 = tpu.memref_slice %arg5[%dma_start3A_1700, %dma_start3A_1702, %dma_start3A_1703, %dma_start3A_1704] : memref<3x8x4x1024xf32, #tpu.memory_space<vmem>> -> memref<1x8x4x1024xf32, #tpu.memory_space<vmem>>
    %dma_start3A_1706 = tpu.memref_squeeze %dma_start3A_1705 : memref<1x8x4x1024xf32, #tpu.memory_space<vmem>> -> memref<8x4x1024xf32, #tpu.memory_space<vmem>>
    %dma_start3A_1707 = arith.constant 0 : i32
    %dma_start3A_1708 = arith.constant 0 : i32
    %dma_start3A_1709 = tpu.memref_slice %arg4[%mul3A_1699, %dma_start3A_1707, %dma_start3A_1708] : memref<4096x4x1024xf32, #tpu.memory_space<hbm>> -> memref<8x4x1024xf32, #tpu.memory_space<hbm>>
    %dma_start3A_1710 = tpu.memref_slice %arg9[%dma_start3A_1701] : memref<3x!tpu.dma_semaphore, #tpu.memory_space<semaphore_mem>> -> memref<1x!tpu.dma_semaphore, #tpu.memory_space<semaphore_mem>>
    %dma_start3A_1711 = tpu.memref_squeeze %dma_start3A_1710 : memref<1x!tpu.dma_semaphore, #tpu.memory_space<semaphore_mem>> -> memref<!tpu.dma_semaphore, #tpu.memory_space<semaphore_mem>>
    %dma_start3A_1712 = arith.constant 0 : i32
    %dma_start3A_1713 = arith.constant 0 : i32
    %dma_start3A_1714 = tpu.memref_slice %arg4[%mul3A_1699, %dma_start3A_1712, %dma_start3A_1713] : memref<4096x4x1024xf32, #tpu.memory_space<hbm>> -> memref<8x4x1024xf32, #tpu.memory_space<hbm>>
    %dma_start3A_1715 = arith.constant 0 : i32
    %dma_start3A_1716 = arith.constant 0 : i32
    %dma_start3A_1717 = arith.constant 0 : i32
    %dma_start3A_1718 = tpu.memref_slice %arg5[%dma_start3A_1700, %dma_start3A_1715, %dma_start3A_1716, %dma_start3A_1717] : memref<3x8x4x1024xf32, #tpu.memory_space<vmem>> -> memref<1x8x4x1024xf32, #tpu.memory_space<vmem>>
    %dma_start3A_1719 = tpu.memref_squeeze %dma_start3A_1718 : memref<1x8x4x1024xf32, #tpu.memory_space<vmem>> -> memref<8x4x1024xf32, #tpu.memory_space<vmem>>
    tpu.enqueue_dma source(%dma_start3A_1719 : memref<8x4x1024xf32, #tpu.memory_space<vmem>>) target(%dma_start3A_1714 : memref<8x4x1024xf32, #tpu.memory_space<hbm>>) target_semaphore(%dma_start3A_1711 : memref<!tpu.dma_semaphore, #tpu.memory_space<semaphore_mem>>)
    %dma_wait3A_1720 = arith.constant 0 : i32
    %dma_wait3A_1721 = arith.constant 0 : i32
    %dma_wait3A_1722 = arith.constant 0 : i32
    %dma_wait3A_1723 = arith.constant 0 : i32
    %dma_wait3A_1724 = arith.constant 0 : i32
    %dma_wait3A_1725 = tpu.memref_slice %arg5[%dma_wait3A_1720, %dma_wait3A_1722, %dma_wait3A_1723, %dma_wait3A_1724] : memref<3x8x4x1024xf32, #tpu.memory_space<vmem>> -> memref<1x8x4x1024xf32, #tpu.memory_space<vmem>>
    %dma_wait3A_1726 = tpu.memref_squeeze %dma_wait3A_1725 : memref<1x8x4x1024xf32, #tpu.memory_space<vmem>> -> memref<8x4x1024xf32, #tpu.memory_space<vmem>>
    %dma_wait3A_1727 = arith.constant 0 : i32
    %dma_wait3A_1728 = arith.constant 0 : i32
    %dma_wait3A_1729 = tpu.memref_slice %arg4[%mul3A_1576, %dma_wait3A_1727, %dma_wait3A_1728] : memref<4096x4x1024xf32, #tpu.memory_space<hbm>> -> memref<8x4x1024xf32, #tpu.memory_space<hbm>>
    %dma_wait3A_1730 = tpu.memref_slice %arg9[%dma_wait3A_1721] : memref<3x!tpu.dma_semaphore, #tpu.memory_space<semaphore_mem>> -> memref<1x!tpu.dma_semaphore, #tpu.memory_space<semaphore_mem>>
    %dma_wait3A_1731 = tpu.memref_squeeze %dma_wait3A_1730 : memref<1x!tpu.dma_semaphore, #tpu.memory_space<semaphore_mem>> -> memref<!tpu.dma_semaphore, #tpu.memory_space<semaphore_mem>>
    %dma_wait3A_1732 = arith.constant 0 : i32
    %dma_wait3A_1733 = arith.constant 0 : i32
    %dma_wait3A_1734 = tpu.memref_slice %arg4[%mul3A_1576, %dma_wait3A_1732, %dma_wait3A_1733] : memref<4096x4x1024xf32, #tpu.memory_space<hbm>> -> memref<8x4x1024xf32, #tpu.memory_space<hbm>>
    %dma_wait3A_1735 = arith.constant 0 : i32
    %dma_wait3A_1736 = arith.constant 0 : i32
    %dma_wait3A_1737 = arith.constant 0 : i32
    %dma_wait3A_1738 = tpu.memref_slice %arg5[%dma_wait3A_1720, %dma_wait3A_1735, %dma_wait3A_1736, %dma_wait3A_1737] : memref<3x8x4x1024xf32, #tpu.memory_space<vmem>> -> memref<1x8x4x1024xf32, #tpu.memory_space<vmem>>
    %dma_wait3A_1739 = tpu.memref_squeeze %dma_wait3A_1738 : memref<1x8x4x1024xf32, #tpu.memory_space<vmem>> -> memref<8x4x1024xf32, #tpu.memory_space<vmem>>
    tpu.wait_dma2 semaphore(%dma_wait3A_1731 : memref<!tpu.dma_semaphore, #tpu.memory_space<semaphore_mem>>) src(%dma_wait3A_1739 : memref<8x4x1024xf32, #tpu.memory_space<vmem>>) dst(%dma_wait3A_1734 : memref<8x4x1024xf32, #tpu.memory_space<hbm>>)
    %add3A_1740 = arith.constant 480 : i32
    %add3A_1741 = arith.addi %add3A_1740, %add3A : i32
    %mul3A_1742 = arith.constant 8 : i32
    %mul3A_1743 = arith.muli %add3A_1741, %mul3A_1742 : i32
    %dma_start3A_1744 = arith.constant 0 : i32
    %dma_start3A_1745 = arith.constant 0 : i32
    %dma_start3A_1746 = arith.constant 0 : i32
    %dma_start3A_1747 = arith.constant 0 : i32
    %dma_start3A_1748 = arith.constant 0 : i32
    %dma_start3A_1749 = tpu.memref_slice %arg5[%dma_start3A_1744, %dma_start3A_1746, %dma_start3A_1747, %dma_start3A_1748] : memref<3x8x4x1024xf32, #tpu.memory_space<vmem>> -> memref<1x8x4x1024xf32, #tpu.memory_space<vmem>>
    %dma_start3A_1750 = tpu.memref_squeeze %dma_start3A_1749 : memref<1x8x4x1024xf32, #tpu.memory_space<vmem>> -> memref<8x4x1024xf32, #tpu.memory_space<vmem>>
    %dma_start3A_1751 = arith.constant 0 : i32
    %dma_start3A_1752 = arith.constant 0 : i32
    %dma_start3A_1753 = tpu.memref_slice %arg2[%mul3A_1743, %dma_start3A_1751, %dma_start3A_1752] : memref<4096x4x1024xf32, #tpu.memory_space<hbm>> -> memref<8x4x1024xf32, #tpu.memory_space<hbm>>
    %dma_start3A_1754 = tpu.memref_slice %arg7[%dma_start3A_1745] : memref<3x!tpu.dma_semaphore, #tpu.memory_space<semaphore_mem>> -> memref<1x!tpu.dma_semaphore, #tpu.memory_space<semaphore_mem>>
    %dma_start3A_1755 = tpu.memref_squeeze %dma_start3A_1754 : memref<1x!tpu.dma_semaphore, #tpu.memory_space<semaphore_mem>> -> memref<!tpu.dma_semaphore, #tpu.memory_space<semaphore_mem>>
    %dma_start3A_1756 = arith.constant 0 : i32
    %dma_start3A_1757 = arith.constant 0 : i32
    %dma_start3A_1758 = arith.constant 0 : i32
    %dma_start3A_1759 = tpu.memref_slice %arg5[%dma_start3A_1744, %dma_start3A_1756, %dma_start3A_1757, %dma_start3A_1758] : memref<3x8x4x1024xf32, #tpu.memory_space<vmem>> -> memref<1x8x4x1024xf32, #tpu.memory_space<vmem>>
    %dma_start3A_1760 = tpu.memref_squeeze %dma_start3A_1759 : memref<1x8x4x1024xf32, #tpu.memory_space<vmem>> -> memref<8x4x1024xf32, #tpu.memory_space<vmem>>
    %dma_start3A_1761 = arith.constant 0 : i32
    %dma_start3A_1762 = arith.constant 0 : i32
    %dma_start3A_1763 = tpu.memref_slice %arg2[%mul3A_1743, %dma_start3A_1761, %dma_start3A_1762] : memref<4096x4x1024xf32, #tpu.memory_space<hbm>> -> memref<8x4x1024xf32, #tpu.memory_space<hbm>>
    tpu.enqueue_dma source(%dma_start3A_1763 : memref<8x4x1024xf32, #tpu.memory_space<hbm>>) target(%dma_start3A_1760 : memref<8x4x1024xf32, #tpu.memory_space<vmem>>) target_semaphore(%dma_start3A_1755 : memref<!tpu.dma_semaphore, #tpu.memory_space<semaphore_mem>>)
    %dma_start3A_1764 = arith.constant 0 : i32
    %dma_start3A_1765 = arith.constant 0 : i32
    %dma_start3A_1766 = arith.constant 0 : i32
    %dma_start3A_1767 = arith.constant 0 : i32
    %dma_start3A_1768 = tpu.memref_slice %arg6[%dma_start3A_1764, %dma_start3A_1766, %dma_start3A_1767] : memref<3x8x1024xf32, #tpu.memory_space<vmem>> -> memref<1x8x1024xf32, #tpu.memory_space<vmem>>
    %dma_start3A_1769 = tpu.memref_squeeze %dma_start3A_1768 : memref<1x8x1024xf32, #tpu.memory_space<vmem>> -> memref<8x1024xf32, #tpu.memory_space<vmem>>
    %dma_start3A_1770 = arith.constant 0 : i32
    %dma_start3A_1771 = tpu.memref_slice %arg3[%mul3A_1743, %dma_start3A_1770] : memref<8192x1024xf32, #tpu.memory_space<hbm>> -> memref<8x1024xf32, #tpu.memory_space<hbm>>
    %dma_start3A_1772 = tpu.memref_slice %arg8[%dma_start3A_1765] : memref<3x!tpu.dma_semaphore, #tpu.memory_space<semaphore_mem>> -> memref<1x!tpu.dma_semaphore, #tpu.memory_space<semaphore_mem>>
    %dma_start3A_1773 = tpu.memref_squeeze %dma_start3A_1772 : memref<1x!tpu.dma_semaphore, #tpu.memory_space<semaphore_mem>> -> memref<!tpu.dma_semaphore, #tpu.memory_space<semaphore_mem>>
    %dma_start3A_1774 = arith.constant 0 : i32
    %dma_start3A_1775 = arith.constant 0 : i32
    %dma_start3A_1776 = tpu.memref_slice %arg6[%dma_start3A_1764, %dma_start3A_1774, %dma_start3A_1775] : memref<3x8x1024xf32, #tpu.memory_space<vmem>> -> memref<1x8x1024xf32, #tpu.memory_space<vmem>>
    %dma_start3A_1777 = tpu.memref_squeeze %dma_start3A_1776 : memref<1x8x1024xf32, #tpu.memory_space<vmem>> -> memref<8x1024xf32, #tpu.memory_space<vmem>>
    %dma_start3A_1778 = arith.constant 0 : i32
    %dma_start3A_1779 = tpu.memref_slice %arg3[%mul3A_1743, %dma_start3A_1778] : memref<8192x1024xf32, #tpu.memory_space<hbm>> -> memref<8x1024xf32, #tpu.memory_space<hbm>>
    tpu.enqueue_dma source(%dma_start3A_1779 : memref<8x1024xf32, #tpu.memory_space<hbm>>) target(%dma_start3A_1777 : memref<8x1024xf32, #tpu.memory_space<vmem>>) target_semaphore(%dma_start3A_1773 : memref<!tpu.dma_semaphore, #tpu.memory_space<semaphore_mem>>)
    %dma_wait3A_1780 = arith.constant 2 : i32
    %dma_wait3A_1781 = arith.constant 2 : i32
    %dma_wait3A_1782 = arith.constant 0 : i32
    %dma_wait3A_1783 = arith.constant 0 : i32
    %dma_wait3A_1784 = arith.constant 0 : i32
    %dma_wait3A_1785 = tpu.memref_slice %arg5[%dma_wait3A_1780, %dma_wait3A_1782, %dma_wait3A_1783, %dma_wait3A_1784] : memref<3x8x4x1024xf32, #tpu.memory_space<vmem>> -> memref<1x8x4x1024xf32, #tpu.memory_space<vmem>>
    %dma_wait3A_1786 = tpu.memref_squeeze %dma_wait3A_1785 : memref<1x8x4x1024xf32, #tpu.memory_space<vmem>> -> memref<8x4x1024xf32, #tpu.memory_space<vmem>>
    %dma_wait3A_1787 = arith.constant 0 : i32
    %dma_wait3A_1788 = arith.constant 0 : i32
    %dma_wait3A_1789 = tpu.memref_slice %arg2[%mul3A_1620, %dma_wait3A_1787, %dma_wait3A_1788] : memref<4096x4x1024xf32, #tpu.memory_space<hbm>> -> memref<8x4x1024xf32, #tpu.memory_space<hbm>>
    %dma_wait3A_1790 = tpu.memref_slice %arg7[%dma_wait3A_1781] : memref<3x!tpu.dma_semaphore, #tpu.memory_space<semaphore_mem>> -> memref<1x!tpu.dma_semaphore, #tpu.memory_space<semaphore_mem>>
    %dma_wait3A_1791 = tpu.memref_squeeze %dma_wait3A_1790 : memref<1x!tpu.dma_semaphore, #tpu.memory_space<semaphore_mem>> -> memref<!tpu.dma_semaphore, #tpu.memory_space<semaphore_mem>>
    %dma_wait3A_1792 = arith.constant 0 : i32
    %dma_wait3A_1793 = arith.constant 0 : i32
    %dma_wait3A_1794 = arith.constant 0 : i32
    %dma_wait3A_1795 = tpu.memref_slice %arg5[%dma_wait3A_1780, %dma_wait3A_1792, %dma_wait3A_1793, %dma_wait3A_1794] : memref<3x8x4x1024xf32, #tpu.memory_space<vmem>> -> memref<1x8x4x1024xf32, #tpu.memory_space<vmem>>
    %dma_wait3A_1796 = tpu.memref_squeeze %dma_wait3A_1795 : memref<1x8x4x1024xf32, #tpu.memory_space<vmem>> -> memref<8x4x1024xf32, #tpu.memory_space<vmem>>
    %dma_wait3A_1797 = arith.constant 0 : i32
    %dma_wait3A_1798 = arith.constant 0 : i32
    %dma_wait3A_1799 = tpu.memref_slice %arg2[%mul3A_1620, %dma_wait3A_1797, %dma_wait3A_1798] : memref<4096x4x1024xf32, #tpu.memory_space<hbm>> -> memref<8x4x1024xf32, #tpu.memory_space<hbm>>
    tpu.wait_dma2 semaphore(%dma_wait3A_1791 : memref<!tpu.dma_semaphore, #tpu.memory_space<semaphore_mem>>) src(%dma_wait3A_1799 : memref<8x4x1024xf32, #tpu.memory_space<hbm>>) dst(%dma_wait3A_1796 : memref<8x4x1024xf32, #tpu.memory_space<vmem>>)
    %dma_wait3A_1800 = arith.constant 2 : i32
    %dma_wait3A_1801 = arith.constant 2 : i32
    %dma_wait3A_1802 = arith.constant 0 : i32
    %dma_wait3A_1803 = arith.constant 0 : i32
    %dma_wait3A_1804 = tpu.memref_slice %arg6[%dma_wait3A_1800, %dma_wait3A_1802, %dma_wait3A_1803] : memref<3x8x1024xf32, #tpu.memory_space<vmem>> -> memref<1x8x1024xf32, #tpu.memory_space<vmem>>
    %dma_wait3A_1805 = tpu.memref_squeeze %dma_wait3A_1804 : memref<1x8x1024xf32, #tpu.memory_space<vmem>> -> memref<8x1024xf32, #tpu.memory_space<vmem>>
    %dma_wait3A_1806 = arith.constant 0 : i32
    %dma_wait3A_1807 = tpu.memref_slice %arg3[%mul3A_1620, %dma_wait3A_1806] : memref<8192x1024xf32, #tpu.memory_space<hbm>> -> memref<8x1024xf32, #tpu.memory_space<hbm>>
    %dma_wait3A_1808 = tpu.memref_slice %arg8[%dma_wait3A_1801] : memref<3x!tpu.dma_semaphore, #tpu.memory_space<semaphore_mem>> -> memref<1x!tpu.dma_semaphore, #tpu.memory_space<semaphore_mem>>
    %dma_wait3A_1809 = tpu.memref_squeeze %dma_wait3A_1808 : memref<1x!tpu.dma_semaphore, #tpu.memory_space<semaphore_mem>> -> memref<!tpu.dma_semaphore, #tpu.memory_space<semaphore_mem>>
    %dma_wait3A_1810 = arith.constant 0 : i32
    %dma_wait3A_1811 = arith.constant 0 : i32
    %dma_wait3A_1812 = tpu.memref_slice %arg6[%dma_wait3A_1800, %dma_wait3A_1810, %dma_wait3A_1811] : memref<3x8x1024xf32, #tpu.memory_space<vmem>> -> memref<1x8x1024xf32, #tpu.memory_space<vmem>>
    %dma_wait3A_1813 = tpu.memref_squeeze %dma_wait3A_1812 : memref<1x8x1024xf32, #tpu.memory_space<vmem>> -> memref<8x1024xf32, #tpu.memory_space<vmem>>
    %dma_wait3A_1814 = arith.constant 0 : i32
    %dma_wait3A_1815 = tpu.memref_slice %arg3[%mul3A_1620, %dma_wait3A_1814] : memref<8192x1024xf32, #tpu.memory_space<hbm>> -> memref<8x1024xf32, #tpu.memory_space<hbm>>
    tpu.wait_dma2 semaphore(%dma_wait3A_1809 : memref<!tpu.dma_semaphore, #tpu.memory_space<semaphore_mem>>) src(%dma_wait3A_1815 : memref<8x1024xf32, #tpu.memory_space<hbm>>) dst(%dma_wait3A_1813 : memref<8x1024xf32, #tpu.memory_space<vmem>>)
    %parallel_loop3A_1816 = arith.constant 0 : i32
    %parallel_loop3A_1817 = arith.constant 512 : i32
    %parallel_loop3A_1818 = arith.constant 1 : i32
    scf.for %parallel_loop3A_1966 = %parallel_loop3A_1816 to %parallel_loop3A_1817 step %parallel_loop3A_1818  : i32 {
      %parallel_loop3A_1967 = arith.constant 64 : i32
      %parallel_loop3A_1968 = arith.divsi %parallel_loop3A_1966, %parallel_loop3A_1967 : i32
      %parallel_loop3A_1969 = arith.constant 0 : i32
      %parallel_loop3A_1970 = arith.cmpi sgt, %parallel_loop3A_1966, %parallel_loop3A_1969 : i32
      %parallel_loop3A_1971 = arith.extui %parallel_loop3A_1970 : i1 to i32
      %parallel_loop3A_1972 = arith.constant 0 : i32
      %parallel_loop3A_1973 = arith.cmpi slt, %parallel_loop3A_1966, %parallel_loop3A_1972 : i32
      %parallel_loop3A_1974 = arith.extui %parallel_loop3A_1973 : i1 to i32
      %parallel_loop3A_1975 = arith.subi %parallel_loop3A_1971, %parallel_loop3A_1974 : i32
      %parallel_loop3A_1976 = arith.constant 0 : i32
      %parallel_loop3A_1977 = arith.cmpi sgt, %parallel_loop3A_1967, %parallel_loop3A_1976 : i32
      %parallel_loop3A_1978 = arith.extui %parallel_loop3A_1977 : i1 to i32
      %parallel_loop3A_1979 = arith.constant 0 : i32
      %parallel_loop3A_1980 = arith.cmpi slt, %parallel_loop3A_1967, %parallel_loop3A_1979 : i32
      %parallel_loop3A_1981 = arith.extui %parallel_loop3A_1980 : i1 to i32
      %parallel_loop3A_1982 = arith.subi %parallel_loop3A_1978, %parallel_loop3A_1981 : i32
      %parallel_loop3A_1983 = arith.cmpi ne, %parallel_loop3A_1975, %parallel_loop3A_1982 : i32
      %parallel_loop3A_1984 = arith.remsi %parallel_loop3A_1966, %parallel_loop3A_1967 : i32
      %parallel_loop3A_1985 = arith.constant 0 : i32
      %parallel_loop3A_1986 = arith.cmpi ne, %parallel_loop3A_1984, %parallel_loop3A_1985 : i32
      %parallel_loop3A_1987 = arith.andi %parallel_loop3A_1983, %parallel_loop3A_1986 : i1
      %parallel_loop3A_1988 = arith.constant 1 : i32
      %parallel_loop3A_1989 = arith.subi %parallel_loop3A_1968, %parallel_loop3A_1988 : i32
      %parallel_loop3A_1990 = arith.select %parallel_loop3A_1987, %parallel_loop3A_1989, %parallel_loop3A_1968 : i32
      %parallel_loop3A_1991 = arith.constant 64 : i32
      %parallel_loop3A_1992 = arith.constant 0 : i32
      %parallel_loop3A_1993 = arith.cmpi eq, %parallel_loop3A_1991, %parallel_loop3A_1992 : i32
      %parallel_loop3A_1994 = arith.constant 1 : i32
      %parallel_loop3A_1995 = arith.select %parallel_loop3A_1993, %parallel_loop3A_1994, %parallel_loop3A_1991 : i32
      %parallel_loop3A_1996 = arith.remsi %parallel_loop3A_1966, %parallel_loop3A_1995 : i32
      %parallel_loop3A_1997 = arith.constant 0 : i32
      %parallel_loop3A_1998 = arith.cmpi ne, %parallel_loop3A_1996, %parallel_loop3A_1997 : i32
      %parallel_loop3A_1999 = arith.constant 0 : i32
      %parallel_loop3A_2000 = arith.cmpi slt, %parallel_loop3A_1996, %parallel_loop3A_1999 : i32
      %parallel_loop3A_2001 = arith.constant 0 : i32
      %parallel_loop3A_2002 = arith.cmpi slt, %parallel_loop3A_1995, %parallel_loop3A_2001 : i32
      %parallel_loop3A_2003 = arith.xori %parallel_loop3A_2000, %parallel_loop3A_2002 : i1
      %parallel_loop3A_2004 = arith.andi %parallel_loop3A_2003, %parallel_loop3A_1998 : i1
      %parallel_loop3A_2005 = arith.addi %parallel_loop3A_1996, %parallel_loop3A_1995 : i32
      %parallel_loop3A_2006 = arith.select %parallel_loop3A_2004, %parallel_loop3A_2005, %parallel_loop3A_1996 : i32
      %parallel_loop3A_2007 = arith.constant 16 : i32
      %parallel_loop3A_2008 = arith.muli %parallel_loop3A_2006, %parallel_loop3A_2007 : i32
      %parallel_loop3A_2009 = arith.constant 2 : i32
      %parallel_loop3A_2010 = arith.index_cast %parallel_loop3A_2009 : i32 to index
      %parallel_loop3A_2011 = arith.index_cast %parallel_loop3A_1990 : i32 to index
      %parallel_loop3A_2012 = arith.index_cast %parallel_loop3A_2008 : i32 to index
      %parallel_loop3A_2013 = tpu.vector_load %arg6[%parallel_loop3A_2010, %parallel_loop3A_2011, %parallel_loop3A_2012] {strides = array<i32>} : memref<3x8x1024xf32, #tpu.memory_space<vmem>>, vector<1x1x16xf32>,
      %parallel_loop3A_2014 = vector.shape_cast %parallel_loop3A_2013 : vector<1x1x16xf32> to vector<16xf32>
      %parallel_loop3A_2015 = arith.constant 3.125000e-02 : f32
      %parallel_loop3A_2016 = vector.broadcast %parallel_loop3A_2015 : f32 to vector<16xf32>
      %parallel_loop3A_2017 = arith.mulf %parallel_loop3A_2014, %parallel_loop3A_2016 : vector<16xf32>
      %parallel_loop3A_2018 = arith.constant 2 : i32
      %parallel_loop3A_2019 = arith.constant 0 : i32
      %parallel_loop3A_2020 = arith.index_cast %parallel_loop3A_2018 : i32 to index
      %parallel_loop3A_2021 = arith.index_cast %parallel_loop3A_1990 : i32 to index
      %parallel_loop3A_2022 = arith.index_cast %parallel_loop3A_2019 : i32 to index
      %parallel_loop3A_2023 = arith.index_cast %parallel_loop3A_2008 : i32 to index
      %parallel_loop3A_2024 = tpu.vector_load %arg5[%parallel_loop3A_2020, %parallel_loop3A_2021, %parallel_loop3A_2022, %parallel_loop3A_2023] {strides = array<i32>} : memref<3x8x4x1024xf32, #tpu.memory_space<vmem>>, vector<1x1x1x16xf32>,
      %parallel_loop3A_2025 = vector.shape_cast %parallel_loop3A_2024 : vector<1x1x1x16xf32> to vector<16xf32>
      %parallel_loop3A_2026 = vector.shape_cast %parallel_loop3A_2017 : vector<16xf32> to vector<1x1x1x16xf32>
      tpu.vector_store %arg5[%parallel_loop3A_2020, %parallel_loop3A_2021, %parallel_loop3A_2022, %parallel_loop3A_2023], %parallel_loop3A_2026 {add = true, strides = array<i32>} : memref<3x8x4x1024xf32, #tpu.memory_space<vmem>>, vector<1x1x1x16xf32>,
      %parallel_loop3A_2027 = arith.constant 2 : i32
      %parallel_loop3A_2028 = arith.constant 1 : i32
      %parallel_loop3A_2029 = arith.index_cast %parallel_loop3A_2027 : i32 to index
      %parallel_loop3A_2030 = arith.index_cast %parallel_loop3A_1990 : i32 to index
      %parallel_loop3A_2031 = arith.index_cast %parallel_loop3A_2028 : i32 to index
      %parallel_loop3A_2032 = arith.index_cast %parallel_loop3A_2008 : i32 to index
      %parallel_loop3A_2033 = tpu.vector_load %arg5[%parallel_loop3A_2029, %parallel_loop3A_2030, %parallel_loop3A_2031, %parallel_loop3A_2032] {strides = array<i32>} : memref<3x8x4x1024xf32, #tpu.memory_space<vmem>>, vector<1x1x1x16xf32>,
      %parallel_loop3A_2034 = vector.shape_cast %parallel_loop3A_2033 : vector<1x1x1x16xf32> to vector<16xf32>
      %parallel_loop3A_2035 = vector.shape_cast %parallel_loop3A_2017 : vector<16xf32> to vector<1x1x1x16xf32>
      tpu.vector_store %arg5[%parallel_loop3A_2029, %parallel_loop3A_2030, %parallel_loop3A_2031, %parallel_loop3A_2032], %parallel_loop3A_2035 {add = true, strides = array<i32>} : memref<3x8x4x1024xf32, #tpu.memory_space<vmem>>, vector<1x1x1x16xf32>,
      %parallel_loop3A_2036 = arith.constant 2 : i32
      %parallel_loop3A_2037 = arith.constant 2 : i32
      %parallel_loop3A_2038 = arith.index_cast %parallel_loop3A_2036 : i32 to index
      %parallel_loop3A_2039 = arith.index_cast %parallel_loop3A_1990 : i32 to index
      %parallel_loop3A_2040 = arith.index_cast %parallel_loop3A_2037 : i32 to index
      %parallel_loop3A_2041 = arith.index_cast %parallel_loop3A_2008 : i32 to index
      %parallel_loop3A_2042 = tpu.vector_load %arg5[%parallel_loop3A_2038, %parallel_loop3A_2039, %parallel_loop3A_2040, %parallel_loop3A_2041] {strides = array<i32>} : memref<3x8x4x1024xf32, #tpu.memory_space<vmem>>, vector<1x1x1x16xf32>,
      %parallel_loop3A_2043 = vector.shape_cast %parallel_loop3A_2042 : vector<1x1x1x16xf32> to vector<16xf32>
      %parallel_loop3A_2044 = vector.shape_cast %parallel_loop3A_2017 : vector<16xf32> to vector<1x1x1x16xf32>
      tpu.vector_store %arg5[%parallel_loop3A_2038, %parallel_loop3A_2039, %parallel_loop3A_2040, %parallel_loop3A_2041], %parallel_loop3A_2044 {add = true, strides = array<i32>} : memref<3x8x4x1024xf32, #tpu.memory_space<vmem>>, vector<1x1x1x16xf32>,
      %parallel_loop3A_2045 = arith.constant 2 : i32
      %parallel_loop3A_2046 = arith.constant 3 : i32
      %parallel_loop3A_2047 = arith.index_cast %parallel_loop3A_2045 : i32 to index
      %parallel_loop3A_2048 = arith.index_cast %parallel_loop3A_1990 : i32 to index
      %parallel_loop3A_2049 = arith.index_cast %parallel_loop3A_2046 : i32 to index
      %parallel_loop3A_2050 = arith.index_cast %parallel_loop3A_2008 : i32 to index
      %parallel_loop3A_2051 = tpu.vector_load %arg5[%parallel_loop3A_2047, %parallel_loop3A_2048, %parallel_loop3A_2049, %parallel_loop3A_2050] {strides = array<i32>} : memref<3x8x4x1024xf32, #tpu.memory_space<vmem>>, vector<1x1x1x16xf32>,
      %parallel_loop3A_2052 = vector.shape_cast %parallel_loop3A_2051 : vector<1x1x1x16xf32> to vector<16xf32>
      %parallel_loop3A_2053 = vector.shape_cast %parallel_loop3A_2017 : vector<16xf32> to vector<1x1x1x16xf32>
      tpu.vector_store %arg5[%parallel_loop3A_2047, %parallel_loop3A_2048, %parallel_loop3A_2049, %parallel_loop3A_2050], %parallel_loop3A_2053 {add = true, strides = array<i32>} : memref<3x8x4x1024xf32, #tpu.memory_space<vmem>>, vector<1x1x1x16xf32>,
    } {sc.loop_unroll_factor = 4 : i64, sc.parallel_access}
    %add3A_1819 = arith.constant 448 : i32
    %add3A_1820 = arith.addi %add3A_1819, %add3A : i32
    %mul3A_1821 = arith.constant 8 : i32
    %mul3A_1822 = arith.muli %add3A_1820, %mul3A_1821 : i32
    %dma_start3A_1823 = arith.constant 2 : i32
    %dma_start3A_1824 = arith.constant 2 : i32
    %dma_start3A_1825 = arith.constant 0 : i32
    %dma_start3A_1826 = arith.constant 0 : i32
    %dma_start3A_1827 = arith.constant 0 : i32
    %dma_start3A_1828 = tpu.memref_slice %arg5[%dma_start3A_1823, %dma_start3A_1825, %dma_start3A_1826, %dma_start3A_1827] : memref<3x8x4x1024xf32, #tpu.memory_space<vmem>> -> memref<1x8x4x1024xf32, #tpu.memory_space<vmem>>
    %dma_start3A_1829 = tpu.memref_squeeze %dma_start3A_1828 : memref<1x8x4x1024xf32, #tpu.memory_space<vmem>> -> memref<8x4x1024xf32, #tpu.memory_space<vmem>>
    %dma_start3A_1830 = arith.constant 0 : i32
    %dma_start3A_1831 = arith.constant 0 : i32
    %dma_start3A_1832 = tpu.memref_slice %arg4[%mul3A_1822, %dma_start3A_1830, %dma_start3A_1831] : memref<4096x4x1024xf32, #tpu.memory_space<hbm>> -> memref<8x4x1024xf32, #tpu.memory_space<hbm>>
    %dma_start3A_1833 = tpu.memref_slice %arg9[%dma_start3A_1824] : memref<3x!tpu.dma_semaphore, #tpu.memory_space<semaphore_mem>> -> memref<1x!tpu.dma_semaphore, #tpu.memory_space<semaphore_mem>>
    %dma_start3A_1834 = tpu.memref_squeeze %dma_start3A_1833 : memref<1x!tpu.dma_semaphore, #tpu.memory_space<semaphore_mem>> -> memref<!tpu.dma_semaphore, #tpu.memory_space<semaphore_mem>>
    %dma_start3A_1835 = arith.constant 0 : i32
    %dma_start3A_1836 = arith.constant 0 : i32
    %dma_start3A_1837 = tpu.memref_slice %arg4[%mul3A_1822, %dma_start3A_1835, %dma_start3A_1836] : memref<4096x4x1024xf32, #tpu.memory_space<hbm>> -> memref<8x4x1024xf32, #tpu.memory_space<hbm>>
    %dma_start3A_1838 = arith.constant 0 : i32
    %dma_start3A_1839 = arith.constant 0 : i32
    %dma_start3A_1840 = arith.constant 0 : i32
    %dma_start3A_1841 = tpu.memref_slice %arg5[%dma_start3A_1823, %dma_start3A_1838, %dma_start3A_1839, %dma_start3A_1840] : memref<3x8x4x1024xf32, #tpu.memory_space<vmem>> -> memref<1x8x4x1024xf32, #tpu.memory_space<vmem>>
    %dma_start3A_1842 = tpu.memref_squeeze %dma_start3A_1841 : memref<1x8x4x1024xf32, #tpu.memory_space<vmem>> -> memref<8x4x1024xf32, #tpu.memory_space<vmem>>
    tpu.enqueue_dma source(%dma_start3A_1842 : memref<8x4x1024xf32, #tpu.memory_space<vmem>>) target(%dma_start3A_1837 : memref<8x4x1024xf32, #tpu.memory_space<hbm>>) target_semaphore(%dma_start3A_1834 : memref<!tpu.dma_semaphore, #tpu.memory_space<semaphore_mem>>)
    %dma_wait3A_1843 = arith.constant 0 : i32
    %dma_wait3A_1844 = arith.constant 0 : i32
    %dma_wait3A_1845 = arith.constant 0 : i32
    %dma_wait3A_1846 = arith.constant 0 : i32
    %dma_wait3A_1847 = arith.constant 0 : i32
    %dma_wait3A_1848 = tpu.memref_slice %arg5[%dma_wait3A_1843, %dma_wait3A_1845, %dma_wait3A_1846, %dma_wait3A_1847] : memref<3x8x4x1024xf32, #tpu.memory_space<vmem>> -> memref<1x8x4x1024xf32, #tpu.memory_space<vmem>>
    %dma_wait3A_1849 = tpu.memref_squeeze %dma_wait3A_1848 : memref<1x8x4x1024xf32, #tpu.memory_space<vmem>> -> memref<8x4x1024xf32, #tpu.memory_space<vmem>>
    %dma_wait3A_1850 = arith.constant 0 : i32
    %dma_wait3A_1851 = arith.constant 0 : i32
    %dma_wait3A_1852 = tpu.memref_slice %arg2[%mul3A_1743, %dma_wait3A_1850, %dma_wait3A_1851] : memref<4096x4x1024xf32, #tpu.memory_space<hbm>> -> memref<8x4x1024xf32, #tpu.memory_space<hbm>>
    %dma_wait3A_1853 = tpu.memref_slice %arg7[%dma_wait3A_1844] : memref<3x!tpu.dma_semaphore, #tpu.memory_space<semaphore_mem>> -> memref<1x!tpu.dma_semaphore, #tpu.memory_space<semaphore_mem>>
    %dma_wait3A_1854 = tpu.memref_squeeze %dma_wait3A_1853 : memref<1x!tpu.dma_semaphore, #tpu.memory_space<semaphore_mem>> -> memref<!tpu.dma_semaphore, #tpu.memory_space<semaphore_mem>>
    %dma_wait3A_1855 = arith.constant 0 : i32
    %dma_wait3A_1856 = arith.constant 0 : i32
    %dma_wait3A_1857 = arith.constant 0 : i32
    %dma_wait3A_1858 = tpu.memref_slice %arg5[%dma_wait3A_1843, %dma_wait3A_1855, %dma_wait3A_1856, %dma_wait3A_1857] : memref<3x8x4x1024xf32, #tpu.memory_space<vmem>> -> memref<1x8x4x1024xf32, #tpu.memory_space<vmem>>
    %dma_wait3A_1859 = tpu.memref_squeeze %dma_wait3A_1858 : memref<1x8x4x1024xf32, #tpu.memory_space<vmem>> -> memref<8x4x1024xf32, #tpu.memory_space<vmem>>
    %dma_wait3A_1860 = arith.constant 0 : i32
    %dma_wait3A_1861 = arith.constant 0 : i32
    %dma_wait3A_1862 = tpu.memref_slice %arg2[%mul3A_1743, %dma_wait3A_1860, %dma_wait3A_1861] : memref<4096x4x1024xf32, #tpu.memory_space<hbm>> -> memref<8x4x1024xf32, #tpu.memory_space<hbm>>
    tpu.wait_dma2 semaphore(%dma_wait3A_1854 : memref<!tpu.dma_semaphore, #tpu.memory_space<semaphore_mem>>) src(%dma_wait3A_1862 : memref<8x4x1024xf32, #tpu.memory_space<hbm>>) dst(%dma_wait3A_1859 : memref<8x4x1024xf32, #tpu.memory_space<vmem>>)
    %dma_wait3A_1863 = arith.constant 0 : i32
    %dma_wait3A_1864 = arith.constant 0 : i32
    %dma_wait3A_1865 = arith.constant 0 : i32
    %dma_wait3A_1866 = arith.constant 0 : i32
    %dma_wait3A_1867 = tpu.memref_slice %arg6[%dma_wait3A_1863, %dma_wait3A_1865, %dma_wait3A_1866] : memref<3x8x1024xf32, #tpu.memory_space<vmem>> -> memref<1x8x1024xf32, #tpu.memory_space<vmem>>
    %dma_wait3A_1868 = tpu.memref_squeeze %dma_wait3A_1867 : memref<1x8x1024xf32, #tpu.memory_space<vmem>> -> memref<8x1024xf32, #tpu.memory_space<vmem>>
    %dma_wait3A_1869 = arith.constant 0 : i32
    %dma_wait3A_1870 = tpu.memref_slice %arg3[%mul3A_1743, %dma_wait3A_1869] : memref<8192x1024xf32, #tpu.memory_space<hbm>> -> memref<8x1024xf32, #tpu.memory_space<hbm>>
    %dma_wait3A_1871 = tpu.memref_slice %arg8[%dma_wait3A_1864] : memref<3x!tpu.dma_semaphore, #tpu.memory_space<semaphore_mem>> -> memref<1x!tpu.dma_semaphore, #tpu.memory_space<semaphore_mem>>
    %dma_wait3A_1872 = tpu.memref_squeeze %dma_wait3A_1871 : memref<1x!tpu.dma_semaphore, #tpu.memory_space<semaphore_mem>> -> memref<!tpu.dma_semaphore, #tpu.memory_space<semaphore_mem>>
    %dma_wait3A_1873 = arith.constant 0 : i32
    %dma_wait3A_1874 = arith.constant 0 : i32
    %dma_wait3A_1875 = tpu.memref_slice %arg6[%dma_wait3A_1863, %dma_wait3A_1873, %dma_wait3A_1874] : memref<3x8x1024xf32, #tpu.memory_space<vmem>> -> memref<1x8x1024xf32, #tpu.memory_space<vmem>>
    %dma_wait3A_1876 = tpu.memref_squeeze %dma_wait3A_1875 : memref<1x8x1024xf32, #tpu.memory_space<vmem>> -> memref<8x1024xf32, #tpu.memory_space<vmem>>
    %dma_wait3A_1877 = arith.constant 0 : i32
    %dma_wait3A_1878 = tpu.memref_slice %arg3[%mul3A_1743, %dma_wait3A_1877] : memref<8192x1024xf32, #tpu.memory_space<hbm>> -> memref<8x1024xf32, #tpu.memory_space<hbm>>
    tpu.wait_dma2 semaphore(%dma_wait3A_1872 : memref<!tpu.dma_semaphore, #tpu.memory_space<semaphore_mem>>) src(%dma_wait3A_1878 : memref<8x1024xf32, #tpu.memory_space<hbm>>) dst(%dma_wait3A_1876 : memref<8x1024xf32, #tpu.memory_space<vmem>>)
    %parallel_loop3A_1879 = arith.constant 0 : i32
    %parallel_loop3A_1880 = arith.constant 512 : i32
    %parallel_loop3A_1881 = arith.constant 1 : i32
    scf.for %parallel_loop3A_1966 = %parallel_loop3A_1879 to %parallel_loop3A_1880 step %parallel_loop3A_1881  : i32 {
      %parallel_loop3A_1967 = arith.constant 64 : i32
      %parallel_loop3A_1968 = arith.divsi %parallel_loop3A_1966, %parallel_loop3A_1967 : i32
      %parallel_loop3A_1969 = arith.constant 0 : i32
      %parallel_loop3A_1970 = arith.cmpi sgt, %parallel_loop3A_1966, %parallel_loop3A_1969 : i32
      %parallel_loop3A_1971 = arith.extui %parallel_loop3A_1970 : i1 to i32
      %parallel_loop3A_1972 = arith.constant 0 : i32
      %parallel_loop3A_1973 = arith.cmpi slt, %parallel_loop3A_1966, %parallel_loop3A_1972 : i32
      %parallel_loop3A_1974 = arith.extui %parallel_loop3A_1973 : i1 to i32
      %parallel_loop3A_1975 = arith.subi %parallel_loop3A_1971, %parallel_loop3A_1974 : i32
      %parallel_loop3A_1976 = arith.constant 0 : i32
      %parallel_loop3A_1977 = arith.cmpi sgt, %parallel_loop3A_1967, %parallel_loop3A_1976 : i32
      %parallel_loop3A_1978 = arith.extui %parallel_loop3A_1977 : i1 to i32
      %parallel_loop3A_1979 = arith.constant 0 : i32
      %parallel_loop3A_1980 = arith.cmpi slt, %parallel_loop3A_1967, %parallel_loop3A_1979 : i32
      %parallel_loop3A_1981 = arith.extui %parallel_loop3A_1980 : i1 to i32
      %parallel_loop3A_1982 = arith.subi %parallel_loop3A_1978, %parallel_loop3A_1981 : i32
      %parallel_loop3A_1983 = arith.cmpi ne, %parallel_loop3A_1975, %parallel_loop3A_1982 : i32
      %parallel_loop3A_1984 = arith.remsi %parallel_loop3A_1966, %parallel_loop3A_1967 : i32
      %parallel_loop3A_1985 = arith.constant 0 : i32
      %parallel_loop3A_1986 = arith.cmpi ne, %parallel_loop3A_1984, %parallel_loop3A_1985 : i32
      %parallel_loop3A_1987 = arith.andi %parallel_loop3A_1983, %parallel_loop3A_1986 : i1
      %parallel_loop3A_1988 = arith.constant 1 : i32
      %parallel_loop3A_1989 = arith.subi %parallel_loop3A_1968, %parallel_loop3A_1988 : i32
      %parallel_loop3A_1990 = arith.select %parallel_loop3A_1987, %parallel_loop3A_1989, %parallel_loop3A_1968 : i32
      %parallel_loop3A_1991 = arith.constant 64 : i32
      %parallel_loop3A_1992 = arith.constant 0 : i32
      %parallel_loop3A_1993 = arith.cmpi eq, %parallel_loop3A_1991, %parallel_loop3A_1992 : i32
      %parallel_loop3A_1994 = arith.constant 1 : i32
      %parallel_loop3A_1995 = arith.select %parallel_loop3A_1993, %parallel_loop3A_1994, %parallel_loop3A_1991 : i32
      %parallel_loop3A_1996 = arith.remsi %parallel_loop3A_1966, %parallel_loop3A_1995 : i32
      %parallel_loop3A_1997 = arith.constant 0 : i32
      %parallel_loop3A_1998 = arith.cmpi ne, %parallel_loop3A_1996, %parallel_loop3A_1997 : i32
      %parallel_loop3A_1999 = arith.constant 0 : i32
      %parallel_loop3A_2000 = arith.cmpi slt, %parallel_loop3A_1996, %parallel_loop3A_1999 : i32
      %parallel_loop3A_2001 = arith.constant 0 : i32
      %parallel_loop3A_2002 = arith.cmpi slt, %parallel_loop3A_1995, %parallel_loop3A_2001 : i32
      %parallel_loop3A_2003 = arith.xori %parallel_loop3A_2000, %parallel_loop3A_2002 : i1
      %parallel_loop3A_2004 = arith.andi %parallel_loop3A_2003, %parallel_loop3A_1998 : i1
      %parallel_loop3A_2005 = arith.addi %parallel_loop3A_1996, %parallel_loop3A_1995 : i32
      %parallel_loop3A_2006 = arith.select %parallel_loop3A_2004, %parallel_loop3A_2005, %parallel_loop3A_1996 : i32
      %parallel_loop3A_2007 = arith.constant 16 : i32
      %parallel_loop3A_2008 = arith.muli %parallel_loop3A_2006, %parallel_loop3A_2007 : i32
      %parallel_loop3A_2009 = arith.constant 0 : i32
      %parallel_loop3A_2010 = arith.index_cast %parallel_loop3A_2009 : i32 to index
      %parallel_loop3A_2011 = arith.index_cast %parallel_loop3A_1990 : i32 to index
      %parallel_loop3A_2012 = arith.index_cast %parallel_loop3A_2008 : i32 to index
      %parallel_loop3A_2013 = tpu.vector_load %arg6[%parallel_loop3A_2010, %parallel_loop3A_2011, %parallel_loop3A_2012] {strides = array<i32>} : memref<3x8x1024xf32, #tpu.memory_space<vmem>>, vector<1x1x16xf32>,
      %parallel_loop3A_2014 = vector.shape_cast %parallel_loop3A_2013 : vector<1x1x16xf32> to vector<16xf32>
      %parallel_loop3A_2015 = arith.constant 3.125000e-02 : f32
      %parallel_loop3A_2016 = vector.broadcast %parallel_loop3A_2015 : f32 to vector<16xf32>
      %parallel_loop3A_2017 = arith.mulf %parallel_loop3A_2014, %parallel_loop3A_2016 : vector<16xf32>
      %parallel_loop3A_2018 = arith.constant 0 : i32
      %parallel_loop3A_2019 = arith.constant 0 : i32
      %parallel_loop3A_2020 = arith.index_cast %parallel_loop3A_2018 : i32 to index
      %parallel_loop3A_2021 = arith.index_cast %parallel_loop3A_1990 : i32 to index
      %parallel_loop3A_2022 = arith.index_cast %parallel_loop3A_2019 : i32 to index
      %parallel_loop3A_2023 = arith.index_cast %parallel_loop3A_2008 : i32 to index
      %parallel_loop3A_2024 = tpu.vector_load %arg5[%parallel_loop3A_2020, %parallel_loop3A_2021, %parallel_loop3A_2022, %parallel_loop3A_2023] {strides = array<i32>} : memref<3x8x4x1024xf32, #tpu.memory_space<vmem>>, vector<1x1x1x16xf32>,
      %parallel_loop3A_2025 = vector.shape_cast %parallel_loop3A_2024 : vector<1x1x1x16xf32> to vector<16xf32>
      %parallel_loop3A_2026 = vector.shape_cast %parallel_loop3A_2017 : vector<16xf32> to vector<1x1x1x16xf32>
      tpu.vector_store %arg5[%parallel_loop3A_2020, %parallel_loop3A_2021, %parallel_loop3A_2022, %parallel_loop3A_2023], %parallel_loop3A_2026 {add = true, strides = array<i32>} : memref<3x8x4x1024xf32, #tpu.memory_space<vmem>>, vector<1x1x1x16xf32>,
      %parallel_loop3A_2027 = arith.constant 0 : i32
      %parallel_loop3A_2028 = arith.constant 1 : i32
      %parallel_loop3A_2029 = arith.index_cast %parallel_loop3A_2027 : i32 to index
      %parallel_loop3A_2030 = arith.index_cast %parallel_loop3A_1990 : i32 to index
      %parallel_loop3A_2031 = arith.index_cast %parallel_loop3A_2028 : i32 to index
      %parallel_loop3A_2032 = arith.index_cast %parallel_loop3A_2008 : i32 to index
      %parallel_loop3A_2033 = tpu.vector_load %arg5[%parallel_loop3A_2029, %parallel_loop3A_2030, %parallel_loop3A_2031, %parallel_loop3A_2032] {strides = array<i32>} : memref<3x8x4x1024xf32, #tpu.memory_space<vmem>>, vector<1x1x1x16xf32>,
      %parallel_loop3A_2034 = vector.shape_cast %parallel_loop3A_2033 : vector<1x1x1x16xf32> to vector<16xf32>
      %parallel_loop3A_2035 = vector.shape_cast %parallel_loop3A_2017 : vector<16xf32> to vector<1x1x1x16xf32>
      tpu.vector_store %arg5[%parallel_loop3A_2029, %parallel_loop3A_2030, %parallel_loop3A_2031, %parallel_loop3A_2032], %parallel_loop3A_2035 {add = true, strides = array<i32>} : memref<3x8x4x1024xf32, #tpu.memory_space<vmem>>, vector<1x1x1x16xf32>,
      %parallel_loop3A_2036 = arith.constant 0 : i32
      %parallel_loop3A_2037 = arith.constant 2 : i32
      %parallel_loop3A_2038 = arith.index_cast %parallel_loop3A_2036 : i32 to index
      %parallel_loop3A_2039 = arith.index_cast %parallel_loop3A_1990 : i32 to index
      %parallel_loop3A_2040 = arith.index_cast %parallel_loop3A_2037 : i32 to index
      %parallel_loop3A_2041 = arith.index_cast %parallel_loop3A_2008 : i32 to index
      %parallel_loop3A_2042 = tpu.vector_load %arg5[%parallel_loop3A_2038, %parallel_loop3A_2039, %parallel_loop3A_2040, %parallel_loop3A_2041] {strides = array<i32>} : memref<3x8x4x1024xf32, #tpu.memory_space<vmem>>, vector<1x1x1x16xf32>,
      %parallel_loop3A_2043 = vector.shape_cast %parallel_loop3A_2042 : vector<1x1x1x16xf32> to vector<16xf32>
      %parallel_loop3A_2044 = vector.shape_cast %parallel_loop3A_2017 : vector<16xf32> to vector<1x1x1x16xf32>
      tpu.vector_store %arg5[%parallel_loop3A_2038, %parallel_loop3A_2039, %parallel_loop3A_2040, %parallel_loop3A_2041], %parallel_loop3A_2044 {add = true, strides = array<i32>} : memref<3x8x4x1024xf32, #tpu.memory_space<vmem>>, vector<1x1x1x16xf32>,
      %parallel_loop3A_2045 = arith.constant 0 : i32
      %parallel_loop3A_2046 = arith.constant 3 : i32
      %parallel_loop3A_2047 = arith.index_cast %parallel_loop3A_2045 : i32 to index
      %parallel_loop3A_2048 = arith.index_cast %parallel_loop3A_1990 : i32 to index
      %parallel_loop3A_2049 = arith.index_cast %parallel_loop3A_2046 : i32 to index
      %parallel_loop3A_2050 = arith.index_cast %parallel_loop3A_2008 : i32 to index
      %parallel_loop3A_2051 = tpu.vector_load %arg5[%parallel_loop3A_2047, %parallel_loop3A_2048, %parallel_loop3A_2049, %parallel_loop3A_2050] {strides = array<i32>} : memref<3x8x4x1024xf32, #tpu.memory_space<vmem>>, vector<1x1x1x16xf32>,
      %parallel_loop3A_2052 = vector.shape_cast %parallel_loop3A_2051 : vector<1x1x1x16xf32> to vector<16xf32>
      %parallel_loop3A_2053 = vector.shape_cast %parallel_loop3A_2017 : vector<16xf32> to vector<1x1x1x16xf32>
      tpu.vector_store %arg5[%parallel_loop3A_2047, %parallel_loop3A_2048, %parallel_loop3A_2049, %parallel_loop3A_2050], %parallel_loop3A_2053 {add = true, strides = array<i32>} : memref<3x8x4x1024xf32, #tpu.memory_space<vmem>>, vector<1x1x1x16xf32>,
    } {sc.loop_unroll_factor = 4 : i64, sc.parallel_access}
    %add3A_1882 = arith.constant 480 : i32
    %add3A_1883 = arith.addi %add3A_1882, %add3A : i32
    %mul3A_1884 = arith.constant 8 : i32
    %mul3A_1885 = arith.muli %add3A_1883, %mul3A_1884 : i32
    %dma_start3A_1886 = arith.constant 0 : i32
    %dma_start3A_1887 = arith.constant 0 : i32
    %dma_start3A_1888 = arith.constant 0 : i32
    %dma_start3A_1889 = arith.constant 0 : i32
    %dma_start3A_1890 = arith.constant 0 : i32
    %dma_start3A_1891 = tpu.memref_slice %arg5[%dma_start3A_1886, %dma_start3A_1888, %dma_start3A_1889, %dma_start3A_1890] : memref<3x8x4x1024xf32, #tpu.memory_space<vmem>> -> memref<1x8x4x1024xf32, #tpu.memory_space<vmem>>
    %dma_start3A_1892 = tpu.memref_squeeze %dma_start3A_1891 : memref<1x8x4x1024xf32, #tpu.memory_space<vmem>> -> memref<8x4x1024xf32, #tpu.memory_space<vmem>>
    %dma_start3A_1893 = arith.constant 0 : i32
    %dma_start3A_1894 = arith.constant 0 : i32
    %dma_start3A_1895 = tpu.memref_slice %arg4[%mul3A_1885, %dma_start3A_1893, %dma_start3A_1894] : memref<4096x4x1024xf32, #tpu.memory_space<hbm>> -> memref<8x4x1024xf32, #tpu.memory_space<hbm>>
    %dma_start3A_1896 = tpu.memref_slice %arg9[%dma_start3A_1887] : memref<3x!tpu.dma_semaphore, #tpu.memory_space<semaphore_mem>> -> memref<1x!tpu.dma_semaphore, #tpu.memory_space<semaphore_mem>>
    %dma_start3A_1897 = tpu.memref_squeeze %dma_start3A_1896 : memref<1x!tpu.dma_semaphore, #tpu.memory_space<semaphore_mem>> -> memref<!tpu.dma_semaphore, #tpu.memory_space<semaphore_mem>>
    %dma_start3A_1898 = arith.constant 0 : i32
    %dma_start3A_1899 = arith.constant 0 : i32
    %dma_start3A_1900 = tpu.memref_slice %arg4[%mul3A_1885, %dma_start3A_1898, %dma_start3A_1899] : memref<4096x4x1024xf32, #tpu.memory_space<hbm>> -> memref<8x4x1024xf32, #tpu.memory_space<hbm>>
    %dma_start3A_1901 = arith.constant 0 : i32
    %dma_start3A_1902 = arith.constant 0 : i32
    %dma_start3A_1903 = arith.constant 0 : i32
    %dma_start3A_1904 = tpu.memref_slice %arg5[%dma_start3A_1886, %dma_start3A_1901, %dma_start3A_1902, %dma_start3A_1903] : memref<3x8x4x1024xf32, #tpu.memory_space<vmem>> -> memref<1x8x4x1024xf32, #tpu.memory_space<vmem>>
    %dma_start3A_1905 = tpu.memref_squeeze %dma_start3A_1904 : memref<1x8x4x1024xf32, #tpu.memory_space<vmem>> -> memref<8x4x1024xf32, #tpu.memory_space<vmem>>
    tpu.enqueue_dma source(%dma_start3A_1905 : memref<8x4x1024xf32, #tpu.memory_space<vmem>>) target(%dma_start3A_1900 : memref<8x4x1024xf32, #tpu.memory_space<hbm>>) target_semaphore(%dma_start3A_1897 : memref<!tpu.dma_semaphore, #tpu.memory_space<semaphore_mem>>)
    %dma_wait3A_1906 = arith.constant 1 : i32
    %dma_wait3A_1907 = arith.constant 1 : i32
    %dma_wait3A_1908 = arith.constant 0 : i32
    %dma_wait3A_1909 = arith.constant 0 : i32
    %dma_wait3A_1910 = arith.constant 0 : i32
    %dma_wait3A_1911 = tpu.memref_slice %arg5[%dma_wait3A_1906, %dma_wait3A_1908, %dma_wait3A_1909, %dma_wait3A_1910] : memref<3x8x4x1024xf32, #tpu.memory_space<vmem>> -> memref<1x8x4x1024xf32, #tpu.memory_space<vmem>>
    %dma_wait3A_1912 = tpu.memref_squeeze %dma_wait3A_1911 : memref<1x8x4x1024xf32, #tpu.memory_space<vmem>> -> memref<8x4x1024xf32, #tpu.memory_space<vmem>>
    %dma_wait3A_1913 = arith.constant 0 : i32
    %dma_wait3A_1914 = arith.constant 0 : i32
    %dma_wait3A_1915 = tpu.memref_slice %arg4[%mul3A_1699, %dma_wait3A_1913, %dma_wait3A_1914] : memref<4096x4x1024xf32, #tpu.memory_space<hbm>> -> memref<8x4x1024xf32, #tpu.memory_space<hbm>>
    %dma_wait3A_1916 = tpu.memref_slice %arg9[%dma_wait3A_1907] : memref<3x!tpu.dma_semaphore, #tpu.memory_space<semaphore_mem>> -> memref<1x!tpu.dma_semaphore, #tpu.memory_space<semaphore_mem>>
    %dma_wait3A_1917 = tpu.memref_squeeze %dma_wait3A_1916 : memref<1x!tpu.dma_semaphore, #tpu.memory_space<semaphore_mem>> -> memref<!tpu.dma_semaphore, #tpu.memory_space<semaphore_mem>>
    %dma_wait3A_1918 = arith.constant 0 : i32
    %dma_wait3A_1919 = arith.constant 0 : i32
    %dma_wait3A_1920 = tpu.memref_slice %arg4[%mul3A_1699, %dma_wait3A_1918, %dma_wait3A_1919] : memref<4096x4x1024xf32, #tpu.memory_space<hbm>> -> memref<8x4x1024xf32, #tpu.memory_space<hbm>>
    %dma_wait3A_1921 = arith.constant 0 : i32
    %dma_wait3A_1922 = arith.constant 0 : i32
    %dma_wait3A_1923 = arith.constant 0 : i32
    %dma_wait3A_1924 = tpu.memref_slice %arg5[%dma_wait3A_1906, %dma_wait3A_1921, %dma_wait3A_1922, %dma_wait3A_1923] : memref<3x8x4x1024xf32, #tpu.memory_space<vmem>> -> memref<1x8x4x1024xf32, #tpu.memory_space<vmem>>
    %dma_wait3A_1925 = tpu.memref_squeeze %dma_wait3A_1924 : memref<1x8x4x1024xf32, #tpu.memory_space<vmem>> -> memref<8x4x1024xf32, #tpu.memory_space<vmem>>
    tpu.wait_dma2 semaphore(%dma_wait3A_1917 : memref<!tpu.dma_semaphore, #tpu.memory_space<semaphore_mem>>) src(%dma_wait3A_1925 : memref<8x4x1024xf32, #tpu.memory_space<vmem>>) dst(%dma_wait3A_1920 : memref<8x4x1024xf32, #tpu.memory_space<hbm>>)
    %dma_wait3A_1926 = arith.constant 2 : i32
    %dma_wait3A_1927 = arith.constant 2 : i32
    %dma_wait3A_1928 = arith.constant 0 : i32
    %dma_wait3A_1929 = arith.constant 0 : i32
    %dma_wait3A_1930 = arith.constant 0 : i32
    %dma_wait3A_1931 = tpu.memref_slice %arg5[%dma_wait3A_1926, %dma_wait3A_1928, %dma_wait3A_1929, %dma_wait3A_1930] : memref<3x8x4x1024xf32, #tpu.memory_space<vmem>> -> memref<1x8x4x1024xf32, #tpu.memory_space<vmem>>
    %dma_wait3A_1932 = tpu.memref_squeeze %dma_wait3A_1931 : memref<1x8x4x1024xf32, #tpu.memory_space<vmem>> -> memref<8x4x1024xf32, #tpu.memory_space<vmem>>
    %dma_wait3A_1933 = arith.constant 0 : i32
    %dma_wait3A_1934 = arith.constant 0 : i32
    %dma_wait3A_1935 = tpu.memref_slice %arg4[%mul3A_1822, %dma_wait3A_1933, %dma_wait3A_1934] : memref<4096x4x1024xf32, #tpu.memory_space<hbm>> -> memref<8x4x1024xf32, #tpu.memory_space<hbm>>
    %dma_wait3A_1936 = tpu.memref_slice %arg9[%dma_wait3A_1927] : memref<3x!tpu.dma_semaphore, #tpu.memory_space<semaphore_mem>> -> memref<1x!tpu.dma_semaphore, #tpu.memory_space<semaphore_mem>>
    %dma_wait3A_1937 = tpu.memref_squeeze %dma_wait3A_1936 : memref<1x!tpu.dma_semaphore, #tpu.memory_space<semaphore_mem>> -> memref<!tpu.dma_semaphore, #tpu.memory_space<semaphore_mem>>
    %dma_wait3A_1938 = arith.constant 0 : i32
    %dma_wait3A_1939 = arith.constant 0 : i32
    %dma_wait3A_1940 = tpu.memref_slice %arg4[%mul3A_1822, %dma_wait3A_1938, %dma_wait3A_1939] : memref<4096x4x1024xf32, #tpu.memory_space<hbm>> -> memref<8x4x1024xf32, #tpu.memory_space<hbm>>
    %dma_wait3A_1941 = arith.constant 0 : i32
    %dma_wait3A_1942 = arith.constant 0 : i32
    %dma_wait3A_1943 = arith.constant 0 : i32
    %dma_wait3A_1944 = tpu.memref_slice %arg5[%dma_wait3A_1926, %dma_wait3A_1941, %dma_wait3A_1942, %dma_wait3A_1943] : memref<3x8x4x1024xf32, #tpu.memory_space<vmem>> -> memref<1x8x4x1024xf32, #tpu.memory_space<vmem>>
    %dma_wait3A_1945 = tpu.memref_squeeze %dma_wait3A_1944 : memref<1x8x4x1024xf32, #tpu.memory_space<vmem>> -> memref<8x4x1024xf32, #tpu.memory_space<vmem>>
    tpu.wait_dma2 semaphore(%dma_wait3A_1937 : memref<!tpu.dma_semaphore, #tpu.memory_space<semaphore_mem>>) src(%dma_wait3A_1945 : memref<8x4x1024xf32, #tpu.memory_space<vmem>>) dst(%dma_wait3A_1940 : memref<8x4x1024xf32, #tpu.memory_space<hbm>>)
    %dma_wait3A_1946 = arith.constant 0 : i32
    %dma_wait3A_1947 = arith.constant 0 : i32
    %dma_wait3A_1948 = arith.constant 0 : i32
    %dma_wait3A_1949 = arith.constant 0 : i32
    %dma_wait3A_1950 = arith.constant 0 : i32
    %dma_wait3A_1951 = tpu.memref_slice %arg5[%dma_wait3A_1946, %dma_wait3A_1948, %dma_wait3A_1949, %dma_wait3A_1950] : memref<3x8x4x1024xf32, #tpu.memory_space<vmem>> -> memref<1x8x4x1024xf32, #tpu.memory_space<vmem>>
    %dma_wait3A_1952 = tpu.memref_squeeze %dma_wait3A_1951 : memref<1x8x4x1024xf32, #tpu.memory_space<vmem>> -> memref<8x4x1024xf32, #tpu.memory_space<vmem>>
    %dma_wait3A_1953 = arith.constant 0 : i32
    %dma_wait3A_1954 = arith.constant 0 : i32
    %dma_wait3A_1955 = tpu.memref_slice %arg4[%mul3A_1885, %dma_wait3A_1953, %dma_wait3A_1954] : memref<4096x4x1024xf32, #tpu.memory_space<hbm>> -> memref<8x4x1024xf32, #tpu.memory_space<hbm>>
    %dma_wait3A_1956 = tpu.memref_slice %arg9[%dma_wait3A_1947] : memref<3x!tpu.dma_semaphore, #tpu.memory_space<semaphore_mem>> -> memref<1x!tpu.dma_semaphore, #tpu.memory_space<semaphore_mem>>
    %dma_wait3A_1957 = tpu.memref_squeeze %dma_wait3A_1956 : memref<1x!tpu.dma_semaphore, #tpu.memory_space<semaphore_mem>> -> memref<!tpu.dma_semaphore, #tpu.memory_space<semaphore_mem>>
    %dma_wait3A_1958 = arith.constant 0 : i32
    %dma_wait3A_1959 = arith.constant 0 : i32
    %dma_wait3A_1960 = tpu.memref_slice %arg4[%mul3A_1885, %dma_wait3A_1958, %dma_wait3A_1959] : memref<4096x4x1024xf32, #tpu.memory_space<hbm>> -> memref<8x4x1024xf32, #tpu.memory_space<hbm>>
    %dma_wait3A_1961 = arith.constant 0 : i32
    %dma_wait3A_1962 = arith.constant 0 : i32
    %dma_wait3A_1963 = arith.constant 0 : i32
    %dma_wait3A_1964 = tpu.memref_slice %arg5[%dma_wait3A_1946, %dma_wait3A_1961, %dma_wait3A_1962, %dma_wait3A_1963] : memref<3x8x4x1024xf32, #tpu.memory_space<vmem>> -> memref<1x8x4x1024xf32, #tpu.memory_space<vmem>>
    %dma_wait3A_1965 = tpu.memref_squeeze %dma_wait3A_1964 : memref<1x8x4x1024xf32, #tpu.memory_space<vmem>> -> memref<8x4x1024xf32, #tpu.memory_space<vmem>>
    tpu.wait_dma2 semaphore(%dma_wait3A_1957 : memref<!tpu.dma_semaphore, #tpu.memory_space<semaphore_mem>>) src(%dma_wait3A_1965 : memref<8x4x1024xf32, #tpu.memory_space<vmem>>) dst(%dma_wait3A_1960 : memref<8x4x1024xf32, #tpu.memory_space<hbm>>)
    return
  }
}

</mosaic_0001>

<sc_bundles>
// kernel: kernel.3.cloned.1.call-start
scs
__scs_entry_jumppad:
0x0: {  	(pc) =	sbr.rel $0x88, $3  }
0x1: {  	(tag) =	ssettag $0x0;
	lr =	simm.s32 $0x1  }
0x2: {  	[smem:$0x3F9F] =	sst lr;
	_ =	strace $0xD0000000  }
0x3: {  	_ = 	snop  }
0x4: {  	_ = 	snop  }
0x5: {  	_ = 	snop  }
0x6: {  	_ = 	snop  }
0x7: {  	_ = 	snop  }
__scs_overlays_trampoline_lowered:
0x8: {  	[smem:$0x3FAE] =	sst s0  }
0x9: {  	[smem:$0x3FAF] =	sst s1  }
0xa: {  	[smem:$0x3FB0] =	sst s2  }
0xb: {  	[smem:$0x3FB1] =	sst s3  }
0xc: {  	[smem:$0x3FB2] =	sst s4  }
0xd: {  	[smem:$0x3FB3] =	sst s5  }
0xe: {  	[smem:$0x3FB4] =	sst s6  }
0xf: {  	[smem:$0x3FB5] =	sst s7  }
0x10: {  	[smem:$0x3FB6] =	sst s8  }
0x11: {  	[smem:$0x3FB7] =	sst s9;
	s0 =	simm.s32 @!p0 $0x0  }
0x12: {  	s1 =	sld [smem:$0x3F9D];
	s0 =	simm.s32 @p0 $0x1  }
0x13: {  	[smem:$0x3FB8] =	sst s0;
	s0 =	simm.s32 @!p1 $0x0  }
0x14: {  	s2 =	sld [smem:$0x3F9C];
	s0 =	simm.s32 @p1 $0x1  }
0x15: {  	[smem:$0x3FB9] =	sst s0;
	s0 =	simm.s32 @!p2 $0x0  }
0x16: {  	s3 =	sld [smem:$0x3FDB];
	s0 =	simm.s32 @p2 $0x1  }
0x17: {  	s4 =	simm.s32 $0x1BF5;
	[smem:$0x3FBB] =	sst s0  }
0x18: {  	s0 =	sld [smem:$0x3F9E];
	_ =	swait.ge [sflag:s4], $0x0  }
0x19: {  	s7 =	sld [smem:$0x3F9F]  }
0x1a: {  	s8 =	sadd.s32 $0xFFFFE003, lr  }
0x1b: {  	s9 =	sadd.s32 $0xFFFFFEF7, lr;
	s5 =	simm.s32 $0xFFFFFFFF;
	p2 =	slt.u32 s8, $0xFFFFF086  }
0x1c: {  	p1 =	slt.u32 s9, $0xF7A;
	s5 =	simm.s32 @!p2 $0x0  }
0x1d: {  	s5 =	simm.s32 @p1 $0x1;
	p0 =	seq.s32 s7, s2  }
0x1e: {  	s7 =	smul.u32 @!p0 $0xF7A, s2;
	p2 =	seq.s32 @!p0 s5, $0x0  }
0x1f: {  	s9 =	smul.u32 $0xF7A, s1;
	s8 =	simm.s32 @!p0 $0x1BF5;
	p2 =	por !p2, p0  }
0x20: {  	[sflag:s8] =	ssyncset.s32 @!p0 $0xFFFFF086;
	s6 =	sadd.s32 @!p0 s3, s7;
	s7 =	simm.s32 @!p0 $0x108  }
0x21: {  	s3 =	sadd.s32 s3, s9;
	s6 =	sadd.s32 @!p0 $0x88, s6;
	s7 =	simm.s32 @p2 $0x1082  }
0x22: {  	[simem:s7], [sflag:s8] =	dma.local @!p0 [hbm:s6], $0xF7A  }
0x23: {  	s9 =	sor.u32 $0xD0000000, s2;
	s6 =	simm.s32 $0x108;
	_ =	swait.ge @!p0 [sflag:s8], $0x0  }
0x24: {  	s3 =	sadd.s32 $0x88, s3;
	s6 =	simm.s32 @!p1 $0x1082;
	[sflag:s4] =	ssyncset.s32 $0xFFFFF086  }
0x25: {  	[simem:s6], [sflag:s4] =	dma.local [hbm:s3], $0xF7A  }
0x26: {  	[smem:$0x3F9F] =	sst s1;
	(tag) =	ssettag s2;
	_ =	strace s9  }
0x27: {  	s1 =	sld [smem:$0x3FAF]  }
0x28: {  	s2 =	sld [smem:$0x3FB0]  }
0x29: {  	s4 =	sld [smem:$0x3FB2]  }
0x2a: {  	p0 =	seq.s32 s5, $0x0;
	s5 =	sld [smem:$0x3FB3]  }
0x2b: {  	s6 =	sld [smem:$0x3FB4]  }
0x2c: {  	s7 =	sld [smem:$0x3FB5]  }
0x2d: {  	s3 =	simm.s32 $0x108;
	s8 =	sld [smem:$0x3FB6]  }
0x2e: {  	s3 =	simm.s32 @!p0 $0x1082;
	s9 =	sld [smem:$0x3FB7]  }
0x2f: {  	lr =	sadd.s32 s0, s3;
	s0 =	sld [smem:$0x3FAE]  }
0x30: {  	s3 =	sld [smem:$0x3FB1]  }
0x31: {  	[smem:$0x3FBA] =	sst s10  }
0x32: {  	s10 =	sld [smem:$0x3FB8];
	_ =	sdelay $0x3  }
0x33: {  	p0 =	seq.s32 s10, $0x1;
	s10 =	sld [smem:$0x3FBA];
	_ =	sdelay $0x3  }
0x34: {  	[smem:$0x3FBA] =	sst s10  }
0x35: {  	s10 =	sld [smem:$0x3FB9];
	_ =	sdelay $0x3  }
0x36: {  	p1 =	seq.s32 s10, $0x1;
	s10 =	sld [smem:$0x3FBA];
	_ =	sdelay $0x3  }
0x37: {  	[smem:$0x3FBA] =	sst s10  }
0x38: {  	s10 =	sld [smem:$0x3FBB]  }
0x39: {  	_ = 	snop;
	(pc) =	sbr.ind lr, $3  }
0x3a: {  	_ = 	snop  }
0x3b: {  	_ = 	snop  }
0x3c: {  	p2 =	seq.s32 s10, $0x1;
	s10 =	sld [smem:$0x3FBA]  }
0x3d: {  	_ =	shalt  }
0x3e: {  	_ =	shalt  }
0x3f: {  	_ =	shalt  }
0x40: {  	_ =	shalt  }
0x41: {  	_ =	shalt  }
0x42: {  	_ =	shalt  }
0x43: {  	_ =	shalt  }
0x44: {  	_ =	shalt  }
0x45: {  	_ =	shalt  }
0x46: {  	_ =	shalt  }
0x47: {  	_ =	shalt  }
0x48: {  	_ =	shalt  }
0x49: {  	_ =	shalt  }
0x4a: {  	_ =	shalt  }
0x4b: {  	_ =	shalt  }
0x4c: {  	_ =	shalt  }
0x4d: {  	_ =	shalt  }
0x4e: {  	_ =	shalt  }
0x4f: {  	_ =	shalt  }
0x50: {  	_ =	shalt  }
0x51: {  	_ =	shalt  }
0x52: {  	_ =	shalt  }
0x53: {  	_ =	shalt  }
0x54: {  	_ =	shalt  }
0x55: {  	_ =	shalt  }
0x56: {  	_ =	shalt  }
0x57: {  	_ =	shalt  }
0x58: {  	_ =	shalt  }
0x59: {  	_ =	shalt  }
0x5a: {  	_ =	shalt  }
0x5b: {  	_ =	shalt  }
0x5c: {  	_ =	shalt  }
0x5d: {  	_ =	shalt  }
0x5e: {  	_ =	shalt  }
0x5f: {  	_ =	shalt  }
0x60: {  	_ =	shalt  }
0x61: {  	_ =	shalt  }
0x62: {  	_ =	shalt  }
0x63: {  	_ =	shalt  }
0x64: {  	_ =	shalt  }
0x65: {  	_ =	shalt  }
0x66: {  	_ =	shalt  }
0x67: {  	_ =	shalt  }
0x68: {  	_ =	shalt  }
0x69: {  	_ =	shalt  }
0x6a: {  	_ =	shalt  }
0x6b: {  	_ =	shalt  }
0x6c: {  	_ =	shalt  }
0x6d: {  	_ =	shalt  }
0x6e: {  	_ =	shalt  }
0x6f: {  	_ =	shalt  }
0x70: {  	_ =	shalt  }
0x71: {  	_ =	shalt  }
0x72: {  	_ =	shalt  }
0x73: {  	_ =	shalt  }
0x74: {  	_ =	shalt  }
0x75: {  	_ =	shalt  }
0x76: {  	_ =	shalt  }
0x77: {  	_ =	shalt  }
0x78: {  	_ =	shalt  }
0x79: {  	_ =	shalt  }
0x7a: {  	_ =	shalt  }
0x7b: {  	_ =	shalt  }
0x7c: {  	_ =	shalt  }
0x7d: {  	_ =	shalt  }
0x7e: {  	_ =	shalt  }
0x7f: {  	_ =	shalt  }
0x80: {  	_ =	shalt  }
0x81: {  	_ =	shalt  }
0x82: {  	_ =	shalt  }
0x83: {  	_ =	shalt  }
0x84: {  	_ =	shalt  }
0x85: {  	_ =	shalt  }
0x86: {  	_ =	shalt  }
0x87: {  	_ =	shalt  }
.Lfunc_end0:
.L_simem_size_0:
called_computation_lowered:
.L_overlay_start_0:
0x88: {  	s2 =	sld [smem:$0x3FD9]  }
0x89: {  	s3 =	sld [smem:$0x3FFE];
	_ =	sdelay $0x1  }
0x8a: {  	s1 =	srdreg.scid  }
0x8b: {  	s0 =	sand.u32 $0x1, s1  }
0x8c: {  	s18 =	sshll.u32 s0, $0xA;
	s2 =	sadd.s32 s3, s2  }
0x8d: {  	s2 =	sadd.s32 s2, s18  }
0x8e: {  	[smem:$0x3FC6] =	sst s2  }
0x8f: {  	_ = 	snop  }
0x90: {  	s2 =	sld [smem:$0x3FC9]  }
0x91: {  	s19 =	sld [smem:$0x3FC8]  }
0x92: {  	s4 =	sld [smem:$0x3FD0];
	(tm) =	ssettm $0x1  }
0x93: {  	s5 =	sld [smem:$0x3FFB];
	_ =	sdelay $0x3  }
0x94: {  	_ =	strace s5  }
0x95: {  	s5 =	sld [smem:$0x3FFC];
	_ =	sdelay $0x3  }
0x96: {  	_ =	strace s5  }
0x97: {  	s5 =	sld [smem:$0x3FFD];
	_ =	sdelay $0x3  }
0x98: {  	_ =	strace s5  }
0x99: {  	_ =	strace $0x8FFFFFFF  }
0x9a: {  	s20 =	sld [smem:$0x3FDB];
	_ =	sdelay $0x1  }
0x9b: {  	s6 =	simm.s32 $_scs_section_size  }
0x9c: {  	s7 =	simm.s32 $_size__tile_overlayer_lowered;
	s8 =	simm.s32 $_tile_overlayer_lowered  }
0x9d: {  	s23 =	simm.s32 $0x1BFF;
	s22 =	sshll.u32 s8, $0x1;
	s5 =	sadd.s32 s6, s20  }
0x9e: {  	s9 =	simm.s32 $0x0;
	s21 =	sshll.u32 s7, $0x1;
	s7 =	sadd.s32 s22, s5  }
0x9f: {  	[timem:s9], [sflag:s23] =	dma.local [hbm:s7], s21  }
0xa0: {  	_ =	swait.ge [sflag:s23], s21  }
0xa1: {  	s6 =	ssub.s32 $0x0, s21;
	[sflag:s23] =	ssyncset.done $0x0  }
0xa2: {  	[sflag:s23] =	ssyncadd.s32 s6;
	_ =	sdelay $0x1  }
0xa3: {  	s24 =	simm.s32 $0x1B8B  }
0xa4: {  	_ =	swait.ge [sflag:s24], $0x1  }
0xa5: {  	[sflag:s24] =	ssyncset.done $0x0  }
0xa6: {  	s25 =	simm.s32 $0x1B8E;
	[sflag:s24] =	ssyncadd.s32 $0xFFFFFFFF  }
0xa7: {  	s26 =	simm.s32 $execute0_lowered;
	[smem:$0x3FD2] =	sst s25  }
0xa8: {  	s6 =	sshll.u32 s26, $0x1;
	_ =	strace $0x80000046;
	[dreg:$0x1] =	wrdreg $0xFFFFFFFF  }
0xa9: {  	s28 =	simm.s32 $_size_execute0_lowered;
	s5 =	sadd.s32 s5, s6;
	[dreg:$0x0] =	wrdreg $0x0  }
0xaa: {  	s6 =	sshll.u32 s28, $0x1;
	[dreg:$0x2] =	wrdreg s5  }
0xab: {  	[dreg:$0x3] =	wrdreg s6  }
0xac: {  	[dreg:$0x4] =	wrdreg $0xC0  }
0xad: {  	_ =	task [dreg:s9], $0x5FFFF  }
0xae: {  	[dreg:$0x1] =	wrdreg $0xFFFFFFFF  }
0xaf: {  	[dreg:$0x0] =	wrdreg $0x60  }
0xb0: {  	[dreg:$0x2] =	wrdreg s2  }
0xb1: {  	[dreg:$0x3] =	wrdreg s19  }
0xb2: {  	[dreg:$0x4] =	wrdreg s4  }
0xb3: {  	[dreg:$0x5] =	wrdreg $0x9  }
0xb4: {  	_ =	task.clear_ibuf [dreg:s9], $0x6FFFF;
	_ =	strace $0x90000046  }
0xb5: {  	s29 =	simm.s32 $0x9;
	_ =	strace $0x80000048  }
0xb6: {  	_ =	swait.ge [sflag:s29], $0x1  }
0xb7: {  	[sflag:s29] =	ssyncadd.s32 $0xFFFFFFFF  }
0xb8: {  	_ =	strace $0x90000048  }
0xb9: {  	_ =	sfence  }
0xba: {  	s30 =	sld [smem:$0x0];
	_ =	sdelay $0x2  }
0xbb: {  	s31 =	sshll.u32 s1, $0xD;
	s1 =	sshrl.u32 s1, $0x2  }
0xbc: {  	s3 =	sand.u32 $0x4000, s31;
	s1 =	sadd.s32 s1, s30  }
0xbd: {  	s0 =	sor.u32 s3, s0;
	s1 =	sshll.u32 s1, $0x11  }
0xbe: {  	s0 =	sor.u32 s1, s0  }
0xbf: {  	s0 =	sadd.s32 $0x8F2B, s0  }
0xc0: {  	[sflag:s0] =	ssyncadd.remote.s32 $0x1  }
0xc1: {  	_ =	sfence.sel $0xFFFF  }
0xc2: {  	[dreg:$0x0] =	wrdreg $0xFFFFFFFF;
	(pc) =	sbr.abs _section_cstart, $3  }
0xc3: {  	[dreg:$0x1] =	wrdreg $0xFFFFFFFF  }
0xc4: {  	_ =	task.clear_ibuf [dreg:s9], $0x2FFFF;
	_ =	strace $0x9FFFFFFF  }
0xc5: {  	(tm) =	ssettm $0x7FFFFFFF  }
tec
execute0_lowered:
.L_overlay_start_1:
0x0: {  	(tag) =	ssettag $0x1  }
0x1: {  	s0 =	srdreg.scid  }
0x2: {  	s2 =	rddreg [dreg:$0x1];
	s4 =	stileid.u32;
	s0 =	sand.u32 $0x1, s0  }
0x3: {  	s1 =	simm.s32 $0x0;
	s4 =	sshll.u32 s4, $0x1;
	s3 =	ssub.s32 $0x2, s0  }
0x4: {  	[smem:$0x7FF] =	sst s1;
	s4 =	sor.u32 s0, s4;
	s5 =	sshrl.u32 s3, $0x1  }
0x5: {  	s25 =	sshll.u32 s4, $0xA;
	s26 =	sshll.u32 s4, $0x3;
	s0 =	ssub.s32 s3, s5  }
0x6: {  	s3 =	sadd.s32 s2, s25;
	s6 =	sor.u32 $0x200, s26;
	s9 =	sor.u32 $0x300, s26  }
0x7: {  	s12 =	sor.u32 $0x600, s26;
	s15 =	sor.u32 $0x900, s26;
	s5 =	sor.u32 $0xF00, s26  }
0x8: {  	[dreg:$0x4] =	wrdreg s3;
	s3 =	sor.u32 $0x100, s26;
	s8 =	sshll.u32 s6, $0x7  }
0x9: {  	s19 =	sshll.u32 s9, $0x7;
	s21 =	sshll.u32 s12, $0x7;
	s23 =	sshll.u32 s15, $0x7  }
0xa: {  	s7 =	sshll.u32 s3, $0x7;
	s18 =	sadd.s32 s2, s8;
	s8 =	sor.u32 $0x500, s26  }
0xb: {  	s3 =	sshll.u32 s3, $0x9;
	s7 =	sadd.s32 s2, s7;
	[dreg:$0x6] =	wrdreg s18  }
0xc: {  	s11 =	sshll.u32 s8, $0x7;
	s18 =	sor.u32 $0xC00, s26;
	[dreg:$0x5] =	wrdreg s7  }
0xd: {  	s7 =	sadd.s32 s2, s19;
	s20 =	sadd.s32 s2, s11;
	s11 =	sor.u32 $0x800, s26  }
0xe: {  	[dreg:$0x7] =	wrdreg s7;
	s7 =	sor.u32 $0x400, s26;
	s14 =	sshll.u32 s11, $0x7  }
0xf: {  	[dreg:$0x9] =	wrdreg s20;
	s10 =	sshll.u32 s7, $0x7;
	s22 =	sadd.s32 s2, s14  }
0x10: {  	s14 =	sor.u32 $0xB00, s26;
	s10 =	sadd.s32 s2, s10;
	[dreg:$0xc] =	wrdreg s22  }
0x11: {  	s17 =	sshll.u32 s14, $0x7;
	[dreg:$0x8] =	wrdreg s10;
	s10 =	sadd.s32 s2, s21  }
0x12: {  	s24 =	sadd.s32 s2, s17;
	[dreg:$0xa] =	wrdreg s10;
	s10 =	sor.u32 $0x700, s26  }
0x13: {  	s21 =	sshll.u32 s4, $0xC;
	s4 =	rddreg [dreg:$0x0];
	s13 =	sshll.u32 s10, $0x7  }
0x14: {  	s25 =	sshll.u32 s18, $0x7;
	[dreg:$0xf] =	wrdreg s24;
	s13 =	sadd.s32 s2, s13  }
0x15: {  	s17 =	sor.u32 $0xE00, s26;
	[dreg:$0xb] =	wrdreg s13;
	s13 =	sadd.s32 s2, s23  }
0x16: {  	s22 =	sadd.s32 s4, s21;
	[dreg:$0xd] =	wrdreg s13;
	s13 =	sor.u32 $0xA00, s26  }
0x17: {  	s24 =	sadd.s32 s4, s3;
	[dreg:$0x14] =	wrdreg s22;
	s16 =	sshll.u32 s13, $0x7  }
0x18: {  	s20 =	sshll.u32 s17, $0x7;
	[dreg:$0x16] =	wrdreg s24;
	s16 =	sadd.s32 s2, s16  }
0x19: {  	s23 =	sshll.u32 s6, $0x9;
	[dreg:$0xe] =	wrdreg s16;
	s16 =	sadd.s32 s2, s25  }
0x1a: {  	s25 =	sshll.u32 s9, $0x9;
	s9 =	sshll.u32 s7, $0x9;
	s7 =	sshll.u32 s11, $0x9  }
0x1b: {  	[dreg:$0x10] =	wrdreg s16;
	s16 =	sor.u32 $0xD00, s26;
	s26 =	sadd.s32 s2, s20  }
0x1c: {  	s11 =	sshll.u32 s13, $0x9;
	s22 =	sadd.s32 s4, s9;
	[dreg:$0x12] =	wrdreg s26  }
0x1d: {  	s13 =	sshll.u32 s14, $0x9;
	s14 =	sadd.s32 s4, s11;
	[dreg:$0x1c] =	wrdreg s22  }
0x1e: {  	s19 =	sshll.u32 s16, $0x7;
	s26 =	sadd.s32 s4, s23;
	[smem:$0x7F1] =	sst s14  }
0x1f: {  	s20 =	sshll.u32 s5, $0x7;
	s19 =	sadd.s32 s2, s19;
	[dreg:$0x18] =	wrdreg s26  }
0x20: {  	s2 =	sadd.s32 s2, s20;
	[dreg:$0x11] =	wrdreg s19  }
0x21: {  	[dreg:$0x13] =	wrdreg s2  }
0x22: {  	s20 =	sadd.s32 s4, s25;
	s19 =	rddreg [dreg:$0x2]  }
0x23: {  	[dreg:$0x1a] =	wrdreg s20;
	s2 =	sadd.s32 s19, s21  }
0x24: {  	s3 =	sadd.s32 s19, s3;
	[dreg:$0x15] =	wrdreg s2  }
0x25: {  	[dreg:$0x17] =	wrdreg s3;
	s2 =	sadd.s32 s19, s23  }
0x26: {  	s21 =	sshll.u32 s8, $0x9;
	s3 =	sadd.s32 s19, s25;
	[dreg:$0x19] =	wrdreg s2  }
0x27: {  	s24 =	sadd.s32 s4, s21;
	[dreg:$0x1b] =	wrdreg s3  }
0x28: {  	s25 =	sshll.u32 s10, $0x9;
	s10 =	sadd.s32 s4, s7;
	[dreg:$0x1e] =	wrdreg s24  }
0x29: {  	s2 =	sadd.s32 s19, s9;
	[smem:$0x7ED] =	sst s10  }
0x2a: {  	s23 =	sshll.u32 s12, $0x9;
	s3 =	sadd.s32 s19, s21;
	[dreg:$0x1d] =	wrdreg s2  }
0x2b: {  	s28 =	simm.s32 $0x1C000;
	s26 =	sadd.s32 s4, s23;
	[dreg:$0x1f] =	wrdreg s3  }
0x2c: {  	s8 =	sadd.s32 s4, s25;
	s9 =	sshll.u32 s15, $0x9;
	[smem:$0x7E9] =	sst s26  }
0x2d: {  	s15 =	sshll.u32 s18, $0x9;
	s18 =	sadd.s32 s4, s13;
	[smem:$0x7EB] =	sst s8  }
0x2e: {  	s29 =	simm.s32 $0x2;
	s2 =	sadd.s32 s19, s23;
	[smem:$0x7F3] =	sst s18  }
0x2f: {  	s30 =	simm.s32 $0x5;
	s3 =	sadd.s32 s19, s25;
	[smem:$0x7EA] =	sst s2  }
0x30: {  	s31 =	simm.s32 $0x7;
	s12 =	sadd.s32 s4, s9;
	[smem:$0x7EC] =	sst s3  }
0x31: {  	s20 =	sshll.u32 s16, $0x9;
	s21 =	sadd.s32 s4, s15;
	[smem:$0x7EF] =	sst s12  }
0x32: {  	s22 =	sshll.u32 s17, $0x9;
	s23 =	sadd.s32 s4, s20;
	[smem:$0x7F5] =	sst s21  }
0x33: {  	s24 =	sshll.u32 s5, $0x9;
	s25 =	sadd.s32 s4, s22;
	[smem:$0x7F7] =	sst s23  }
0x34: {  	s0 =	smax.u32 s0, $0x1;
	s4 =	sadd.s32 s4, s24;
	[smem:$0x7F9] =	sst s25  }
0x35: {  	s5 =	simm.s32 $0x0;
	s26 =	sadd.s32 s19, s24;
	[smem:$0x7FA] =	sst s4  }
0x36: {  	s24 =	simm.s32 $0x1;
	s2 =	sadd.s32 s19, s7;
	[smem:$0x7FC] =	sst s26  }
0x37: {  	s3 =	sadd.s32 s19, s9;
	s21 =	simm.s32 $0x18000;
	[smem:$0x7EE] =	sst s2  }
0x38: {  	s23 =	simm.s32 $0x1A000;
	[smem:$0x7F0] =	sst s3;
	s2 =	sadd.s32 s19, s11  }
0x39: {  	s25 =	simm.s32 $0x4;
	s3 =	sadd.s32 s19, s13;
	[smem:$0x7F2] =	sst s2  }
0x3a: {  	s26 =	simm.s32 $0x10000;
	[smem:$0x7F4] =	sst s3;
	s2 =	sadd.s32 s19, s15  }
0x3b: {  	s4 =	simm.s32 $0x9;
	s3 =	sadd.s32 s19, s20;
	[smem:$0x7F6] =	sst s2  }
0x3c: {  	[smem:$0x7F8] =	sst s3;
	s2 =	sadd.s32 s19, s22;
	s22 =	simm.s32 $0x8000  }
0x3d: {  	s3 =	simm.s32 $0x8;
	[smem:$0x7FB] =	sst s2;
	s2 =	simm.s32 $0x6  }
0x3e: {  	_ =	strace $0x80000047;
	[smem:$0x7FD] =	sst s0;
	s0 =	simm.s32 $0x3  }
.LBB2_1:
0x3f: {  	s6 =	rddreg [dreg:$0x14]  }
0x40: {  	[tilespmem:s1], [sflag:$0x1] =	stream.linear.gather [hbm4b:s6+s1], $0x8000, $0x38;
	[tilespmem:$0x1E000] =	vst v63  }
0x41: {  	s12 =	rddreg [dreg:$0x4]  }
0x42: {  	[tilespmem:s21], [sflag:$0x4] =	stream.linear.gather [hbm4b:s12+s1], $0x2000, $0x38;
	[tilespmem:$0x1E000] =	vst v63  }
0x43: {  	s13 =	rddreg [dreg:$0x16]  }
0x44: {  	[tilespmem:s22], [sflag:$0x2] =	stream.linear.gather [hbm4b:s13+s1], $0x8000, $0x38;
	[tilespmem:$0x1E000] =	vst v63  }
0x45: {  	s14 =	rddreg [dreg:$0x5]  }
0x46: {  	[tilespmem:s23], [sflag:$0x5] =	stream.linear.gather [hbm4b:s14+s1], $0x2000, $0x38;
	[tilespmem:$0x1E000] =	vst v63  }
0x47: {  	s15 =	simm.s32 $0x0;
	_ =	swait.ge [sflag:s24], $0x8000  }
0x48: {  	s7 =	simm.s32 $0x0;
	s6 =	sand.u32 $0x7, s15;
	[sflag:s24] =	ssyncset.done $0x0  }
0x49: {  	s7 =	sand.u32 $0x3FFFFF80, s7;
	s8 =	sshll.u32 s6, $0xA;
	[sflag:s24] =	ssyncadd.s32 $0xFFFF8000  }
0x4a: {  	s9 =	sand.u32 $0x40, s1;
	s7 =	sadd.s32 s7, s8;
	_ =	swait.ge [sflag:s25], $0x2000  }
0x4b: {  	s16 =	sor.u32 $0x30, s9;
	s7 =	sadd.s32 $0x18000, s7;
	[sflag:s25] =	ssyncset.done $0x0  }
0x4c: {  	s10 =	sor.u32 s16, s7;
	[sflag:s25] =	ssyncadd.s32 $0xFFFFE000  }
0x4d: {  	s11 =	sor.u32 s9, s7;
	v0 =	vld [tilespmem:s10+$0x0]  }
0x4e: {  	v1 =	vld [tilespmem:s11+$0x0];
	_ =	sdelay $0x1  }
0x4f: {  	s17 =	sor.u32 $0x10, s9;
	s6 =	sshll.u32 s6, $0x9;
	s12 =	simm.s32 $0x0  }
0x50: {  	s18 =	sand.u32 $0x3FFFF000, s12;
	s13 =	sor.u32 $0x20, s9;
	s14 =	sor.u32 s17, s7  }
0x51: {  	s7 =	sor.u32 s13, s7;
	v3 =	vld [tilespmem:s14+$0x0];
	s11 =	sor.u32 s6, s18;
	v0 =	vmul.f32 $3.125000000e-02, v0  }
0x52: {  	v4 =	vld [tilespmem:s7+$0x0];
	s19 =	sor.u32 s16, s11;
	v2 =	vmul.f32 $3.125000000e-02, v1  }
0x53: {  	s6 =	simm.s32 $0x0;
	s9 =	sor.u32 s9, s11;
	[tilespmem:s19+$0x0] =	vst.add.f32.msk $0xffff, v0  }
0x54: {  	s12 =	sor.u32 s17, s11;
	s8 =	sor.u32 $0x80, s19;
	s20 =	sor.u32 $0x100, s19;
	[tilespmem:s9+$0x0] =	vst.add.f32.msk $0xffff, v2  }
0x55: {  	s18 =	sor.u32 $0x80, s9;
	s7 =	sor.u32 $0x180, s19;
	s17 =	sor.u32 $0x100, s9;
	[tilespmem:s8+$0x0] =	vst.add.f32.msk $0xffff, v0  }
0x56: {  	s16 =	sor.u32 $0x180, s9;
	s15 =	sor.u32 $0x80, s12;
	s8 =	sor.u32 s13, s11;
	[tilespmem:s18+$0x0] =	vst.add.f32.msk $0xffff, v2  }
0x57: {  	s14 =	sor.u32 $0x100, s12;
	s13 =	sor.u32 $0x180, s12;
	[tilespmem:s20+$0x0] =	vst.add.f32.msk $0xffff, v0;
	s10 =	sor.u32 $0x80, s8  }
0x58: {  	v1 =	vmul.f32 $3.125000000e-02, v3;
	s11 =	sor.u32 $0x100, s8;
	s9 =	sor.u32 $0x180, s8;
	[tilespmem:s7+$0x0] =	vst.add.f32.msk $0xffff, v0;
	v0 =	vmul.f32 $3.125000000e-02, v4;
	s7 =	simm.s32 $0x0  }
.LBB2_2:
0x59: {  	s6 =	sadd.s32 $0x4, s6;
	[tilespmem:s17+$0x0] =	vst.add.f32.msk $0xffff, v2  }
0x5a: {  	s17 =	sshrl.u32 s6, $0x3;
	[tilespmem:s16+$0x0] =	vst.add.f32.msk $0xffff, v2  }
0x5b: {  	s16 =	sand.u32 $0x7, s17;
	s17 =	sshll.u32 s6, $0x1;
	[tilespmem:s12+$0x0] =	vst.add.f32.msk $0xffff, v1  }
0x5c: {  	s7 =	sadd.s32 $0x40, s7;
	s12 =	sshll.u32 s16, $0xA;
	s17 =	sand.u32 $0x3FFFFF80, s17;
	[tilespmem:s15+$0x0] =	vst.add.f32.msk $0xffff, v1  }
0x5d: {  	p0 =	slt.u32 s6, $0x1FC;
	s15 =	sand.u32 $0x40, s7;
	s12 =	sadd.s32 s17, s12;
	[tilespmem:s14+$0x0] =	vst.add.f32.msk $0xffff, v1  }
0x5e: {  	s14 =	sor.u32 $0x10, s15;
	s17 =	sor.u32 $0x30, s15;
	s12 =	sadd.s32 $0x18000, s12;
	[tilespmem:s13+$0x0] =	vst.add.f32.msk $0xffff, v1  }
0x5f: {  	s18 =	sor.u32 $0x20, s15;
	s13 =	sor.u32 s15, s12;
	s19 =	sor.u32 s17, s12;
	[tilespmem:s8+$0x0] =	vst.add.f32.msk $0xffff, v0  }
0x60: {  	s8 =	sor.u32 s14, s12;
	s12 =	sor.u32 s18, s12;
	v1 =	vld [tilespmem:s19+$0x0]  }
0x61: {  	v2 =	vld [tilespmem:s13+$0x0]  }
0x62: {  	v3 =	vld [tilespmem:s8+$0x0];
	s8 =	sshll.u32 s6, $0x6  }
0x63: {  	v4 =	vld [tilespmem:s12+$0x0];
	s8 =	sand.u32 $0x3FFFF000, s8;
	s12 =	sshll.u32 s16, $0x9  }
0x64: {  	[tilespmem:s10+$0x0] =	vst.add.f32.msk $0xffff, v0;
	s8 =	sor.u32 s12, s8  }
0x65: {  	v5 =	vmul.f32 $3.125000000e-02, v1;
	[tilespmem:s11+$0x0] =	vst.add.f32.msk $0xffff, v0;
	s19 =	sor.u32 s15, s8  }
0x66: {  	s12 =	sor.u32 s14, s8;
	s10 =	sor.u32 s17, s8;
	s8 =	sor.u32 s18, s8;
	v2 =	vmul.f32 $3.125000000e-02, v2;
	[tilespmem:s9+$0x0] =	vst.add.f32.msk $0xffff, v0  }
0x67: {  	s20 =	sor.u32 $0x80, s19;
	s9 =	sor.u32 $0x80, s10;
	s17 =	sor.u32 $0x100, s19;
	v1 =	vmul.f32 $3.125000000e-02, v3;
	[tilespmem:s10+$0x0] =	vst.add.f32.msk $0xffff, v5  }
.Ltmp0:
0x68: {  	s16 =	sor.u32 $0x180, s19;
	v0 =	vmul.f32 $3.125000000e-02, v4;
	[tilespmem:s9+$0x0] =	vst.add.f32.msk $0xffff, v5;
	s9 =	sor.u32 $0x100, s10;
	(pc) =	sbr.rel @p0 .LBB2_2-.Ltmp0, $4  }
0x69: {  	s15 =	sor.u32 $0x80, s12;
	s14 =	sor.u32 $0x100, s12;
	[tilespmem:s9+$0x0] =	vst.add.f32.msk $0xffff, v5;
	s9 =	sor.u32 $0x180, s10  }
0x6a: {  	s13 =	sor.u32 $0x180, s12;
	s11 =	sor.u32 $0x100, s8;
	s10 =	sor.u32 $0x80, s8;
	[tilespmem:s9+$0x0] =	vst.add.f32.msk $0xffff, v5  }
0x6b: {  	s9 =	sor.u32 $0x180, s8;
	[tilespmem:s19+$0x0] =	vst.add.f32.msk $0xffff, v2  }
0x6c: {  	[tilespmem:s20+$0x0] =	vst.add.f32.msk $0xffff, v2  }
0x6d: {  	[tilespmem:s17+$0x0] =	vst.add.f32.msk $0xffff, v2  }
0x6e: {  	[tilespmem:s12+$0x0] =	vst.add.f32.msk $0xffff, v1  }
0x6f: {  	[tilespmem:s8+$0x0] =	vst.add.f32.msk $0xffff, v0  }
0x70: {  	[tilespmem:s16+$0x0] =	vst.add.f32.msk $0xffff, v2  }
0x71: {  	[tilespmem:s15+$0x0] =	vst.add.f32.msk $0xffff, v1  }
0x72: {  	[tilespmem:s10+$0x0] =	vst.add.f32.msk $0xffff, v0  }
0x73: {  	[tilespmem:s14+$0x0] =	vst.add.f32.msk $0xffff, v1  }
0x74: {  	[tilespmem:s11+$0x0] =	vst.add.f32.msk $0xffff, v0  }
0x75: {  	[tilespmem:s13+$0x0] =	vst.add.f32.msk $0xffff, v1  }
0x76: {  	[tilespmem:s9+$0x0] =	vst.add.f32.msk $0xffff, v0  }
0x77: {  	s6 =	simm.s32 $0x0;
	s7 =	rddreg [dreg:$0x15]  }
0x78: {  	[hbm4b:s7+s6] =	stream.linear.scatter [tilespmem:s6], [sflag:$0x7], $0x8000, $0x38;
	[tilespmem:$0x1E000] =	vst v63  }
0x79: {  	s12 =	rddreg [dreg:$0x18]  }
0x7a: {  	[tilespmem:s26], [sflag:$0x3] =	stream.linear.gather [hbm4b:s12+s6], $0x8000, $0x38;
	[tilespmem:$0x1E000] =	vst v63  }
0x7b: {  	s13 =	rddreg [dreg:$0x6]  }
0x7c: {  	[tilespmem:s28], [sflag:$0x6] =	stream.linear.gather [hbm4b:s13+s6], $0x2000, $0x38;
	[tilespmem:$0x1E000] =	vst v63  }
0x7d: {  	s14 =	simm.s32 $0x0;
	_ =	swait.ge [sflag:s29], $0x8000  }
0x7e: {  	s15 =	simm.s32 $0x0;
	s7 =	sand.u32 $0x7, s14;
	[sflag:s29] =	ssyncset.done $0x0  }
0x7f: {  	s8 =	sand.u32 $0x3FFFFF80, s15;
	s16 =	sshll.u32 s7, $0xA;
	[sflag:s29] =	ssyncadd.s32 $0xFFFF8000  }
0x80: {  	s10 =	sand.u32 $0x40, s6;
	s8 =	sadd.s32 s8, s16;
	_ =	swait.ge [sflag:s30], $0x2000  }
0x81: {  	s9 =	sor.u32 $0x30, s10;
	s8 =	sadd.s32 $0x1A000, s8;
	[sflag:s30] =	ssyncset.done $0x0  }
0x82: {  	s17 =	sor.u32 s9, s8;
	[sflag:s30] =	ssyncadd.s32 $0xFFFFE000  }
0x83: {  	s19 =	sor.u32 s10, s8;
	v0 =	vld [tilespmem:s17+$0x0]  }
0x84: {  	v1 =	vld [tilespmem:s19+$0x0]  }
0x85: {  	s18 =	simm.s32 $0x0  }
0x86: {  	s11 =	sor.u32 $0x10, s10;
	s7 =	sshll.u32 s7, $0x9;
	s12 =	sand.u32 $0x3FFFF000, s18  }
0x87: {  	s14 =	sor.u32 $0x20, s10;
	s7 =	sor.u32 s7, s12;
	s20 =	sor.u32 s11, s8  }
0x88: {  	s8 =	sor.u32 s14, s8;
	s16 =	sadd.s32 $0x8000, s7;
	v3 =	vld [tilespmem:s20+$0x0];
	v0 =	vmul.f32 $3.125000000e-02, v0  }
0x89: {  	v4 =	vld [tilespmem:s8+$0x0];
	s17 =	sor.u32 s9, s16;
	v2 =	vmul.f32 $3.125000000e-02, v1  }
0x8a: {  	s10 =	sor.u32 s10, s16;
	[tilespmem:s17+$0x0] =	vst.add.f32.msk $0xffff, v0  }
0x8b: {  	s7 =	simm.s32 $0x0;
	s12 =	sor.u32 s11, s16;
	s9 =	sor.u32 $0x80, s17;
	[tilespmem:s10+$0x0] =	vst.add.f32.msk $0xffff, v2  }
0x8c: {  	s18 =	sor.u32 $0x80, s10;
	s15 =	sor.u32 $0x80, s12;
	s13 =	sor.u32 $0x180, s12;
	[tilespmem:s9+$0x0] =	vst.add.f32.msk $0xffff, v0  }
0x8d: {  	s8 =	sor.u32 s14, s16;
	s16 =	sor.u32 $0x180, s10;
	s19 =	sor.u32 $0x100, s17;
	[tilespmem:s18+$0x0] =	vst.add.f32.msk $0xffff, v2  }
0x8e: {  	s14 =	sor.u32 $0x100, s12;
	s20 =	sor.u32 $0x180, s17;
	s11 =	sor.u32 $0x80, s8;
	[tilespmem:s19+$0x0] =	vst.add.f32.msk $0xffff, v0  }
0x8f: {  	v1 =	vmul.f32 $3.125000000e-02, v3;
	s17 =	sor.u32 $0x100, s10;
	s10 =	sor.u32 $0x100, s8;
	s9 =	sor.u32 $0x180, s8;
	[tilespmem:s20+$0x0] =	vst.add.f32.msk $0xffff, v0;
	v0 =	vmul.f32 $3.125000000e-02, v4  }
.LBB2_4:
0x90: {  	s7 =	sadd.s32 $0x4, s7;
	[tilespmem:s17+$0x0] =	vst.add.f32.msk $0xffff, v2  }
0x91: {  	s17 =	sshrl.u32 s7, $0x3;
	[tilespmem:s16+$0x0] =	vst.add.f32.msk $0xffff, v2  }
0x92: {  	s16 =	sand.u32 $0x7, s17;
	s17 =	sshll.u32 s7, $0x1;
	[tilespmem:s12+$0x0] =	vst.add.f32.msk $0xffff, v1  }
0x93: {  	s6 =	sadd.s32 $0x40, s6;
	s12 =	sshll.u32 s16, $0xA;
	s17 =	sand.u32 $0x3FFFFF80, s17;
	[tilespmem:s15+$0x0] =	vst.add.f32.msk $0xffff, v1  }
0x94: {  	p0 =	slt.u32 s7, $0x1FC;
	s15 =	sand.u32 $0x40, s6;
	s12 =	sadd.s32 s17, s12;
	[tilespmem:s14+$0x0] =	vst.add.f32.msk $0xffff, v1  }
0x95: {  	s14 =	sor.u32 $0x10, s15;
	s17 =	sor.u32 $0x30, s15;
	s12 =	sadd.s32 $0x1A000, s12;
	[tilespmem:s13+$0x0] =	vst.add.f32.msk $0xffff, v1  }
0x96: {  	s18 =	sor.u32 $0x20, s15;
	s13 =	sor.u32 s15, s12;
	s19 =	sor.u32 s17, s12;
	[tilespmem:s8+$0x0] =	vst.add.f32.msk $0xffff, v0  }
0x97: {  	s8 =	sor.u32 s14, s12;
	s12 =	sor.u32 s18, s12;
	v1 =	vld [tilespmem:s19+$0x0]  }
0x98: {  	v2 =	vld [tilespmem:s13+$0x0];
	s13 =	sshll.u32 s7, $0x6  }
0x99: {  	v3 =	vld [tilespmem:s8+$0x0];
	s8 =	sand.u32 $0x3FFFF000, s13;
	s13 =	sshll.u32 s16, $0x9  }
0x9a: {  	v4 =	vld [tilespmem:s12+$0x0];
	s8 =	sor.u32 s13, s8  }
0x9b: {  	[tilespmem:s11+$0x0] =	vst.add.f32.msk $0xffff, v0;
	s8 =	sadd.s32 $0x8000, s8  }
0x9c: {  	v5 =	vmul.f32 $3.125000000e-02, v1;
	[tilespmem:s10+$0x0] =	vst.add.f32.msk $0xffff, v0;
	s19 =	sor.u32 s15, s8  }
0x9d: {  	s12 =	sor.u32 s14, s8;
	s10 =	sor.u32 s17, s8;
	s8 =	sor.u32 s18, s8;
	v2 =	vmul.f32 $3.125000000e-02, v2;
	[tilespmem:s9+$0x0] =	vst.add.f32.msk $0xffff, v0  }
0x9e: {  	s20 =	sor.u32 $0x80, s19;
	s9 =	sor.u32 $0x80, s10;
	s17 =	sor.u32 $0x100, s19;
	v1 =	vmul.f32 $3.125000000e-02, v3;
	[tilespmem:s10+$0x0] =	vst.add.f32.msk $0xffff, v5  }
.Ltmp1:
0x9f: {  	s16 =	sor.u32 $0x180, s19;
	v0 =	vmul.f32 $3.125000000e-02, v4;
	[tilespmem:s9+$0x0] =	vst.add.f32.msk $0xffff, v5;
	s9 =	sor.u32 $0x100, s10;
	(pc) =	sbr.rel @p0 .LBB2_4-.Ltmp1, $4  }
0xa0: {  	s15 =	sor.u32 $0x80, s12;
	s14 =	sor.u32 $0x100, s12;
	[tilespmem:s9+$0x0] =	vst.add.f32.msk $0xffff, v5;
	s9 =	sor.u32 $0x180, s10  }
0xa1: {  	s13 =	sor.u32 $0x180, s12;
	s11 =	sor.u32 $0x80, s8;
	s10 =	sor.u32 $0x100, s8;
	[tilespmem:s9+$0x0] =	vst.add.f32.msk $0xffff, v5  }
0xa2: {  	s9 =	sor.u32 $0x180, s8;
	[tilespmem:s19+$0x0] =	vst.add.f32.msk $0xffff, v2  }
0xa3: {  	[tilespmem:s20+$0x0] =	vst.add.f32.msk $0xffff, v2  }
0xa4: {  	[tilespmem:s17+$0x0] =	vst.add.f32.msk $0xffff, v2  }
0xa5: {  	[tilespmem:s12+$0x0] =	vst.add.f32.msk $0xffff, v1  }
0xa6: {  	[tilespmem:s8+$0x0] =	vst.add.f32.msk $0xffff, v0  }
0xa7: {  	[tilespmem:s16+$0x0] =	vst.add.f32.msk $0xffff, v2  }
0xa8: {  	[tilespmem:s15+$0x0] =	vst.add.f32.msk $0xffff, v1  }
0xa9: {  	[tilespmem:s11+$0x0] =	vst.add.f32.msk $0xffff, v0  }
0xaa: {  	[tilespmem:s14+$0x0] =	vst.add.f32.msk $0xffff, v1  }
0xab: {  	[tilespmem:s10+$0x0] =	vst.add.f32.msk $0xffff, v0  }
0xac: {  	[tilespmem:s13+$0x0] =	vst.add.f32.msk $0xffff, v1  }
0xad: {  	[tilespmem:s9+$0x0] =	vst.add.f32.msk $0xffff, v0  }
0xae: {  	s6 =	simm.s32 $0x0;
	s7 =	rddreg [dreg:$0x17]  }
0xaf: {  	[hbm4b:s7+s6] =	stream.linear.scatter [tilespmem:s22], [sflag:$0x8], $0x8000, $0x38;
	[tilespmem:$0x1E000] =	vst v63  }
0xb0: {  	_ =	swait.ge [sflag:s31], $0x8000  }
0xb1: {  	[sflag:s31] =	ssyncset.done $0x0  }
0xb2: {  	s12 =	rddreg [dreg:$0x1a];
	[sflag:s31] =	ssyncadd.s32 $0xFFFF8000  }
0xb3: {  	[tilespmem:s6], [sflag:$0x1] =	stream.linear.gather [hbm4b:s12+s6], $0x8000, $0x38;
	[tilespmem:$0x1E000] =	vst v63  }
0xb4: {  	s13 =	rddreg [dreg:$0x7]  }
0xb5: {  	[tilespmem:s21], [sflag:$0x4] =	stream.linear.gather [hbm4b:s13+s6], $0x2000, $0x38;
	[tilespmem:$0x1E000] =	vst v63  }
0xb6: {  	s14 =	simm.s32 $0x0;
	_ =	swait.ge [sflag:s0], $0x8000  }
0xb7: {  	s15 =	simm.s32 $0x0;
	s7 =	sand.u32 $0x7, s14;
	[sflag:s0] =	ssyncset.done $0x0  }
0xb8: {  	s8 =	sand.u32 $0x3FFFFF80, s15;
	s16 =	sshll.u32 s7, $0xA;
	[sflag:s0] =	ssyncadd.s32 $0xFFFF8000  }
0xb9: {  	s10 =	sand.u32 $0x40, s6;
	s8 =	sadd.s32 s8, s16;
	_ =	swait.ge [sflag:s2], $0x2000  }
0xba: {  	s9 =	sor.u32 $0x30, s10;
	s8 =	sadd.s32 $0x1C000, s8;
	[sflag:s2] =	ssyncset.done $0x0  }
0xbb: {  	s17 =	sor.u32 s9, s8;
	[sflag:s2] =	ssyncadd.s32 $0xFFFFE000  }
0xbc: {  	s19 =	sor.u32 s10, s8;
	v0 =	vld [tilespmem:s17+$0x0]  }
0xbd: {  	v1 =	vld [tilespmem:s19+$0x0]  }
0xbe: {  	s18 =	simm.s32 $0x0  }
0xbf: {  	s11 =	sor.u32 $0x10, s10;
	s7 =	sshll.u32 s7, $0x9;
	s12 =	sand.u32 $0x3FFFF000, s18  }
0xc0: {  	s14 =	sor.u32 $0x20, s10;
	s20 =	sor.u32 s11, s8;
	s7 =	sor.u32 s7, s12  }
0xc1: {  	s8 =	sor.u32 s14, s8;
	s16 =	sadd.s32 $0x10000, s7;
	v3 =	vld [tilespmem:s20+$0x0];
	v0 =	vmul.f32 $3.125000000e-02, v0  }
0xc2: {  	v4 =	vld [tilespmem:s8+$0x0];
	s17 =	sor.u32 s9, s16;
	v2 =	vmul.f32 $3.125000000e-02, v1  }
0xc3: {  	s10 =	sor.u32 s10, s16;
	[tilespmem:s17+$0x0] =	vst.add.f32.msk $0xffff, v0  }
0xc4: {  	s7 =	simm.s32 $0x0;
	s12 =	sor.u32 s11, s16;
	s9 =	sor.u32 $0x80, s17;
	[tilespmem:s10+$0x0] =	vst.add.f32.msk $0xffff, v2  }
0xc5: {  	s18 =	sor.u32 $0x80, s10;
	s15 =	sor.u32 $0x80, s12;
	s13 =	sor.u32 $0x180, s12;
	[tilespmem:s9+$0x0] =	vst.add.f32.msk $0xffff, v0  }
0xc6: {  	s8 =	sor.u32 s14, s16;
	s16 =	sor.u32 $0x180, s10;
	s19 =	sor.u32 $0x100, s17;
	[tilespmem:s18+$0x0] =	vst.add.f32.msk $0xffff, v2  }
0xc7: {  	s14 =	sor.u32 $0x100, s12;
	s20 =	sor.u32 $0x180, s17;
	s11 =	sor.u32 $0x80, s8;
	[tilespmem:s19+$0x0] =	vst.add.f32.msk $0xffff, v0  }
0xc8: {  	v1 =	vmul.f32 $3.125000000e-02, v3;
	s17 =	sor.u32 $0x100, s10;
	s10 =	sor.u32 $0x100, s8;
	s9 =	sor.u32 $0x180, s8;
	[tilespmem:s20+$0x0] =	vst.add.f32.msk $0xffff, v0;
	v0 =	vmul.f32 $3.125000000e-02, v4  }
.LBB2_6:
0xc9: {  	s7 =	sadd.s32 $0x4, s7;
	[tilespmem:s17+$0x0] =	vst.add.f32.msk $0xffff, v2  }
0xca: {  	s17 =	sshrl.u32 s7, $0x3;
	[tilespmem:s16+$0x0] =	vst.add.f32.msk $0xffff, v2  }
0xcb: {  	s16 =	sand.u32 $0x7, s17;
	s17 =	sshll.u32 s7, $0x1;
	[tilespmem:s12+$0x0] =	vst.add.f32.msk $0xffff, v1  }
0xcc: {  	s6 =	sadd.s32 $0x40, s6;
	s12 =	sshll.u32 s16, $0xA;
	s17 =	sand.u32 $0x3FFFFF80, s17;
	[tilespmem:s15+$0x0] =	vst.add.f32.msk $0xffff, v1  }
0xcd: {  	p0 =	slt.u32 s7, $0x1FC;
	s15 =	sand.u32 $0x40, s6;
	s12 =	sadd.s32 s17, s12;
	[tilespmem:s14+$0x0] =	vst.add.f32.msk $0xffff, v1  }
0xce: {  	s14 =	sor.u32 $0x10, s15;
	s17 =	sor.u32 $0x30, s15;
	s12 =	sadd.s32 $0x1C000, s12;
	[tilespmem:s13+$0x0] =	vst.add.f32.msk $0xffff, v1  }
0xcf: {  	s18 =	sor.u32 $0x20, s15;
	s13 =	sor.u32 s15, s12;
	s19 =	sor.u32 s17, s12;
	[tilespmem:s8+$0x0] =	vst.add.f32.msk $0xffff, v0  }
0xd0: {  	s8 =	sor.u32 s14, s12;
	s12 =	sor.u32 s18, s12;
	v1 =	vld [tilespmem:s19+$0x0]  }
0xd1: {  	v2 =	vld [tilespmem:s13+$0x0];
	s13 =	sshll.u32 s7, $0x6  }
0xd2: {  	v3 =	vld [tilespmem:s8+$0x0];
	s8 =	sand.u32 $0x3FFFF000, s13;
	s13 =	sshll.u32 s16, $0x9  }
0xd3: {  	v4 =	vld [tilespmem:s12+$0x0];
	s8 =	sor.u32 s13, s8  }
0xd4: {  	[tilespmem:s11+$0x0] =	vst.add.f32.msk $0xffff, v0;
	s8 =	sadd.s32 $0x10000, s8  }
0xd5: {  	v5 =	vmul.f32 $3.125000000e-02, v1;
	[tilespmem:s10+$0x0] =	vst.add.f32.msk $0xffff, v0;
	s19 =	sor.u32 s15, s8  }
0xd6: {  	s12 =	sor.u32 s14, s8;
	s10 =	sor.u32 s17, s8;
	s8 =	sor.u32 s18, s8;
	v2 =	vmul.f32 $3.125000000e-02, v2;
	[tilespmem:s9+$0x0] =	vst.add.f32.msk $0xffff, v0  }
0xd7: {  	s20 =	sor.u32 $0x80, s19;
	s9 =	sor.u32 $0x80, s10;
	s17 =	sor.u32 $0x100, s19;
	v1 =	vmul.f32 $3.125000000e-02, v3;
	[tilespmem:s10+$0x0] =	vst.add.f32.msk $0xffff, v5  }
.Ltmp2:
0xd8: {  	s16 =	sor.u32 $0x180, s19;
	v0 =	vmul.f32 $3.125000000e-02, v4;
	[tilespmem:s9+$0x0] =	vst.add.f32.msk $0xffff, v5;
	s9 =	sor.u32 $0x100, s10;
	(pc) =	sbr.rel @p0 .LBB2_6-.Ltmp2, $4  }
0xd9: {  	s15 =	sor.u32 $0x80, s12;
	s14 =	sor.u32 $0x100, s12;
	[tilespmem:s9+$0x0] =	vst.add.f32.msk $0xffff, v5;
	s9 =	sor.u32 $0x180, s10  }
0xda: {  	s13 =	sor.u32 $0x180, s12;
	s11 =	sor.u32 $0x80, s8;
	s10 =	sor.u32 $0x100, s8;
	[tilespmem:s9+$0x0] =	vst.add.f32.msk $0xffff, v5  }
0xdb: {  	s9 =	sor.u32 $0x180, s8;
	[tilespmem:s19+$0x0] =	vst.add.f32.msk $0xffff, v2  }
0xdc: {  	[tilespmem:s20+$0x0] =	vst.add.f32.msk $0xffff, v2  }
0xdd: {  	[tilespmem:s17+$0x0] =	vst.add.f32.msk $0xffff, v2  }
0xde: {  	[tilespmem:s12+$0x0] =	vst.add.f32.msk $0xffff, v1  }
0xdf: {  	[tilespmem:s8+$0x0] =	vst.add.f32.msk $0xffff, v0  }
0xe0: {  	[tilespmem:s16+$0x0] =	vst.add.f32.msk $0xffff, v2  }
0xe1: {  	[tilespmem:s15+$0x0] =	vst.add.f32.msk $0xffff, v1  }
0xe2: {  	[tilespmem:s11+$0x0] =	vst.add.f32.msk $0xffff, v0  }
0xe3: {  	[tilespmem:s14+$0x0] =	vst.add.f32.msk $0xffff, v1  }
0xe4: {  	[tilespmem:s10+$0x0] =	vst.add.f32.msk $0xffff, v0  }
0xe5: {  	[tilespmem:s13+$0x0] =	vst.add.f32.msk $0xffff, v1  }
0xe6: {  	[tilespmem:s9+$0x0] =	vst.add.f32.msk $0xffff, v0  }
0xe7: {  	s6 =	simm.s32 $0x0;
	s7 =	rddreg [dreg:$0x19]  }
0xe8: {  	[hbm4b:s7+s6] =	stream.linear.scatter [tilespmem:s26], [sflag:$0x9], $0x8000, $0x38;
	[tilespmem:$0x1E000] =	vst v63  }
0xe9: {  	_ =	swait.ge [sflag:s3], $0x8000  }
0xea: {  	[sflag:s3] =	ssyncset.done $0x0  }
0xeb: {  	s12 =	rddreg [dreg:$0x1c];
	[sflag:s3] =	ssyncadd.s32 $0xFFFF8000  }
0xec: {  	[tilespmem:s22], [sflag:$0x2] =	stream.linear.gather [hbm4b:s12+s6], $0x8000, $0x38;
	[tilespmem:$0x1E000] =	vst v63  }
0xed: {  	s13 =	rddreg [dreg:$0x8]  }
0xee: {  	[tilespmem:s23], [sflag:$0x5] =	stream.linear.gather [hbm4b:s13+s6], $0x2000, $0x38;
	[tilespmem:$0x1E000] =	vst v63  }
0xef: {  	s14 =	simm.s32 $0x0;
	_ =	swait.ge [sflag:s24], $0x8000  }
0xf0: {  	s15 =	simm.s32 $0x0;
	s7 =	sand.u32 $0x7, s14;
	[sflag:s24] =	ssyncset.done $0x0  }
0xf1: {  	s8 =	sand.u32 $0x3FFFFF80, s15;
	s16 =	sshll.u32 s7, $0xA;
	[sflag:s24] =	ssyncadd.s32 $0xFFFF8000  }
0xf2: {  	s10 =	sand.u32 $0x40, s6;
	s8 =	sadd.s32 s8, s16;
	_ =	swait.ge [sflag:s25], $0x2000  }
0xf3: {  	s9 =	sor.u32 $0x30, s10;
	s8 =	sadd.s32 $0x18000, s8;
	[sflag:s25] =	ssyncset.done $0x0  }
0xf4: {  	s17 =	sor.u32 s9, s8;
	[sflag:s25] =	ssyncadd.s32 $0xFFFFE000  }
0xf5: {  	s18 =	sor.u32 s10, s8;
	v0 =	vld [tilespmem:s17+$0x0]  }
0xf6: {  	v1 =	vld [tilespmem:s18+$0x0];
	_ =	sdelay $0x1  }
0xf7: {  	s19 =	simm.s32 $0x0;
	s11 =	sor.u32 $0x10, s10;
	s7 =	sshll.u32 s7, $0x9  }
0xf8: {  	s16 =	sand.u32 $0x3FFFF000, s19;
	s20 =	sor.u32 s11, s8;
	s13 =	sor.u32 $0x20, s10  }
0xf9: {  	s14 =	sor.u32 s7, s16;
	s8 =	sor.u32 s13, s8;
	v3 =	vld [tilespmem:s20+$0x0];
	v0 =	vmul.f32 $3.125000000e-02, v0  }
0xfa: {  	v4 =	vld [tilespmem:s8+$0x0];
	s17 =	sor.u32 s9, s14;
	v2 =	vmul.f32 $3.125000000e-02, v1  }
0xfb: {  	s10 =	sor.u32 s10, s14;
	[tilespmem:s17+$0x0] =	vst.add.f32.msk $0xffff, v0  }
0xfc: {  	s7 =	simm.s32 $0x0;
	s12 =	sor.u32 s11, s14;
	s9 =	sor.u32 $0x80, s17;
	[tilespmem:s10+$0x0] =	vst.add.f32.msk $0xffff, v2  }
0xfd: {  	s15 =	sor.u32 $0x80, s12;
	s16 =	sor.u32 $0x180, s10;
	s18 =	sor.u32 $0x80, s10;
	[tilespmem:s9+$0x0] =	vst.add.f32.msk $0xffff, v0  }
0xfe: {  	s8 =	sor.u32 s13, s14;
	s14 =	sor.u32 $0x100, s12;
	s19 =	sor.u32 $0x100, s17;
	[tilespmem:s18+$0x0] =	vst.add.f32.msk $0xffff, v2  }
0xff: {  	s13 =	sor.u32 $0x180, s12;
	s20 =	sor.u32 $0x180, s17;
	s11 =	sor.u32 $0x80, s8;
	[tilespmem:s19+$0x0] =	vst.add.f32.msk $0xffff, v0  }
0x100: {  	v1 =	vmul.f32 $3.125000000e-02, v3;
	s17 =	sor.u32 $0x100, s10;
	s10 =	sor.u32 $0x100, s8;
	s9 =	sor.u32 $0x180, s8;
	[tilespmem:s20+$0x0] =	vst.add.f32.msk $0xffff, v0;
	v0 =	vmul.f32 $3.125000000e-02, v4  }
.LBB2_8:
0x101: {  	s7 =	sadd.s32 $0x4, s7;
	[tilespmem:s17+$0x0] =	vst.add.f32.msk $0xffff, v2  }
0x102: {  	s17 =	sshrl.u32 s7, $0x3;
	[tilespmem:s16+$0x0] =	vst.add.f32.msk $0xffff, v2  }
0x103: {  	s16 =	sand.u32 $0x7, s17;
	s17 =	sshll.u32 s7, $0x1;
	[tilespmem:s12+$0x0] =	vst.add.f32.msk $0xffff, v1  }
0x104: {  	s6 =	sadd.s32 $0x40, s6;
	s12 =	sshll.u32 s16, $0xA;
	s17 =	sand.u32 $0x3FFFFF80, s17;
	[tilespmem:s15+$0x0] =	vst.add.f32.msk $0xffff, v1  }
0x105: {  	p0 =	slt.u32 s7, $0x1FC;
	s15 =	sand.u32 $0x40, s6;
	s12 =	sadd.s32 s17, s12;
	[tilespmem:s14+$0x0] =	vst.add.f32.msk $0xffff, v1  }
0x106: {  	s14 =	sor.u32 $0x10, s15;
	s17 =	sor.u32 $0x30, s15;
	s12 =	sadd.s32 $0x18000, s12;
	[tilespmem:s13+$0x0] =	vst.add.f32.msk $0xffff, v1  }
0x107: {  	s18 =	sor.u32 $0x20, s15;
	s13 =	sor.u32 s15, s12;
	s19 =	sor.u32 s17, s12;
	[tilespmem:s8+$0x0] =	vst.add.f32.msk $0xffff, v0  }
0x108: {  	s8 =	sor.u32 s14, s12;
	s12 =	sor.u32 s18, s12;
	v1 =	vld [tilespmem:s19+$0x0]  }
0x109: {  	v2 =	vld [tilespmem:s13+$0x0]  }
0x10a: {  	v3 =	vld [tilespmem:s8+$0x0];
	s8 =	sshll.u32 s7, $0x6  }
0x10b: {  	v4 =	vld [tilespmem:s12+$0x0];
	s8 =	sand.u32 $0x3FFFF000, s8;
	s12 =	sshll.u32 s16, $0x9  }
0x10c: {  	[tilespmem:s11+$0x0] =	vst.add.f32.msk $0xffff, v0;
	s8 =	sor.u32 s12, s8  }
0x10d: {  	v5 =	vmul.f32 $3.125000000e-02, v1;
	[tilespmem:s10+$0x0] =	vst.add.f32.msk $0xffff, v0;
	s19 =	sor.u32 s15, s8  }
0x10e: {  	s12 =	sor.u32 s14, s8;
	s10 =	sor.u32 s17, s8;
	s8 =	sor.u32 s18, s8;
	v2 =	vmul.f32 $3.125000000e-02, v2;
	[tilespmem:s9+$0x0] =	vst.add.f32.msk $0xffff, v0  }
0x10f: {  	s20 =	sor.u32 $0x80, s19;
	s9 =	sor.u32 $0x80, s10;
	s17 =	sor.u32 $0x100, s19;
	v1 =	vmul.f32 $3.125000000e-02, v3;
	[tilespmem:s10+$0x0] =	vst.add.f32.msk $0xffff, v5  }
.Ltmp3:
0x110: {  	s16 =	sor.u32 $0x180, s19;
	v0 =	vmul.f32 $3.125000000e-02, v4;
	[tilespmem:s9+$0x0] =	vst.add.f32.msk $0xffff, v5;
	s9 =	sor.u32 $0x100, s10;
	(pc) =	sbr.rel @p0 .LBB2_8-.Ltmp3, $4  }
0x111: {  	s15 =	sor.u32 $0x80, s12;
	s14 =	sor.u32 $0x100, s12;
	[tilespmem:s9+$0x0] =	vst.add.f32.msk $0xffff, v5;
	s9 =	sor.u32 $0x180, s10  }
0x112: {  	s13 =	sor.u32 $0x180, s12;
	s11 =	sor.u32 $0x80, s8;
	s10 =	sor.u32 $0x100, s8;
	[tilespmem:s9+$0x0] =	vst.add.f32.msk $0xffff, v5  }
0x113: {  	s9 =	sor.u32 $0x180, s8;
	[tilespmem:s19+$0x0] =	vst.add.f32.msk $0xffff, v2  }
0x114: {  	[tilespmem:s20+$0x0] =	vst.add.f32.msk $0xffff, v2  }
0x115: {  	[tilespmem:s17+$0x0] =	vst.add.f32.msk $0xffff, v2  }
0x116: {  	[tilespmem:s12+$0x0] =	vst.add.f32.msk $0xffff, v1  }
0x117: {  	[tilespmem:s8+$0x0] =	vst.add.f32.msk $0xffff, v0  }
0x118: {  	[tilespmem:s16+$0x0] =	vst.add.f32.msk $0xffff, v2  }
0x119: {  	[tilespmem:s15+$0x0] =	vst.add.f32.msk $0xffff, v1  }
0x11a: {  	[tilespmem:s11+$0x0] =	vst.add.f32.msk $0xffff, v0  }
0x11b: {  	[tilespmem:s14+$0x0] =	vst.add.f32.msk $0xffff, v1  }
0x11c: {  	[tilespmem:s10+$0x0] =	vst.add.f32.msk $0xffff, v0  }
0x11d: {  	[tilespmem:s13+$0x0] =	vst.add.f32.msk $0xffff, v1  }
0x11e: {  	[tilespmem:s9+$0x0] =	vst.add.f32.msk $0xffff, v0  }
0x11f: {  	s6 =	simm.s32 $0x0;
	s7 =	rddreg [dreg:$0x1b]  }
0x120: {  	[hbm4b:s7+s6] =	stream.linear.scatter [tilespmem:s6], [sflag:$0x7], $0x8000, $0x38;
	[tilespmem:$0x1E000] =	vst v63  }
0x121: {  	_ =	swait.ge [sflag:s4], $0x8000  }
0x122: {  	[sflag:s4] =	ssyncset.done $0x0  }
0x123: {  	s12 =	rddreg [dreg:$0x1e];
	[sflag:s4] =	ssyncadd.s32 $0xFFFF8000  }
0x124: {  	[tilespmem:s26], [sflag:$0x3] =	stream.linear.gather [hbm4b:s12+s6], $0x8000, $0x38;
	[tilespmem:$0x1E000] =	vst v63  }
0x125: {  	s13 =	rddreg [dreg:$0x9]  }
0x126: {  	[tilespmem:s28], [sflag:$0x6] =	stream.linear.gather [hbm4b:s13+s6], $0x2000, $0x38;
	[tilespmem:$0x1E000] =	vst v63  }
0x127: {  	s14 =	simm.s32 $0x0;
	_ =	swait.ge [sflag:s29], $0x8000  }
0x128: {  	s15 =	simm.s32 $0x0;
	s7 =	sand.u32 $0x7, s14;
	[sflag:s29] =	ssyncset.done $0x0  }
0x129: {  	s8 =	sand.u32 $0x3FFFFF80, s15;
	s16 =	sshll.u32 s7, $0xA;
	[sflag:s29] =	ssyncadd.s32 $0xFFFF8000  }
0x12a: {  	s10 =	sand.u32 $0x40, s6;
	s8 =	sadd.s32 s8, s16;
	_ =	swait.ge [sflag:s30], $0x2000  }
0x12b: {  	s9 =	sor.u32 $0x30, s10;
	s8 =	sadd.s32 $0x1A000, s8;
	[sflag:s30] =	ssyncset.done $0x0  }
0x12c: {  	s17 =	sor.u32 s9, s8;
	[sflag:s30] =	ssyncadd.s32 $0xFFFFE000  }
0x12d: {  	s19 =	sor.u32 s10, s8;
	v0 =	vld [tilespmem:s17+$0x0]  }
0x12e: {  	v1 =	vld [tilespmem:s19+$0x0]  }
0x12f: {  	s18 =	simm.s32 $0x0  }
0x130: {  	s11 =	sor.u32 $0x10, s10;
	s7 =	sshll.u32 s7, $0x9;
	s12 =	sand.u32 $0x3FFFF000, s18  }
0x131: {  	s14 =	sor.u32 $0x20, s10;
	s20 =	sor.u32 s11, s8;
	s7 =	sor.u32 s7, s12  }
0x132: {  	s8 =	sor.u32 s14, s8;
	s16 =	sadd.s32 $0x8000, s7;
	v3 =	vld [tilespmem:s20+$0x0];
	v0 =	vmul.f32 $3.125000000e-02, v0  }
0x133: {  	v4 =	vld [tilespmem:s8+$0x0];
	s17 =	sor.u32 s9, s16;
	v2 =	vmul.f32 $3.125000000e-02, v1  }
0x134: {  	s10 =	sor.u32 s10, s16;
	[tilespmem:s17+$0x0] =	vst.add.f32.msk $0xffff, v0  }
0x135: {  	s7 =	simm.s32 $0x0;
	s12 =	sor.u32 s11, s16;
	s9 =	sor.u32 $0x80, s17;
	[tilespmem:s10+$0x0] =	vst.add.f32.msk $0xffff, v2  }
0x136: {  	s18 =	sor.u32 $0x80, s10;
	s15 =	sor.u32 $0x80, s12;
	s13 =	sor.u32 $0x180, s12;
	[tilespmem:s9+$0x0] =	vst.add.f32.msk $0xffff, v0  }
0x137: {  	s8 =	sor.u32 s14, s16;
	s16 =	sor.u32 $0x180, s10;
	s19 =	sor.u32 $0x100, s17;
	[tilespmem:s18+$0x0] =	vst.add.f32.msk $0xffff, v2  }
0x138: {  	s14 =	sor.u32 $0x100, s12;
	s20 =	sor.u32 $0x180, s17;
	s11 =	sor.u32 $0x80, s8;
	[tilespmem:s19+$0x0] =	vst.add.f32.msk $0xffff, v0  }
0x139: {  	v1 =	vmul.f32 $3.125000000e-02, v3;
	s17 =	sor.u32 $0x100, s10;
	s10 =	sor.u32 $0x100, s8;
	s9 =	sor.u32 $0x180, s8;
	[tilespmem:s20+$0x0] =	vst.add.f32.msk $0xffff, v0;
	v0 =	vmul.f32 $3.125000000e-02, v4  }
.LBB2_10:
0x13a: {  	s7 =	sadd.s32 $0x4, s7;
	[tilespmem:s17+$0x0] =	vst.add.f32.msk $0xffff, v2  }
0x13b: {  	s17 =	sshrl.u32 s7, $0x3;
	[tilespmem:s16+$0x0] =	vst.add.f32.msk $0xffff, v2  }
0x13c: {  	s16 =	sand.u32 $0x7, s17;
	s17 =	sshll.u32 s7, $0x1;
	[tilespmem:s12+$0x0] =	vst.add.f32.msk $0xffff, v1  }
0x13d: {  	s6 =	sadd.s32 $0x40, s6;
	s12 =	sshll.u32 s16, $0xA;
	s17 =	sand.u32 $0x3FFFFF80, s17;
	[tilespmem:s15+$0x0] =	vst.add.f32.msk $0xffff, v1  }
0x13e: {  	p0 =	slt.u32 s7, $0x1FC;
	s15 =	sand.u32 $0x40, s6;
	s12 =	sadd.s32 s17, s12;
	[tilespmem:s14+$0x0] =	vst.add.f32.msk $0xffff, v1  }
0x13f: {  	s14 =	sor.u32 $0x10, s15;
	s17 =	sor.u32 $0x30, s15;
	s12 =	sadd.s32 $0x1A000, s12;
	[tilespmem:s13+$0x0] =	vst.add.f32.msk $0xffff, v1  }
0x140: {  	s18 =	sor.u32 $0x20, s15;
	s13 =	sor.u32 s15, s12;
	s19 =	sor.u32 s17, s12;
	[tilespmem:s8+$0x0] =	vst.add.f32.msk $0xffff, v0  }
0x141: {  	s8 =	sor.u32 s14, s12;
	s12 =	sor.u32 s18, s12;
	v1 =	vld [tilespmem:s19+$0x0]  }
0x142: {  	v2 =	vld [tilespmem:s13+$0x0];
	s13 =	sshll.u32 s7, $0x6  }
0x143: {  	v3 =	vld [tilespmem:s8+$0x0];
	s8 =	sand.u32 $0x3FFFF000, s13;
	s13 =	sshll.u32 s16, $0x9  }
0x144: {  	v4 =	vld [tilespmem:s12+$0x0];
	s8 =	sor.u32 s13, s8  }
0x145: {  	[tilespmem:s11+$0x0] =	vst.add.f32.msk $0xffff, v0;
	s8 =	sadd.s32 $0x8000, s8  }
0x146: {  	v5 =	vmul.f32 $3.125000000e-02, v1;
	[tilespmem:s10+$0x0] =	vst.add.f32.msk $0xffff, v0;
	s19 =	sor.u32 s15, s8  }
0x147: {  	s12 =	sor.u32 s14, s8;
	s10 =	sor.u32 s17, s8;
	s8 =	sor.u32 s18, s8;
	v2 =	vmul.f32 $3.125000000e-02, v2;
	[tilespmem:s9+$0x0] =	vst.add.f32.msk $0xffff, v0  }
0x148: {  	s20 =	sor.u32 $0x80, s19;
	s9 =	sor.u32 $0x80, s10;
	s17 =	sor.u32 $0x100, s19;
	v1 =	vmul.f32 $3.125000000e-02, v3;
	[tilespmem:s10+$0x0] =	vst.add.f32.msk $0xffff, v5  }
.Ltmp4:
0x149: {  	s16 =	sor.u32 $0x180, s19;
	v0 =	vmul.f32 $3.125000000e-02, v4;
	[tilespmem:s9+$0x0] =	vst.add.f32.msk $0xffff, v5;
	s9 =	sor.u32 $0x100, s10;
	(pc) =	sbr.rel @p0 .LBB2_10-.Ltmp4, $4  }
0x14a: {  	s15 =	sor.u32 $0x80, s12;
	s14 =	sor.u32 $0x100, s12;
	[tilespmem:s9+$0x0] =	vst.add.f32.msk $0xffff, v5;
	s9 =	sor.u32 $0x180, s10  }
0x14b: {  	s13 =	sor.u32 $0x180, s12;
	s11 =	sor.u32 $0x80, s8;
	s10 =	sor.u32 $0x100, s8;
	[tilespmem:s9+$0x0] =	vst.add.f32.msk $0xffff, v5  }
0x14c: {  	s9 =	sor.u32 $0x180, s8;
	[tilespmem:s19+$0x0] =	vst.add.f32.msk $0xffff, v2  }
0x14d: {  	[tilespmem:s20+$0x0] =	vst.add.f32.msk $0xffff, v2  }
0x14e: {  	[tilespmem:s17+$0x0] =	vst.add.f32.msk $0xffff, v2  }
0x14f: {  	[tilespmem:s12+$0x0] =	vst.add.f32.msk $0xffff, v1  }
0x150: {  	[tilespmem:s8+$0x0] =	vst.add.f32.msk $0xffff, v0  }
0x151: {  	[tilespmem:s16+$0x0] =	vst.add.f32.msk $0xffff, v2  }
0x152: {  	[tilespmem:s15+$0x0] =	vst.add.f32.msk $0xffff, v1  }
0x153: {  	[tilespmem:s11+$0x0] =	vst.add.f32.msk $0xffff, v0  }
0x154: {  	[tilespmem:s14+$0x0] =	vst.add.f32.msk $0xffff, v1  }
0x155: {  	[tilespmem:s10+$0x0] =	vst.add.f32.msk $0xffff, v0  }
0x156: {  	[tilespmem:s13+$0x0] =	vst.add.f32.msk $0xffff, v1  }
0x157: {  	[tilespmem:s9+$0x0] =	vst.add.f32.msk $0xffff, v0  }
0x158: {  	s6 =	simm.s32 $0x0;
	s7 =	rddreg [dreg:$0x1d]  }
0x159: {  	[hbm4b:s7+s6] =	stream.linear.scatter [tilespmem:s22], [sflag:$0x8], $0x8000, $0x38;
	[tilespmem:$0x1E000] =	vst v63  }
0x15a: {  	_ =	swait.ge [sflag:s31], $0x8000  }
0x15b: {  	s12 =	sld [smem:$0x7E9]  }
0x15c: {  	[sflag:s31] =	ssyncset.done $0x0  }
0x15d: {  	[sflag:s31] =	ssyncadd.s32 $0xFFFF8000  }
0x15e: {  	[tilespmem:s6], [sflag:$0x1] =	stream.linear.gather [hbm4b:s12+s6], $0x8000, $0x38;
	[tilespmem:$0x1E000] =	vst v63  }
0x15f: {  	s13 =	rddreg [dreg:$0xa]  }
0x160: {  	[tilespmem:s21], [sflag:$0x4] =	stream.linear.gather [hbm4b:s13+s6], $0x2000, $0x38;
	[tilespmem:$0x1E000] =	vst v63  }
0x161: {  	s14 =	simm.s32 $0x0;
	_ =	swait.ge [sflag:s0], $0x8000  }
0x162: {  	s15 =	simm.s32 $0x0;
	s7 =	sand.u32 $0x7, s14;
	[sflag:s0] =	ssyncset.done $0x0  }
0x163: {  	s8 =	sand.u32 $0x3FFFFF80, s15;
	s16 =	sshll.u32 s7, $0xA;
	[sflag:s0] =	ssyncadd.s32 $0xFFFF8000  }
0x164: {  	s10 =	sand.u32 $0x40, s6;
	s8 =	sadd.s32 s8, s16;
	_ =	swait.ge [sflag:s2], $0x2000  }
0x165: {  	s9 =	sor.u32 $0x30, s10;
	s8 =	sadd.s32 $0x1C000, s8;
	[sflag:s2] =	ssyncset.done $0x0  }
0x166: {  	s17 =	sor.u32 s9, s8;
	[sflag:s2] =	ssyncadd.s32 $0xFFFFE000  }
0x167: {  	s19 =	sor.u32 s10, s8;
	v0 =	vld [tilespmem:s17+$0x0]  }
0x168: {  	v1 =	vld [tilespmem:s19+$0x0]  }
0x169: {  	s18 =	simm.s32 $0x0  }
0x16a: {  	s11 =	sor.u32 $0x10, s10;
	s7 =	sshll.u32 s7, $0x9;
	s12 =	sand.u32 $0x3FFFF000, s18  }
0x16b: {  	s14 =	sor.u32 $0x20, s10;
	s20 =	sor.u32 s11, s8;
	s7 =	sor.u32 s7, s12  }
0x16c: {  	s8 =	sor.u32 s14, s8;
	s16 =	sadd.s32 $0x10000, s7;
	v3 =	vld [tilespmem:s20+$0x0];
	v0 =	vmul.f32 $3.125000000e-02, v0  }
0x16d: {  	v4 =	vld [tilespmem:s8+$0x0];
	s17 =	sor.u32 s9, s16;
	v2 =	vmul.f32 $3.125000000e-02, v1  }
0x16e: {  	s10 =	sor.u32 s10, s16;
	[tilespmem:s17+$0x0] =	vst.add.f32.msk $0xffff, v0  }
0x16f: {  	s7 =	simm.s32 $0x0;
	s12 =	sor.u32 s11, s16;
	s9 =	sor.u32 $0x80, s17;
	[tilespmem:s10+$0x0] =	vst.add.f32.msk $0xffff, v2  }
0x170: {  	s18 =	sor.u32 $0x80, s10;
	s15 =	sor.u32 $0x80, s12;
	s13 =	sor.u32 $0x180, s12;
	[tilespmem:s9+$0x0] =	vst.add.f32.msk $0xffff, v0  }
0x171: {  	s8 =	sor.u32 s14, s16;
	s16 =	sor.u32 $0x180, s10;
	s19 =	sor.u32 $0x100, s17;
	[tilespmem:s18+$0x0] =	vst.add.f32.msk $0xffff, v2  }
0x172: {  	s14 =	sor.u32 $0x100, s12;
	s20 =	sor.u32 $0x180, s17;
	s11 =	sor.u32 $0x80, s8;
	[tilespmem:s19+$0x0] =	vst.add.f32.msk $0xffff, v0  }
0x173: {  	v1 =	vmul.f32 $3.125000000e-02, v3;
	s17 =	sor.u32 $0x100, s10;
	s10 =	sor.u32 $0x100, s8;
	s9 =	sor.u32 $0x180, s8;
	[tilespmem:s20+$0x0] =	vst.add.f32.msk $0xffff, v0;
	v0 =	vmul.f32 $3.125000000e-02, v4  }
.LBB2_12:
0x174: {  	s7 =	sadd.s32 $0x4, s7;
	[tilespmem:s17+$0x0] =	vst.add.f32.msk $0xffff, v2  }
0x175: {  	s17 =	sshrl.u32 s7, $0x3;
	[tilespmem:s16+$0x0] =	vst.add.f32.msk $0xffff, v2  }
0x176: {  	s16 =	sand.u32 $0x7, s17;
	s17 =	sshll.u32 s7, $0x1;
	[tilespmem:s12+$0x0] =	vst.add.f32.msk $0xffff, v1  }
0x177: {  	s6 =	sadd.s32 $0x40, s6;
	s12 =	sshll.u32 s16, $0xA;
	s17 =	sand.u32 $0x3FFFFF80, s17;
	[tilespmem:s15+$0x0] =	vst.add.f32.msk $0xffff, v1  }
0x178: {  	p0 =	slt.u32 s7, $0x1FC;
	s15 =	sand.u32 $0x40, s6;
	s12 =	sadd.s32 s17, s12;
	[tilespmem:s14+$0x0] =	vst.add.f32.msk $0xffff, v1  }
0x179: {  	s14 =	sor.u32 $0x10, s15;
	s17 =	sor.u32 $0x30, s15;
	s12 =	sadd.s32 $0x1C000, s12;
	[tilespmem:s13+$0x0] =	vst.add.f32.msk $0xffff, v1  }
0x17a: {  	s18 =	sor.u32 $0x20, s15;
	s13 =	sor.u32 s15, s12;
	s19 =	sor.u32 s17, s12;
	[tilespmem:s8+$0x0] =	vst.add.f32.msk $0xffff, v0  }
0x17b: {  	s8 =	sor.u32 s14, s12;
	s12 =	sor.u32 s18, s12;
	v1 =	vld [tilespmem:s19+$0x0]  }
0x17c: {  	v2 =	vld [tilespmem:s13+$0x0];
	s13 =	sshll.u32 s7, $0x6  }
0x17d: {  	v3 =	vld [tilespmem:s8+$0x0];
	s8 =	sand.u32 $0x3FFFF000, s13;
	s13 =	sshll.u32 s16, $0x9  }
0x17e: {  	v4 =	vld [tilespmem:s12+$0x0];
	s8 =	sor.u32 s13, s8  }
0x17f: {  	[tilespmem:s11+$0x0] =	vst.add.f32.msk $0xffff, v0;
	s8 =	sadd.s32 $0x10000, s8  }
0x180: {  	v5 =	vmul.f32 $3.125000000e-02, v1;
	[tilespmem:s10+$0x0] =	vst.add.f32.msk $0xffff, v0;
	s19 =	sor.u32 s15, s8  }
0x181: {  	s12 =	sor.u32 s14, s8;
	s10 =	sor.u32 s17, s8;
	s8 =	sor.u32 s18, s8;
	v2 =	vmul.f32 $3.125000000e-02, v2;
	[tilespmem:s9+$0x0] =	vst.add.f32.msk $0xffff, v0  }
0x182: {  	s20 =	sor.u32 $0x80, s19;
	s9 =	sor.u32 $0x80, s10;
	s17 =	sor.u32 $0x100, s19;
	v1 =	vmul.f32 $3.125000000e-02, v3;
	[tilespmem:s10+$0x0] =	vst.add.f32.msk $0xffff, v5  }
.Ltmp5:
0x183: {  	s16 =	sor.u32 $0x180, s19;
	v0 =	vmul.f32 $3.125000000e-02, v4;
	[tilespmem:s9+$0x0] =	vst.add.f32.msk $0xffff, v5;
	s9 =	sor.u32 $0x100, s10;
	(pc) =	sbr.rel @p0 .LBB2_12-.Ltmp5, $4  }
0x184: {  	s15 =	sor.u32 $0x80, s12;
	s14 =	sor.u32 $0x100, s12;
	[tilespmem:s9+$0x0] =	vst.add.f32.msk $0xffff, v5;
	s9 =	sor.u32 $0x180, s10  }
0x185: {  	s13 =	sor.u32 $0x180, s12;
	s11 =	sor.u32 $0x80, s8;
	s10 =	sor.u32 $0x100, s8;
	[tilespmem:s9+$0x0] =	vst.add.f32.msk $0xffff, v5  }
0x186: {  	s9 =	sor.u32 $0x180, s8;
	[tilespmem:s19+$0x0] =	vst.add.f32.msk $0xffff, v2  }
0x187: {  	[tilespmem:s20+$0x0] =	vst.add.f32.msk $0xffff, v2  }
0x188: {  	[tilespmem:s17+$0x0] =	vst.add.f32.msk $0xffff, v2  }
0x189: {  	[tilespmem:s12+$0x0] =	vst.add.f32.msk $0xffff, v1  }
0x18a: {  	[tilespmem:s8+$0x0] =	vst.add.f32.msk $0xffff, v0  }
0x18b: {  	[tilespmem:s16+$0x0] =	vst.add.f32.msk $0xffff, v2  }
0x18c: {  	[tilespmem:s15+$0x0] =	vst.add.f32.msk $0xffff, v1  }
0x18d: {  	[tilespmem:s11+$0x0] =	vst.add.f32.msk $0xffff, v0  }
0x18e: {  	[tilespmem:s14+$0x0] =	vst.add.f32.msk $0xffff, v1  }
0x18f: {  	[tilespmem:s10+$0x0] =	vst.add.f32.msk $0xffff, v0  }
0x190: {  	[tilespmem:s13+$0x0] =	vst.add.f32.msk $0xffff, v1  }
0x191: {  	[tilespmem:s9+$0x0] =	vst.add.f32.msk $0xffff, v0  }
0x192: {  	s6 =	simm.s32 $0x0;
	s7 =	rddreg [dreg:$0x1f]  }
0x193: {  	[hbm4b:s7+s6] =	stream.linear.scatter [tilespmem:s26], [sflag:$0x9], $0x8000, $0x38;
	[tilespmem:$0x1E000] =	vst v63  }
0x194: {  	_ =	swait.ge [sflag:s3], $0x8000  }
0x195: {  	s12 =	sld [smem:$0x7EB]  }
0x196: {  	[sflag:s3] =	ssyncset.done $0x0  }
0x197: {  	[sflag:s3] =	ssyncadd.s32 $0xFFFF8000  }
0x198: {  	[tilespmem:s22], [sflag:$0x2] =	stream.linear.gather [hbm4b:s12+s6], $0x8000, $0x38;
	[tilespmem:$0x1E000] =	vst v63  }
0x199: {  	s13 =	rddreg [dreg:$0xb]  }
0x19a: {  	[tilespmem:s23], [sflag:$0x5] =	stream.linear.gather [hbm4b:s13+s6], $0x2000, $0x38;
	[tilespmem:$0x1E000] =	vst v63  }
0x19b: {  	s14 =	simm.s32 $0x0;
	_ =	swait.ge [sflag:s24], $0x8000  }
0x19c: {  	s15 =	simm.s32 $0x0;
	s7 =	sand.u32 $0x7, s14;
	[sflag:s24] =	ssyncset.done $0x0  }
0x19d: {  	s8 =	sand.u32 $0x3FFFFF80, s15;
	s16 =	sshll.u32 s7, $0xA;
	[sflag:s24] =	ssyncadd.s32 $0xFFFF8000  }
0x19e: {  	s10 =	sand.u32 $0x40, s6;
	s8 =	sadd.s32 s8, s16;
	_ =	swait.ge [sflag:s25], $0x2000  }
0x19f: {  	s9 =	sor.u32 $0x30, s10;
	s8 =	sadd.s32 $0x18000, s8;
	[sflag:s25] =	ssyncset.done $0x0  }
0x1a0: {  	s17 =	sor.u32 s9, s8;
	[sflag:s25] =	ssyncadd.s32 $0xFFFFE000  }
0x1a1: {  	s18 =	sor.u32 s10, s8;
	v0 =	vld [tilespmem:s17+$0x0]  }
0x1a2: {  	v1 =	vld [tilespmem:s18+$0x0];
	_ =	sdelay $0x1  }
0x1a3: {  	s19 =	simm.s32 $0x0;
	s11 =	sor.u32 $0x10, s10;
	s7 =	sshll.u32 s7, $0x9  }
0x1a4: {  	s16 =	sand.u32 $0x3FFFF000, s19;
	s20 =	sor.u32 s11, s8;
	s13 =	sor.u32 $0x20, s10  }
0x1a5: {  	s14 =	sor.u32 s7, s16;
	s8 =	sor.u32 s13, s8;
	v3 =	vld [tilespmem:s20+$0x0];
	v0 =	vmul.f32 $3.125000000e-02, v0  }
0x1a6: {  	v4 =	vld [tilespmem:s8+$0x0];
	s17 =	sor.u32 s9, s14;
	v2 =	vmul.f32 $3.125000000e-02, v1  }
0x1a7: {  	s10 =	sor.u32 s10, s14;
	[tilespmem:s17+$0x0] =	vst.add.f32.msk $0xffff, v0  }
0x1a8: {  	s7 =	simm.s32 $0x0;
	s12 =	sor.u32 s11, s14;
	s9 =	sor.u32 $0x80, s17;
	[tilespmem:s10+$0x0] =	vst.add.f32.msk $0xffff, v2  }
0x1a9: {  	s15 =	sor.u32 $0x80, s12;
	s16 =	sor.u32 $0x180, s10;
	s18 =	sor.u32 $0x80, s10;
	[tilespmem:s9+$0x0] =	vst.add.f32.msk $0xffff, v0  }
0x1aa: {  	s8 =	sor.u32 s13, s14;
	s14 =	sor.u32 $0x100, s12;
	s19 =	sor.u32 $0x100, s17;
	[tilespmem:s18+$0x0] =	vst.add.f32.msk $0xffff, v2  }
0x1ab: {  	s13 =	sor.u32 $0x180, s12;
	s20 =	sor.u32 $0x180, s17;
	s11 =	sor.u32 $0x80, s8;
	[tilespmem:s19+$0x0] =	vst.add.f32.msk $0xffff, v0  }
0x1ac: {  	v1 =	vmul.f32 $3.125000000e-02, v3;
	s17 =	sor.u32 $0x100, s10;
	s10 =	sor.u32 $0x100, s8;
	s9 =	sor.u32 $0x180, s8;
	[tilespmem:s20+$0x0] =	vst.add.f32.msk $0xffff, v0;
	v0 =	vmul.f32 $3.125000000e-02, v4  }
.LBB2_14:
0x1ad: {  	s7 =	sadd.s32 $0x4, s7;
	[tilespmem:s17+$0x0] =	vst.add.f32.msk $0xffff, v2  }
0x1ae: {  	s17 =	sshrl.u32 s7, $0x3;
	[tilespmem:s16+$0x0] =	vst.add.f32.msk $0xffff, v2  }
0x1af: {  	s16 =	sand.u32 $0x7, s17;
	s17 =	sshll.u32 s7, $0x1;
	[tilespmem:s12+$0x0] =	vst.add.f32.msk $0xffff, v1  }
0x1b0: {  	s6 =	sadd.s32 $0x40, s6;
	s12 =	sshll.u32 s16, $0xA;
	s17 =	sand.u32 $0x3FFFFF80, s17;
	[tilespmem:s15+$0x0] =	vst.add.f32.msk $0xffff, v1  }
0x1b1: {  	p0 =	slt.u32 s7, $0x1FC;
	s15 =	sand.u32 $0x40, s6;
	s12 =	sadd.s32 s17, s12;
	[tilespmem:s14+$0x0] =	vst.add.f32.msk $0xffff, v1  }
0x1b2: {  	s14 =	sor.u32 $0x10, s15;
	s17 =	sor.u32 $0x30, s15;
	s12 =	sadd.s32 $0x18000, s12;
	[tilespmem:s13+$0x0] =	vst.add.f32.msk $0xffff, v1  }
0x1b3: {  	s18 =	sor.u32 $0x20, s15;
	s13 =	sor.u32 s15, s12;
	s19 =	sor.u32 s17, s12;
	[tilespmem:s8+$0x0] =	vst.add.f32.msk $0xffff, v0  }
0x1b4: {  	s8 =	sor.u32 s14, s12;
	s12 =	sor.u32 s18, s12;
	v1 =	vld [tilespmem:s19+$0x0]  }
0x1b5: {  	v2 =	vld [tilespmem:s13+$0x0]  }
0x1b6: {  	v3 =	vld [tilespmem:s8+$0x0];
	s8 =	sshll.u32 s7, $0x6  }
0x1b7: {  	v4 =	vld [tilespmem:s12+$0x0];
	s8 =	sand.u32 $0x3FFFF000, s8;
	s12 =	sshll.u32 s16, $0x9  }
0x1b8: {  	[tilespmem:s11+$0x0] =	vst.add.f32.msk $0xffff, v0;
	s8 =	sor.u32 s12, s8  }
0x1b9: {  	v5 =	vmul.f32 $3.125000000e-02, v1;
	[tilespmem:s10+$0x0] =	vst.add.f32.msk $0xffff, v0;
	s19 =	sor.u32 s15, s8  }
0x1ba: {  	s12 =	sor.u32 s14, s8;
	s10 =	sor.u32 s17, s8;
	s8 =	sor.u32 s18, s8;
	v2 =	vmul.f32 $3.125000000e-02, v2;
	[tilespmem:s9+$0x0] =	vst.add.f32.msk $0xffff, v0  }
0x1bb: {  	s20 =	sor.u32 $0x80, s19;
	s9 =	sor.u32 $0x80, s10;
	s17 =	sor.u32 $0x100, s19;
	v1 =	vmul.f32 $3.125000000e-02, v3;
	[tilespmem:s10+$0x0] =	vst.add.f32.msk $0xffff, v5  }
.Ltmp6:
0x1bc: {  	s16 =	sor.u32 $0x180, s19;
	v0 =	vmul.f32 $3.125000000e-02, v4;
	[tilespmem:s9+$0x0] =	vst.add.f32.msk $0xffff, v5;
	s9 =	sor.u32 $0x100, s10;
	(pc) =	sbr.rel @p0 .LBB2_14-.Ltmp6, $4  }
0x1bd: {  	s15 =	sor.u32 $0x80, s12;
	s14 =	sor.u32 $0x100, s12;
	[tilespmem:s9+$0x0] =	vst.add.f32.msk $0xffff, v5;
	s9 =	sor.u32 $0x180, s10  }
0x1be: {  	s13 =	sor.u32 $0x180, s12;
	s11 =	sor.u32 $0x80, s8;
	s10 =	sor.u32 $0x100, s8;
	[tilespmem:s9+$0x0] =	vst.add.f32.msk $0xffff, v5  }
0x1bf: {  	s9 =	sor.u32 $0x180, s8;
	[tilespmem:s19+$0x0] =	vst.add.f32.msk $0xffff, v2  }
0x1c0: {  	[tilespmem:s20+$0x0] =	vst.add.f32.msk $0xffff, v2  }
0x1c1: {  	[tilespmem:s17+$0x0] =	vst.add.f32.msk $0xffff, v2  }
0x1c2: {  	[tilespmem:s12+$0x0] =	vst.add.f32.msk $0xffff, v1  }
0x1c3: {  	[tilespmem:s8+$0x0] =	vst.add.f32.msk $0xffff, v0  }
0x1c4: {  	[tilespmem:s16+$0x0] =	vst.add.f32.msk $0xffff, v2  }
0x1c5: {  	[tilespmem:s15+$0x0] =	vst.add.f32.msk $0xffff, v1  }
0x1c6: {  	[tilespmem:s11+$0x0] =	vst.add.f32.msk $0xffff, v0  }
0x1c7: {  	[tilespmem:s14+$0x0] =	vst.add.f32.msk $0xffff, v1  }
0x1c8: {  	[tilespmem:s10+$0x0] =	vst.add.f32.msk $0xffff, v0  }
0x1c9: {  	[tilespmem:s13+$0x0] =	vst.add.f32.msk $0xffff, v1  }
0x1ca: {  	[tilespmem:s9+$0x0] =	vst.add.f32.msk $0xffff, v0  }
0x1cb: {  	s7 =	sld [smem:$0x7EA];
	_ =	sdelay $0x1  }
0x1cc: {  	s6 =	simm.s32 $0x0  }
0x1cd: {  	[hbm4b:s7+s6] =	stream.linear.scatter [tilespmem:s6], [sflag:$0x7], $0x8000, $0x38;
	[tilespmem:$0x1E000] =	vst v63  }
0x1ce: {  	_ =	swait.ge [sflag:s4], $0x8000  }
0x1cf: {  	s12 =	sld [smem:$0x7ED]  }
0x1d0: {  	[sflag:s4] =	ssyncset.done $0x0  }
0x1d1: {  	[sflag:s4] =	ssyncadd.s32 $0xFFFF8000  }
0x1d2: {  	[tilespmem:s26], [sflag:$0x3] =	stream.linear.gather [hbm4b:s12+s6], $0x8000, $0x38;
	[tilespmem:$0x1E000] =	vst v63  }
0x1d3: {  	s13 =	rddreg [dreg:$0xc]  }
0x1d4: {  	[tilespmem:s28], [sflag:$0x6] =	stream.linear.gather [hbm4b:s13+s6], $0x2000, $0x38;
	[tilespmem:$0x1E000] =	vst v63  }
0x1d5: {  	s14 =	simm.s32 $0x0;
	_ =	swait.ge [sflag:s29], $0x8000  }
0x1d6: {  	s15 =	simm.s32 $0x0;
	s7 =	sand.u32 $0x7, s14;
	[sflag:s29] =	ssyncset.done $0x0  }
0x1d7: {  	s8 =	sand.u32 $0x3FFFFF80, s15;
	s16 =	sshll.u32 s7, $0xA;
	[sflag:s29] =	ssyncadd.s32 $0xFFFF8000  }
0x1d8: {  	s10 =	sand.u32 $0x40, s6;
	s8 =	sadd.s32 s8, s16;
	_ =	swait.ge [sflag:s30], $0x2000  }
0x1d9: {  	s9 =	sor.u32 $0x30, s10;
	s8 =	sadd.s32 $0x1A000, s8;
	[sflag:s30] =	ssyncset.done $0x0  }
0x1da: {  	s17 =	sor.u32 s9, s8;
	[sflag:s30] =	ssyncadd.s32 $0xFFFFE000  }
0x1db: {  	s19 =	sor.u32 s10, s8;
	v0 =	vld [tilespmem:s17+$0x0]  }
0x1dc: {  	v1 =	vld [tilespmem:s19+$0x0]  }
0x1dd: {  	s18 =	simm.s32 $0x0  }
0x1de: {  	s11 =	sor.u32 $0x10, s10;
	s7 =	sshll.u32 s7, $0x9;
	s12 =	sand.u32 $0x3FFFF000, s18  }
0x1df: {  	s14 =	sor.u32 $0x20, s10;
	s20 =	sor.u32 s11, s8;
	s7 =	sor.u32 s7, s12  }
0x1e0: {  	s8 =	sor.u32 s14, s8;
	s16 =	sadd.s32 $0x8000, s7;
	v3 =	vld [tilespmem:s20+$0x0];
	v0 =	vmul.f32 $3.125000000e-02, v0  }
0x1e1: {  	v4 =	vld [tilespmem:s8+$0x0];
	s17 =	sor.u32 s9, s16;
	v2 =	vmul.f32 $3.125000000e-02, v1  }
0x1e2: {  	s10 =	sor.u32 s10, s16;
	[tilespmem:s17+$0x0] =	vst.add.f32.msk $0xffff, v0  }
0x1e3: {  	s7 =	simm.s32 $0x0;
	s12 =	sor.u32 s11, s16;
	s9 =	sor.u32 $0x80, s17;
	[tilespmem:s10+$0x0] =	vst.add.f32.msk $0xffff, v2  }
0x1e4: {  	s18 =	sor.u32 $0x80, s10;
	s15 =	sor.u32 $0x80, s12;
	s13 =	sor.u32 $0x180, s12;
	[tilespmem:s9+$0x0] =	vst.add.f32.msk $0xffff, v0  }
0x1e5: {  	s8 =	sor.u32 s14, s16;
	s16 =	sor.u32 $0x180, s10;
	s19 =	sor.u32 $0x100, s17;
	[tilespmem:s18+$0x0] =	vst.add.f32.msk $0xffff, v2  }
0x1e6: {  	s14 =	sor.u32 $0x100, s12;
	s20 =	sor.u32 $0x180, s17;
	s11 =	sor.u32 $0x80, s8;
	[tilespmem:s19+$0x0] =	vst.add.f32.msk $0xffff, v0  }
0x1e7: {  	v1 =	vmul.f32 $3.125000000e-02, v3;
	s17 =	sor.u32 $0x100, s10;
	s10 =	sor.u32 $0x100, s8;
	s9 =	sor.u32 $0x180, s8;
	[tilespmem:s20+$0x0] =	vst.add.f32.msk $0xffff, v0;
	v0 =	vmul.f32 $3.125000000e-02, v4  }
.LBB2_16:
0x1e8: {  	s7 =	sadd.s32 $0x4, s7;
	[tilespmem:s17+$0x0] =	vst.add.f32.msk $0xffff, v2  }
0x1e9: {  	s17 =	sshrl.u32 s7, $0x3;
	[tilespmem:s16+$0x0] =	vst.add.f32.msk $0xffff, v2  }
0x1ea: {  	s16 =	sand.u32 $0x7, s17;
	s17 =	sshll.u32 s7, $0x1;
	[tilespmem:s12+$0x0] =	vst.add.f32.msk $0xffff, v1  }
0x1eb: {  	s6 =	sadd.s32 $0x40, s6;
	s12 =	sshll.u32 s16, $0xA;
	s17 =	sand.u32 $0x3FFFFF80, s17;
	[tilespmem:s15+$0x0] =	vst.add.f32.msk $0xffff, v1  }
0x1ec: {  	p0 =	slt.u32 s7, $0x1FC;
	s15 =	sand.u32 $0x40, s6;
	s12 =	sadd.s32 s17, s12;
	[tilespmem:s14+$0x0] =	vst.add.f32.msk $0xffff, v1  }
0x1ed: {  	s14 =	sor.u32 $0x10, s15;
	s17 =	sor.u32 $0x30, s15;
	s12 =	sadd.s32 $0x1A000, s12;
	[tilespmem:s13+$0x0] =	vst.add.f32.msk $0xffff, v1  }
0x1ee: {  	s18 =	sor.u32 $0x20, s15;
	s13 =	sor.u32 s15, s12;
	s19 =	sor.u32 s17, s12;
	[tilespmem:s8+$0x0] =	vst.add.f32.msk $0xffff, v0  }
0x1ef: {  	s8 =	sor.u32 s14, s12;
	s12 =	sor.u32 s18, s12;
	v1 =	vld [tilespmem:s19+$0x0]  }
0x1f0: {  	v2 =	vld [tilespmem:s13+$0x0];
	s13 =	sshll.u32 s7, $0x6  }
0x1f1: {  	v3 =	vld [tilespmem:s8+$0x0];
	s8 =	sand.u32 $0x3FFFF000, s13;
	s13 =	sshll.u32 s16, $0x9  }
0x1f2: {  	v4 =	vld [tilespmem:s12+$0x0];
	s8 =	sor.u32 s13, s8  }
0x1f3: {  	[tilespmem:s11+$0x0] =	vst.add.f32.msk $0xffff, v0;
	s8 =	sadd.s32 $0x8000, s8  }
0x1f4: {  	v5 =	vmul.f32 $3.125000000e-02, v1;
	[tilespmem:s10+$0x0] =	vst.add.f32.msk $0xffff, v0;
	s19 =	sor.u32 s15, s8  }
0x1f5: {  	s12 =	sor.u32 s14, s8;
	s10 =	sor.u32 s17, s8;
	s8 =	sor.u32 s18, s8;
	v2 =	vmul.f32 $3.125000000e-02, v2;
	[tilespmem:s9+$0x0] =	vst.add.f32.msk $0xffff, v0  }
0x1f6: {  	s20 =	sor.u32 $0x80, s19;
	s9 =	sor.u32 $0x80, s10;
	s17 =	sor.u32 $0x100, s19;
	v1 =	vmul.f32 $3.125000000e-02, v3;
	[tilespmem:s10+$0x0] =	vst.add.f32.msk $0xffff, v5  }
.Ltmp7:
0x1f7: {  	s16 =	sor.u32 $0x180, s19;
	v0 =	vmul.f32 $3.125000000e-02, v4;
	[tilespmem:s9+$0x0] =	vst.add.f32.msk $0xffff, v5;
	s9 =	sor.u32 $0x100, s10;
	(pc) =	sbr.rel @p0 .LBB2_16-.Ltmp7, $4  }
0x1f8: {  	s15 =	sor.u32 $0x80, s12;
	s14 =	sor.u32 $0x100, s12;
	[tilespmem:s9+$0x0] =	vst.add.f32.msk $0xffff, v5;
	s9 =	sor.u32 $0x180, s10  }
0x1f9: {  	s13 =	sor.u32 $0x180, s12;
	s11 =	sor.u32 $0x80, s8;
	s10 =	sor.u32 $0x100, s8;
	[tilespmem:s9+$0x0] =	vst.add.f32.msk $0xffff, v5  }
0x1fa: {  	s9 =	sor.u32 $0x180, s8;
	[tilespmem:s19+$0x0] =	vst.add.f32.msk $0xffff, v2  }
0x1fb: {  	[tilespmem:s20+$0x0] =	vst.add.f32.msk $0xffff, v2  }
0x1fc: {  	[tilespmem:s17+$0x0] =	vst.add.f32.msk $0xffff, v2  }
0x1fd: {  	[tilespmem:s12+$0x0] =	vst.add.f32.msk $0xffff, v1  }
0x1fe: {  	[tilespmem:s8+$0x0] =	vst.add.f32.msk $0xffff, v0  }
0x1ff: {  	[tilespmem:s16+$0x0] =	vst.add.f32.msk $0xffff, v2  }
0x200: {  	[tilespmem:s15+$0x0] =	vst.add.f32.msk $0xffff, v1  }
0x201: {  	[tilespmem:s11+$0x0] =	vst.add.f32.msk $0xffff, v0  }
0x202: {  	[tilespmem:s14+$0x0] =	vst.add.f32.msk $0xffff, v1  }
0x203: {  	[tilespmem:s10+$0x0] =	vst.add.f32.msk $0xffff, v0  }
0x204: {  	[tilespmem:s13+$0x0] =	vst.add.f32.msk $0xffff, v1  }
0x205: {  	[tilespmem:s9+$0x0] =	vst.add.f32.msk $0xffff, v0  }
0x206: {  	s7 =	sld [smem:$0x7EC];
	_ =	sdelay $0x1  }
0x207: {  	s6 =	simm.s32 $0x0  }
0x208: {  	[hbm4b:s7+s6] =	stream.linear.scatter [tilespmem:s22], [sflag:$0x8], $0x8000, $0x38;
	[tilespmem:$0x1E000] =	vst v63  }
0x209: {  	_ =	swait.ge [sflag:s31], $0x8000  }
0x20a: {  	s12 =	sld [smem:$0x7EF]  }
0x20b: {  	[sflag:s31] =	ssyncset.done $0x0  }
0x20c: {  	[sflag:s31] =	ssyncadd.s32 $0xFFFF8000  }
0x20d: {  	[tilespmem:s6], [sflag:$0x1] =	stream.linear.gather [hbm4b:s12+s6], $0x8000, $0x38;
	[tilespmem:$0x1E000] =	vst v63  }
0x20e: {  	s13 =	rddreg [dreg:$0xd]  }
0x20f: {  	[tilespmem:s21], [sflag:$0x4] =	stream.linear.gather [hbm4b:s13+s6], $0x2000, $0x38;
	[tilespmem:$0x1E000] =	vst v63  }
0x210: {  	s14 =	simm.s32 $0x0;
	_ =	swait.ge [sflag:s0], $0x8000  }
0x211: {  	s15 =	simm.s32 $0x0;
	s7 =	sand.u32 $0x7, s14;
	[sflag:s0] =	ssyncset.done $0x0  }
0x212: {  	s8 =	sand.u32 $0x3FFFFF80, s15;
	s16 =	sshll.u32 s7, $0xA;
	[sflag:s0] =	ssyncadd.s32 $0xFFFF8000  }
0x213: {  	s10 =	sand.u32 $0x40, s6;
	s8 =	sadd.s32 s8, s16;
	_ =	swait.ge [sflag:s2], $0x2000  }
0x214: {  	s9 =	sor.u32 $0x30, s10;
	s8 =	sadd.s32 $0x1C000, s8;
	[sflag:s2] =	ssyncset.done $0x0  }
0x215: {  	s17 =	sor.u32 s9, s8;
	[sflag:s2] =	ssyncadd.s32 $0xFFFFE000  }
0x216: {  	s19 =	sor.u32 s10, s8;
	v0 =	vld [tilespmem:s17+$0x0]  }
0x217: {  	v1 =	vld [tilespmem:s19+$0x0]  }
0x218: {  	s18 =	simm.s32 $0x0  }
0x219: {  	s11 =	sor.u32 $0x10, s10;
	s7 =	sshll.u32 s7, $0x9;
	s12 =	sand.u32 $0x3FFFF000, s18  }
0x21a: {  	s14 =	sor.u32 $0x20, s10;
	s20 =	sor.u32 s11, s8;
	s7 =	sor.u32 s7, s12  }
0x21b: {  	s8 =	sor.u32 s14, s8;
	s16 =	sadd.s32 $0x10000, s7;
	v3 =	vld [tilespmem:s20+$0x0];
	v0 =	vmul.f32 $3.125000000e-02, v0  }
0x21c: {  	v4 =	vld [tilespmem:s8+$0x0];
	s17 =	sor.u32 s9, s16;
	v2 =	vmul.f32 $3.125000000e-02, v1  }
0x21d: {  	s10 =	sor.u32 s10, s16;
	[tilespmem:s17+$0x0] =	vst.add.f32.msk $0xffff, v0  }
0x21e: {  	s7 =	simm.s32 $0x0;
	s12 =	sor.u32 s11, s16;
	s9 =	sor.u32 $0x80, s17;
	[tilespmem:s10+$0x0] =	vst.add.f32.msk $0xffff, v2  }
0x21f: {  	s18 =	sor.u32 $0x80, s10;
	s15 =	sor.u32 $0x80, s12;
	s13 =	sor.u32 $0x180, s12;
	[tilespmem:s9+$0x0] =	vst.add.f32.msk $0xffff, v0  }
0x220: {  	s8 =	sor.u32 s14, s16;
	s16 =	sor.u32 $0x180, s10;
	s19 =	sor.u32 $0x100, s17;
	[tilespmem:s18+$0x0] =	vst.add.f32.msk $0xffff, v2  }
0x221: {  	s14 =	sor.u32 $0x100, s12;
	s20 =	sor.u32 $0x180, s17;
	s11 =	sor.u32 $0x80, s8;
	[tilespmem:s19+$0x0] =	vst.add.f32.msk $0xffff, v0  }
0x222: {  	v1 =	vmul.f32 $3.125000000e-02, v3;
	s17 =	sor.u32 $0x100, s10;
	s10 =	sor.u32 $0x100, s8;
	s9 =	sor.u32 $0x180, s8;
	[tilespmem:s20+$0x0] =	vst.add.f32.msk $0xffff, v0;
	v0 =	vmul.f32 $3.125000000e-02, v4  }
.LBB2_18:
0x223: {  	s7 =	sadd.s32 $0x4, s7;
	[tilespmem:s17+$0x0] =	vst.add.f32.msk $0xffff, v2  }
0x224: {  	s17 =	sshrl.u32 s7, $0x3;
	[tilespmem:s16+$0x0] =	vst.add.f32.msk $0xffff, v2  }
0x225: {  	s16 =	sand.u32 $0x7, s17;
	s17 =	sshll.u32 s7, $0x1;
	[tilespmem:s12+$0x0] =	vst.add.f32.msk $0xffff, v1  }
0x226: {  	s6 =	sadd.s32 $0x40, s6;
	s12 =	sshll.u32 s16, $0xA;
	s17 =	sand.u32 $0x3FFFFF80, s17;
	[tilespmem:s15+$0x0] =	vst.add.f32.msk $0xffff, v1  }
0x227: {  	p0 =	slt.u32 s7, $0x1FC;
	s15 =	sand.u32 $0x40, s6;
	s12 =	sadd.s32 s17, s12;
	[tilespmem:s14+$0x0] =	vst.add.f32.msk $0xffff, v1  }
0x228: {  	s14 =	sor.u32 $0x10, s15;
	s17 =	sor.u32 $0x30, s15;
	s12 =	sadd.s32 $0x1C000, s12;
	[tilespmem:s13+$0x0] =	vst.add.f32.msk $0xffff, v1  }
0x229: {  	s18 =	sor.u32 $0x20, s15;
	s13 =	sor.u32 s15, s12;
	s19 =	sor.u32 s17, s12;
	[tilespmem:s8+$0x0] =	vst.add.f32.msk $0xffff, v0  }
0x22a: {  	s8 =	sor.u32 s14, s12;
	s12 =	sor.u32 s18, s12;
	v1 =	vld [tilespmem:s19+$0x0]  }
0x22b: {  	v2 =	vld [tilespmem:s13+$0x0];
	s13 =	sshll.u32 s7, $0x6  }
0x22c: {  	v3 =	vld [tilespmem:s8+$0x0];
	s8 =	sand.u32 $0x3FFFF000, s13;
	s13 =	sshll.u32 s16, $0x9  }
0x22d: {  	v4 =	vld [tilespmem:s12+$0x0];
	s8 =	sor.u32 s13, s8  }
0x22e: {  	[tilespmem:s11+$0x0] =	vst.add.f32.msk $0xffff, v0;
	s8 =	sadd.s32 $0x10000, s8  }
0x22f: {  	v5 =	vmul.f32 $3.125000000e-02, v1;
	[tilespmem:s10+$0x0] =	vst.add.f32.msk $0xffff, v0;
	s19 =	sor.u32 s15, s8  }
0x230: {  	s12 =	sor.u32 s14, s8;
	s10 =	sor.u32 s17, s8;
	s8 =	sor.u32 s18, s8;
	v2 =	vmul.f32 $3.125000000e-02, v2;
	[tilespmem:s9+$0x0] =	vst.add.f32.msk $0xffff, v0  }
0x231: {  	s20 =	sor.u32 $0x80, s19;
	s9 =	sor.u32 $0x80, s10;
	s17 =	sor.u32 $0x100, s19;
	v1 =	vmul.f32 $3.125000000e-02, v3;
	[tilespmem:s10+$0x0] =	vst.add.f32.msk $0xffff, v5  }
.Ltmp8:
0x232: {  	s16 =	sor.u32 $0x180, s19;
	v0 =	vmul.f32 $3.125000000e-02, v4;
	[tilespmem:s9+$0x0] =	vst.add.f32.msk $0xffff, v5;
	s9 =	sor.u32 $0x100, s10;
	(pc) =	sbr.rel @p0 .LBB2_18-.Ltmp8, $4  }
0x233: {  	s15 =	sor.u32 $0x80, s12;
	s14 =	sor.u32 $0x100, s12;
	[tilespmem:s9+$0x0] =	vst.add.f32.msk $0xffff, v5;
	s9 =	sor.u32 $0x180, s10  }
0x234: {  	s13 =	sor.u32 $0x180, s12;
	s11 =	sor.u32 $0x80, s8;
	s10 =	sor.u32 $0x100, s8;
	[tilespmem:s9+$0x0] =	vst.add.f32.msk $0xffff, v5  }
0x235: {  	s9 =	sor.u32 $0x180, s8;
	[tilespmem:s19+$0x0] =	vst.add.f32.msk $0xffff, v2  }
0x236: {  	[tilespmem:s20+$0x0] =	vst.add.f32.msk $0xffff, v2  }
0x237: {  	[tilespmem:s17+$0x0] =	vst.add.f32.msk $0xffff, v2  }
0x238: {  	[tilespmem:s12+$0x0] =	vst.add.f32.msk $0xffff, v1  }
0x239: {  	[tilespmem:s8+$0x0] =	vst.add.f32.msk $0xffff, v0  }
0x23a: {  	[tilespmem:s16+$0x0] =	vst.add.f32.msk $0xffff, v2  }
0x23b: {  	[tilespmem:s15+$0x0] =	vst.add.f32.msk $0xffff, v1  }
0x23c: {  	[tilespmem:s11+$0x0] =	vst.add.f32.msk $0xffff, v0  }
0x23d: {  	[tilespmem:s14+$0x0] =	vst.add.f32.msk $0xffff, v1  }
0x23e: {  	[tilespmem:s10+$0x0] =	vst.add.f32.msk $0xffff, v0  }
0x23f: {  	[tilespmem:s13+$0x0] =	vst.add.f32.msk $0xffff, v1  }
0x240: {  	[tilespmem:s9+$0x0] =	vst.add.f32.msk $0xffff, v0  }
0x241: {  	s7 =	sld [smem:$0x7EE];
	_ =	sdelay $0x1  }
0x242: {  	s6 =	simm.s32 $0x0  }
0x243: {  	[hbm4b:s7+s6] =	stream.linear.scatter [tilespmem:s26], [sflag:$0x9], $0x8000, $0x38;
	[tilespmem:$0x1E000] =	vst v63  }
0x244: {  	_ =	swait.ge [sflag:s3], $0x8000  }
0x245: {  	s12 =	sld [smem:$0x7F1]  }
0x246: {  	[sflag:s3] =	ssyncset.done $0x0  }
0x247: {  	[sflag:s3] =	ssyncadd.s32 $0xFFFF8000  }
0x248: {  	[tilespmem:s22], [sflag:$0x2] =	stream.linear.gather [hbm4b:s12+s6], $0x8000, $0x38;
	[tilespmem:$0x1E000] =	vst v63  }
0x249: {  	s13 =	rddreg [dreg:$0xe]  }
0x24a: {  	[tilespmem:s23], [sflag:$0x5] =	stream.linear.gather [hbm4b:s13+s6], $0x2000, $0x38;
	[tilespmem:$0x1E000] =	vst v63  }
0x24b: {  	s14 =	simm.s32 $0x0;
	_ =	swait.ge [sflag:s24], $0x8000  }
0x24c: {  	s15 =	simm.s32 $0x0;
	s7 =	sand.u32 $0x7, s14;
	[sflag:s24] =	ssyncset.done $0x0  }
0x24d: {  	s8 =	sand.u32 $0x3FFFFF80, s15;
	s16 =	sshll.u32 s7, $0xA;
	[sflag:s24] =	ssyncadd.s32 $0xFFFF8000  }
0x24e: {  	s10 =	sand.u32 $0x40, s6;
	s8 =	sadd.s32 s8, s16;
	_ =	swait.ge [sflag:s25], $0x2000  }
0x24f: {  	s9 =	sor.u32 $0x30, s10;
	s8 =	sadd.s32 $0x18000, s8;
	[sflag:s25] =	ssyncset.done $0x0  }
0x250: {  	s17 =	sor.u32 s9, s8;
	[sflag:s25] =	ssyncadd.s32 $0xFFFFE000  }
0x251: {  	s18 =	sor.u32 s10, s8;
	v0 =	vld [tilespmem:s17+$0x0]  }
0x252: {  	v1 =	vld [tilespmem:s18+$0x0];
	_ =	sdelay $0x1  }
0x253: {  	s19 =	simm.s32 $0x0;
	s11 =	sor.u32 $0x10, s10;
	s7 =	sshll.u32 s7, $0x9  }
0x254: {  	s16 =	sand.u32 $0x3FFFF000, s19;
	s20 =	sor.u32 s11, s8;
	s13 =	sor.u32 $0x20, s10  }
0x255: {  	s14 =	sor.u32 s7, s16;
	s8 =	sor.u32 s13, s8;
	v3 =	vld [tilespmem:s20+$0x0];
	v0 =	vmul.f32 $3.125000000e-02, v0  }
0x256: {  	v4 =	vld [tilespmem:s8+$0x0];
	s17 =	sor.u32 s9, s14;
	v2 =	vmul.f32 $3.125000000e-02, v1  }
0x257: {  	s10 =	sor.u32 s10, s14;
	[tilespmem:s17+$0x0] =	vst.add.f32.msk $0xffff, v0  }
0x258: {  	s7 =	simm.s32 $0x0;
	s12 =	sor.u32 s11, s14;
	s9 =	sor.u32 $0x80, s17;
	[tilespmem:s10+$0x0] =	vst.add.f32.msk $0xffff, v2  }
0x259: {  	s15 =	sor.u32 $0x80, s12;
	s16 =	sor.u32 $0x180, s10;
	s18 =	sor.u32 $0x80, s10;
	[tilespmem:s9+$0x0] =	vst.add.f32.msk $0xffff, v0  }
0x25a: {  	s8 =	sor.u32 s13, s14;
	s14 =	sor.u32 $0x100, s12;
	s19 =	sor.u32 $0x100, s17;
	[tilespmem:s18+$0x0] =	vst.add.f32.msk $0xffff, v2  }
0x25b: {  	s13 =	sor.u32 $0x180, s12;
	s20 =	sor.u32 $0x180, s17;
	s11 =	sor.u32 $0x80, s8;
	[tilespmem:s19+$0x0] =	vst.add.f32.msk $0xffff, v0  }
0x25c: {  	v1 =	vmul.f32 $3.125000000e-02, v3;
	s17 =	sor.u32 $0x100, s10;
	s10 =	sor.u32 $0x100, s8;
	s9 =	sor.u32 $0x180, s8;
	[tilespmem:s20+$0x0] =	vst.add.f32.msk $0xffff, v0;
	v0 =	vmul.f32 $3.125000000e-02, v4  }
.LBB2_20:
0x25d: {  	s7 =	sadd.s32 $0x4, s7;
	[tilespmem:s17+$0x0] =	vst.add.f32.msk $0xffff, v2  }
0x25e: {  	s17 =	sshrl.u32 s7, $0x3;
	[tilespmem:s16+$0x0] =	vst.add.f32.msk $0xffff, v2  }
0x25f: {  	s16 =	sand.u32 $0x7, s17;
	s17 =	sshll.u32 s7, $0x1;
	[tilespmem:s12+$0x0] =	vst.add.f32.msk $0xffff, v1  }
0x260: {  	s6 =	sadd.s32 $0x40, s6;
	s12 =	sshll.u32 s16, $0xA;
	s17 =	sand.u32 $0x3FFFFF80, s17;
	[tilespmem:s15+$0x0] =	vst.add.f32.msk $0xffff, v1  }
0x261: {  	p0 =	slt.u32 s7, $0x1FC;
	s15 =	sand.u32 $0x40, s6;
	s12 =	sadd.s32 s17, s12;
	[tilespmem:s14+$0x0] =	vst.add.f32.msk $0xffff, v1  }
0x262: {  	s14 =	sor.u32 $0x10, s15;
	s17 =	sor.u32 $0x30, s15;
	s12 =	sadd.s32 $0x18000, s12;
	[tilespmem:s13+$0x0] =	vst.add.f32.msk $0xffff, v1  }
0x263: {  	s18 =	sor.u32 $0x20, s15;
	s13 =	sor.u32 s15, s12;
	s19 =	sor.u32 s17, s12;
	[tilespmem:s8+$0x0] =	vst.add.f32.msk $0xffff, v0  }
0x264: {  	s8 =	sor.u32 s14, s12;
	s12 =	sor.u32 s18, s12;
	v1 =	vld [tilespmem:s19+$0x0]  }
0x265: {  	v2 =	vld [tilespmem:s13+$0x0]  }
0x266: {  	v3 =	vld [tilespmem:s8+$0x0];
	s8 =	sshll.u32 s7, $0x6  }
0x267: {  	v4 =	vld [tilespmem:s12+$0x0];
	s8 =	sand.u32 $0x3FFFF000, s8;
	s12 =	sshll.u32 s16, $0x9  }
0x268: {  	[tilespmem:s11+$0x0] =	vst.add.f32.msk $0xffff, v0;
	s8 =	sor.u32 s12, s8  }
0x269: {  	v5 =	vmul.f32 $3.125000000e-02, v1;
	[tilespmem:s10+$0x0] =	vst.add.f32.msk $0xffff, v0;
	s19 =	sor.u32 s15, s8  }
0x26a: {  	s12 =	sor.u32 s14, s8;
	s10 =	sor.u32 s17, s8;
	s8 =	sor.u32 s18, s8;
	v2 =	vmul.f32 $3.125000000e-02, v2;
	[tilespmem:s9+$0x0] =	vst.add.f32.msk $0xffff, v0  }
0x26b: {  	s20 =	sor.u32 $0x80, s19;
	s9 =	sor.u32 $0x80, s10;
	s17 =	sor.u32 $0x100, s19;
	v1 =	vmul.f32 $3.125000000e-02, v3;
	[tilespmem:s10+$0x0] =	vst.add.f32.msk $0xffff, v5  }
.Ltmp9:
0x26c: {  	s16 =	sor.u32 $0x180, s19;
	v0 =	vmul.f32 $3.125000000e-02, v4;
	[tilespmem:s9+$0x0] =	vst.add.f32.msk $0xffff, v5;
	s9 =	sor.u32 $0x100, s10;
	(pc) =	sbr.rel @p0 .LBB2_20-.Ltmp9, $4  }
0x26d: {  	s15 =	sor.u32 $0x80, s12;
	s14 =	sor.u32 $0x100, s12;
	[tilespmem:s9+$0x0] =	vst.add.f32.msk $0xffff, v5;
	s9 =	sor.u32 $0x180, s10  }
0x26e: {  	s13 =	sor.u32 $0x180, s12;
	s11 =	sor.u32 $0x80, s8;
	s10 =	sor.u32 $0x100, s8;
	[tilespmem:s9+$0x0] =	vst.add.f32.msk $0xffff, v5  }
0x26f: {  	s9 =	sor.u32 $0x180, s8;
	[tilespmem:s19+$0x0] =	vst.add.f32.msk $0xffff, v2  }
0x270: {  	[tilespmem:s20+$0x0] =	vst.add.f32.msk $0xffff, v2  }
0x271: {  	[tilespmem:s17+$0x0] =	vst.add.f32.msk $0xffff, v2  }
0x272: {  	[tilespmem:s12+$0x0] =	vst.add.f32.msk $0xffff, v1  }
0x273: {  	[tilespmem:s8+$0x0] =	vst.add.f32.msk $0xffff, v0  }
0x274: {  	[tilespmem:s16+$0x0] =	vst.add.f32.msk $0xffff, v2  }
0x275: {  	[tilespmem:s15+$0x0] =	vst.add.f32.msk $0xffff, v1  }
0x276: {  	[tilespmem:s11+$0x0] =	vst.add.f32.msk $0xffff, v0  }
0x277: {  	[tilespmem:s14+$0x0] =	vst.add.f32.msk $0xffff, v1  }
0x278: {  	[tilespmem:s10+$0x0] =	vst.add.f32.msk $0xffff, v0  }
0x279: {  	[tilespmem:s13+$0x0] =	vst.add.f32.msk $0xffff, v1  }
0x27a: {  	[tilespmem:s9+$0x0] =	vst.add.f32.msk $0xffff, v0  }
0x27b: {  	s7 =	sld [smem:$0x7F0];
	_ =	sdelay $0x1  }
0x27c: {  	s6 =	simm.s32 $0x0  }
0x27d: {  	[hbm4b:s7+s6] =	stream.linear.scatter [tilespmem:s6], [sflag:$0x7], $0x8000, $0x38;
	[tilespmem:$0x1E000] =	vst v63  }
0x27e: {  	_ =	swait.ge [sflag:s4], $0x8000  }
0x27f: {  	s12 =	sld [smem:$0x7F3]  }
0x280: {  	[sflag:s4] =	ssyncset.done $0x0  }
0x281: {  	[sflag:s4] =	ssyncadd.s32 $0xFFFF8000  }
0x282: {  	[tilespmem:s26], [sflag:$0x3] =	stream.linear.gather [hbm4b:s12+s6], $0x8000, $0x38;
	[tilespmem:$0x1E000] =	vst v63  }
0x283: {  	s13 =	rddreg [dreg:$0xf]  }
0x284: {  	[tilespmem:s28], [sflag:$0x6] =	stream.linear.gather [hbm4b:s13+s6], $0x2000, $0x38;
	[tilespmem:$0x1E000] =	vst v63  }
0x285: {  	s14 =	simm.s32 $0x0;
	_ =	swait.ge [sflag:s29], $0x8000  }
0x286: {  	s15 =	simm.s32 $0x0;
	s7 =	sand.u32 $0x7, s14;
	[sflag:s29] =	ssyncset.done $0x0  }
0x287: {  	s8 =	sand.u32 $0x3FFFFF80, s15;
	s16 =	sshll.u32 s7, $0xA;
	[sflag:s29] =	ssyncadd.s32 $0xFFFF8000  }
0x288: {  	s10 =	sand.u32 $0x40, s6;
	s8 =	sadd.s32 s8, s16;
	_ =	swait.ge [sflag:s30], $0x2000  }
0x289: {  	s9 =	sor.u32 $0x30, s10;
	s8 =	sadd.s32 $0x1A000, s8;
	[sflag:s30] =	ssyncset.done $0x0  }
0x28a: {  	s17 =	sor.u32 s9, s8;
	[sflag:s30] =	ssyncadd.s32 $0xFFFFE000  }
0x28b: {  	s19 =	sor.u32 s10, s8;
	v0 =	vld [tilespmem:s17+$0x0]  }
0x28c: {  	v1 =	vld [tilespmem:s19+$0x0]  }
0x28d: {  	s18 =	simm.s32 $0x0  }
0x28e: {  	s11 =	sor.u32 $0x10, s10;
	s7 =	sshll.u32 s7, $0x9;
	s12 =	sand.u32 $0x3FFFF000, s18  }
0x28f: {  	s14 =	sor.u32 $0x20, s10;
	s20 =	sor.u32 s11, s8;
	s7 =	sor.u32 s7, s12  }
0x290: {  	s8 =	sor.u32 s14, s8;
	s16 =	sadd.s32 $0x8000, s7;
	v3 =	vld [tilespmem:s20+$0x0];
	v0 =	vmul.f32 $3.125000000e-02, v0  }
0x291: {  	v4 =	vld [tilespmem:s8+$0x0];
	s17 =	sor.u32 s9, s16;
	v2 =	vmul.f32 $3.125000000e-02, v1  }
0x292: {  	s10 =	sor.u32 s10, s16;
	[tilespmem:s17+$0x0] =	vst.add.f32.msk $0xffff, v0  }
0x293: {  	s7 =	simm.s32 $0x0;
	s12 =	sor.u32 s11, s16;
	s9 =	sor.u32 $0x80, s17;
	[tilespmem:s10+$0x0] =	vst.add.f32.msk $0xffff, v2  }
0x294: {  	s18 =	sor.u32 $0x80, s10;
	s15 =	sor.u32 $0x80, s12;
	s13 =	sor.u32 $0x180, s12;
	[tilespmem:s9+$0x0] =	vst.add.f32.msk $0xffff, v0  }
0x295: {  	s8 =	sor.u32 s14, s16;
	s16 =	sor.u32 $0x180, s10;
	s19 =	sor.u32 $0x100, s17;
	[tilespmem:s18+$0x0] =	vst.add.f32.msk $0xffff, v2  }
0x296: {  	s14 =	sor.u32 $0x100, s12;
	s20 =	sor.u32 $0x180, s17;
	s11 =	sor.u32 $0x80, s8;
	[tilespmem:s19+$0x0] =	vst.add.f32.msk $0xffff, v0  }
0x297: {  	v1 =	vmul.f32 $3.125000000e-02, v3;
	s17 =	sor.u32 $0x100, s10;
	s10 =	sor.u32 $0x100, s8;
	s9 =	sor.u32 $0x180, s8;
	[tilespmem:s20+$0x0] =	vst.add.f32.msk $0xffff, v0;
	v0 =	vmul.f32 $3.125000000e-02, v4  }
.LBB2_22:
0x298: {  	s7 =	sadd.s32 $0x4, s7;
	[tilespmem:s17+$0x0] =	vst.add.f32.msk $0xffff, v2  }
0x299: {  	s17 =	sshrl.u32 s7, $0x3;
	[tilespmem:s16+$0x0] =	vst.add.f32.msk $0xffff, v2  }
0x29a: {  	s16 =	sand.u32 $0x7, s17;
	s17 =	sshll.u32 s7, $0x1;
	[tilespmem:s12+$0x0] =	vst.add.f32.msk $0xffff, v1  }
0x29b: {  	s6 =	sadd.s32 $0x40, s6;
	s12 =	sshll.u32 s16, $0xA;
	s17 =	sand.u32 $0x3FFFFF80, s17;
	[tilespmem:s15+$0x0] =	vst.add.f32.msk $0xffff, v1  }
0x29c: {  	p0 =	slt.u32 s7, $0x1FC;
	s15 =	sand.u32 $0x40, s6;
	s12 =	sadd.s32 s17, s12;
	[tilespmem:s14+$0x0] =	vst.add.f32.msk $0xffff, v1  }
0x29d: {  	s14 =	sor.u32 $0x10, s15;
	s17 =	sor.u32 $0x30, s15;
	s12 =	sadd.s32 $0x1A000, s12;
	[tilespmem:s13+$0x0] =	vst.add.f32.msk $0xffff, v1  }
0x29e: {  	s18 =	sor.u32 $0x20, s15;
	s13 =	sor.u32 s15, s12;
	s19 =	sor.u32 s17, s12;
	[tilespmem:s8+$0x0] =	vst.add.f32.msk $0xffff, v0  }
0x29f: {  	s8 =	sor.u32 s14, s12;
	s12 =	sor.u32 s18, s12;
	v1 =	vld [tilespmem:s19+$0x0]  }
0x2a0: {  	v2 =	vld [tilespmem:s13+$0x0];
	s13 =	sshll.u32 s7, $0x6  }
0x2a1: {  	v3 =	vld [tilespmem:s8+$0x0];
	s8 =	sand.u32 $0x3FFFF000, s13;
	s13 =	sshll.u32 s16, $0x9  }
0x2a2: {  	v4 =	vld [tilespmem:s12+$0x0];
	s8 =	sor.u32 s13, s8  }
0x2a3: {  	[tilespmem:s11+$0x0] =	vst.add.f32.msk $0xffff, v0;
	s8 =	sadd.s32 $0x8000, s8  }
0x2a4: {  	v5 =	vmul.f32 $3.125000000e-02, v1;
	[tilespmem:s10+$0x0] =	vst.add.f32.msk $0xffff, v0;
	s19 =	sor.u32 s15, s8  }
0x2a5: {  	s12 =	sor.u32 s14, s8;
	s10 =	sor.u32 s17, s8;
	s8 =	sor.u32 s18, s8;
	v2 =	vmul.f32 $3.125000000e-02, v2;
	[tilespmem:s9+$0x0] =	vst.add.f32.msk $0xffff, v0  }
0x2a6: {  	s20 =	sor.u32 $0x80, s19;
	s9 =	sor.u32 $0x80, s10;
	s17 =	sor.u32 $0x100, s19;
	v1 =	vmul.f32 $3.125000000e-02, v3;
	[tilespmem:s10+$0x0] =	vst.add.f32.msk $0xffff, v5  }
.Ltmp10:
0x2a7: {  	s16 =	sor.u32 $0x180, s19;
	v0 =	vmul.f32 $3.125000000e-02, v4;
	[tilespmem:s9+$0x0] =	vst.add.f32.msk $0xffff, v5;
	s9 =	sor.u32 $0x100, s10;
	(pc) =	sbr.rel @p0 .LBB2_22-.Ltmp10, $4  }
0x2a8: {  	s15 =	sor.u32 $0x80, s12;
	s14 =	sor.u32 $0x100, s12;
	[tilespmem:s9+$0x0] =	vst.add.f32.msk $0xffff, v5;
	s9 =	sor.u32 $0x180, s10  }
0x2a9: {  	s13 =	sor.u32 $0x180, s12;
	s11 =	sor.u32 $0x80, s8;
	s10 =	sor.u32 $0x100, s8;
	[tilespmem:s9+$0x0] =	vst.add.f32.msk $0xffff, v5  }
0x2aa: {  	s9 =	sor.u32 $0x180, s8;
	[tilespmem:s19+$0x0] =	vst.add.f32.msk $0xffff, v2  }
0x2ab: {  	[tilespmem:s20+$0x0] =	vst.add.f32.msk $0xffff, v2  }
0x2ac: {  	[tilespmem:s17+$0x0] =	vst.add.f32.msk $0xffff, v2  }
0x2ad: {  	[tilespmem:s12+$0x0] =	vst.add.f32.msk $0xffff, v1  }
0x2ae: {  	[tilespmem:s8+$0x0] =	vst.add.f32.msk $0xffff, v0  }
0x2af: {  	[tilespmem:s16+$0x0] =	vst.add.f32.msk $0xffff, v2  }
0x2b0: {  	[tilespmem:s15+$0x0] =	vst.add.f32.msk $0xffff, v1  }
0x2b1: {  	[tilespmem:s11+$0x0] =	vst.add.f32.msk $0xffff, v0  }
0x2b2: {  	[tilespmem:s14+$0x0] =	vst.add.f32.msk $0xffff, v1  }
0x2b3: {  	[tilespmem:s10+$0x0] =	vst.add.f32.msk $0xffff, v0  }
0x2b4: {  	[tilespmem:s13+$0x0] =	vst.add.f32.msk $0xffff, v1  }
0x2b5: {  	[tilespmem:s9+$0x0] =	vst.add.f32.msk $0xffff, v0  }
0x2b6: {  	s7 =	sld [smem:$0x7F2];
	_ =	sdelay $0x1  }
0x2b7: {  	s6 =	simm.s32 $0x0  }
0x2b8: {  	[hbm4b:s7+s6] =	stream.linear.scatter [tilespmem:s22], [sflag:$0x8], $0x8000, $0x38;
	[tilespmem:$0x1E000] =	vst v63  }
0x2b9: {  	_ =	swait.ge [sflag:s31], $0x8000  }
0x2ba: {  	s12 =	sld [smem:$0x7F5]  }
0x2bb: {  	[sflag:s31] =	ssyncset.done $0x0  }
0x2bc: {  	[sflag:s31] =	ssyncadd.s32 $0xFFFF8000  }
0x2bd: {  	[tilespmem:s6], [sflag:$0x1] =	stream.linear.gather [hbm4b:s12+s6], $0x8000, $0x38;
	[tilespmem:$0x1E000] =	vst v63  }
0x2be: {  	s13 =	rddreg [dreg:$0x10]  }
0x2bf: {  	[tilespmem:s21], [sflag:$0x4] =	stream.linear.gather [hbm4b:s13+s6], $0x2000, $0x38;
	[tilespmem:$0x1E000] =	vst v63  }
0x2c0: {  	s14 =	simm.s32 $0x0;
	_ =	swait.ge [sflag:s0], $0x8000  }
0x2c1: {  	s15 =	simm.s32 $0x0;
	s7 =	sand.u32 $0x7, s14;
	[sflag:s0] =	ssyncset.done $0x0  }
0x2c2: {  	s8 =	sand.u32 $0x3FFFFF80, s15;
	s16 =	sshll.u32 s7, $0xA;
	[sflag:s0] =	ssyncadd.s32 $0xFFFF8000  }
0x2c3: {  	s10 =	sand.u32 $0x40, s6;
	s8 =	sadd.s32 s8, s16;
	_ =	swait.ge [sflag:s2], $0x2000  }
0x2c4: {  	s9 =	sor.u32 $0x30, s10;
	s8 =	sadd.s32 $0x1C000, s8;
	[sflag:s2] =	ssyncset.done $0x0  }
0x2c5: {  	s17 =	sor.u32 s9, s8;
	[sflag:s2] =	ssyncadd.s32 $0xFFFFE000  }
0x2c6: {  	s19 =	sor.u32 s10, s8;
	v0 =	vld [tilespmem:s17+$0x0]  }
0x2c7: {  	v1 =	vld [tilespmem:s19+$0x0]  }
0x2c8: {  	s18 =	simm.s32 $0x0  }
0x2c9: {  	s11 =	sor.u32 $0x10, s10;
	s7 =	sshll.u32 s7, $0x9;
	s12 =	sand.u32 $0x3FFFF000, s18  }
0x2ca: {  	s14 =	sor.u32 $0x20, s10;
	s20 =	sor.u32 s11, s8;
	s7 =	sor.u32 s7, s12  }
0x2cb: {  	s8 =	sor.u32 s14, s8;
	s16 =	sadd.s32 $0x10000, s7;
	v3 =	vld [tilespmem:s20+$0x0];
	v0 =	vmul.f32 $3.125000000e-02, v0  }
0x2cc: {  	v4 =	vld [tilespmem:s8+$0x0];
	s17 =	sor.u32 s9, s16;
	v2 =	vmul.f32 $3.125000000e-02, v1  }
0x2cd: {  	s10 =	sor.u32 s10, s16;
	[tilespmem:s17+$0x0] =	vst.add.f32.msk $0xffff, v0  }
0x2ce: {  	s7 =	simm.s32 $0x0;
	s12 =	sor.u32 s11, s16;
	s9 =	sor.u32 $0x80, s17;
	[tilespmem:s10+$0x0] =	vst.add.f32.msk $0xffff, v2  }
0x2cf: {  	s18 =	sor.u32 $0x80, s10;
	s15 =	sor.u32 $0x80, s12;
	s13 =	sor.u32 $0x180, s12;
	[tilespmem:s9+$0x0] =	vst.add.f32.msk $0xffff, v0  }
0x2d0: {  	s8 =	sor.u32 s14, s16;
	s16 =	sor.u32 $0x180, s10;
	s19 =	sor.u32 $0x100, s17;
	[tilespmem:s18+$0x0] =	vst.add.f32.msk $0xffff, v2  }
0x2d1: {  	s14 =	sor.u32 $0x100, s12;
	s20 =	sor.u32 $0x180, s17;
	s11 =	sor.u32 $0x80, s8;
	[tilespmem:s19+$0x0] =	vst.add.f32.msk $0xffff, v0  }
0x2d2: {  	v1 =	vmul.f32 $3.125000000e-02, v3;
	s17 =	sor.u32 $0x100, s10;
	s10 =	sor.u32 $0x100, s8;
	s9 =	sor.u32 $0x180, s8;
	[tilespmem:s20+$0x0] =	vst.add.f32.msk $0xffff, v0;
	v0 =	vmul.f32 $3.125000000e-02, v4  }
.LBB2_24:
0x2d3: {  	s7 =	sadd.s32 $0x4, s7;
	[tilespmem:s17+$0x0] =	vst.add.f32.msk $0xffff, v2  }
0x2d4: {  	s17 =	sshrl.u32 s7, $0x3;
	[tilespmem:s16+$0x0] =	vst.add.f32.msk $0xffff, v2  }
0x2d5: {  	s16 =	sand.u32 $0x7, s17;
	s17 =	sshll.u32 s7, $0x1;
	[tilespmem:s12+$0x0] =	vst.add.f32.msk $0xffff, v1  }
0x2d6: {  	s6 =	sadd.s32 $0x40, s6;
	s12 =	sshll.u32 s16, $0xA;
	s17 =	sand.u32 $0x3FFFFF80, s17;
	[tilespmem:s15+$0x0] =	vst.add.f32.msk $0xffff, v1  }
0x2d7: {  	p0 =	slt.u32 s7, $0x1FC;
	s15 =	sand.u32 $0x40, s6;
	s12 =	sadd.s32 s17, s12;
	[tilespmem:s14+$0x0] =	vst.add.f32.msk $0xffff, v1  }
0x2d8: {  	s14 =	sor.u32 $0x10, s15;
	s17 =	sor.u32 $0x30, s15;
	s12 =	sadd.s32 $0x1C000, s12;
	[tilespmem:s13+$0x0] =	vst.add.f32.msk $0xffff, v1  }
0x2d9: {  	s18 =	sor.u32 $0x20, s15;
	s13 =	sor.u32 s15, s12;
	s19 =	sor.u32 s17, s12;
	[tilespmem:s8+$0x0] =	vst.add.f32.msk $0xffff, v0  }
0x2da: {  	s8 =	sor.u32 s14, s12;
	s12 =	sor.u32 s18, s12;
	v1 =	vld [tilespmem:s19+$0x0]  }
0x2db: {  	v2 =	vld [tilespmem:s13+$0x0];
	s13 =	sshll.u32 s7, $0x6  }
0x2dc: {  	v3 =	vld [tilespmem:s8+$0x0];
	s8 =	sand.u32 $0x3FFFF000, s13;
	s13 =	sshll.u32 s16, $0x9  }
0x2dd: {  	v4 =	vld [tilespmem:s12+$0x0];
	s8 =	sor.u32 s13, s8  }
0x2de: {  	[tilespmem:s11+$0x0] =	vst.add.f32.msk $0xffff, v0;
	s8 =	sadd.s32 $0x10000, s8  }
0x2df: {  	v5 =	vmul.f32 $3.125000000e-02, v1;
	[tilespmem:s10+$0x0] =	vst.add.f32.msk $0xffff, v0;
	s19 =	sor.u32 s15, s8  }
0x2e0: {  	s12 =	sor.u32 s14, s8;
	s10 =	sor.u32 s17, s8;
	s8 =	sor.u32 s18, s8;
	v2 =	vmul.f32 $3.125000000e-02, v2;
	[tilespmem:s9+$0x0] =	vst.add.f32.msk $0xffff, v0  }
0x2e1: {  	s20 =	sor.u32 $0x80, s19;
	s9 =	sor.u32 $0x80, s10;
	s17 =	sor.u32 $0x100, s19;
	v1 =	vmul.f32 $3.125000000e-02, v3;
	[tilespmem:s10+$0x0] =	vst.add.f32.msk $0xffff, v5  }
.Ltmp11:
0x2e2: {  	s16 =	sor.u32 $0x180, s19;
	v0 =	vmul.f32 $3.125000000e-02, v4;
	[tilespmem:s9+$0x0] =	vst.add.f32.msk $0xffff, v5;
	s9 =	sor.u32 $0x100, s10;
	(pc) =	sbr.rel @p0 .LBB2_24-.Ltmp11, $4  }
0x2e3: {  	s15 =	sor.u32 $0x80, s12;
	s14 =	sor.u32 $0x100, s12;
	[tilespmem:s9+$0x0] =	vst.add.f32.msk $0xffff, v5;
	s9 =	sor.u32 $0x180, s10  }
0x2e4: {  	s13 =	sor.u32 $0x180, s12;
	s11 =	sor.u32 $0x80, s8;
	s10 =	sor.u32 $0x100, s8;
	[tilespmem:s9+$0x0] =	vst.add.f32.msk $0xffff, v5  }
0x2e5: {  	s9 =	sor.u32 $0x180, s8;
	[tilespmem:s19+$0x0] =	vst.add.f32.msk $0xffff, v2  }
0x2e6: {  	[tilespmem:s20+$0x0] =	vst.add.f32.msk $0xffff, v2  }
0x2e7: {  	[tilespmem:s17+$0x0] =	vst.add.f32.msk $0xffff, v2  }
0x2e8: {  	[tilespmem:s12+$0x0] =	vst.add.f32.msk $0xffff, v1  }
0x2e9: {  	[tilespmem:s8+$0x0] =	vst.add.f32.msk $0xffff, v0  }
0x2ea: {  	[tilespmem:s16+$0x0] =	vst.add.f32.msk $0xffff, v2  }
0x2eb: {  	[tilespmem:s15+$0x0] =	vst.add.f32.msk $0xffff, v1  }
0x2ec: {  	[tilespmem:s11+$0x0] =	vst.add.f32.msk $0xffff, v0  }
0x2ed: {  	[tilespmem:s14+$0x0] =	vst.add.f32.msk $0xffff, v1  }
0x2ee: {  	[tilespmem:s10+$0x0] =	vst.add.f32.msk $0xffff, v0  }
0x2ef: {  	[tilespmem:s13+$0x0] =	vst.add.f32.msk $0xffff, v1  }
0x2f0: {  	[tilespmem:s9+$0x0] =	vst.add.f32.msk $0xffff, v0  }
0x2f1: {  	s7 =	sld [smem:$0x7F4];
	_ =	sdelay $0x1  }
0x2f2: {  	s6 =	simm.s32 $0x0  }
0x2f3: {  	[hbm4b:s7+s6] =	stream.linear.scatter [tilespmem:s26], [sflag:$0x9], $0x8000, $0x38;
	[tilespmem:$0x1E000] =	vst v63  }
0x2f4: {  	_ =	swait.ge [sflag:s3], $0x8000  }
0x2f5: {  	s12 =	sld [smem:$0x7F7]  }
0x2f6: {  	[sflag:s3] =	ssyncset.done $0x0  }
0x2f7: {  	[sflag:s3] =	ssyncadd.s32 $0xFFFF8000  }
0x2f8: {  	[tilespmem:s22], [sflag:$0x2] =	stream.linear.gather [hbm4b:s12+s6], $0x8000, $0x38;
	[tilespmem:$0x1E000] =	vst v63  }
0x2f9: {  	s13 =	rddreg [dreg:$0x11]  }
0x2fa: {  	[tilespmem:s23], [sflag:$0x5] =	stream.linear.gather [hbm4b:s13+s6], $0x2000, $0x38;
	[tilespmem:$0x1E000] =	vst v63  }
0x2fb: {  	s14 =	simm.s32 $0x0;
	_ =	swait.ge [sflag:s24], $0x8000  }
0x2fc: {  	s15 =	simm.s32 $0x0;
	s7 =	sand.u32 $0x7, s14;
	[sflag:s24] =	ssyncset.done $0x0  }
0x2fd: {  	s8 =	sand.u32 $0x3FFFFF80, s15;
	s16 =	sshll.u32 s7, $0xA;
	[sflag:s24] =	ssyncadd.s32 $0xFFFF8000  }
0x2fe: {  	s10 =	sand.u32 $0x40, s6;
	s8 =	sadd.s32 s8, s16;
	_ =	swait.ge [sflag:s25], $0x2000  }
0x2ff: {  	s9 =	sor.u32 $0x30, s10;
	s8 =	sadd.s32 $0x18000, s8;
	[sflag:s25] =	ssyncset.done $0x0  }
0x300: {  	s17 =	sor.u32 s9, s8;
	[sflag:s25] =	ssyncadd.s32 $0xFFFFE000  }
0x301: {  	s18 =	sor.u32 s10, s8;
	v0 =	vld [tilespmem:s17+$0x0]  }
0x302: {  	v1 =	vld [tilespmem:s18+$0x0];
	_ =	sdelay $0x1  }
0x303: {  	s19 =	simm.s32 $0x0;
	s11 =	sor.u32 $0x10, s10;
	s7 =	sshll.u32 s7, $0x9  }
0x304: {  	s16 =	sand.u32 $0x3FFFF000, s19;
	s20 =	sor.u32 s11, s8;
	s13 =	sor.u32 $0x20, s10  }
0x305: {  	s14 =	sor.u32 s7, s16;
	s8 =	sor.u32 s13, s8;
	v3 =	vld [tilespmem:s20+$0x0];
	v0 =	vmul.f32 $3.125000000e-02, v0  }
0x306: {  	v4 =	vld [tilespmem:s8+$0x0];
	s17 =	sor.u32 s9, s14;
	v2 =	vmul.f32 $3.125000000e-02, v1  }
0x307: {  	s10 =	sor.u32 s10, s14;
	[tilespmem:s17+$0x0] =	vst.add.f32.msk $0xffff, v0  }
0x308: {  	s7 =	simm.s32 $0x0;
	s12 =	sor.u32 s11, s14;
	s9 =	sor.u32 $0x80, s17;
	[tilespmem:s10+$0x0] =	vst.add.f32.msk $0xffff, v2  }
0x309: {  	s15 =	sor.u32 $0x80, s12;
	s16 =	sor.u32 $0x180, s10;
	s18 =	sor.u32 $0x80, s10;
	[tilespmem:s9+$0x0] =	vst.add.f32.msk $0xffff, v0  }
0x30a: {  	s8 =	sor.u32 s13, s14;
	s14 =	sor.u32 $0x100, s12;
	s19 =	sor.u32 $0x100, s17;
	[tilespmem:s18+$0x0] =	vst.add.f32.msk $0xffff, v2  }
0x30b: {  	s13 =	sor.u32 $0x180, s12;
	s20 =	sor.u32 $0x180, s17;
	s11 =	sor.u32 $0x80, s8;
	[tilespmem:s19+$0x0] =	vst.add.f32.msk $0xffff, v0  }
0x30c: {  	v1 =	vmul.f32 $3.125000000e-02, v3;
	s17 =	sor.u32 $0x100, s10;
	s10 =	sor.u32 $0x100, s8;
	s9 =	sor.u32 $0x180, s8;
	[tilespmem:s20+$0x0] =	vst.add.f32.msk $0xffff, v0;
	v0 =	vmul.f32 $3.125000000e-02, v4  }
.LBB2_26:
0x30d: {  	s7 =	sadd.s32 $0x4, s7;
	[tilespmem:s17+$0x0] =	vst.add.f32.msk $0xffff, v2  }
0x30e: {  	s17 =	sshrl.u32 s7, $0x3;
	[tilespmem:s16+$0x0] =	vst.add.f32.msk $0xffff, v2  }
0x30f: {  	s16 =	sand.u32 $0x7, s17;
	s17 =	sshll.u32 s7, $0x1;
	[tilespmem:s12+$0x0] =	vst.add.f32.msk $0xffff, v1  }
0x310: {  	s6 =	sadd.s32 $0x40, s6;
	s12 =	sshll.u32 s16, $0xA;
	s17 =	sand.u32 $0x3FFFFF80, s17;
	[tilespmem:s15+$0x0] =	vst.add.f32.msk $0xffff, v1  }
0x311: {  	p0 =	slt.u32 s7, $0x1FC;
	s15 =	sand.u32 $0x40, s6;
	s12 =	sadd.s32 s17, s12;
	[tilespmem:s14+$0x0] =	vst.add.f32.msk $0xffff, v1  }
0x312: {  	s14 =	sor.u32 $0x10, s15;
	s17 =	sor.u32 $0x30, s15;
	s12 =	sadd.s32 $0x18000, s12;
	[tilespmem:s13+$0x0] =	vst.add.f32.msk $0xffff, v1  }
0x313: {  	s18 =	sor.u32 $0x20, s15;
	s13 =	sor.u32 s15, s12;
	s19 =	sor.u32 s17, s12;
	[tilespmem:s8+$0x0] =	vst.add.f32.msk $0xffff, v0  }
0x314: {  	s8 =	sor.u32 s14, s12;
	s12 =	sor.u32 s18, s12;
	v1 =	vld [tilespmem:s19+$0x0]  }
0x315: {  	v2 =	vld [tilespmem:s13+$0x0]  }
0x316: {  	v3 =	vld [tilespmem:s8+$0x0];
	s8 =	sshll.u32 s7, $0x6  }
0x317: {  	v4 =	vld [tilespmem:s12+$0x0];
	s8 =	sand.u32 $0x3FFFF000, s8;
	s12 =	sshll.u32 s16, $0x9  }
0x318: {  	[tilespmem:s11+$0x0] =	vst.add.f32.msk $0xffff, v0;
	s8 =	sor.u32 s12, s8  }
0x319: {  	v5 =	vmul.f32 $3.125000000e-02, v1;
	[tilespmem:s10+$0x0] =	vst.add.f32.msk $0xffff, v0;
	s19 =	sor.u32 s15, s8  }
0x31a: {  	s12 =	sor.u32 s14, s8;
	s10 =	sor.u32 s17, s8;
	s8 =	sor.u32 s18, s8;
	v2 =	vmul.f32 $3.125000000e-02, v2;
	[tilespmem:s9+$0x0] =	vst.add.f32.msk $0xffff, v0  }
0x31b: {  	s20 =	sor.u32 $0x80, s19;
	s9 =	sor.u32 $0x80, s10;
	s17 =	sor.u32 $0x100, s19;
	v1 =	vmul.f32 $3.125000000e-02, v3;
	[tilespmem:s10+$0x0] =	vst.add.f32.msk $0xffff, v5  }
.Ltmp12:
0x31c: {  	s16 =	sor.u32 $0x180, s19;
	v0 =	vmul.f32 $3.125000000e-02, v4;
	[tilespmem:s9+$0x0] =	vst.add.f32.msk $0xffff, v5;
	s9 =	sor.u32 $0x100, s10;
	(pc) =	sbr.rel @p0 .LBB2_26-.Ltmp12, $4  }
0x31d: {  	s15 =	sor.u32 $0x80, s12;
	s14 =	sor.u32 $0x100, s12;
	[tilespmem:s9+$0x0] =	vst.add.f32.msk $0xffff, v5;
	s9 =	sor.u32 $0x180, s10  }
0x31e: {  	s13 =	sor.u32 $0x180, s12;
	s11 =	sor.u32 $0x80, s8;
	s10 =	sor.u32 $0x100, s8;
	[tilespmem:s9+$0x0] =	vst.add.f32.msk $0xffff, v5  }
0x31f: {  	s9 =	sor.u32 $0x180, s8;
	[tilespmem:s19+$0x0] =	vst.add.f32.msk $0xffff, v2  }
0x320: {  	[tilespmem:s20+$0x0] =	vst.add.f32.msk $0xffff, v2  }
0x321: {  	[tilespmem:s17+$0x0] =	vst.add.f32.msk $0xffff, v2  }
0x322: {  	[tilespmem:s12+$0x0] =	vst.add.f32.msk $0xffff, v1  }
0x323: {  	[tilespmem:s8+$0x0] =	vst.add.f32.msk $0xffff, v0  }
0x324: {  	[tilespmem:s16+$0x0] =	vst.add.f32.msk $0xffff, v2  }
0x325: {  	[tilespmem:s15+$0x0] =	vst.add.f32.msk $0xffff, v1  }
0x326: {  	[tilespmem:s11+$0x0] =	vst.add.f32.msk $0xffff, v0  }
0x327: {  	[tilespmem:s14+$0x0] =	vst.add.f32.msk $0xffff, v1  }
0x328: {  	[tilespmem:s10+$0x0] =	vst.add.f32.msk $0xffff, v0  }
0x329: {  	[tilespmem:s13+$0x0] =	vst.add.f32.msk $0xffff, v1  }
0x32a: {  	[tilespmem:s9+$0x0] =	vst.add.f32.msk $0xffff, v0  }
0x32b: {  	s7 =	sld [smem:$0x7F6];
	_ =	sdelay $0x1  }
0x32c: {  	s6 =	simm.s32 $0x0  }
0x32d: {  	[hbm4b:s7+s6] =	stream.linear.scatter [tilespmem:s6], [sflag:$0x7], $0x8000, $0x38;
	[tilespmem:$0x1E000] =	vst v63  }
0x32e: {  	_ =	swait.ge [sflag:s4], $0x8000  }
0x32f: {  	s12 =	sld [smem:$0x7F9]  }
0x330: {  	[sflag:s4] =	ssyncset.done $0x0  }
0x331: {  	[sflag:s4] =	ssyncadd.s32 $0xFFFF8000  }
0x332: {  	[tilespmem:s26], [sflag:$0x3] =	stream.linear.gather [hbm4b:s12+s6], $0x8000, $0x38;
	[tilespmem:$0x1E000] =	vst v63  }
0x333: {  	s13 =	rddreg [dreg:$0x12]  }
0x334: {  	[tilespmem:s28], [sflag:$0x6] =	stream.linear.gather [hbm4b:s13+s6], $0x2000, $0x38;
	[tilespmem:$0x1E000] =	vst v63  }
0x335: {  	s14 =	simm.s32 $0x0;
	_ =	swait.ge [sflag:s29], $0x8000  }
0x336: {  	s15 =	simm.s32 $0x0;
	s7 =	sand.u32 $0x7, s14;
	[sflag:s29] =	ssyncset.done $0x0  }
0x337: {  	s8 =	sand.u32 $0x3FFFFF80, s15;
	s16 =	sshll.u32 s7, $0xA;
	[sflag:s29] =	ssyncadd.s32 $0xFFFF8000  }
0x338: {  	s10 =	sand.u32 $0x40, s6;
	s8 =	sadd.s32 s8, s16;
	_ =	swait.ge [sflag:s30], $0x2000  }
0x339: {  	s9 =	sor.u32 $0x30, s10;
	s8 =	sadd.s32 $0x1A000, s8;
	[sflag:s30] =	ssyncset.done $0x0  }
0x33a: {  	s17 =	sor.u32 s9, s8;
	[sflag:s30] =	ssyncadd.s32 $0xFFFFE000  }
0x33b: {  	s19 =	sor.u32 s10, s8;
	v0 =	vld [tilespmem:s17+$0x0]  }
0x33c: {  	v1 =	vld [tilespmem:s19+$0x0]  }
0x33d: {  	s18 =	simm.s32 $0x0  }
0x33e: {  	s11 =	sor.u32 $0x10, s10;
	s7 =	sshll.u32 s7, $0x9;
	s12 =	sand.u32 $0x3FFFF000, s18  }
0x33f: {  	s14 =	sor.u32 $0x20, s10;
	s20 =	sor.u32 s11, s8;
	s7 =	sor.u32 s7, s12  }
0x340: {  	s8 =	sor.u32 s14, s8;
	s16 =	sadd.s32 $0x8000, s7;
	v3 =	vld [tilespmem:s20+$0x0];
	v0 =	vmul.f32 $3.125000000e-02, v0  }
0x341: {  	v4 =	vld [tilespmem:s8+$0x0];
	s17 =	sor.u32 s9, s16;
	v2 =	vmul.f32 $3.125000000e-02, v1  }
0x342: {  	s10 =	sor.u32 s10, s16;
	[tilespmem:s17+$0x0] =	vst.add.f32.msk $0xffff, v0  }
0x343: {  	s7 =	simm.s32 $0x0;
	s12 =	sor.u32 s11, s16;
	s9 =	sor.u32 $0x80, s17;
	[tilespmem:s10+$0x0] =	vst.add.f32.msk $0xffff, v2  }
0x344: {  	s18 =	sor.u32 $0x80, s10;
	s15 =	sor.u32 $0x80, s12;
	s13 =	sor.u32 $0x180, s12;
	[tilespmem:s9+$0x0] =	vst.add.f32.msk $0xffff, v0  }
0x345: {  	s8 =	sor.u32 s14, s16;
	s16 =	sor.u32 $0x180, s10;
	s19 =	sor.u32 $0x100, s17;
	[tilespmem:s18+$0x0] =	vst.add.f32.msk $0xffff, v2  }
0x346: {  	s14 =	sor.u32 $0x100, s12;
	s20 =	sor.u32 $0x180, s17;
	s11 =	sor.u32 $0x80, s8;
	[tilespmem:s19+$0x0] =	vst.add.f32.msk $0xffff, v0  }
0x347: {  	v1 =	vmul.f32 $3.125000000e-02, v3;
	s17 =	sor.u32 $0x100, s10;
	s10 =	sor.u32 $0x100, s8;
	s9 =	sor.u32 $0x180, s8;
	[tilespmem:s20+$0x0] =	vst.add.f32.msk $0xffff, v0;
	v0 =	vmul.f32 $3.125000000e-02, v4  }
.LBB2_28:
0x348: {  	s7 =	sadd.s32 $0x4, s7;
	[tilespmem:s17+$0x0] =	vst.add.f32.msk $0xffff, v2  }
0x349: {  	s17 =	sshrl.u32 s7, $0x3;
	[tilespmem:s16+$0x0] =	vst.add.f32.msk $0xffff, v2  }
0x34a: {  	s16 =	sand.u32 $0x7, s17;
	s17 =	sshll.u32 s7, $0x1;
	[tilespmem:s12+$0x0] =	vst.add.f32.msk $0xffff, v1  }
0x34b: {  	s6 =	sadd.s32 $0x40, s6;
	s12 =	sshll.u32 s16, $0xA;
	s17 =	sand.u32 $0x3FFFFF80, s17;
	[tilespmem:s15+$0x0] =	vst.add.f32.msk $0xffff, v1  }
0x34c: {  	p0 =	slt.u32 s7, $0x1FC;
	s15 =	sand.u32 $0x40, s6;
	s12 =	sadd.s32 s17, s12;
	[tilespmem:s14+$0x0] =	vst.add.f32.msk $0xffff, v1  }
0x34d: {  	s14 =	sor.u32 $0x10, s15;
	s17 =	sor.u32 $0x30, s15;
	s12 =	sadd.s32 $0x1A000, s12;
	[tilespmem:s13+$0x0] =	vst.add.f32.msk $0xffff, v1  }
0x34e: {  	s18 =	sor.u32 $0x20, s15;
	s13 =	sor.u32 s15, s12;
	s19 =	sor.u32 s17, s12;
	[tilespmem:s8+$0x0] =	vst.add.f32.msk $0xffff, v0  }
0x34f: {  	s8 =	sor.u32 s14, s12;
	s12 =	sor.u32 s18, s12;
	v1 =	vld [tilespmem:s19+$0x0]  }
0x350: {  	v2 =	vld [tilespmem:s13+$0x0];
	s13 =	sshll.u32 s7, $0x6  }
0x351: {  	v3 =	vld [tilespmem:s8+$0x0];
	s8 =	sand.u32 $0x3FFFF000, s13;
	s13 =	sshll.u32 s16, $0x9  }
0x352: {  	v4 =	vld [tilespmem:s12+$0x0];
	s8 =	sor.u32 s13, s8  }
0x353: {  	[tilespmem:s11+$0x0] =	vst.add.f32.msk $0xffff, v0;
	s8 =	sadd.s32 $0x8000, s8  }
0x354: {  	v5 =	vmul.f32 $3.125000000e-02, v1;
	[tilespmem:s10+$0x0] =	vst.add.f32.msk $0xffff, v0;
	s19 =	sor.u32 s15, s8  }
0x355: {  	s12 =	sor.u32 s14, s8;
	s10 =	sor.u32 s17, s8;
	s8 =	sor.u32 s18, s8;
	v2 =	vmul.f32 $3.125000000e-02, v2;
	[tilespmem:s9+$0x0] =	vst.add.f32.msk $0xffff, v0  }
0x356: {  	s20 =	sor.u32 $0x80, s19;
	s9 =	sor.u32 $0x80, s10;
	s17 =	sor.u32 $0x100, s19;
	v1 =	vmul.f32 $3.125000000e-02, v3;
	[tilespmem:s10+$0x0] =	vst.add.f32.msk $0xffff, v5  }
.Ltmp13:
0x357: {  	s16 =	sor.u32 $0x180, s19;
	v0 =	vmul.f32 $3.125000000e-02, v4;
	[tilespmem:s9+$0x0] =	vst.add.f32.msk $0xffff, v5;
	s9 =	sor.u32 $0x100, s10;
	(pc) =	sbr.rel @p0 .LBB2_28-.Ltmp13, $4  }
0x358: {  	s15 =	sor.u32 $0x80, s12;
	s14 =	sor.u32 $0x100, s12;
	[tilespmem:s9+$0x0] =	vst.add.f32.msk $0xffff, v5;
	s9 =	sor.u32 $0x180, s10  }
0x359: {  	s13 =	sor.u32 $0x180, s12;
	s11 =	sor.u32 $0x80, s8;
	s10 =	sor.u32 $0x100, s8;
	[tilespmem:s9+$0x0] =	vst.add.f32.msk $0xffff, v5  }
0x35a: {  	s9 =	sor.u32 $0x180, s8;
	[tilespmem:s19+$0x0] =	vst.add.f32.msk $0xffff, v2  }
0x35b: {  	[tilespmem:s20+$0x0] =	vst.add.f32.msk $0xffff, v2  }
0x35c: {  	[tilespmem:s17+$0x0] =	vst.add.f32.msk $0xffff, v2  }
0x35d: {  	[tilespmem:s12+$0x0] =	vst.add.f32.msk $0xffff, v1  }
0x35e: {  	[tilespmem:s8+$0x0] =	vst.add.f32.msk $0xffff, v0  }
0x35f: {  	[tilespmem:s16+$0x0] =	vst.add.f32.msk $0xffff, v2  }
0x360: {  	[tilespmem:s15+$0x0] =	vst.add.f32.msk $0xffff, v1  }
0x361: {  	[tilespmem:s11+$0x0] =	vst.add.f32.msk $0xffff, v0  }
0x362: {  	[tilespmem:s14+$0x0] =	vst.add.f32.msk $0xffff, v1  }
0x363: {  	[tilespmem:s10+$0x0] =	vst.add.f32.msk $0xffff, v0  }
0x364: {  	[tilespmem:s13+$0x0] =	vst.add.f32.msk $0xffff, v1  }
0x365: {  	[tilespmem:s9+$0x0] =	vst.add.f32.msk $0xffff, v0  }
0x366: {  	s7 =	sld [smem:$0x7F8];
	_ =	sdelay $0x1  }
0x367: {  	s6 =	simm.s32 $0x0  }
0x368: {  	[hbm4b:s7+s6] =	stream.linear.scatter [tilespmem:s22], [sflag:$0x8], $0x8000, $0x38;
	[tilespmem:$0x1E000] =	vst v63  }
0x369: {  	_ =	swait.ge [sflag:s31], $0x8000  }
0x36a: {  	s12 =	sld [smem:$0x7FA]  }
0x36b: {  	[sflag:s31] =	ssyncset.done $0x0  }
0x36c: {  	[sflag:s31] =	ssyncadd.s32 $0xFFFF8000  }
0x36d: {  	[tilespmem:s6], [sflag:$0x1] =	stream.linear.gather [hbm4b:s12+s6], $0x8000, $0x38;
	[tilespmem:$0x1E000] =	vst v63  }
0x36e: {  	s13 =	rddreg [dreg:$0x13]  }
0x36f: {  	[tilespmem:s21], [sflag:$0x4] =	stream.linear.gather [hbm4b:s13+s6], $0x2000, $0x38;
	[tilespmem:$0x1E000] =	vst v63  }
0x370: {  	s14 =	simm.s32 $0x0;
	_ =	swait.ge [sflag:s0], $0x8000  }
0x371: {  	s15 =	simm.s32 $0x0;
	s7 =	sand.u32 $0x7, s14;
	[sflag:s0] =	ssyncset.done $0x0  }
0x372: {  	s8 =	sand.u32 $0x3FFFFF80, s15;
	s16 =	sshll.u32 s7, $0xA;
	[sflag:s0] =	ssyncadd.s32 $0xFFFF8000  }
0x373: {  	s10 =	sand.u32 $0x40, s6;
	s8 =	sadd.s32 s8, s16;
	_ =	swait.ge [sflag:s2], $0x2000  }
0x374: {  	s9 =	sor.u32 $0x30, s10;
	s8 =	sadd.s32 $0x1C000, s8;
	[sflag:s2] =	ssyncset.done $0x0  }
0x375: {  	s17 =	sor.u32 s9, s8;
	[sflag:s2] =	ssyncadd.s32 $0xFFFFE000  }
0x376: {  	s19 =	sor.u32 s10, s8;
	v0 =	vld [tilespmem:s17+$0x0]  }
0x377: {  	v1 =	vld [tilespmem:s19+$0x0]  }
0x378: {  	s18 =	simm.s32 $0x0  }
0x379: {  	s11 =	sor.u32 $0x10, s10;
	s7 =	sshll.u32 s7, $0x9;
	s12 =	sand.u32 $0x3FFFF000, s18  }
0x37a: {  	s14 =	sor.u32 $0x20, s10;
	s20 =	sor.u32 s11, s8;
	s7 =	sor.u32 s7, s12  }
0x37b: {  	s8 =	sor.u32 s14, s8;
	s16 =	sadd.s32 $0x10000, s7;
	v3 =	vld [tilespmem:s20+$0x0];
	v0 =	vmul.f32 $3.125000000e-02, v0  }
0x37c: {  	v4 =	vld [tilespmem:s8+$0x0];
	s17 =	sor.u32 s9, s16;
	v2 =	vmul.f32 $3.125000000e-02, v1  }
0x37d: {  	s10 =	sor.u32 s10, s16;
	[tilespmem:s17+$0x0] =	vst.add.f32.msk $0xffff, v0  }
0x37e: {  	s7 =	simm.s32 $0x0;
	s12 =	sor.u32 s11, s16;
	s9 =	sor.u32 $0x80, s17;
	[tilespmem:s10+$0x0] =	vst.add.f32.msk $0xffff, v2  }
0x37f: {  	s18 =	sor.u32 $0x80, s10;
	s15 =	sor.u32 $0x80, s12;
	s13 =	sor.u32 $0x180, s12;
	[tilespmem:s9+$0x0] =	vst.add.f32.msk $0xffff, v0  }
0x380: {  	s8 =	sor.u32 s14, s16;
	s16 =	sor.u32 $0x180, s10;
	s19 =	sor.u32 $0x100, s17;
	[tilespmem:s18+$0x0] =	vst.add.f32.msk $0xffff, v2  }
0x381: {  	s14 =	sor.u32 $0x100, s12;
	s20 =	sor.u32 $0x180, s17;
	s11 =	sor.u32 $0x80, s8;
	[tilespmem:s19+$0x0] =	vst.add.f32.msk $0xffff, v0  }
0x382: {  	v1 =	vmul.f32 $3.125000000e-02, v3;
	s17 =	sor.u32 $0x100, s10;
	s10 =	sor.u32 $0x100, s8;
	s9 =	sor.u32 $0x180, s8;
	[tilespmem:s20+$0x0] =	vst.add.f32.msk $0xffff, v0;
	v0 =	vmul.f32 $3.125000000e-02, v4  }
.LBB2_30:
0x383: {  	s7 =	sadd.s32 $0x4, s7;
	[tilespmem:s17+$0x0] =	vst.add.f32.msk $0xffff, v2  }
0x384: {  	s17 =	sshrl.u32 s7, $0x3;
	[tilespmem:s16+$0x0] =	vst.add.f32.msk $0xffff, v2  }
0x385: {  	s16 =	sand.u32 $0x7, s17;
	s17 =	sshll.u32 s7, $0x1;
	[tilespmem:s12+$0x0] =	vst.add.f32.msk $0xffff, v1  }
0x386: {  	s6 =	sadd.s32 $0x40, s6;
	s12 =	sshll.u32 s16, $0xA;
	s17 =	sand.u32 $0x3FFFFF80, s17;
	[tilespmem:s15+$0x0] =	vst.add.f32.msk $0xffff, v1  }
0x387: {  	p0 =	slt.u32 s7, $0x1FC;
	s15 =	sand.u32 $0x40, s6;
	s12 =	sadd.s32 s17, s12;
	[tilespmem:s14+$0x0] =	vst.add.f32.msk $0xffff, v1  }
0x388: {  	s14 =	sor.u32 $0x10, s15;
	s17 =	sor.u32 $0x30, s15;
	s12 =	sadd.s32 $0x1C000, s12;
	[tilespmem:s13+$0x0] =	vst.add.f32.msk $0xffff, v1  }
0x389: {  	s18 =	sor.u32 $0x20, s15;
	s13 =	sor.u32 s15, s12;
	s19 =	sor.u32 s17, s12;
	[tilespmem:s8+$0x0] =	vst.add.f32.msk $0xffff, v0  }
0x38a: {  	s8 =	sor.u32 s14, s12;
	s12 =	sor.u32 s18, s12;
	v1 =	vld [tilespmem:s19+$0x0]  }
0x38b: {  	v2 =	vld [tilespmem:s13+$0x0];
	s13 =	sshll.u32 s7, $0x6  }
0x38c: {  	v3 =	vld [tilespmem:s8+$0x0];
	s8 =	sand.u32 $0x3FFFF000, s13;
	s13 =	sshll.u32 s16, $0x9  }
0x38d: {  	v4 =	vld [tilespmem:s12+$0x0];
	s8 =	sor.u32 s13, s8  }
0x38e: {  	[tilespmem:s11+$0x0] =	vst.add.f32.msk $0xffff, v0;
	s8 =	sadd.s32 $0x10000, s8  }
0x38f: {  	v5 =	vmul.f32 $3.125000000e-02, v1;
	[tilespmem:s10+$0x0] =	vst.add.f32.msk $0xffff, v0;
	s19 =	sor.u32 s15, s8  }
0x390: {  	s12 =	sor.u32 s14, s8;
	s10 =	sor.u32 s17, s8;
	s8 =	sor.u32 s18, s8;
	v2 =	vmul.f32 $3.125000000e-02, v2;
	[tilespmem:s9+$0x0] =	vst.add.f32.msk $0xffff, v0  }
0x391: {  	s20 =	sor.u32 $0x80, s19;
	s9 =	sor.u32 $0x80, s10;
	s17 =	sor.u32 $0x100, s19;
	v1 =	vmul.f32 $3.125000000e-02, v3;
	[tilespmem:s10+$0x0] =	vst.add.f32.msk $0xffff, v5  }
.Ltmp14:
0x392: {  	s16 =	sor.u32 $0x180, s19;
	v0 =	vmul.f32 $3.125000000e-02, v4;
	[tilespmem:s9+$0x0] =	vst.add.f32.msk $0xffff, v5;
	s9 =	sor.u32 $0x100, s10;
	(pc) =	sbr.rel @p0 .LBB2_30-.Ltmp14, $4  }
0x393: {  	s15 =	sor.u32 $0x80, s12;
	s14 =	sor.u32 $0x100, s12;
	[tilespmem:s9+$0x0] =	vst.add.f32.msk $0xffff, v5;
	s9 =	sor.u32 $0x180, s10  }
0x394: {  	s13 =	sor.u32 $0x180, s12;
	s11 =	sor.u32 $0x80, s8;
	s10 =	sor.u32 $0x100, s8;
	[tilespmem:s9+$0x0] =	vst.add.f32.msk $0xffff, v5  }
0x395: {  	s9 =	sor.u32 $0x180, s8;
	[tilespmem:s19+$0x0] =	vst.add.f32.msk $0xffff, v2  }
0x396: {  	[tilespmem:s20+$0x0] =	vst.add.f32.msk $0xffff, v2  }
0x397: {  	[tilespmem:s17+$0x0] =	vst.add.f32.msk $0xffff, v2  }
0x398: {  	[tilespmem:s12+$0x0] =	vst.add.f32.msk $0xffff, v1  }
0x399: {  	[tilespmem:s8+$0x0] =	vst.add.f32.msk $0xffff, v0  }
0x39a: {  	[tilespmem:s16+$0x0] =	vst.add.f32.msk $0xffff, v2  }
0x39b: {  	[tilespmem:s15+$0x0] =	vst.add.f32.msk $0xffff, v1  }
0x39c: {  	[tilespmem:s11+$0x0] =	vst.add.f32.msk $0xffff, v0  }
0x39d: {  	[tilespmem:s14+$0x0] =	vst.add.f32.msk $0xffff, v1  }
0x39e: {  	[tilespmem:s10+$0x0] =	vst.add.f32.msk $0xffff, v0  }
0x39f: {  	[tilespmem:s13+$0x0] =	vst.add.f32.msk $0xffff, v1  }
0x3a0: {  	[tilespmem:s9+$0x0] =	vst.add.f32.msk $0xffff, v0  }
0x3a1: {  	s7 =	sld [smem:$0x7FB];
	_ =	sdelay $0x1  }
0x3a2: {  	s6 =	simm.s32 $0x0  }
0x3a3: {  	[hbm4b:s7+s6] =	stream.linear.scatter [tilespmem:s26], [sflag:$0x9], $0x8000, $0x38;
	[tilespmem:$0x1E000] =	vst v63  }
0x3a4: {  	s14 =	simm.s32 $0x0;
	_ =	swait.ge [sflag:s24], $0x8000  }
0x3a5: {  	s15 =	simm.s32 $0x0;
	s7 =	sand.u32 $0x7, s14;
	[sflag:s24] =	ssyncset.done $0x0  }
0x3a6: {  	s8 =	sand.u32 $0x3FFFFF80, s15;
	s16 =	sshll.u32 s7, $0xA;
	[sflag:s24] =	ssyncadd.s32 $0xFFFF8000  }
0x3a7: {  	s10 =	sand.u32 $0x40, s6;
	s8 =	sadd.s32 s8, s16;
	_ =	swait.ge [sflag:s25], $0x2000  }
0x3a8: {  	s9 =	sor.u32 $0x30, s10;
	s8 =	sadd.s32 $0x18000, s8;
	[sflag:s25] =	ssyncset.done $0x0  }
0x3a9: {  	s17 =	sor.u32 s9, s8;
	[sflag:s25] =	ssyncadd.s32 $0xFFFFE000  }
0x3aa: {  	s18 =	sor.u32 s10, s8;
	v0 =	vld [tilespmem:s17+$0x0]  }
0x3ab: {  	v1 =	vld [tilespmem:s18+$0x0];
	_ =	sdelay $0x1  }
0x3ac: {  	s19 =	simm.s32 $0x0;
	s11 =	sor.u32 $0x10, s10;
	s13 =	sor.u32 $0x20, s10  }
0x3ad: {  	s7 =	sshll.u32 s7, $0x9;
	s16 =	sand.u32 $0x3FFFF000, s19;
	s20 =	sor.u32 s11, s8  }
0x3ae: {  	s14 =	sor.u32 s7, s16;
	s8 =	sor.u32 s13, s8;
	v3 =	vld [tilespmem:s20+$0x0];
	v0 =	vmul.f32 $3.125000000e-02, v0  }
0x3af: {  	v4 =	vld [tilespmem:s8+$0x0];
	s17 =	sor.u32 s9, s14;
	v2 =	vmul.f32 $3.125000000e-02, v1  }
0x3b0: {  	s10 =	sor.u32 s10, s14;
	[tilespmem:s17+$0x0] =	vst.add.f32.msk $0xffff, v0  }
0x3b1: {  	s7 =	simm.s32 $0x0;
	s12 =	sor.u32 s11, s14;
	s9 =	sor.u32 $0x80, s17;
	[tilespmem:s10+$0x0] =	vst.add.f32.msk $0xffff, v2  }
0x3b2: {  	s16 =	sor.u32 $0x180, s10;
	s15 =	sor.u32 $0x80, s12;
	s18 =	sor.u32 $0x80, s10;
	[tilespmem:s9+$0x0] =	vst.add.f32.msk $0xffff, v0  }
0x3b3: {  	s8 =	sor.u32 s13, s14;
	s14 =	sor.u32 $0x100, s12;
	s19 =	sor.u32 $0x100, s17;
	[tilespmem:s18+$0x0] =	vst.add.f32.msk $0xffff, v2  }
0x3b4: {  	s13 =	sor.u32 $0x180, s12;
	s20 =	sor.u32 $0x180, s17;
	s11 =	sor.u32 $0x80, s8;
	[tilespmem:s19+$0x0] =	vst.add.f32.msk $0xffff, v0  }
0x3b5: {  	v1 =	vmul.f32 $3.125000000e-02, v3;
	s17 =	sor.u32 $0x100, s10;
	s10 =	sor.u32 $0x100, s8;
	s9 =	sor.u32 $0x180, s8;
	[tilespmem:s20+$0x0] =	vst.add.f32.msk $0xffff, v0;
	v0 =	vmul.f32 $3.125000000e-02, v4  }
.LBB2_32:
0x3b6: {  	s7 =	sadd.s32 $0x4, s7;
	[tilespmem:s17+$0x0] =	vst.add.f32.msk $0xffff, v2  }
0x3b7: {  	s17 =	sshrl.u32 s7, $0x3;
	[tilespmem:s16+$0x0] =	vst.add.f32.msk $0xffff, v2  }
0x3b8: {  	s16 =	sand.u32 $0x7, s17;
	s17 =	sshll.u32 s7, $0x1;
	[tilespmem:s12+$0x0] =	vst.add.f32.msk $0xffff, v1  }
0x3b9: {  	s6 =	sadd.s32 $0x40, s6;
	s12 =	sshll.u32 s16, $0xA;
	s17 =	sand.u32 $0x3FFFFF80, s17;
	[tilespmem:s15+$0x0] =	vst.add.f32.msk $0xffff, v1  }
0x3ba: {  	p0 =	slt.u32 s7, $0x1FC;
	s15 =	sand.u32 $0x40, s6;
	s12 =	sadd.s32 s17, s12;
	[tilespmem:s14+$0x0] =	vst.add.f32.msk $0xffff, v1  }
0x3bb: {  	s14 =	sor.u32 $0x10, s15;
	s17 =	sor.u32 $0x30, s15;
	s12 =	sadd.s32 $0x18000, s12;
	[tilespmem:s13+$0x0] =	vst.add.f32.msk $0xffff, v1  }
0x3bc: {  	s18 =	sor.u32 $0x20, s15;
	s13 =	sor.u32 s15, s12;
	s19 =	sor.u32 s17, s12;
	[tilespmem:s8+$0x0] =	vst.add.f32.msk $0xffff, v0  }
0x3bd: {  	s8 =	sor.u32 s14, s12;
	s12 =	sor.u32 s18, s12;
	v1 =	vld [tilespmem:s19+$0x0]  }
0x3be: {  	v2 =	vld [tilespmem:s13+$0x0]  }
0x3bf: {  	v3 =	vld [tilespmem:s8+$0x0];
	s8 =	sshll.u32 s7, $0x6  }
0x3c0: {  	v4 =	vld [tilespmem:s12+$0x0];
	s8 =	sand.u32 $0x3FFFF000, s8;
	s12 =	sshll.u32 s16, $0x9  }
0x3c1: {  	[tilespmem:s11+$0x0] =	vst.add.f32.msk $0xffff, v0;
	s8 =	sor.u32 s12, s8  }
0x3c2: {  	v5 =	vmul.f32 $3.125000000e-02, v1;
	[tilespmem:s10+$0x0] =	vst.add.f32.msk $0xffff, v0;
	s19 =	sor.u32 s15, s8  }
0x3c3: {  	s12 =	sor.u32 s14, s8;
	s10 =	sor.u32 s17, s8;
	s8 =	sor.u32 s18, s8;
	v2 =	vmul.f32 $3.125000000e-02, v2;
	[tilespmem:s9+$0x0] =	vst.add.f32.msk $0xffff, v0  }
0x3c4: {  	s20 =	sor.u32 $0x80, s19;
	s9 =	sor.u32 $0x80, s10;
	s17 =	sor.u32 $0x100, s19;
	v1 =	vmul.f32 $3.125000000e-02, v3;
	[tilespmem:s10+$0x0] =	vst.add.f32.msk $0xffff, v5  }
.Ltmp15:
0x3c5: {  	s16 =	sor.u32 $0x180, s19;
	v0 =	vmul.f32 $3.125000000e-02, v4;
	[tilespmem:s9+$0x0] =	vst.add.f32.msk $0xffff, v5;
	s9 =	sor.u32 $0x100, s10;
	(pc) =	sbr.rel @p0 .LBB2_32-.Ltmp15, $4  }
0x3c6: {  	s15 =	sor.u32 $0x80, s12;
	s14 =	sor.u32 $0x100, s12;
	[tilespmem:s9+$0x0] =	vst.add.f32.msk $0xffff, v5;
	s9 =	sor.u32 $0x180, s10  }
0x3c7: {  	s13 =	sor.u32 $0x180, s12;
	s11 =	sor.u32 $0x80, s8;
	s10 =	sor.u32 $0x100, s8;
	[tilespmem:s9+$0x0] =	vst.add.f32.msk $0xffff, v5  }
0x3c8: {  	s9 =	sor.u32 $0x180, s8;
	[tilespmem:s19+$0x0] =	vst.add.f32.msk $0xffff, v2  }
0x3c9: {  	[tilespmem:s20+$0x0] =	vst.add.f32.msk $0xffff, v2  }
0x3ca: {  	[tilespmem:s17+$0x0] =	vst.add.f32.msk $0xffff, v2  }
0x3cb: {  	[tilespmem:s12+$0x0] =	vst.add.f32.msk $0xffff, v1  }
0x3cc: {  	[tilespmem:s8+$0x0] =	vst.add.f32.msk $0xffff, v0  }
0x3cd: {  	[tilespmem:s16+$0x0] =	vst.add.f32.msk $0xffff, v2  }
0x3ce: {  	[tilespmem:s15+$0x0] =	vst.add.f32.msk $0xffff, v1  }
0x3cf: {  	[tilespmem:s11+$0x0] =	vst.add.f32.msk $0xffff, v0  }
0x3d0: {  	[tilespmem:s14+$0x0] =	vst.add.f32.msk $0xffff, v1  }
0x3d1: {  	[tilespmem:s10+$0x0] =	vst.add.f32.msk $0xffff, v0  }
0x3d2: {  	[tilespmem:s13+$0x0] =	vst.add.f32.msk $0xffff, v1  }
0x3d3: {  	[tilespmem:s9+$0x0] =	vst.add.f32.msk $0xffff, v0  }
0x3d4: {  	s6 =	sld [smem:$0x7FC];
	_ =	sdelay $0x2  }
0x3d5: {  	[hbm4b:s6+s1] =	stream.linear.scatter [tilespmem:s1], [sflag:$0x7], $0x8000, $0x38;
	[tilespmem:$0x1E000] =	vst v63  }
0x3d6: {  	_ =	swait.ge [sflag:s3], $0x8000  }
0x3d7: {  	[sflag:s3] =	ssyncset.done $0x0  }
0x3d8: {  	[sflag:s3] =	ssyncadd.s32 $0xFFFF8000  }
0x3d9: {  	_ =	swait.ge [sflag:s4], $0x8000  }
0x3da: {  	[sflag:s4] =	ssyncset.done $0x0  }
0x3db: {  	[sflag:s4] =	ssyncadd.s32 $0xFFFF8000  }
0x3dc: {  	_ =	swait.ge [sflag:s31], $0x8000  }
0x3dd: {  	s20 =	sld [smem:$0x7FD];
	_ =	sdelay $0x1  }
0x3de: {  	s5 =	sadd.s32 $0x1, s5  }
0x3df: {  	p0 =	sne.s32 s5, s20  }
.Ltmp16:
0x3e0: {  	_ = 	snop;
	(pc) =	sbr.rel @p0 .LBB2_1-.Ltmp16, $3  }
0x3e1: {  	_ =	sdelay $0x1  }
0x3e2: {  	[sflag:s31] =	ssyncset.done $0x0  }
0x3e3: {  	[sflag:s31] =	ssyncadd.s32 $0xFFFF8000  }
0x3e4: {  	_ =	sfence.sel $0x180000  }
0x3e5: {  	[bflag:$0x0] =	sbarrier.arrive $0xFFFF  }
0x3e6: {  	_ =	strace $0x90000047  }
0x3e7: {  	s0 =	stileid.u32;
	[bflag:$0x2] =	sbarrier.arrive $0xFFFF  }
0x3e8: {  	p0 =	sne.s32 s0, $0x0;
	s0 =	rddreg [dreg:$0x3]  }
0x3e9: {  	s0 =	sadd.s32 @!p0 $0x100000, s0  }
0x3ea: {  	[sflag:s0] =	ssyncadd.tile.s32 @!p0 $0x1;
	_ =	shalt  }
.Lfunc_end2:
_tile_overlayer_lowered:
.L_overlay_start_2:
0x3eb: {  	(tag) =	ssettag $0x2  }
0x3ec: {  	s0 =	rddreg [dreg:$0x0];
	s2 =	stileid.u32  }
0x3ed: {  	s1 =	rddreg [dreg:$0x1];
	p0 =	sne.s32 s2, $0x0  }
0x3ee: {  	s3 =	rddreg [dreg:$0x2];
	[bflag:$0x3] =	sbarrier.arrive $0xFFFF;
	s2 =	simm.s32 @!p0 $0x1C0A  }
0x3ef: {  	[timem:s3], [sflag:s2] =	dma.local @!p0 [hbm:s0], s1  }
0x3f0: {  	s0 =	simm.s32 @!p0 $0xA  }
0x3f1: {  	_ =	swait.ge @!p0 [sflag:s0], s1  }
0x3f2: {  	s1 =	ssub.s32 @!p0 $0x0, s1;
	[sflag:s0] =	ssyncset.done @!p0 $0x0  }
0x3f3: {  	[sflag:s0] =	ssyncadd.s32 @!p0 s1  }
0x3f4: {  	[bflag:$0x3] =	sbarrier.arrive $0xFFFF  }
0x3f5: {  	_ =	shalt  }

</sc_bundles>
